<compile_context>
chip_gen: v7x
topology: tpu7x:2x2x1
jax: 0.10.2.dev20260603
libtpu: 0.0.44.dev20260713+nightly
codegen_flags: <defaults>
</compile_context>

<pallas_src>
import functools

import jax
import jax.numpy as jnp
from jax.experimental import pallas as pl
from jax.experimental.pallas import tpu as pltpu


def _mlp_body(p_ref, w1_ref, b1_ref, w2_ref, b2_ref, o_ref):
    h = jnp.maximum(
        jnp.dot(p_ref[...], w1_ref[...], preferred_element_type=jnp.float32)
        + b1_ref[...], 0.0)
    o_ref[...] = (
        jnp.dot(h, w2_ref[...], preferred_element_type=jnp.float32)
        + b2_ref[...])


def _gcn_conv(x, edge_index, W, b):
    n = x.shape[0]
    loop = jnp.arange(n, dtype=edge_index.dtype)
    src = jnp.concatenate([edge_index[0], loop])
    dst = jnp.concatenate([edge_index[1], loop])
    deg = jax.ops.segment_sum(jnp.ones_like(dst, dtype=x.dtype), dst, num_segments=n)
    dinv = jnp.where(deg > 0, jax.lax.rsqrt(deg), 0.0)
    norm = dinv[src] * dinv[dst]
    h = x @ W
    msg = jnp.take(h, src, axis=0) * norm[:, None]
    out = jax.ops.segment_sum(msg, dst, num_segments=n)
    return out + b


def kernel(x, edge_index, batch, W1, b1, W2, b2, W3, b3, W4, b4,
           lin1_W, lin1_b, lin2_W, lin2_b):
    h = jax.nn.relu(_gcn_conv(x, edge_index, W1, b1))
    h = jax.nn.relu(_gcn_conv(h, edge_index, W2, b2))
    h = jax.nn.relu(_gcn_conv(h, edge_index, W3, b3))
    h = jax.nn.relu(_gcn_conv(h, edge_index, W4, b4))
    G = 64
    p = jax.ops.segment_max(h, batch, num_segments=G)

    H = p.shape[1]
    w2p = jnp.zeros((H, 128), jnp.float32).at[:, :1].set(lin2_W)
    b2p = jnp.zeros((1, 128), jnp.float32).at[:, :1].set(lin2_b[None, :])
    out = pl.pallas_call(
        _mlp_body,
        out_shape=jax.ShapeDtypeStruct((G, 128), jnp.float32),
    )(p, lin1_W, lin1_b[None, :], w2p, b2p)
    return out[:, :1]

# --- scband reference (transcript-rebuilt; emitter-appended) ---
"""Pipeline reference for scband-gcnmodel-4398046511155 (READ-ONLY COPY).

The authoritative reference and input builder live on the scoring server;
editing this copy changes nothing except your own understanding.
"""

import jax, jax.numpy as jnp
import numpy as np

N = 10000
E = 160000
D = 256
H = 512
G = 64


def setup_inputs(seed: int = 0) -> dict:
    key = jax.random.key(seed)
    ks = jax.random.split(key, 16)
    x = jax.random.normal(ks[0], (N, D), dtype=jnp.float32)
    edge_index = jax.random.randint(ks[1], (2, E), 0, N, dtype=jnp.int32)
    batch = jnp.sort(jax.random.randint(ks[2], (N,), 0, G, dtype=jnp.int32))
    def glorot(k, fan_in, fan_out):
        lim = jnp.sqrt(6.0 / (fan_in + fan_out))
        return jax.random.uniform(k, (fan_in, fan_out), dtype=jnp.float32, minval=-lim, maxval=lim)
    W1 = glorot(ks[3], D, H); b1 = jnp.zeros((H,), dtype=jnp.float32)
    W2 = glorot(ks[4], H, H); b2 = jnp.zeros((H,), dtype=jnp.float32)
    W3 = glorot(ks[5], H, H); b3 = jnp.zeros((H,), dtype=jnp.float32)
    W4 = glorot(ks[6], H, H); b4 = jnp.zeros((H,), dtype=jnp.float32)
    lin1_W = glorot(ks[7], H, H); lin1_b = jnp.zeros((H,), dtype=jnp.float32)
    lin2_W = glorot(ks[8], H, 1); lin2_b = jnp.zeros((1,), dtype=jnp.float32)
    return {
        'x': x, 'edge_index': edge_index, 'batch': batch,
        'W1': W1, 'b1': b1, 'W2': W2, 'b2': b2,
        'W3': W3, 'b3': b3, 'W4': W4, 'b4': b4,
        'lin1_W': lin1_W, 'lin1_b': lin1_b, 'lin2_W': lin2_W, 'lin2_b': lin2_b,
    }


def _gcn_conv(x, edge_index, W, b):
    n = x.shape[0]
    loop = jnp.arange(n, dtype=edge_index.dtype)
    src = jnp.concatenate([edge_index[0], loop])
    dst = jnp.concatenate([edge_index[1], loop])
    deg = jax.ops.segment_sum(jnp.ones_like(dst, dtype=x.dtype), dst, num_segments=n)
    dinv = jnp.where(deg > 0, jax.lax.rsqrt(deg), 0.0)
    norm = dinv[src] * dinv[dst]
    h = x @ W
    msg = jnp.take(h, src, axis=0) * norm[:, None]
    out = jax.ops.segment_sum(msg, dst, num_segments=n)
    return out + b


def reference(x, edge_index, batch, W1, b1, W2, b2, W3, b3, W4, b4, lin1_W, lin1_b, lin2_W, lin2_b):
    h = jax.nn.relu(_gcn_conv(x, edge_index, W1, b1))
    h = jax.nn.relu(_gcn_conv(h, edge_index, W2, b2))
    h = jax.nn.relu(_gcn_conv(h, edge_index, W3, b3))
    h = jax.nn.relu(_gcn_conv(h, edge_index, W4, b4))
    p = jax.ops.segment_max(h, batch, num_segments=G)
    p = jax.nn.relu(p @ lin1_W + lin1_b)
    return p @ lin2_W + lin2_b

if __name__ == "__main__":
    import jax
    _d = setup_inputs()
    print(jax.jit(kernel)(*tuple(_d.values())))

</pallas_src>

<mosaic_0001>
module attributes {stable_mosaic.version = 14 : i64} {
  func.func @_mlp_body(%arg0: memref<64x512xf32, #tpu.memory_space<vmem>>, %arg1: memref<512x512xf32, #tpu.memory_space<vmem>>, %arg2: memref<1x512xf32, #tpu.memory_space<vmem>>, %arg3: memref<512x128xf32, #tpu.memory_space<vmem>>, %arg4: memref<1x128xf32, #tpu.memory_space<vmem>>, %arg5: memref<64x128xf32, #tpu.memory_space<vmem>>) attributes {dimension_semantics = [], scalar_prefetch = 0 : i64, scratch_operands = 0 : i64, tpu.core_type = #tpu.core_type<tc>} {
    %get3A = arith.constant 0 : index
    %get3A_0 = arith.constant 0 : index
    %get3A_1 = vector.load %arg0[%get3A, %get3A_0] : memref<64x512xf32, #tpu.memory_space<vmem>>, vector<64x512xf32>
    %get3A_2 = arith.constant 0 : index
    %get3A_3 = arith.constant 0 : index
    %get3A_4 = vector.load %arg1[%get3A_2, %get3A_3] : memref<512x512xf32, #tpu.memory_space<vmem>>, vector<512x512xf32>
    %dot_general3A = arith.constant dense<0.000000e+00> : vector<64x512xf32>
    %dot_general3A_5 = tpu.matmul %get3A_1, %get3A_4, %dot_general3A {dimension_numbers = #tpu.dot_dimension_numbers<[1], [0], [0], [1], [0, 0, 1, 1], [], []>, transpose_lhs_hint = false} : vector<64x512xf32>, vector<512x512xf32>, vector<64x512xf32> -> vector<64x512xf32>
    %get3A_6 = arith.constant 0 : index
    %get3A_7 = arith.constant 0 : index
    %get3A_8 = vector.load %arg2[%get3A_6, %get3A_7] : memref<1x512xf32, #tpu.memory_space<vmem>>, vector<1x512xf32>
    %add3A = vector.broadcast %get3A_8 : vector<1x512xf32> to vector<64x512xf32>
    %add3A_9 = arith.addf %dot_general3A_5, %add3A : vector<64x512xf32>
    %max3A = arith.constant 0.000000e+00 : f32
    %max3A_10 = vector.broadcast %max3A : f32 to vector<64x512xf32>
    %max3A_11 = arith.maximumf %add3A_9, %max3A_10 : vector<64x512xf32>
    %get3A_12 = arith.constant 0 : index
    %get3A_13 = arith.constant 0 : index
    %get3A_14 = vector.load %arg3[%get3A_12, %get3A_13] : memref<512x128xf32, #tpu.memory_space<vmem>>, vector<512x128xf32>
    %dot_general3A_15 = arith.constant dense<0.000000e+00> : vector<64x128xf32>
    %dot_general3A_16 = tpu.matmul %max3A_11, %get3A_14, %dot_general3A_15 {dimension_numbers = #tpu.dot_dimension_numbers<[1], [0], [0], [1], [0, 0, 1, 1], [], []>, transpose_lhs_hint = false} : vector<64x512xf32>, vector<512x128xf32>, vector<64x128xf32> -> vector<64x128xf32>
    %get3A_17 = arith.constant 0 : index
    %get3A_18 = arith.constant 0 : index
    %get3A_19 = vector.load %arg4[%get3A_17, %get3A_18] : memref<1x128xf32, #tpu.memory_space<vmem>>, vector<1x128xf32>
    %add3A_20 = vector.broadcast %get3A_19 : vector<1x128xf32> to vector<64x128xf32>
    %add3A_21 = arith.addf %dot_general3A_16, %add3A_20 : vector<64x128xf32>
    %swap3A = arith.constant 0 : index
    %swap3A_22 = arith.constant 0 : index
    %swap3A_23 = vector.load %arg5[%swap3A, %swap3A_22] : memref<64x128xf32, #tpu.memory_space<vmem>>, vector<64x128xf32>
    tpu.vector_store %arg5[%swap3A, %swap3A_22], %add3A_21 {strides = array<i32>} : memref<64x128xf32, #tpu.memory_space<vmem>>, vector<64x128xf32>,
    return
  }
}

</mosaic_0001>

<sc_bundles>
// kernel: scatter_offload_async_start.1
scs
__scs_entry_jumppad:
0x0: {  	(pc) =	sbr.rel $0x88, $3  }
0x1: {  	(tag) =	ssettag $0x0;
	lr =	simm.s32 $0x1  }
0x2: {  	[smem:$0x3F92] =	sst lr;
	_ =	strace $0xD0000000  }
0x3: {  	_ = 	snop  }
0x4: {  	_ = 	snop  }
0x5: {  	_ = 	snop  }
0x6: {  	_ = 	snop  }
0x7: {  	_ = 	snop  }
__scs_overlays_trampoline_lowered:
0x8: {  	[smem:$0x3FA1] =	sst s0  }
0x9: {  	[smem:$0x3FA2] =	sst s1  }
0xa: {  	[smem:$0x3FA3] =	sst s2  }
0xb: {  	[smem:$0x3FA4] =	sst s3  }
0xc: {  	[smem:$0x3FA5] =	sst s4  }
0xd: {  	[smem:$0x3FA6] =	sst s5  }
0xe: {  	[smem:$0x3FA7] =	sst s6  }
0xf: {  	[smem:$0x3FA8] =	sst s7  }
0x10: {  	[smem:$0x3FA9] =	sst s8  }
0x11: {  	[smem:$0x3FAA] =	sst s9;
	s0 =	simm.s32 @!p0 $0x0  }
0x12: {  	s1 =	sld [smem:$0x3F90];
	s0 =	simm.s32 @p0 $0x1  }
0x13: {  	[smem:$0x3FAB] =	sst s0;
	s0 =	simm.s32 @!p1 $0x0  }
0x14: {  	s2 =	sld [smem:$0x3F8F];
	s0 =	simm.s32 @p1 $0x1  }
0x15: {  	[smem:$0x3FAC] =	sst s0;
	s0 =	simm.s32 @!p2 $0x0  }
0x16: {  	s3 =	sld [smem:$0x3FDB];
	s0 =	simm.s32 @p2 $0x1  }
0x17: {  	s4 =	simm.s32 $0x1BF5;
	[smem:$0x3FAE] =	sst s0  }
0x18: {  	s0 =	sld [smem:$0x3F91];
	_ =	swait.ge [sflag:s4], $0x0  }
0x19: {  	s7 =	sld [smem:$0x3F92]  }
0x1a: {  	s8 =	sadd.s32 $0xFFFFE003, lr  }
0x1b: {  	s9 =	sadd.s32 $0xFFFFFEF7, lr;
	s5 =	simm.s32 $0xFFFFFFFF;
	p2 =	slt.u32 s8, $0xFFFFF086  }
0x1c: {  	p1 =	slt.u32 s9, $0xF7A;
	s5 =	simm.s32 @!p2 $0x0  }
0x1d: {  	s5 =	simm.s32 @p1 $0x1;
	p0 =	seq.s32 s7, s2  }
0x1e: {  	s7 =	smul.u32 @!p0 $0xF7A, s2;
	p2 =	seq.s32 @!p0 s5, $0x0  }
0x1f: {  	s9 =	smul.u32 $0xF7A, s1;
	s8 =	simm.s32 @!p0 $0x1BF5;
	p2 =	por !p2, p0  }
0x20: {  	[sflag:s8] =	ssyncset.s32 @!p0 $0xFFFFF086;
	s6 =	sadd.s32 @!p0 s3, s7;
	s7 =	simm.s32 @!p0 $0x108  }
0x21: {  	s3 =	sadd.s32 s3, s9;
	s6 =	sadd.s32 @!p0 $0x88, s6;
	s7 =	simm.s32 @p2 $0x1082  }
0x22: {  	[simem:s7], [sflag:s8] =	dma.local @!p0 [hbm:s6], $0xF7A  }
0x23: {  	s9 =	sor.u32 $0xD0000000, s2;
	s6 =	simm.s32 $0x108;
	_ =	swait.ge @!p0 [sflag:s8], $0x0  }
0x24: {  	s3 =	sadd.s32 $0x88, s3;
	s6 =	simm.s32 @!p1 $0x1082;
	[sflag:s4] =	ssyncset.s32 $0xFFFFF086  }
0x25: {  	[simem:s6], [sflag:s4] =	dma.local [hbm:s3], $0xF7A  }
0x26: {  	[smem:$0x3F92] =	sst s1;
	(tag) =	ssettag s2;
	_ =	strace s9  }
0x27: {  	s1 =	sld [smem:$0x3FA2]  }
0x28: {  	s2 =	sld [smem:$0x3FA3]  }
0x29: {  	s4 =	sld [smem:$0x3FA5]  }
0x2a: {  	p0 =	seq.s32 s5, $0x0;
	s5 =	sld [smem:$0x3FA6]  }
0x2b: {  	s6 =	sld [smem:$0x3FA7]  }
0x2c: {  	s7 =	sld [smem:$0x3FA8]  }
0x2d: {  	s3 =	simm.s32 $0x108;
	s8 =	sld [smem:$0x3FA9]  }
0x2e: {  	s3 =	simm.s32 @!p0 $0x1082;
	s9 =	sld [smem:$0x3FAA]  }
0x2f: {  	lr =	sadd.s32 s0, s3;
	s0 =	sld [smem:$0x3FA1]  }
0x30: {  	s3 =	sld [smem:$0x3FA4]  }
0x31: {  	[smem:$0x3FAD] =	sst s10  }
0x32: {  	s10 =	sld [smem:$0x3FAB];
	_ =	sdelay $0x3  }
0x33: {  	p0 =	seq.s32 s10, $0x1;
	s10 =	sld [smem:$0x3FAD];
	_ =	sdelay $0x3  }
0x34: {  	[smem:$0x3FAD] =	sst s10  }
0x35: {  	s10 =	sld [smem:$0x3FAC];
	_ =	sdelay $0x3  }
0x36: {  	p1 =	seq.s32 s10, $0x1;
	s10 =	sld [smem:$0x3FAD];
	_ =	sdelay $0x3  }
0x37: {  	[smem:$0x3FAD] =	sst s10  }
0x38: {  	s10 =	sld [smem:$0x3FAE]  }
0x39: {  	_ = 	snop;
	(pc) =	sbr.ind lr, $3  }
0x3a: {  	_ = 	snop  }
0x3b: {  	_ = 	snop  }
0x3c: {  	p2 =	seq.s32 s10, $0x1;
	s10 =	sld [smem:$0x3FAD]  }
0x3d: {  	_ =	shalt  }
0x3e: {  	_ =	shalt  }
0x3f: {  	_ =	shalt  }
0x40: {  	_ =	shalt  }
0x41: {  	_ =	shalt  }
0x42: {  	_ =	shalt  }
0x43: {  	_ =	shalt  }
0x44: {  	_ =	shalt  }
0x45: {  	_ =	shalt  }
0x46: {  	_ =	shalt  }
0x47: {  	_ =	shalt  }
0x48: {  	_ =	shalt  }
0x49: {  	_ =	shalt  }
0x4a: {  	_ =	shalt  }
0x4b: {  	_ =	shalt  }
0x4c: {  	_ =	shalt  }
0x4d: {  	_ =	shalt  }
0x4e: {  	_ =	shalt  }
0x4f: {  	_ =	shalt  }
0x50: {  	_ =	shalt  }
0x51: {  	_ =	shalt  }
0x52: {  	_ =	shalt  }
0x53: {  	_ =	shalt  }
0x54: {  	_ =	shalt  }
0x55: {  	_ =	shalt  }
0x56: {  	_ =	shalt  }
0x57: {  	_ =	shalt  }
0x58: {  	_ =	shalt  }
0x59: {  	_ =	shalt  }
0x5a: {  	_ =	shalt  }
0x5b: {  	_ =	shalt  }
0x5c: {  	_ =	shalt  }
0x5d: {  	_ =	shalt  }
0x5e: {  	_ =	shalt  }
0x5f: {  	_ =	shalt  }
0x60: {  	_ =	shalt  }
0x61: {  	_ =	shalt  }
0x62: {  	_ =	shalt  }
0x63: {  	_ =	shalt  }
0x64: {  	_ =	shalt  }
0x65: {  	_ =	shalt  }
0x66: {  	_ =	shalt  }
0x67: {  	_ =	shalt  }
0x68: {  	_ =	shalt  }
0x69: {  	_ =	shalt  }
0x6a: {  	_ =	shalt  }
0x6b: {  	_ =	shalt  }
0x6c: {  	_ =	shalt  }
0x6d: {  	_ =	shalt  }
0x6e: {  	_ =	shalt  }
0x6f: {  	_ =	shalt  }
0x70: {  	_ =	shalt  }
0x71: {  	_ =	shalt  }
0x72: {  	_ =	shalt  }
0x73: {  	_ =	shalt  }
0x74: {  	_ =	shalt  }
0x75: {  	_ =	shalt  }
0x76: {  	_ =	shalt  }
0x77: {  	_ =	shalt  }
0x78: {  	_ =	shalt  }
0x79: {  	_ =	shalt  }
0x7a: {  	_ =	shalt  }
0x7b: {  	_ =	shalt  }
0x7c: {  	_ =	shalt  }
0x7d: {  	_ =	shalt  }
0x7e: {  	_ =	shalt  }
0x7f: {  	_ =	shalt  }
0x80: {  	_ =	shalt  }
0x81: {  	_ =	shalt  }
0x82: {  	_ =	shalt  }
0x83: {  	_ =	shalt  }
0x84: {  	_ =	shalt  }
0x85: {  	_ =	shalt  }
0x86: {  	_ =	shalt  }
0x87: {  	_ =	shalt  }
.Lfunc_end0:
.L_simem_size_0:
called_computation.1_lowered:
.L_overlay_start_0:
0x88: {  	s0 =	sld [smem:$0x3FD9]  }
0x89: {  	s1 =	sld [smem:$0x3FFE];
	_ =	sdelay $0x3  }
0x8a: {  	s0 =	sadd.s32 s1, s0  }
0x8b: {  	[smem:$0x3FB9] =	sst s0  }
0x8c: {  	_ = 	snop  }
0x8d: {  	(tm) =	ssettm $0x1  }
0x8e: {  	s15 =	sld [smem:$0x3FFB];
	_ =	sdelay $0x3  }
0x8f: {  	_ =	strace s15  }
0x90: {  	s0 =	sld [smem:$0x3FFC];
	_ =	sdelay $0x3  }
0x91: {  	_ =	strace s0  }
0x92: {  	s0 =	sld [smem:$0x3FFD];
	_ =	sdelay $0x3  }
0x93: {  	_ =	strace s0  }
0x94: {  	_ =	strace $0x8FFFFFFF  }
0x95: {  	s16 =	sld [smem:$0x3FDB];
	_ =	sdelay $0x1  }
0x96: {  	s17 =	simm.s32 $_scs_section_size  }
0x97: {  	s2 =	simm.s32 $_size__tile_overlayer_lowered;
	s3 =	simm.s32 $_tile_overlayer_lowered  }
0x98: {  	s20 =	simm.s32 $0x1BFF;
	s19 =	sshll.u32 s3, $0x1;
	s0 =	sadd.s32 s17, s16  }
0x99: {  	s4 =	simm.s32 $0x0;
	s18 =	sshll.u32 s2, $0x1;
	s2 =	sadd.s32 s19, s0  }
0x9a: {  	[timem:s4], [sflag:s20] =	dma.local [hbm:s2], s18  }
0x9b: {  	_ =	swait.ge [sflag:s20], s18  }
0x9c: {  	s1 =	ssub.s32 $0x0, s18;
	[sflag:s20] =	ssyncset.done $0x0  }
0x9d: {  	[sflag:s20] =	ssyncadd.s32 s1;
	_ =	sdelay $0x1  }
0x9e: {  	s21 =	simm.s32 $0x1B8B  }
0x9f: {  	_ =	swait.ge [sflag:s21], $0x1  }
0xa0: {  	[sflag:s21] =	ssyncset.done $0x0  }
0xa1: {  	s23 =	simm.s32 $0x1B8E;
	s22 =	sld [smem:$0x3FFE];
	[sflag:s21] =	ssyncadd.s32 $0xFFFFFFFF  }
0xa2: {  	s24 =	simm.s32 $execute0_lowered;
	[smem:$0x3FD2] =	sst s23  }
0xa3: {  	s2 =	sshll.u32 s24, $0x1;
	_ =	strace $0x80000049;
	[dreg:$0x1] =	wrdreg $0xFFFFFFFF  }
0xa4: {  	s25 =	simm.s32 $_size_execute0_lowered;
	s0 =	sadd.s32 s0, s2;
	[dreg:$0x0] =	wrdreg $0x0  }
0xa5: {  	s2 =	sshll.u32 s25, $0x1;
	[dreg:$0x2] =	wrdreg s0  }
0xa6: {  	[dreg:$0x3] =	wrdreg s2  }
0xa7: {  	[dreg:$0x4] =	wrdreg $0xC0  }
0xa8: {  	_ =	task [dreg:s4], $0x5FFFF  }
0xa9: {  	[dreg:$0x1] =	wrdreg $0xFFFFFFFF  }
0xaa: {  	[dreg:$0x0] =	wrdreg $0x60  }
0xab: {  	[dreg:$0x2] =	wrdreg s22  }
0xac: {  	[dreg:$0x3] =	wrdreg $0x9  }
0xad: {  	_ =	task.clear_ibuf [dreg:s4], $0x4FFFF;
	_ =	strace $0x90000049  }
0xae: {  	s26 =	simm.s32 $0x9;
	_ =	strace $0x8000004B  }
0xaf: {  	_ =	swait.ge [sflag:s26], $0x1  }
0xb0: {  	[sflag:s26] =	ssyncadd.s32 $0xFFFFFFFF  }
0xb1: {  	_ =	strace $0x9000004B  }
0xb2: {  	_ =	sfence  }
0xb3: {  	s28 =	sld [smem:$0x0];
	_ =	sdelay $0x1  }
0xb4: {  	s29 =	srdreg.scid  }
0xb5: {  	s30 =	sshll.u32 s29, $0xD;
	s31 =	sshrl.u32 s29, $0x2  }
0xb6: {  	s1 =	sand.u32 $0x1, s29;
	s2 =	sand.u32 $0x4000, s30;
	s0 =	sadd.s32 s31, s28  }
0xb7: {  	s1 =	sor.u32 s2, s1;
	s0 =	sshll.u32 s0, $0x11  }
0xb8: {  	s0 =	sor.u32 s0, s1  }
0xb9: {  	s0 =	sadd.s32 $0x8F2B, s0  }
0xba: {  	[sflag:s0] =	ssyncadd.remote.s32 $0x1  }
0xbb: {  	_ =	sfence.sel $0xFFFF  }
0xbc: {  	[dreg:$0x0] =	wrdreg $0xFFFFFFFF;
	(pc) =	sbr.abs _section_cstart, $3  }
0xbd: {  	[dreg:$0x1] =	wrdreg $0xFFFFFFFF  }
0xbe: {  	_ =	task.clear_ibuf [dreg:s4], $0x2FFFF;
	_ =	strace $0x9FFFFFFF  }
0xbf: {  	(tm) =	ssettm $0x7FFFFFFF  }
tec
execute0_lowered:
.L_overlay_start_1:
0x0: {  	(tag) =	ssettag $0x1  }
0x1: {  	s2 =	rddreg [dreg:$0x0];
	_ =	strace $0x8000004A;
	s0 =	simm.s32 $0x1  }
0x2: {  	v0 =	vimm.s32 $0x0;
	[sflag:s0] =	ssyncpa.u1 $0x0;
	s0 =	simm.s32 $0x408  }
0x3: {  	[tilespmem:s0+$0x70] =	vst v0  }
0x4: {  	[tilespmem:s0+$0x60] =	vst v0  }
0x5: {  	[tilespmem:s0+$0x50] =	vst v0  }
0x6: {  	[tilespmem:s0+$0x40] =	vst v0  }
0x7: {  	[tilespmem:s0+$0x30] =	vst v0  }
0x8: {  	s1 =	sadd.s32 $0x1BA00, s2;
	s10 =	sadd.s32 $0x11200, s2;
	[tilespmem:s0+$0x20] =	vst v0  }
0x9: {  	s4 =	sadd.s32 $0xC2C00, s2;
	s7 =	sadd.s32 $0x16600, s2;
	s2 =	simm.s32 $0x40;
	[tilespmem:s0+$0x10] =	vst v0  }
.LBB2_1:
0xa: {  	s2 =	sadd.s32 $0x40, s2;
	[tilespmem:s0+$0x0] =	vst v0;
	s0 =	sadd.s32 $0x80, s0  }
0xb: {  	p0 =	slt.u32 s2, $0x3100;
	[tilespmem:s0+$0x70] =	vst v0  }
0xc: {  	[tilespmem:s0+$0x60] =	vst v0  }
.Ltmp0:
0xd: {  	[tilespmem:s0+$0x50] =	vst v0;
	(pc) =	sbr.rel @p0 .LBB2_1-.Ltmp0, $4  }
0xe: {  	[tilespmem:s0+$0x40] =	vst v0  }
0xf: {  	[tilespmem:s0+$0x30] =	vst v0  }
0x10: {  	[tilespmem:s0+$0x20] =	vst v0  }
0x11: {  	[tilespmem:s0+$0x10] =	vst v0  }
0x12: {  	s3 =	stileid.u32  }
0x13: {  	s2 =	smul.u32 $0xDD, s3  }
0x14: {  	s6 =	smin.u32 s3, $0x6  }
0x15: {  	s2 =	sadd.s32 s6, s2  }
0x16: {  	p0 =	slt.u32 s3, $0x6;
	s6 =	smul.u32 $0x30, s2;
	s2 =	simm.s32 $0x29A0  }
0x17: {  	s2 =	simm.s32 @!p0 $0x2970  }
0x18: {  	s2 =	sadd.s32 s2, s6  }
0x19: {  	s12 =	smin.u32 s2, $0x29810  }
0x1a: {  	s2 =	ssub.s32 s12, s6  }
0x1b: {  	p0 =	sgt.s32 s2, $0x0  }
0x1c: {  	s5 =	simm.s32 $0x2;
	s30 =	simm.s32 $0x7;
	s2 =	simm.s32 @!p0 $0x0  }
0x1d: {  	s8 =	simm.s32 $0x8;
	s31 =	simm.s32 $0x9;
	s29 =	smulhi.u32 $0x2AAAAAAB, s2  }
0x1e: {  	s11 =	simm.s32 $0x1;
	s21 =	simm.s32 $0x0;
	p1 =	por $0x0, $0x0  }
0x1f: {  	[tilespmem:s0+$0x0] =	vst v0;
	s15 =	simm.s32 $0x80;
	s16 =	simm.s32 $0x400;
	s0 =	sshrl.u32 s29, $0x3  }
0x20: {  	s18 =	simm.s32 $0x0;
	s20 =	simm.s32 $0x0;
	s9 =	smul.u32 $0x30, s0  }
0x21: {  	[sflag:s5] =	ssyncpa.u1 $0x0;
	s13 =	sshll.u32 s3, $0xA;
	s5 =	simm.s32 $0xA  }
.Ltmp1:
0x22: {  	v0 =	vimm.s32 $0xFFFFFFFF;
	p0 =	sne.s32 s2, s9;
	s2 =	simm.s32 $0x1;
	(pc) =	sbr.rel .LBB2_3-.Ltmp1, $4  }
0x23: {  	[tilespmem:$0xC808] =	vst v0;
	[sflag:s30] =	ssyncpa.u1 $0x0;
	[dreg:$0x2] =	wrdreg s6;
	s2 =	simm.s32 @!p0 $0x0  }
0x24: {  	[sflag:s8] =	ssyncpa.u1 $0x0;
	[dreg:$0x3] =	wrdreg s12;
	s14 =	sadd.s32 s2, s0  }
0x25: {  	[sflag:s31] =	ssyncpa.u1 $0x0;
	s17 =	sadd.s32 $0x1, s14;
	[dreg:$0x4] =	wrdreg s14  }
0x26: {  	v0 =	vlaneseq.u32;
	s19 =	smov.u32 s6;
	p0 =	por $0x1, $0x1;
	[dreg:$0x5] =	wrdreg s17  }
.LBB2_30:
0x27: {  	s0 =	sshrl.u32 s29, $0x2;
	s5 =	simm.s32 $0xA  }
.LBB2_32:
0x28: {  	_ =	swait.ge [sflag:s5], s0  }
0x29: {  	s31 =	ssub.s32 $0x0, s0;
	v1 =	vmov s23;
	vm0 =	veq.s32 v0, $0x0;
	[sflag:s5] =	ssyncset.done $0x0  }
0x2a: {  	vm15 =	veq.s32 v0, $0x2;
	v1 =	vsel vm0, s28, v1;
	[sflag:s5] =	ssyncadd.s32 s31  }
0x2b: {  	v1 =	vsel vm15, s21, v1;
	[sflag:s5] =	ssyncpa.u1 $0x1  }
0x2c: {  	[tilespmem:$0xC808] =	vst v1  }
.LBB2_33:
0x2d: {  	s0 =	sadd.s32 $0x30, s19  }
0x2e: {  	s2 =	smov.u32 s6;
	p2 =	slt.s32 s0, s12  }
0x2f: {  	s2 =	smov.u32 @p2 s0;
	p2 =	sne.s32 s20, s17  }
.Ltmp2:
0x30: {  	_ = 	snop;
	(pc) =	sbr.rel @!p2 .LBB2_34-.Ltmp2, $4  }
0x31: {  	_ = 	snop  }
0x32: {  	s21 =	smov.u32 s18  }
0x33: {  	s31 =	sadd.s32 $0x1, s20;
	s18 =	smov.u32 s19;
	p0 =	por !p0, !p0  }
0x34: {  	p1 =	por !p1, !p1;
	s20 =	smov.u32 s31;
	s19 =	smov.u32 s2  }
.LBB2_3:
0x35: {  	p2 =	sge.u32 s20, s14  }
0x36: {  	s0 =	smulhi.u32 @!p2 $0xAAAAAAAB, s20  }
0x37: {  	s2 =	smov.u32 s19;
	p3 =	sgt.s32 @!p2 s19, $0x297E0  }
0x38: {  	s8 =	sshra.s32 @!p2 s19, $0x1F;
	p3 =	por !p3, p2;
	s0 =	sshrl.u32 @!p2 s0, $0x1  }
0x39: {  	s8 =	sand.u32 @!p2 s8, s19;
	s2 =	simm.s32 @p3 $0x297E0;
	s0 =	smul.u32 @!p2 $0x3, s0  }
0x3a: {  	s2 =	ssub.s32 @!p2 s2, s8  }
0x3b: {  	s2 =	sadd.s32 @!p2 $0xFFFD6820, s2;
	s0 =	ssub.s32 @!p2 s20, s0  }
0x3c: {  	s8 =	sshll.u32 @!p2 s2, $0x2;
	p3 =	sgt.s32 @!p2 s2, $0x2F;
	s0 =	smul.u32 @!p2 $0xC0, s0  }
0x3d: {  	s9 =	sand.u32 @!p2 $0x7, s19;
	s2 =	ssub.s32 @!p2 $0xC0, s8;
	p3 =	por !p3, p2  }
0x3e: {  	s8 =	sshrl.u32 @!p2 s19, $0x3;
	s2 =	sshrl.u32 @!p2 s2, $0x2;
	s0 =	sshrl.u32 @!p2 s0, $0x2  }
0x3f: {  	s8 =	sadd.s32 @!p2 s7, s8;
	s2 =	simm.s32 @!p3 $0x0;
	s0 =	sadd.s32 @!p2 $0x10838, s0  }
0x40: {  	[tilespmem:s0], [sflag:$0x8] =	stream.linear.gather @!p2 [hbm4b:s8+s9], s2, $0x38;
	[tilespmem:$0x1C928] =	vst v63  }
0x41: {  	s2 =	sadd.s32 $0xFFFFFFFF, s20  }
0x42: {  	p2 =	sge.u32 s2, s14  }
0x43: {  	p3 =	sgt.s32 @!p2 s18, $0x297E0  }
0x44: {  	s0 =	smov.u32 s18;
	s8 =	sshra.s32 @!p2 s18, $0x1F;
	p3 =	por !p3, p2  }
0x45: {  	s8 =	sand.u32 @!p2 s8, s18;
	s0 =	simm.s32 @p3 $0x297E0  }
0x46: {  	s0 =	ssub.s32 @!p2 s0, s8  }
0x47: {  	s0 =	sadd.s32 @!p2 $0xFFFD6820, s0  }
0x48: {  	s8 =	sshll.u32 @!p2 s0, $0x2  }
0x49: {  	p3 =	sgt.s32 @!p2 s0, $0x2F;
	s0 =	ssub.s32 @!p2 $0xC0, s8  }
0x4a: {  	p3 =	por !p3, p2;
	s0 =	sshrl.u32 @!p2 s0, $0x2  }
0x4b: {  	s9 =	simm.s32 @!p2 $0x8;
	s8 =	sand.u32 @!p2 $0x1, s2;
	s0 =	simm.s32 @!p3 $0x0  }
0x4c: {  	s8 =	smul.u32 @!p2 $0xC0, s8;
	_ =	swait.ge @!p2 [sflag:s9], s0  }
0x4d: {  	s22 =	ssub.s32 @!p2 $0x0, s0;
	[sflag:s9] =	ssyncset.done @!p2 $0x0  }
0x4e: {  	s8 =	sshrl.u32 @!p2 s8, $0x2;
	[sflag:s9] =	ssyncadd.s32 @!p2 s22;
	s9 =	sshrl.u32 @!p2 s18, $0x3  }
0x4f: {  	s8 =	sor.u32 @!p2 $0x108C8, s8;
	s22 =	sand.u32 @!p2 $0x7, s18;
	s9 =	sadd.s32 @!p2 s10, s9  }
0x50: {  	[tilespmem:s8], [sflag:$0x9] =	stream.linear.gather @!p2 [hbm4b:s9+s22], s0, $0x38;
	[tilespmem:$0x1C928] =	vst v63  }
0x51: {  	s0 =	ssub.s32 @!p2 $0x29810, s18  }
0x52: {  	p3 =	slt.s32 @!p2 s0, $0x1  }
0x53: {  	p3 =	por p2, p3  }
.Ltmp3:
0x54: {  	_ = 	snop;
	(pc) =	sbr.rel @p3 .LBB2_9-.Ltmp3, $1  }
0x55: {  	_ =	sdelay $0x3  }
0x56: {  	s8 =	smulhi.u32 $0xAAAAAAAB, s2;
	_ =	sdelay $0x1  }
0x57: {  	s8 =	sshrl.u32 s8, $0x1  }
0x58: {  	s8 =	smul.u32 $0x3, s8;
	_ =	sdelay $0x1  }
0x59: {  	s29 =	ssub.s32 s2, s8  }
0x5a: {  	s9 =	simm.s32 $0x1;
	s2 =	smul.u32 $0xC0, s29  }
.Ltmp4:
0x5b: {  	s9 =	simm.s32 @!p0 $0x0;
	(pc) =	sbr.rel .LBB2_6-.Ltmp4, $4  }
0x5c: {  	s30 =	smul.u32 $0x18000, s9  }
0x5d: {  	p3 =	slt.s32 @!p2 s0, $0x30;
	s2 =	sshrl.u32 s2, $0x2  }
0x5e: {  	p2 =	por !p3, p2;
	s8 =	sshrl.u32 s30, $0x2;
	s31 =	sadd.s32 $0x10838, s2  }
0x5f: {  	s0 =	simm.s32 @p2 $0x30;
	s22 =	sor.u32 $0x10928, s8;
	s2 =	simm.s32 $0x0;
	v1 =	vmov s31  }
.LBB2_5:
0x60: {  	p2 =	sge.s32 s2, s0  }
.Ltmp5:
0x61: {  	_ = 	snop;
	(pc) =	sbr.rel @p2 .LBB2_9-.Ltmp5, $2  }
0x62: {  	_ =	sdelay $0x2  }
0x63: {  	s22 =	sadd.s32 $0x2000, s22  }
.LBB2_6:
0x64: {  	p2 =	sle.s32 s0, s2  }
.Ltmp6:
0x65: {  	_ = 	snop;
	(pc) =	sbr.rel @p2 .LBB2_5-.Ltmp6, $2  }
0x66: {  	_ =	sdelay $0x2  }
0x67: {  	s8 =	smov.u32 s2;
	s2 =	sadd.s32 $0x10, s2  }
0x68: {  	s9 =	ssub.s32 s0, s8  }
0x69: {  	p2 =	slt.s32 s9, $0x10  }
0x6a: {  	s9 =	simm.s32 @!p2 $0x10  }
0x6b: {  	v2 =	vmov s9  }
0x6c: {  	vm0 =	vgt.s32 v2, v0;
	_ =	sdelay $0x5  }
0x6d: {  	v2 =	vld.idx.msk [tilespmem:v1+s8+$0x0 ss:$0x1], vm0;
	_ =	sdelay $0x2  }
0x6e: {  	s23 =	smov.u32 s0;
	p2 =	slt.s32 s2, s0  }
0x6f: {  	s24 =	smov.u32 s22;
	s25 =	simm.s32 $0x0;
	s23 =	smov.u32 @p2 s2  }
.LBB2_8:
0x70: {  	(v2sf) =	vpush v2, s25;
	_ =	sdelay $0xe  }
0x71: {  	s25 =	sadd.s32 $0x1, s25;
	s9 =	spop (v2sf)  }
0x72: {  	s31 =	sadd.s32 s25, s8;
	s26 =	sshll.u32 s9, $0x9;
	s9 =	sshll.u32 s9, $0x7  }
0x73: {  	p2 =	slt.s32 s31, s23;
	s26 =	sand.u32 $0xFFFFF000, s26;
	s9 =	sand.u32 $0x380, s9  }
.Ltmp7:
0x74: {  	s9 =	sor.u32 s9, s26;
	(pc) =	sbr.rel @p2 .LBB2_8-.Ltmp7, $4  }
0x75: {  	s9 =	sshrl.u32 s9, $0x3  }
0x76: {  	s9 =	sadd.s32 s4, s9  }
0x77: {  	[tilespmem:s24], [sflag:$0x7] =	stream.strided.gather [hbm4b:s9+s15], $0x200, s16, s15, $0x38;
	[tilespmem:$0x1C928] =	vst v63  }
0x78: {  	s24 =	sadd.s32 $0x200, s24  }
.Ltmp8:
0x79: {  	_ = 	snop;
	(pc) =	sbr.rel .LBB2_5-.Ltmp8, $1  }
0x7a: {  	_ =	sdelay $0x3  }
.LBB2_9:
0x7b: {  	p2 =	slt.u32 s20, $0x2  }
.Ltmp9:
0x7c: {  	_ = 	snop;
	(pc) =	sbr.rel @p2 .LBB2_33-.Ltmp9, $1  }
0x7d: {  	_ =	sdelay $0x3  }
0x7e: {  	p2 =	sgt.s32 s21, $0x297E0;
	s0 =	smov.u32 s21  }
0x7f: {  	s2 =	sshra.s32 s21, $0x1F;
	s8 =	ssub.s32 $0x29810, s21;
	s0 =	simm.s32 @!p2 $0x297E0  }
0x80: {  	s2 =	sand.u32 s2, s21;
	p2 =	slt.s32 s8, $0x30;
	s9 =	smov.u32 s8  }
0x81: {  	s0 =	ssub.s32 s0, s2;
	s9 =	simm.s32 @!p2 $0x30  }
0x82: {  	s0 =	sadd.s32 $0xFFFD6820, s0;
	s25 =	sshll.u32 s9, $0x9  }
0x83: {  	s3 =	simm.s32 $0x7;
	s26 =	sshll.u32 s0, $0x2;
	s2 =	sand.u32 $0x3FFFFE00, s25  }
0x84: {  	p2 =	sgt.s32 s0, $0x2F;
	s28 =	ssub.s32 $0xC0, s26;
	_ =	swait.ge [sflag:s3], s2  }
0x85: {  	s2 =	ssub.s32 $0x0, s2;
	[sflag:s3] =	ssyncset.done $0x0;
	s0 =	sshrl.u32 s28, $0x2  }
0x86: {  	s30 =	simm.s32 $0x9;
	[sflag:s3] =	ssyncadd.s32 s2;
	s0 =	simm.s32 @p2 $0x0  }
0x87: {  	_ =	swait.ge [sflag:s30], s0  }
0x88: {  	s0 =	ssub.s32 $0x0, s0;
	[sflag:s30] =	ssyncset.done $0x0  }
0x89: {  	[sflag:s30] =	ssyncadd.s32 s0  }
0x8a: {  	v1 =	vld [tilespmem:$0xC808];
	_ =	sdelay $0x4  }
0x8b: {  	(v2sf) =	vpush v1, $0x0  }
0x8c: {  	(v2sf) =	vpush v1, $0x1  }
0x8d: {  	(v2sf) =	vpush v1, $0x2;
	_ =	sdelay $0x3  }
0x8e: {  	s0 =	sadd.s32 $0x30, s21  }
0x8f: {  	p2 =	slt.s32 s12, s0  }
0x90: {  	s0 =	smov.u32 @p2 s12;
	p2 =	sgt.s32 s8, $0x0  }
0x91: {  	s22 =	ssub.s32 s0, s21;
	s8 =	simm.s32 @!p2 $0x0  }
0x92: {  	p2 =	slt.s32 s8, s22  }
0x93: {  	s22 =	smov.u32 @p2 s8  }
0x94: {  	s24 =	simm.s32 $0x1;
	p2 =	slt.s32 s22, $0x1  }
.Ltmp10:
0x95: {  	s24 =	simm.s32 @!p1 $0x0;
	(pc) =	sbr.rel @p2 .LBB2_14-.Ltmp10, $4  }
0x96: {  	s31 =	smul.u32 $0xC0, s24  }
0x97: {  	s0 =	spop (v2sf)  }
0x98: {  	s2 =	sshrl.u32 s31, $0x2;
	s25 =	spop (v2sf)  }
0x99: {  	s29 =	sor.u32 $0x108C8, s2;
	s21 =	spop (v2sf)  }
0x9a: {  	s2 =	smin.u32 s22, $0x10  }
0x9b: {  	v1 =	vmov s2  }
0x9c: {  	vm1 =	vgt.u32 v1, v0  }
0x9d: {  	p3 =	sgt.s32 s22, $0x10  }
.Ltmp11:
0x9e: {  	_ = 	snop;
	(pc) =	sbr.rel @!p3 .LBB2_13-.Ltmp11, $2  }
0x9f: {  	_ =	sdelay $0x2  }
0xa0: {  	s8 =	simm.s32 $0x10;
	s23 =	sadd.s32 $0xFFFFFFF0, s22;
	s2 =	smov.u32 s29;
	vm0 =	vmmov vm1;
	v1 =	vld.msk [tilespmem:s29+$0x0 ss:$0x1], vm1  }
.LBB2_12:
0xa1: {  	s9 =	smin.u32 s23, $0x10;
	s8 =	sadd.s32 $0x10, s8  }
0xa2: {  	v2 =	vmov s9;
	p3 =	slt.s32 s8, s22  }
0xa3: {  	vm1 =	vgt.u32 v2, v0;
	_ =	sdelay $0x1  }
0xa4: {  	v2 =	vshll.u32 v1, $0x6;
	v1 =	vshll.u32 v1, $0x4  }
.Ltmp12:
0xa5: {  	v2 =	vand.u32 $0xFFFFFE00, v2;
	v1 =	vand.u32 $0x70, v1;
	(pc) =	sbr.rel @p3 .LBB2_12-.Ltmp12, $4  }
0xa6: {  	v1 =	vor.u32 v1, v2  }
0xa7: {  	[tilespmem:s2+$0x0] =	vst.msk vm0, v1;
	s2 =	sadd.s32 $0x10, s2;
	vm0 =	vmmov vm1  }
0xa8: {  	v1 =	vld.msk [tilespmem:s2+$0x0 ss:$0x1], vm1  }
0xa9: {  	s23 =	sadd.s32 $0xFFFFFFF0, s23  }
.LBB2_13:
0xaa: {  	_ =	sdelay $0x3  }
0xab: {  	v2 =	vshll.u32 v1, $0x6;
	v1 =	vshll.u32 v1, $0x4  }
0xac: {  	v2 =	vand.u32 $0xFFFFFE00, v2;
	v1 =	vand.u32 $0x70, v1  }
0xad: {  	v1 =	vor.u32 v1, v2  }
0xae: {  	[tilespmem:s2+$0x0] =	vst.msk vm0, v1  }
.LBB2_14:
0xaf: {  	s2 =	sand.u32 $0x1, s20  }
0xb0: {  	s2 =	smul.u32 $0x30, s2  }
0xb1: {  	p3 =	sne.s32 s25, $0xFFFFFFFF  }
0xb2: {  	v1 =	vld.msk @!p3 [tilespmem:s2+$0x108C8], $0x1;
	_ =	sdelay $0x4  }
0xb3: {  	(v2sf) =	vpush @!p3 v1, $0x0;
	_ =	sdelay $0xc  }
.Ltmp13:
0xb4: {  	_ = 	snop;
	(pc) =	sbr.rel @p2 .LBB2_31-.Ltmp13, $4  }
0xb5: {  	_ = 	snop  }
0xb6: {  	s26 =	spop @!p3 (v2sf)  }
0xb7: {  	s21 =	simm.s32 @!p3 $0x0;
	s23 =	smov.u32 s26  }
0xb8: {  	[sflag:s5] =	ssyncpa.u1 $0x0;
	s26 =	smov.u32 @p3 s0;
	s23 =	smov.u32 @p3 s25  }
0xb9: {  	v1 =	vld.msk [tilespmem:s29+$0x0], $0x1;
	_ =	sdelay $0x4  }
0xba: {  	(v2sf) =	vpush v1, $0x0;
	_ =	sdelay $0xe  }
0xbb: {  	s31 =	spop (v2sf)  }
0xbc: {  	s12 =	smov.u32 s7;
	s7 =	smov.u32 s10;
	p2 =	seq.s32 s26, s31  }
0xbd: {  	s0 =	smul.u32 $0x18000, s24;
	s28 =	sadd.s32 $0x108C8, s2;
	p3 =	sgt.s32 @!p2 s26, $0x0  }
0xbe: {  	s17 =	ssub.s32 $0x0, s22;
	s2 =	smov.u32 s26;
	p3 =	por !p3, p2  }
0xbf: {  	s25 =	simm.s32 $0x0;
	s29 =	sadd.s32 $0x1, s29;
	s2 =	simm.s32 @p3 $0x0  }
0xc0: {  	s30 =	sadd.s32 $0x1, s17;
	s8 =	simm.s32 @!p2 $0x6608;
	s9 =	smin.u32 @!p2 s2, $0x9C270  }
0xc1: {  	p3 =	seq.s32 s30, $0x0;
	s2 =	sand.u32 @!p2 $0xFFFF8, s9;
	s10 =	sadd.s32 @!p2 $0x80, s9  }
0xc2: {  	s5 =	sadd.s32 @!p2 s1, s2;
	s2 =	sand.u32 @!p2 $0x7, s9;
	s10 =	sand.u32 @!p2 $0x1FFFF8, s10  }
0xc3: {  	[tilespmem:s8], [sflag:$0x2] =	stream.linear.gather @!p2 [hbm4b:s5+s2], $0x80, $0x38;
	[tilespmem:$0x1C928] =	vst v63  }
0xc4: {  	s3 =	sadd.s32 @!p2 $0x100, s9;
	s5 =	simm.s32 @!p2 $0x6688;
	s8 =	sadd.s32 @!p2 s1, s10  }
0xc5: {  	[tilespmem:s5], [sflag:$0x2] =	stream.linear.gather @!p2 [hbm4b:s8+s2], $0x80, $0x38;
	[tilespmem:$0x1C928] =	vst v63  }
.Ltmp14:
0xc6: {  	s0 =	sshrl.u32 s0, $0x2;
	s3 =	sand.u32 @!p2 $0x1FFFF8, s3;
	(pc) =	sbr.rel @p3 .LBB2_17-.Ltmp14, $4  }
0xc7: {  	s3 =	sadd.s32 @!p2 s1, s3;
	s5 =	simm.s32 @!p2 $0x6708;
	s8 =	sadd.s32 @!p2 $0x180, s9  }
0xc8: {  	[tilespmem:s5], [sflag:$0x2] =	stream.linear.gather @!p2 [hbm4b:s3+s2], $0x80, $0x38;
	[tilespmem:$0x1C928] =	vst v63  }
0xc9: {  	s24 =	sor.u32 $0x10928, s0;
	s0 =	simm.s32 @!p2 $0x1;
	s3 =	sand.u32 @!p2 $0x1FFFF8, s8  }
0xca: {  	s0 =	smov.u32 @p2 s25;
	s8 =	simm.s32 @!p2 $0x6788;
	s9 =	sadd.s32 @!p2 s1, s3  }
.LBB2_16:
0xcb: {  	s3 =	smov.u32 s0  }
0xcc: {  	[tilespmem:s8], [sflag:$0x2] =	stream.linear.gather @!p2 [hbm4b:s9+s2], $0x80, $0x38;
	[tilespmem:$0x1C928] =	vst v63  }
0xcd: {  	s30 =	sadd.s32 $0x1, s30;
	s2 =	smov.u32 s31  }
0xce: {  	p3 =	seq.s32 s30, $0x0;
	v1 =	vld.msk [tilespmem:s29+$0x0], $0x1;
	_ =	sdelay $0x4  }
0xcf: {  	(v2sf) =	vpush v1, $0x0;
	_ =	sdelay $0xe  }
0xd0: {  	s31 =	spop (v2sf)  }
0xd1: {  	p2 =	seq.s32 s2, s31  }
0xd2: {  	p4 =	sgt.s32 @!p2 s2, $0x0;
	s5 =	sshll.u32 @!p2 s0, $0xB;
	s0 =	sadd.s32 @!p2 $0x1, s0  }
0xd3: {  	p4 =	por !p4, p2;
	s5 =	sshra.s32 @!p2 s5, $0x2;
	s0 =	smov.u32 @p2 s3  }
0xd4: {  	s2 =	simm.s32 @p4 $0x0;
	s3 =	sadd.s32 @!p2 $0x6608, s5;
	s9 =	sadd.s32 @!p2 $0x6688, s5  }
0xd5: {  	s14 =	sadd.s32 @!p2 $0x6708, s5;
	s8 =	sadd.s32 @!p2 $0x6788, s5;
	s10 =	smin.u32 @!p2 s2, $0x9C270  }
0xd6: {  	s2 =	sand.u32 @!p2 $0xFFFF8, s10;
	s5 =	sadd.s32 @!p2 $0x80, s10;
	s6 =	sadd.s32 @!p2 $0x100, s10  }
0xd7: {  	s17 =	sadd.s32 @!p2 s1, s2;
	s2 =	sand.u32 @!p2 $0x7, s10;
	s5 =	sand.u32 @!p2 $0x1FFFF8, s5  }
0xd8: {  	[tilespmem:s3], [sflag:$0x2] =	stream.linear.gather @!p2 [hbm4b:s17+s2], $0x80, $0x38;
	[tilespmem:$0x1C928] =	vst v63  }
0xd9: {  	s3 =	sadd.s32 @!p2 s1, s5  }
.Ltmp15:
0xda: {  	s5 =	sand.u32 @!p2 $0x1FFFF8, s6;
	s6 =	sadd.s32 @!p2 $0x180, s10;
	(pc) =	sbr.rel @!p3 .LBB2_16-.Ltmp15, $4  }
0xdb: {  	[tilespmem:s9], [sflag:$0x2] =	stream.linear.gather @!p2 [hbm4b:s3+s2], $0x80, $0x38;
	[tilespmem:$0x1C928] =	vst v63  }
0xdc: {  	s3 =	sadd.s32 @!p2 s1, s5;
	s5 =	sand.u32 @!p2 $0x1FFFF8, s6  }
0xdd: {  	[tilespmem:s14], [sflag:$0x2] =	stream.linear.gather @!p2 [hbm4b:s3+s2], $0x80, $0x38;
	[tilespmem:$0x1C928] =	vst v63  }
0xde: {  	s29 =	sadd.s32 $0x1, s29;
	s9 =	sadd.s32 @!p2 s1, s5  }
.LBB2_17:
0xdf: {  	[tilespmem:s8], [sflag:$0x2] =	stream.linear.gather @!p2 [hbm4b:s9+s2], $0x80, $0x38;
	[tilespmem:$0x1C928] =	vst v63  }
0xe0: {  	s0 =	sshll.u32 s0, $0x9  }
0xe1: {  	s31 =	simm.s32 $0x2;
	s0 =	sand.u32 $0x3FFFFE00, s0  }
.Ltmp16:
0xe2: {  	_ =	swait.ge [sflag:s31], s0;
	(pc) =	sbr.rel .LBB2_18-.Ltmp16, $4  }
0xe3: {  	s29 =	simm.s32 $0x0;
	s6 =	rddreg [dreg:$0x2]  }
0xe4: {  	s10 =	smov.u32 s7;
	s7 =	smov.u32 s12;
	s12 =	rddreg [dreg:$0x3]  }
0xe5: {  	s0 =	ssub.s32 $0x0, s0;
	[sflag:s31] =	ssyncset.done $0x0;
	s14 =	rddreg [dreg:$0x4]  }
0xe6: {  	v1 =	vmov s28;
	s30 =	simm.s32 $0x0;
	s17 =	rddreg [dreg:$0x5];
	[sflag:s31] =	ssyncadd.s32 s0  }
.LBB2_28:
0xe7: {  	[tilespmem:s0+$0x0] =	vst v2;
	s25 =	sadd.s32 $0x1, s25  }
.LBB2_29:
0xe8: {  	s30 =	sadd.s32 $0x1, s30  }
0xe9: {  	p2 =	sne.s32 s30, s22  }
.Ltmp17:
0xea: {  	_ = 	snop;
	(pc) =	sbr.rel @!p2 .LBB2_30-.Ltmp17, $2  }
0xeb: {  	_ =	sdelay $0x2  }
0xec: {  	s24 =	sadd.s32 $0x200, s24;
	s26 =	smov.u32 s28  }
.LBB2_18:
0xed: {  	_ =	sdelay $0x3  }
0xee: {  	v2 =	vld.idx.msk [tilespmem:v1+s30+$0x0 ss:$0x1], $0x1;
	_ =	sdelay $0x4  }
0xef: {  	(v2sf) =	vpush v2, $0x0;
	_ =	sdelay $0xe  }
0xf0: {  	s28 =	spop (v2sf)  }
0xf1: {  	p2 =	sne.s32 s26, s28  }
.Ltmp18:
0xf2: {  	_ = 	snop;
	(pc) =	sbr.rel @p2 .LBB2_22-.Ltmp18, $3  }
0xf3: {  	_ =	sdelay $0x1  }
0xf4: {  	s0 =	sshll.u32 s21, $0xB  }
0xf5: {  	s0 =	sshra.s32 s0, $0x2  }
0xf6: {  	s0 =	sadd.s32 $0x408, s0;
	s2 =	simm.s32 $0x0;
	v2 =	vld [tilespmem:s24+$0x0];
	s8 =	smov.u32 s24  }
.LBB2_20:
0xf7: {  	s2 =	sadd.s32 $0x10, s2  }
0xf8: {  	p2 =	slt.u32 s2, $0x1F0  }
.Ltmp19:
0xf9: {  	_ = 	snop;
	(pc) =	sbr.rel @p2 .LBB2_20-.Ltmp19, $3  }
0xfa: {  	_ =	sdelay $0x1  }
0xfb: {  	s8 =	sadd.s32 $0x10, s8;
	[tilespmem:s0+$0x0] =	vst.add.f32.msk $0xffff, v2;
	s0 =	sadd.s32 $0x10, s0  }
0xfc: {  	v2 =	vld [tilespmem:s8+$0x0]  }
.Ltmp20:
0xfd: {  	_ = 	snop;
	(pc) =	sbr.rel .LBB2_29-.Ltmp20, $2  }
0xfe: {  	_ =	sdelay $0x2  }
0xff: {  	[tilespmem:s0+$0x0] =	vst.add.f32.msk $0xffff, v2  }
.LBB2_22:
0x100: {  	p2 =	seq.s32 s26, s23  }
.Ltmp21:
0x101: {  	_ = 	snop;
	(pc) =	sbr.rel @!p2 .LBB2_23-.Ltmp21, $1  }
0x102: {  	_ =	sdelay $0x3  }
.Ltmp22:
0x103: {  	s0 =	sadd.s32 $0x408, s0;
	(pc) =	sbr.rel .LBB2_26-.Ltmp22, $4  }
0x104: {  	[spmem:s13] =	stream.linear.scatter [tilespmem:s0], [sflag:$0x1], $0x200, $0x38;
	[tilespmem:$0x1C928] =	vst v63  }
0x105: {  	_ =	swait.ge [sflag:s11], $0x200  }
0x106: {  	[sflag:s11] =	ssyncset.done $0x0  }
0x107: {  	[sflag:s11] =	ssyncadd.s32 $0xFFFFFE00  }
.LBB2_23:
0x108: {  	s2 =	sshll.u32 s25, $0xB  }
0x109: {  	s2 =	sshra.s32 s2, $0x2  }
0x10a: {  	s8 =	sadd.s32 $0x6608, s2;
	s2 =	sadd.s32 $0x408, s0  }
0x10b: {  	s9 =	simm.s32 $0x0;
	v2 =	vld [tilespmem:s8+$0x0];
	s31 =	smov.u32 s2  }
.LBB2_24:
0x10c: {  	s9 =	sadd.s32 $0x10, s9  }
0x10d: {  	p2 =	slt.u32 s9, $0x1F0  }
.Ltmp23:
0x10e: {  	_ = 	snop;
	(pc) =	sbr.rel @p2 .LBB2_24-.Ltmp23, $3  }
0x10f: {  	_ =	sdelay $0x1  }
0x110: {  	s8 =	sadd.s32 $0x10, s8;
	[tilespmem:s31+$0x0] =	vst.add.f32.msk $0xffff, v2;
	s31 =	sadd.s32 $0x10, s31  }
0x111: {  	v2 =	vld [tilespmem:s8+$0x0]  }
0x112: {  	_ =	sdelay $0x1  }
0x113: {  	p2 =	sgt.u32 s26, $0x9C270  }
0x114: {  	s3 =	sand.u32 @!p2 $0xFFFF8, s26  }
0x115: {  	s5 =	sand.u32 @!p2 $0x7, s26;
	s3 =	sadd.s32 @!p2 s1, s3;
	[tilespmem:s31+$0x0] =	vst.add.f32.msk $0xffff, v2  }
0x116: {  	[hbm4b:s3+s5] =	stream.linear.scatter @!p2 [tilespmem:s2], [sflag:$0xA], $0x80, $0x38;
	[tilespmem:$0x1C928] =	vst v63  }
0x117: {  	s2 =	sadd.s32 @!p2 $0x80, s26  }
0x118: {  	s2 =	sand.u32 @!p2 $0x1FFFF8, s2  }
0x119: {  	s3 =	sadd.s32 @!p2 $0x488, s0;
	s2 =	sadd.s32 @!p2 s1, s2  }
0x11a: {  	[hbm4b:s2+s5] =	stream.linear.scatter @!p2 [tilespmem:s3], [sflag:$0xA], $0x80, $0x38;
	[tilespmem:$0x1C928] =	vst v63  }
0x11b: {  	s2 =	sadd.s32 @!p2 $0x100, s26  }
0x11c: {  	s2 =	sand.u32 @!p2 $0x1FFFF8, s2  }
0x11d: {  	s3 =	sadd.s32 @!p2 $0x508, s0;
	s2 =	sadd.s32 @!p2 s1, s2  }
0x11e: {  	[hbm4b:s2+s5] =	stream.linear.scatter @!p2 [tilespmem:s3], [sflag:$0xA], $0x80, $0x38;
	[tilespmem:$0x1C928] =	vst v63  }
0x11f: {  	s2 =	sadd.s32 @!p2 $0x180, s26;
	s3 =	simm.s32 $0x0  }
0x120: {  	s2 =	sand.u32 @!p2 $0x1FFFF8, s2;
	s3 =	simm.s32 @!p2 $0x800  }
0x121: {  	s0 =	sadd.s32 @!p2 $0x588, s0;
	s2 =	sadd.s32 @!p2 s1, s2;
	s29 =	sadd.s32 s3, s29  }
0x122: {  	[hbm4b:s2+s5] =	stream.linear.scatter @!p2 [tilespmem:s0], [sflag:$0xA], $0x80, $0x38;
	[tilespmem:$0x1C928] =	vst v63  }
.LBB2_26:
0x123: {  	s0 =	sadd.s32 $0x1, s21  }
0x124: {  	s2 =	smulhi.u32 $0xAAAAAAAB, s0;
	_ =	sdelay $0x1  }
0x125: {  	s2 =	sshrl.u32 s2, $0x5  }
0x126: {  	s2 =	smul.u32 $0x30, s2;
	_ =	sdelay $0x1  }
0x127: {  	s21 =	ssub.s32 s0, s2  }
0x128: {  	s0 =	sshll.u32 s21, $0x9  }
0x129: {  	v2 =	vld [tilespmem:s24+$0x0];
	s8 =	smov.u32 s24;
	s2 =	simm.s32 $0x0;
	s0 =	sadd.s32 $0x408, s0  }
.LBB2_27:
0x12a: {  	s2 =	sadd.s32 $0x10, s2  }
0x12b: {  	p2 =	slt.u32 s2, $0x1F0  }
.Ltmp24:
0x12c: {  	_ = 	snop;
	(pc) =	sbr.rel @p2 .LBB2_27-.Ltmp24, $3  }
0x12d: {  	_ =	sdelay $0x1  }
0x12e: {  	[tilespmem:s0+$0x0] =	vst v2;
	s0 =	sadd.s32 $0x10, s0;
	s8 =	sadd.s32 $0x10, s8  }
0x12f: {  	v2 =	vld [tilespmem:s8+$0x0]  }
.Ltmp25:
0x130: {  	_ = 	snop;
	(pc) =	sbr.rel .LBB2_28-.Ltmp25, $1  }
0x131: {  	_ =	sdelay $0x3  }
.LBB2_31:
.Ltmp26:
0x132: {  	(pc) =	sbr.rel .LBB2_32-.Ltmp26, $4  }
0x133: {  	_ = 	snop  }
0x134: {  	s0 =	simm.s32 $0x2  }
0x135: {  	_ =	swait.ge [sflag:s0], $0x0  }
0x136: {  	s28 =	smov.u32 s26;
	[sflag:s0] =	ssyncset.done $0x0;
	s0 =	simm.s32 $0x0  }
.LBB2_34:
0x137: {  	_ =	sfence.sel $0x180000  }
0x138: {  	s0 =	simm.s32 $0x7;
	[bflag:$0x0] =	sbarrier.arrive $0xFFFF  }
0x139: {  	s25 =	simm.s32 $0x8;
	[sflag:s0] =	ssyncpa.u1 $0x1  }
0x13a: {  	s26 =	simm.s32 $0x9;
	[sflag:s25] =	ssyncpa.u1 $0x1  }
0x13b: {  	s28 =	simm.s32 $0x2;
	[sflag:s26] =	ssyncpa.u1 $0x1  }
0x13c: {  	[sflag:s28] =	ssyncpa.u1 $0x1  }
0x13d: {  	v0 =	vld [tilespmem:$0xC808];
	_ =	sdelay $0x4  }
0x13e: {  	(v2sf) =	vpush v0, $0x0  }
0x13f: {  	(v2sf) =	vpush v0, $0x1;
	_ =	sdelay $0x1  }
0x140: {  	(v2sf) =	vpush v0, $0x2;
	_ =	sdelay $0xb  }
0x141: {  	s0 =	spop (v2sf)  }
0x142: {  	s2 =	spop (v2sf)  }
0x143: {  	s3 =	smov.u32 s0;
	p0 =	sne.s32 s0, s2  }
0x144: {  	s4 =	spop (v2sf);
	s3 =	simm.s32 @!p0 $0xFFFFFFFF  }
0x145: {  	v2 =	vimm.s32 $0x1;
	v3 =	vlaneseq.u32;
	p0 =	seq.s32 s4, $0xFFFFFFFF;
	v1 =	vmov s3  }
0x146: {  	s7 =	stileid.u32;
	v0 =	vperm.xlane v0, v2;
	p1 =	sne.s32 @!p0 s0, s2;
	v1 =	vperm.xlane v1, v3  }
0x147: {  	vm0 =	vcmask $0x3F04;
	s6 =	simm.s32 $0xC808;
	s0 =	simm.s32 @!p0 $0x1;
	p1 =	por !p1, p0  }
0x148: {  	s3 =	sshll.u32 s7, $0x1;
	s2 =	sshll.u32 @!p0 s4, $0xB;
	s0 =	simm.s32 @p1 $0x0;
	v0 =	vsel vm0, v1, v0  }
0x149: {  	s5 =	sor.u32 $0x4000, s3;
	s2 =	sshra.s32 @!p0 s2, $0x2;
	s0 =	sor.u32 @!p0 s0, s3;
	[tilespmem:$0xC808] =	vst v0  }
0x14a: {  	[spmem:s5] =	stream.linear.scatter [tilespmem:s6], [sflag:$0x1], $0x2, $0x38;
	[tilespmem:$0x1C928] =	vst v63  }
0x14b: {  	s2 =	sadd.s32 @!p0 $0x408, s2;
	s0 =	sshll.u32 @!p0 s0, $0x9  }
0x14c: {  	[spmem:s0] =	stream.linear.scatter @!p0 [tilespmem:s2], [sflag:$0x1], $0x200, $0x38;
	[tilespmem:$0x1C928] =	vst v63  }
0x14d: {  	s2 =	simm.s32 @!p0 $0x202  }
0x14e: {  	s0 =	simm.s32 $0x1;
	s2 =	simm.s32 @p0 $0x2  }
0x14f: {  	_ =	swait.ge [sflag:s0], s2  }
0x150: {  	s2 =	ssub.s32 $0x0, s2;
	[sflag:s0] =	ssyncset.done $0x0  }
0x151: {  	[sflag:s0] =	ssyncadd.s32 s2  }
0x152: {  	_ =	sfence.stream.spmem  }
0x153: {  	s29 =	simm.s32 $0x3;
	[bflag:$0x0] =	sbarrier.arrive $0xFFFF  }
0x154: {  	s30 =	simm.s32 $0x4;
	[sflag:s29] =	ssyncpa.u1 $0x1  }
0x155: {  	s31 =	simm.s32 $0x3C;
	[sflag:s30] =	ssyncpa.u1 $0x1  }
0x156: {  	p0 =	sne.s32 s7, $0x0;
	[sflag:s31] =	ssyncpa.u1 $0x1  }
0x157: {  	_ =	sfence @p0  }
0x158: {  	[sflag:s0] =	ssyncpa.u1 @p0 $0x1  }
0x159: {  	_ =	strace @p0 $0x9000004A  }
0x15a: {  	[bflag:$0x2] =	sbarrier.arrive @p0 $0xFFFF  }
0x15b: {  	_ =	shalt @p0  }
.LBB2_35:
0x15c: {  	_ =	sfence.stream.spmem;
	s0 =	simm.s32 $0x5  }
0x15d: {  	s2 =	simm.s32 $0x4000;
	s3 =	simm.s32 $0xC818;
	[sflag:s0] =	ssyncpa.u1 $0x0  }
0x15e: {  	[tilespmem:s3], [sflag:$0x5] =	stream.linear.gather [spmem:s2], $0x20, $0x38;
	[tilespmem:$0x1C928] =	vst v63  }
0x15f: {  	s2 =	simm.s32 $0x0;
	s3 =	simm.s32 $0xC838  }
0x160: {  	[tilespmem:s3], [sflag:$0x5] =	stream.linear.gather [spmem:s2], $0x4000, $0x38;
	[tilespmem:$0x1C928] =	vst v63  }
.Ltmp27:
0x161: {  	_ = 	snop;
	(pc) =	sbr.rel .LBB2_36-.Ltmp27, $4  }
0x162: {  	_ =	swait.ge [sflag:s0], $0x4020  }
0x163: {  	s4 =	simm.s32 $0x6;
	[sflag:s0] =	ssyncset.done $0x0  }
0x164: {  	s5 =	simm.s32 $0xC688;
	s6 =	simm.s32 $0xC708;
	[sflag:s0] =	ssyncadd.s32 $0xFFFFBFE0  }
0x165: {  	s7 =	simm.s32 $0xC788;
	s8 =	simm.s32 $0x0;
	[sflag:s4] =	ssyncpa.u1 $0x0  }
.LBB2_51:
0x166: {  	s8 =	sadd.s32 $0x1, s8  }
0x167: {  	p0 =	sne.s32 s8, $0x20  }
.Ltmp28:
0x168: {  	_ = 	snop;
	(pc) =	sbr.rel @!p0 .LBB2_52-.Ltmp28, $2  }
0x169: {  	_ =	sdelay $0x2  }
0x16a: {  	s3 =	sadd.s32 $0x200, s3  }
.LBB2_36:
0x16b: {  	v0 =	vld.msk [tilespmem:s8+$0xC818], $0x1;
	_ =	sdelay $0x4  }
0x16c: {  	(v2sf) =	vpush v0, $0x0;
	_ =	sdelay $0xe  }
0x16d: {  	s9 =	spop (v2sf)  }
0x16e: {  	p0 =	seq.s32 s9, $0xFFFFFFFF  }
.Ltmp29:
0x16f: {  	_ = 	snop;
	(pc) =	sbr.rel @p0 .LBB2_51-.Ltmp29, $1  }
0x170: {  	_ =	sdelay $0x3  }
0x171: {  	p0 =	slt.s32 s2, $0x1  }
.Ltmp30:
0x172: {  	_ = 	snop;
	(pc) =	sbr.rel @p0 .LBB2_44-.Ltmp30, $1  }
0x173: {  	_ =	sdelay $0x3  }
0x174: {  	s0 =	simm.s32 $0xC818;
	p0 =	por $0x0, $0x0  }
0x175: {  	v1 =	vld.msk @!p0 [tilespmem:s0+$0x0], $0x1;
	_ =	sdelay $0x4  }
0x176: {  	(v2sf) =	vpush @!p0 v1, $0x0;
	_ =	sdelay $0xd  }
0x177: {  	p2 =	sne.s32 s2, $0x1  }
.Ltmp31:
0x178: {  	s10 =	spop @!p0 (v2sf);
	(pc) =	sbr.rel @!p2 .LBB2_40-.Ltmp31, $4  }
0x179: {  	p1 =	seq.s32 @!p0 s9, s10  }
0x17a: {  	s10 =	simm.s32 $0x0;
	p1 =	por !p1, p0  }
0x17b: {  	s12 =	simm.s32 $0xFFFFFFFF;
	s10 =	simm.s32 @p1 $0xFFFFFFFF  }
0x17c: {  	s11 =	simm.s32 $0x1;
	s10 =	smov.u32 @p0 s12  }
.LBB2_39:
0x17d: {  	s12 =	smov.u32 s10;
	p0 =	sne.s32 s10, $0xFFFFFFFF  }
0x17e: {  	s0 =	sadd.s32 $0x1, s0;
	s10 =	smov.u32 s11;
	s11 =	sadd.s32 $0x1, s11  }
0x17f: {  	p1 =	sne.s32 s2, s11;
	v1 =	vld.msk @!p0 [tilespmem:s0+$0x0], $0x1;
	_ =	sdelay $0x4  }
0x180: {  	(v2sf) =	vpush @!p0 v1, $0x0;
	_ =	sdelay $0xe  }
.Ltmp32:
0x181: {  	s13 =	spop @!p0 (v2sf);
	(pc) =	sbr.rel @p1 .LBB2_39-.Ltmp32, $4  }
0x182: {  	p2 =	seq.s32 @!p0 s9, s13  }
0x183: {  	p2 =	por !p2, p0  }
0x184: {  	s10 =	simm.s32 @p2 $0xFFFFFFFF  }
0x185: {  	s10 =	smov.u32 @p0 s12  }
.LBB2_40:
0x186: {  	p0 =	seq.s32 s10, $0xFFFFFFFF  }
.Ltmp33:
0x187: {  	_ = 	snop;
	(pc) =	sbr.rel @p0 .LBB2_44-.Ltmp33, $1  }
0x188: {  	_ =	sdelay $0x3  }
0x189: {  	s0 =	sshll.u32 s10, $0xB  }
0x18a: {  	s0 =	sshra.s32 s0, $0x2  }
0x18b: {  	s9 =	simm.s32 $0x0;
	v0 =	vld [tilespmem:s3+$0x0];
	s10 =	smov.u32 s3;
	s0 =	sadd.s32 $0xC838, s0  }
.LBB2_42:
0x18c: {  	s9 =	sadd.s32 $0x10, s9  }
0x18d: {  	p0 =	slt.u32 s9, $0x1F0  }
.Ltmp34:
0x18e: {  	_ = 	snop;
	(pc) =	sbr.rel @p0 .LBB2_42-.Ltmp34, $3  }
0x18f: {  	_ =	sdelay $0x1  }
0x190: {  	s10 =	sadd.s32 $0x10, s10;
	[tilespmem:s0+$0x0] =	vst.add.f32.msk $0xffff, v0;
	s0 =	sadd.s32 $0x10, s0  }
0x191: {  	v0 =	vld [tilespmem:s10+$0x0]  }
.Ltmp35:
0x192: {  	_ = 	snop;
	(pc) =	sbr.rel .LBB2_51-.Ltmp35, $2  }
0x193: {  	_ =	sdelay $0x2  }
0x194: {  	[tilespmem:s0+$0x0] =	vst.add.f32.msk $0xffff, v0  }
.LBB2_44:
0x195: {  	p0 =	sgt.u32 s9, $0x9C270  }
.Ltmp36:
0x196: {  	_ = 	snop;
	(pc) =	sbr.rel @p0 .LBB2_48-.Ltmp36, $1  }
0x197: {  	_ =	sdelay $0x3  }
0x198: {  	s0 =	sand.u32 $0xFFFF8, s9;
	s11 =	sand.u32 $0x7, s9  }
0x199: {  	s29 =	sadd.s32 $0x80, s9;
	s10 =	sadd.s32 s1, s0;
	s0 =	simm.s32 $0xC608  }
0x19a: {  	[tilespmem:s0], [sflag:$0x6] =	stream.linear.gather [hbm4b:s10+s11], $0x80, $0x38;
	[tilespmem:$0x1C928] =	vst v63  }
0x19b: {  	s10 =	sand.u32 $0x1FFFF8, s29  }
0x19c: {  	s30 =	sadd.s32 $0x100, s9;
	s10 =	sadd.s32 s1, s10  }
0x19d: {  	[tilespmem:s5], [sflag:$0x6] =	stream.linear.gather [hbm4b:s10+s11], $0x80, $0x38;
	[tilespmem:$0x1C928] =	vst v63  }
0x19e: {  	s31 =	sadd.s32 $0x180, s9;
	s10 =	sand.u32 $0x1FFFF8, s30  }
0x19f: {  	s9 =	sand.u32 $0x1FFFF8, s31;
	s10 =	sadd.s32 s1, s10  }
0x1a0: {  	[tilespmem:s6], [sflag:$0x6] =	stream.linear.gather [hbm4b:s10+s11], $0x80, $0x38;
	[tilespmem:$0x1C928] =	vst v63  }
0x1a1: {  	s9 =	sadd.s32 s1, s9  }
0x1a2: {  	[tilespmem:s7], [sflag:$0x6] =	stream.linear.gather [hbm4b:s9+s11], $0x80, $0x38;
	[tilespmem:$0x1C928] =	vst v63  }
0x1a3: {  	_ =	swait.ge [sflag:s4], $0x200  }
0x1a4: {  	[sflag:s4] =	ssyncset.done $0x0  }
0x1a5: {  	[sflag:s4] =	ssyncadd.s32 $0xFFFFFE00  }
0x1a6: {  	s10 =	smov.u32 s3;
	s9 =	simm.s32 $0x0;
	v1 =	vld [tilespmem:s0+$0x0]  }
.LBB2_46:
0x1a7: {  	s9 =	sadd.s32 $0x10, s9  }
0x1a8: {  	p0 =	slt.u32 s9, $0x1F0  }
.Ltmp37:
0x1a9: {  	_ = 	snop;
	(pc) =	sbr.rel @p0 .LBB2_46-.Ltmp37, $3  }
0x1aa: {  	_ =	sdelay $0x1  }
0x1ab: {  	s0 =	sadd.s32 $0x10, s0;
	[tilespmem:s10+$0x0] =	vst.add.f32.msk $0xffff, v1;
	s10 =	sadd.s32 $0x10, s10  }
0x1ac: {  	v1 =	vld [tilespmem:s0+$0x0]  }
0x1ad: {  	_ =	sdelay $0x3  }
0x1ae: {  	[tilespmem:s10+$0x0] =	vst.add.f32.msk $0xffff, v1  }
.LBB2_48:
0x1af: {  	s0 =	sshll.u32 s2, $0xB  }
0x1b0: {  	[tilespmem:s2+$0xC818] =	vst.msk $0x1, v0;
	s0 =	sshra.s32 s0, $0x2  }
0x1b1: {  	s9 =	simm.s32 $0x0;
	s10 =	smov.u32 s3;
	v0 =	vld [tilespmem:s3+$0x0];
	s0 =	sadd.s32 $0xC838, s0  }
.LBB2_49:
0x1b2: {  	s9 =	sadd.s32 $0x10, s9  }
0x1b3: {  	p0 =	slt.u32 s9, $0x1F0  }
.Ltmp38:
0x1b4: {  	_ = 	snop;
	(pc) =	sbr.rel @p0 .LBB2_49-.Ltmp38, $3  }
0x1b5: {  	_ =	sdelay $0x1  }
0x1b6: {  	s10 =	sadd.s32 $0x10, s10;
	[tilespmem:s0+$0x0] =	vst v0;
	s0 =	sadd.s32 $0x10, s0  }
0x1b7: {  	v0 =	vld [tilespmem:s10+$0x0]  }
.Ltmp39:
0x1b8: {  	_ = 	snop;
	(pc) =	sbr.rel .LBB2_51-.Ltmp39, $2  }
0x1b9: {  	_ =	sdelay $0x2  }
0x1ba: {  	s2 =	sadd.s32 $0x1, s2;
	[tilespmem:s0+$0x0] =	vst v0  }
.LBB2_52:
0x1bb: {  	p0 =	slt.s32 s2, $0x1  }
.Ltmp40:
0x1bc: {  	_ = 	snop;
	(pc) =	sbr.rel @p0 .LBB2_56-.Ltmp40, $3  }
0x1bd: {  	_ =	sdelay $0x1  }
0x1be: {  	s0 =	simm.s32 $0x6  }
0x1bf: {  	s3 =	simm.s32 $0x0;
	[sflag:s0] =	ssyncpa.u1 $0x1  }
0x1c0: {  	s0 =	simm.s32 $0xC818  }
0x1c1: {  	v0 =	vld.msk [tilespmem:s0+$0x0], $0x1;
	_ =	sdelay $0x4  }
0x1c2: {  	(v2sf) =	vpush v0, $0x0;
	_ =	sdelay $0xe  }
0x1c3: {  	s7 =	spop (v2sf)  }
0x1c4: {  	s4 =	simm.s32 $0xC838;
	p0 =	sgt.u32 s7, $0x9C270  }
0x1c5: {  	s2 =	sadd.s32 $0xFFFFFFFF, s2;
	s0 =	sand.u32 @!p0 $0xFFFF8, s7;
	s5 =	sadd.s32 @!p0 $0x80, s7  }
0x1c6: {  	s9 =	sadd.s32 @!p0 s1, s0;
	s0 =	sand.u32 @!p0 $0x7, s7;
	s5 =	sand.u32 @!p0 $0x1FFFF8, s5  }
0x1c7: {  	[hbm4b:s9+s0] =	stream.linear.scatter @!p0 [tilespmem:s4], [sflag:$0x5], $0x80, $0x38;
	[tilespmem:$0x1C928] =	vst v63  }
0x1c8: {  	p1 =	sne.s32 s2, $0x0;
	s4 =	simm.s32 @!p0 $0xC8B8;
	s5 =	sadd.s32 @!p0 s1, s5  }
0x1c9: {  	[hbm4b:s5+s0] =	stream.linear.scatter @!p0 [tilespmem:s4], [sflag:$0x5], $0x80, $0x38;
	[tilespmem:$0x1C928] =	vst v63  }
.Ltmp41:
0x1ca: {  	s6 =	simm.s32 $0x0;
	s8 =	sadd.s32 @!p0 $0x100, s7;
	(pc) =	sbr.rel @!p1 .LBB2_55-.Ltmp41, $4  }
0x1cb: {  	s6 =	simm.s32 @!p0 $0x800;
	s8 =	sand.u32 @!p0 $0x1FFFF8, s8;
	s4 =	simm.s32 @!p0 $0xC938  }
0x1cc: {  	s5 =	sadd.s32 @!p0 s1, s8;
	s8 =	sadd.s32 @!p0 $0x180, s7;
	s7 =	simm.s32 @!p0 $0xC9B8  }
0x1cd: {  	[hbm4b:s5+s0] =	stream.linear.scatter @!p0 [tilespmem:s4], [sflag:$0x5], $0x80, $0x38;
	[tilespmem:$0x1C928] =	vst v63  }
0x1ce: {  	s8 =	sand.u32 @!p0 $0x1FFFF8, s8;
	s4 =	simm.s32 $0xC819;
	s5 =	simm.s32 $0xCA38  }
.LBB2_54:
0x1cf: {  	s2 =	sadd.s32 $0xFFFFFFFF, s2;
	s8 =	sadd.s32 @!p0 s1, s8;
	s3 =	sadd.s32 s3, s6  }
0x1d0: {  	[hbm4b:s8+s0] =	stream.linear.scatter @!p0 [tilespmem:s7], [sflag:$0x5], $0x80, $0x38;
	[tilespmem:$0x1C928] =	vst v63  }
0x1d1: {  	p1 =	sne.s32 s2, $0x0;
	s7 =	smov.u32 s5;
	v0 =	vld.msk [tilespmem:s4+$0x0], $0x1;
	_ =	sdelay $0x4  }
0x1d2: {  	(v2sf) =	vpush v0, $0x0;
	_ =	sdelay $0xe  }
0x1d3: {  	s6 =	spop (v2sf)  }
0x1d4: {  	s5 =	sadd.s32 $0x200, s5;
	s4 =	sadd.s32 $0x1, s4;
	p0 =	sgt.u32 s6, $0x9C270  }
0x1d5: {  	s0 =	sand.u32 @!p0 $0xFFFF8, s6;
	s8 =	sadd.s32 @!p0 $0x80, s6;
	s9 =	sadd.s32 @!p0 $0x100, s6  }
0x1d6: {  	s10 =	sadd.s32 @!p0 s1, s0;
	s0 =	sand.u32 @!p0 $0x7, s6;
	s8 =	sand.u32 @!p0 $0x1FFFF8, s8  }
0x1d7: {  	[hbm4b:s10+s0] =	stream.linear.scatter @!p0 [tilespmem:s7], [sflag:$0x5], $0x80, $0x38;
	[tilespmem:$0x1C928] =	vst v63  }
0x1d8: {  	s9 =	sand.u32 @!p0 $0x1FFFF8, s9;
	s10 =	sadd.s32 @!p0 $0x80, s7  }
.Ltmp42:
0x1d9: {  	s8 =	sadd.s32 @!p0 s1, s8;
	s9 =	sadd.s32 @!p0 s1, s9;
	(pc) =	sbr.rel @p1 .LBB2_54-.Ltmp42, $4  }
0x1da: {  	[hbm4b:s8+s0] =	stream.linear.scatter @!p0 [tilespmem:s10], [sflag:$0x5], $0x80, $0x38;
	[tilespmem:$0x1C928] =	vst v63  }
0x1db: {  	s8 =	sadd.s32 @!p0 $0x100, s7;
	s10 =	sadd.s32 @!p0 $0x180, s6;
	s6 =	simm.s32 $0x0  }
0x1dc: {  	[hbm4b:s9+s0] =	stream.linear.scatter @!p0 [tilespmem:s8], [sflag:$0x5], $0x80, $0x38;
	[tilespmem:$0x1C928] =	vst v63  }
0x1dd: {  	s7 =	sadd.s32 @!p0 $0x180, s7;
	s6 =	simm.s32 @!p0 $0x800;
	s8 =	sand.u32 @!p0 $0x1FFFF8, s10  }
.LBB2_55:
0x1de: {  	s1 =	sadd.s32 @!p0 s1, s8;
	s31 =	sadd.s32 s3, s6  }
0x1df: {  	[hbm4b:s1+s0] =	stream.linear.scatter @!p0 [tilespmem:s7], [sflag:$0x5], $0x80, $0x38;
	[tilespmem:$0x1C928] =	vst v63  }
0x1e0: {  	s3 =	sshrl.u32 s31, $0x2  }
.LBB2_56:
0x1e1: {  	s0 =	simm.s32 $0x5  }
0x1e2: {  	_ =	swait.ge [sflag:s0], s3  }
0x1e3: {  	s1 =	ssub.s32 $0x0, s3;
	[sflag:s0] =	ssyncset.done $0x0  }
0x1e4: {  	[sflag:s0] =	ssyncadd.s32 s1  }
0x1e5: {  	[sflag:s0] =	ssyncpa.u1 $0x1  }
0x1e6: {  	s30 =	simm.s32 $0x1;
	_ =	sfence  }
0x1e7: {  	[sflag:s30] =	ssyncpa.u1 $0x1  }
0x1e8: {  	_ =	strace $0x9000004A  }
0x1e9: {  	[bflag:$0x2] =	sbarrier.arrive $0xFFFF  }
0x1ea: {  	s31 =	rddreg [dreg:$0x1]  }
0x1eb: {  	s0 =	sadd.s32 $0x100000, s31  }
0x1ec: {  	[sflag:s0] =	ssyncadd.tile.s32 $0x1;
	_ =	shalt  }
.Lfunc_end2:
_tile_overlayer_lowered:
.L_overlay_start_2:
0x1ed: {  	(tag) =	ssettag $0x2  }
0x1ee: {  	s0 =	rddreg [dreg:$0x0];
	s2 =	stileid.u32  }
0x1ef: {  	s1 =	rddreg [dreg:$0x1];
	p0 =	sne.s32 s2, $0x0  }
0x1f0: {  	s3 =	rddreg [dreg:$0x2];
	[bflag:$0x3] =	sbarrier.arrive $0xFFFF;
	s2 =	simm.s32 @!p0 $0x1C01  }
0x1f1: {  	[timem:s3], [sflag:s2] =	dma.local @!p0 [hbm:s0], s1  }
0x1f2: {  	s0 =	simm.s32 @!p0 $0x1  }
0x1f3: {  	_ =	swait.ge @!p0 [sflag:s0], s1  }
0x1f4: {  	s1 =	ssub.s32 @!p0 $0x0, s1;
	[sflag:s0] =	ssyncset.done @!p0 $0x0  }
0x1f5: {  	[sflag:s0] =	ssyncadd.s32 @!p0 s1  }
0x1f6: {  	[bflag:$0x3] =	sbarrier.arrive $0xFFFF  }
0x1f7: {  	_ =	shalt  }

// kernel: scatter_offload_async_start.2
scs
__scs_entry_jumppad:
0x0: {  	(pc) =	sbr.rel $0x88, $3  }
0x1: {  	(tag) =	ssettag $0x0;
	lr =	simm.s32 $0x1  }
0x2: {  	[smem:$0x3F92] =	sst lr;
	_ =	strace $0xD0000000  }
0x3: {  	_ = 	snop  }
0x4: {  	_ = 	snop  }
0x5: {  	_ = 	snop  }
0x6: {  	_ = 	snop  }
0x7: {  	_ = 	snop  }
__scs_overlays_trampoline_lowered:
0x8: {  	[smem:$0x3FA1] =	sst s0  }
0x9: {  	[smem:$0x3FA2] =	sst s1  }
0xa: {  	[smem:$0x3FA3] =	sst s2  }
0xb: {  	[smem:$0x3FA4] =	sst s3  }
0xc: {  	[smem:$0x3FA5] =	sst s4  }
0xd: {  	[smem:$0x3FA6] =	sst s5  }
0xe: {  	[smem:$0x3FA7] =	sst s6  }
0xf: {  	[smem:$0x3FA8] =	sst s7  }
0x10: {  	[smem:$0x3FA9] =	sst s8  }
0x11: {  	[smem:$0x3FAA] =	sst s9;
	s0 =	simm.s32 @!p0 $0x0  }
0x12: {  	s1 =	sld [smem:$0x3F90];
	s0 =	simm.s32 @p0 $0x1  }
0x13: {  	[smem:$0x3FAB] =	sst s0;
	s0 =	simm.s32 @!p1 $0x0  }
0x14: {  	s2 =	sld [smem:$0x3F8F];
	s0 =	simm.s32 @p1 $0x1  }
0x15: {  	[smem:$0x3FAC] =	sst s0;
	s0 =	simm.s32 @!p2 $0x0  }
0x16: {  	s3 =	sld [smem:$0x3FDB];
	s0 =	simm.s32 @p2 $0x1  }
0x17: {  	s4 =	simm.s32 $0x1BF5;
	[smem:$0x3FAE] =	sst s0  }
0x18: {  	s0 =	sld [smem:$0x3F91];
	_ =	swait.ge [sflag:s4], $0x0  }
0x19: {  	s7 =	sld [smem:$0x3F92]  }
0x1a: {  	s8 =	sadd.s32 $0xFFFFE003, lr  }
0x1b: {  	s9 =	sadd.s32 $0xFFFFFEF7, lr;
	s5 =	simm.s32 $0xFFFFFFFF;
	p2 =	slt.u32 s8, $0xFFFFF086  }
0x1c: {  	p1 =	slt.u32 s9, $0xF7A;
	s5 =	simm.s32 @!p2 $0x0  }
0x1d: {  	s5 =	simm.s32 @p1 $0x1;
	p0 =	seq.s32 s7, s2  }
0x1e: {  	s7 =	smul.u32 @!p0 $0xF7A, s2;
	p2 =	seq.s32 @!p0 s5, $0x0  }
0x1f: {  	s9 =	smul.u32 $0xF7A, s1;
	s8 =	simm.s32 @!p0 $0x1BF5;
	p2 =	por !p2, p0  }
0x20: {  	[sflag:s8] =	ssyncset.s32 @!p0 $0xFFFFF086;
	s6 =	sadd.s32 @!p0 s3, s7;
	s7 =	simm.s32 @!p0 $0x108  }
0x21: {  	s3 =	sadd.s32 s3, s9;
	s6 =	sadd.s32 @!p0 $0x88, s6;
	s7 =	simm.s32 @p2 $0x1082  }
0x22: {  	[simem:s7], [sflag:s8] =	dma.local @!p0 [hbm:s6], $0xF7A  }
0x23: {  	s9 =	sor.u32 $0xD0000000, s2;
	s6 =	simm.s32 $0x108;
	_ =	swait.ge @!p0 [sflag:s8], $0x0  }
0x24: {  	s3 =	sadd.s32 $0x88, s3;
	s6 =	simm.s32 @!p1 $0x1082;
	[sflag:s4] =	ssyncset.s32 $0xFFFFF086  }
0x25: {  	[simem:s6], [sflag:s4] =	dma.local [hbm:s3], $0xF7A  }
0x26: {  	[smem:$0x3F92] =	sst s1;
	(tag) =	ssettag s2;
	_ =	strace s9  }
0x27: {  	s1 =	sld [smem:$0x3FA2]  }
0x28: {  	s2 =	sld [smem:$0x3FA3]  }
0x29: {  	s4 =	sld [smem:$0x3FA5]  }
0x2a: {  	p0 =	seq.s32 s5, $0x0;
	s5 =	sld [smem:$0x3FA6]  }
0x2b: {  	s6 =	sld [smem:$0x3FA7]  }
0x2c: {  	s7 =	sld [smem:$0x3FA8]  }
0x2d: {  	s3 =	simm.s32 $0x108;
	s8 =	sld [smem:$0x3FA9]  }
0x2e: {  	s3 =	simm.s32 @!p0 $0x1082;
	s9 =	sld [smem:$0x3FAA]  }
0x2f: {  	lr =	sadd.s32 s0, s3;
	s0 =	sld [smem:$0x3FA1]  }
0x30: {  	s3 =	sld [smem:$0x3FA4]  }
0x31: {  	[smem:$0x3FAD] =	sst s10  }
0x32: {  	s10 =	sld [smem:$0x3FAB];
	_ =	sdelay $0x3  }
0x33: {  	p0 =	seq.s32 s10, $0x1;
	s10 =	sld [smem:$0x3FAD];
	_ =	sdelay $0x3  }
0x34: {  	[smem:$0x3FAD] =	sst s10  }
0x35: {  	s10 =	sld [smem:$0x3FAC];
	_ =	sdelay $0x3  }
0x36: {  	p1 =	seq.s32 s10, $0x1;
	s10 =	sld [smem:$0x3FAD];
	_ =	sdelay $0x3  }
0x37: {  	[smem:$0x3FAD] =	sst s10  }
0x38: {  	s10 =	sld [smem:$0x3FAE]  }
0x39: {  	_ = 	snop;
	(pc) =	sbr.ind lr, $3  }
0x3a: {  	_ = 	snop  }
0x3b: {  	_ = 	snop  }
0x3c: {  	p2 =	seq.s32 s10, $0x1;
	s10 =	sld [smem:$0x3FAD]  }
0x3d: {  	_ =	shalt  }
0x3e: {  	_ =	shalt  }
0x3f: {  	_ =	shalt  }
0x40: {  	_ =	shalt  }
0x41: {  	_ =	shalt  }
0x42: {  	_ =	shalt  }
0x43: {  	_ =	shalt  }
0x44: {  	_ =	shalt  }
0x45: {  	_ =	shalt  }
0x46: {  	_ =	shalt  }
0x47: {  	_ =	shalt  }
0x48: {  	_ =	shalt  }
0x49: {  	_ =	shalt  }
0x4a: {  	_ =	shalt  }
0x4b: {  	_ =	shalt  }
0x4c: {  	_ =	shalt  }
0x4d: {  	_ =	shalt  }
0x4e: {  	_ =	shalt  }
0x4f: {  	_ =	shalt  }
0x50: {  	_ =	shalt  }
0x51: {  	_ =	shalt  }
0x52: {  	_ =	shalt  }
0x53: {  	_ =	shalt  }
0x54: {  	_ =	shalt  }
0x55: {  	_ =	shalt  }
0x56: {  	_ =	shalt  }
0x57: {  	_ =	shalt  }
0x58: {  	_ =	shalt  }
0x59: {  	_ =	shalt  }
0x5a: {  	_ =	shalt  }
0x5b: {  	_ =	shalt  }
0x5c: {  	_ =	shalt  }
0x5d: {  	_ =	shalt  }
0x5e: {  	_ =	shalt  }
0x5f: {  	_ =	shalt  }
0x60: {  	_ =	shalt  }
0x61: {  	_ =	shalt  }
0x62: {  	_ =	shalt  }
0x63: {  	_ =	shalt  }
0x64: {  	_ =	shalt  }
0x65: {  	_ =	shalt  }
0x66: {  	_ =	shalt  }
0x67: {  	_ =	shalt  }
0x68: {  	_ =	shalt  }
0x69: {  	_ =	shalt  }
0x6a: {  	_ =	shalt  }
0x6b: {  	_ =	shalt  }
0x6c: {  	_ =	shalt  }
0x6d: {  	_ =	shalt  }
0x6e: {  	_ =	shalt  }
0x6f: {  	_ =	shalt  }
0x70: {  	_ =	shalt  }
0x71: {  	_ =	shalt  }
0x72: {  	_ =	shalt  }
0x73: {  	_ =	shalt  }
0x74: {  	_ =	shalt  }
0x75: {  	_ =	shalt  }
0x76: {  	_ =	shalt  }
0x77: {  	_ =	shalt  }
0x78: {  	_ =	shalt  }
0x79: {  	_ =	shalt  }
0x7a: {  	_ =	shalt  }
0x7b: {  	_ =	shalt  }
0x7c: {  	_ =	shalt  }
0x7d: {  	_ =	shalt  }
0x7e: {  	_ =	shalt  }
0x7f: {  	_ =	shalt  }
0x80: {  	_ =	shalt  }
0x81: {  	_ =	shalt  }
0x82: {  	_ =	shalt  }
0x83: {  	_ =	shalt  }
0x84: {  	_ =	shalt  }
0x85: {  	_ =	shalt  }
0x86: {  	_ =	shalt  }
0x87: {  	_ =	shalt  }
.Lfunc_end0:
.L_simem_size_0:
called_computation.2_lowered:
.L_overlay_start_0:
0x88: {  	s0 =	sld [smem:$0x3FD9]  }
0x89: {  	s1 =	sld [smem:$0x3FFE];
	_ =	sdelay $0x3  }
0x8a: {  	s0 =	sadd.s32 s1, s0  }
0x8b: {  	[smem:$0x3FB9] =	sst s0  }
0x8c: {  	_ = 	snop  }
0x8d: {  	(tm) =	ssettm $0x1  }
0x8e: {  	s15 =	sld [smem:$0x3FFB];
	_ =	sdelay $0x3  }
0x8f: {  	_ =	strace s15  }
0x90: {  	s0 =	sld [smem:$0x3FFC];
	_ =	sdelay $0x3  }
0x91: {  	_ =	strace s0  }
0x92: {  	s0 =	sld [smem:$0x3FFD];
	_ =	sdelay $0x3  }
0x93: {  	_ =	strace s0  }
0x94: {  	_ =	strace $0x8FFFFFFF  }
0x95: {  	s16 =	sld [smem:$0x3FDB];
	_ =	sdelay $0x1  }
0x96: {  	s17 =	simm.s32 $_scs_section_size  }
0x97: {  	s2 =	simm.s32 $_size__tile_overlayer_lowered;
	s3 =	simm.s32 $_tile_overlayer_lowered  }
0x98: {  	s20 =	simm.s32 $0x1BFF;
	s19 =	sshll.u32 s3, $0x1;
	s0 =	sadd.s32 s17, s16  }
0x99: {  	s4 =	simm.s32 $0x0;
	s18 =	sshll.u32 s2, $0x1;
	s2 =	sadd.s32 s19, s0  }
0x9a: {  	[timem:s4], [sflag:s20] =	dma.local [hbm:s2], s18  }
0x9b: {  	_ =	swait.ge [sflag:s20], s18  }
0x9c: {  	s1 =	ssub.s32 $0x0, s18;
	[sflag:s20] =	ssyncset.done $0x0  }
0x9d: {  	[sflag:s20] =	ssyncadd.s32 s1;
	_ =	sdelay $0x1  }
0x9e: {  	s21 =	simm.s32 $0x1B8B  }
0x9f: {  	_ =	swait.ge [sflag:s21], $0x1  }
0xa0: {  	[sflag:s21] =	ssyncset.done $0x0  }
0xa1: {  	s23 =	simm.s32 $0x1B8E;
	s22 =	sld [smem:$0x3FFE];
	[sflag:s21] =	ssyncadd.s32 $0xFFFFFFFF  }
0xa2: {  	s24 =	simm.s32 $execute0_lowered;
	[smem:$0x3FD2] =	sst s23  }
0xa3: {  	s2 =	sshll.u32 s24, $0x1;
	_ =	strace $0x8000004C;
	[dreg:$0x1] =	wrdreg $0xFFFFFFFF  }
0xa4: {  	s25 =	simm.s32 $_size_execute0_lowered;
	s0 =	sadd.s32 s0, s2;
	[dreg:$0x0] =	wrdreg $0x0  }
0xa5: {  	s2 =	sshll.u32 s25, $0x1;
	[dreg:$0x2] =	wrdreg s0  }
0xa6: {  	[dreg:$0x3] =	wrdreg s2  }
0xa7: {  	[dreg:$0x4] =	wrdreg $0xC0  }
0xa8: {  	_ =	task [dreg:s4], $0x5FFFF  }
0xa9: {  	[dreg:$0x1] =	wrdreg $0xFFFFFFFF  }
0xaa: {  	[dreg:$0x0] =	wrdreg $0x60  }
0xab: {  	[dreg:$0x2] =	wrdreg s22  }
0xac: {  	[dreg:$0x3] =	wrdreg $0x9  }
0xad: {  	_ =	task.clear_ibuf [dreg:s4], $0x4FFFF;
	_ =	strace $0x9000004C  }
0xae: {  	s26 =	simm.s32 $0x9;
	_ =	strace $0x8000004E  }
0xaf: {  	_ =	swait.ge [sflag:s26], $0x1  }
0xb0: {  	[sflag:s26] =	ssyncadd.s32 $0xFFFFFFFF  }
0xb1: {  	_ =	strace $0x9000004E  }
0xb2: {  	_ =	sfence  }
0xb3: {  	s28 =	sld [smem:$0x0];
	_ =	sdelay $0x1  }
0xb4: {  	s29 =	srdreg.scid  }
0xb5: {  	s30 =	sshll.u32 s29, $0xD;
	s31 =	sshrl.u32 s29, $0x2  }
0xb6: {  	s1 =	sand.u32 $0x1, s29;
	s2 =	sand.u32 $0x4000, s30;
	s0 =	sadd.s32 s31, s28  }
0xb7: {  	s1 =	sor.u32 s2, s1;
	s0 =	sshll.u32 s0, $0x11  }
0xb8: {  	s0 =	sor.u32 s0, s1  }
0xb9: {  	s0 =	sadd.s32 $0x8F2B, s0  }
0xba: {  	[sflag:s0] =	ssyncadd.remote.s32 $0x1  }
0xbb: {  	_ =	sfence.sel $0xFFFF  }
0xbc: {  	[dreg:$0x0] =	wrdreg $0xFFFFFFFF;
	(pc) =	sbr.abs _section_cstart, $3  }
0xbd: {  	[dreg:$0x1] =	wrdreg $0xFFFFFFFF  }
0xbe: {  	_ =	task.clear_ibuf [dreg:s4], $0x2FFFF;
	_ =	strace $0x9FFFFFFF  }
0xbf: {  	(tm) =	ssettm $0x7FFFFFFF  }
tec
execute0_lowered:
.L_overlay_start_1:
0x0: {  	(tag) =	ssettag $0x1  }
0x1: {  	s2 =	rddreg [dreg:$0x0];
	_ =	strace $0x8000004D;
	s0 =	simm.s32 $0x1  }
0x2: {  	v0 =	vimm.s32 $0x0;
	[sflag:s0] =	ssyncpa.u1 $0x0;
	s0 =	simm.s32 $0x408  }
0x3: {  	[tilespmem:s0+$0x70] =	vst v0  }
0x4: {  	[tilespmem:s0+$0x60] =	vst v0  }
0x5: {  	[tilespmem:s0+$0x50] =	vst v0  }
0x6: {  	[tilespmem:s0+$0x40] =	vst v0  }
0x7: {  	[tilespmem:s0+$0x30] =	vst v0  }
0x8: {  	s1 =	sadd.s32 $0xA7BE00, s2;
	s10 =	sadd.s32 $0x11200, s2;
	[tilespmem:s0+$0x20] =	vst v0  }
0x9: {  	s4 =	sadd.s32 $0x1BA00, s2;
	s7 =	sadd.s32 $0x16600, s2;
	s2 =	simm.s32 $0x40;
	[tilespmem:s0+$0x10] =	vst v0  }
.LBB2_1:
0xa: {  	s2 =	sadd.s32 $0x40, s2;
	[tilespmem:s0+$0x0] =	vst v0;
	s0 =	sadd.s32 $0x80, s0  }
0xb: {  	p0 =	slt.u32 s2, $0x3100;
	[tilespmem:s0+$0x70] =	vst v0  }
0xc: {  	[tilespmem:s0+$0x60] =	vst v0  }
.Ltmp0:
0xd: {  	[tilespmem:s0+$0x50] =	vst v0;
	(pc) =	sbr.rel @p0 .LBB2_1-.Ltmp0, $4  }
0xe: {  	[tilespmem:s0+$0x40] =	vst v0  }
0xf: {  	[tilespmem:s0+$0x30] =	vst v0  }
0x10: {  	[tilespmem:s0+$0x20] =	vst v0  }
0x11: {  	[tilespmem:s0+$0x10] =	vst v0  }
0x12: {  	s3 =	stileid.u32  }
0x13: {  	s2 =	smul.u32 $0xDD, s3  }
0x14: {  	s6 =	smin.u32 s3, $0x6  }
0x15: {  	s2 =	sadd.s32 s6, s2  }
0x16: {  	p0 =	slt.u32 s3, $0x6;
	s6 =	smul.u32 $0x30, s2;
	s2 =	simm.s32 $0x29A0  }
0x17: {  	s2 =	simm.s32 @!p0 $0x2970  }
0x18: {  	s2 =	sadd.s32 s2, s6  }
0x19: {  	s12 =	smin.u32 s2, $0x29810  }
0x1a: {  	s2 =	ssub.s32 s12, s6  }
0x1b: {  	p0 =	sgt.s32 s2, $0x0  }
0x1c: {  	s5 =	simm.s32 $0x2;
	s30 =	simm.s32 $0x7;
	s2 =	simm.s32 @!p0 $0x0  }
0x1d: {  	s8 =	simm.s32 $0x8;
	s31 =	simm.s32 $0x9;
	s29 =	smulhi.u32 $0x2AAAAAAB, s2  }
0x1e: {  	s11 =	simm.s32 $0x1;
	s21 =	simm.s32 $0x0;
	p1 =	por $0x0, $0x0  }
0x1f: {  	[tilespmem:s0+$0x0] =	vst v0;
	s15 =	simm.s32 $0x80;
	s16 =	simm.s32 $0x400;
	s0 =	sshrl.u32 s29, $0x3  }
0x20: {  	s18 =	simm.s32 $0x0;
	s20 =	simm.s32 $0x0;
	s9 =	smul.u32 $0x30, s0  }
0x21: {  	[sflag:s5] =	ssyncpa.u1 $0x0;
	s13 =	sshll.u32 s3, $0xA;
	s5 =	simm.s32 $0xA  }
.Ltmp1:
0x22: {  	v0 =	vimm.s32 $0xFFFFFFFF;
	p0 =	sne.s32 s2, s9;
	s2 =	simm.s32 $0x1;
	(pc) =	sbr.rel .LBB2_3-.Ltmp1, $4  }
0x23: {  	[tilespmem:$0xC808] =	vst v0;
	[sflag:s30] =	ssyncpa.u1 $0x0;
	[dreg:$0x2] =	wrdreg s6;
	s2 =	simm.s32 @!p0 $0x0  }
0x24: {  	[sflag:s8] =	ssyncpa.u1 $0x0;
	[dreg:$0x3] =	wrdreg s12;
	s14 =	sadd.s32 s2, s0  }
0x25: {  	[sflag:s31] =	ssyncpa.u1 $0x0;
	s17 =	sadd.s32 $0x1, s14;
	[dreg:$0x4] =	wrdreg s14  }
0x26: {  	v0 =	vlaneseq.u32;
	s19 =	smov.u32 s6;
	p0 =	por $0x1, $0x1;
	[dreg:$0x5] =	wrdreg s17  }
.LBB2_30:
0x27: {  	s0 =	sshrl.u32 s29, $0x2;
	s5 =	simm.s32 $0xA  }
.LBB2_32:
0x28: {  	_ =	swait.ge [sflag:s5], s0  }
0x29: {  	s31 =	ssub.s32 $0x0, s0;
	v1 =	vmov s23;
	vm0 =	veq.s32 v0, $0x0;
	[sflag:s5] =	ssyncset.done $0x0  }
0x2a: {  	vm15 =	veq.s32 v0, $0x2;
	v1 =	vsel vm0, s28, v1;
	[sflag:s5] =	ssyncadd.s32 s31  }
0x2b: {  	v1 =	vsel vm15, s21, v1;
	[sflag:s5] =	ssyncpa.u1 $0x1  }
0x2c: {  	[tilespmem:$0xC808] =	vst v1  }
.LBB2_33:
0x2d: {  	s0 =	sadd.s32 $0x30, s19  }
0x2e: {  	s2 =	smov.u32 s6;
	p2 =	slt.s32 s0, s12  }
0x2f: {  	s2 =	smov.u32 @p2 s0;
	p2 =	sne.s32 s20, s17  }
.Ltmp2:
0x30: {  	_ = 	snop;
	(pc) =	sbr.rel @!p2 .LBB2_34-.Ltmp2, $4  }
0x31: {  	_ = 	snop  }
0x32: {  	s21 =	smov.u32 s18  }
0x33: {  	s31 =	sadd.s32 $0x1, s20;
	s18 =	smov.u32 s19;
	p0 =	por !p0, !p0  }
0x34: {  	p1 =	por !p1, !p1;
	s20 =	smov.u32 s31;
	s19 =	smov.u32 s2  }
.LBB2_3:
0x35: {  	p2 =	sge.u32 s20, s14  }
0x36: {  	s0 =	smulhi.u32 @!p2 $0xAAAAAAAB, s20  }
0x37: {  	s2 =	smov.u32 s19;
	p3 =	sgt.s32 @!p2 s19, $0x297E0  }
0x38: {  	s8 =	sshra.s32 @!p2 s19, $0x1F;
	p3 =	por !p3, p2;
	s0 =	sshrl.u32 @!p2 s0, $0x1  }
0x39: {  	s8 =	sand.u32 @!p2 s8, s19;
	s2 =	simm.s32 @p3 $0x297E0;
	s0 =	smul.u32 @!p2 $0x3, s0  }
0x3a: {  	s2 =	ssub.s32 @!p2 s2, s8  }
0x3b: {  	s2 =	sadd.s32 @!p2 $0xFFFD6820, s2;
	s0 =	ssub.s32 @!p2 s20, s0  }
0x3c: {  	s8 =	sshll.u32 @!p2 s2, $0x2;
	p3 =	sgt.s32 @!p2 s2, $0x2F;
	s0 =	smul.u32 @!p2 $0xC0, s0  }
0x3d: {  	s9 =	sand.u32 @!p2 $0x7, s19;
	s2 =	ssub.s32 @!p2 $0xC0, s8;
	p3 =	por !p3, p2  }
0x3e: {  	s8 =	sshrl.u32 @!p2 s19, $0x3;
	s2 =	sshrl.u32 @!p2 s2, $0x2;
	s0 =	sshrl.u32 @!p2 s0, $0x2  }
0x3f: {  	s8 =	sadd.s32 @!p2 s7, s8;
	s2 =	simm.s32 @!p3 $0x0;
	s0 =	sadd.s32 @!p2 $0x10838, s0  }
0x40: {  	[tilespmem:s0], [sflag:$0x8] =	stream.linear.gather @!p2 [hbm4b:s8+s9], s2, $0x38;
	[tilespmem:$0x1C928] =	vst v63  }
0x41: {  	s2 =	sadd.s32 $0xFFFFFFFF, s20  }
0x42: {  	p2 =	sge.u32 s2, s14  }
0x43: {  	p3 =	sgt.s32 @!p2 s18, $0x297E0  }
0x44: {  	s0 =	smov.u32 s18;
	s8 =	sshra.s32 @!p2 s18, $0x1F;
	p3 =	por !p3, p2  }
0x45: {  	s8 =	sand.u32 @!p2 s8, s18;
	s0 =	simm.s32 @p3 $0x297E0  }
0x46: {  	s0 =	ssub.s32 @!p2 s0, s8  }
0x47: {  	s0 =	sadd.s32 @!p2 $0xFFFD6820, s0  }
0x48: {  	s8 =	sshll.u32 @!p2 s0, $0x2  }
0x49: {  	p3 =	sgt.s32 @!p2 s0, $0x2F;
	s0 =	ssub.s32 @!p2 $0xC0, s8  }
0x4a: {  	p3 =	por !p3, p2;
	s0 =	sshrl.u32 @!p2 s0, $0x2  }
0x4b: {  	s9 =	simm.s32 @!p2 $0x8;
	s8 =	sand.u32 @!p2 $0x1, s2;
	s0 =	simm.s32 @!p3 $0x0  }
0x4c: {  	s8 =	smul.u32 @!p2 $0xC0, s8;
	_ =	swait.ge @!p2 [sflag:s9], s0  }
0x4d: {  	s22 =	ssub.s32 @!p2 $0x0, s0;
	[sflag:s9] =	ssyncset.done @!p2 $0x0  }
0x4e: {  	s8 =	sshrl.u32 @!p2 s8, $0x2;
	[sflag:s9] =	ssyncadd.s32 @!p2 s22;
	s9 =	sshrl.u32 @!p2 s18, $0x3  }
0x4f: {  	s8 =	sor.u32 @!p2 $0x108C8, s8;
	s22 =	sand.u32 @!p2 $0x7, s18;
	s9 =	sadd.s32 @!p2 s10, s9  }
0x50: {  	[tilespmem:s8], [sflag:$0x9] =	stream.linear.gather @!p2 [hbm4b:s9+s22], s0, $0x38;
	[tilespmem:$0x1C928] =	vst v63  }
0x51: {  	s0 =	ssub.s32 @!p2 $0x29810, s18  }
0x52: {  	p3 =	slt.s32 @!p2 s0, $0x1  }
0x53: {  	p3 =	por p2, p3  }
.Ltmp3:
0x54: {  	_ = 	snop;
	(pc) =	sbr.rel @p3 .LBB2_9-.Ltmp3, $1  }
0x55: {  	_ =	sdelay $0x3  }
0x56: {  	s8 =	smulhi.u32 $0xAAAAAAAB, s2;
	_ =	sdelay $0x1  }
0x57: {  	s8 =	sshrl.u32 s8, $0x1  }
0x58: {  	s8 =	smul.u32 $0x3, s8;
	_ =	sdelay $0x1  }
0x59: {  	s29 =	ssub.s32 s2, s8  }
0x5a: {  	s9 =	simm.s32 $0x1;
	s2 =	smul.u32 $0xC0, s29  }
.Ltmp4:
0x5b: {  	s9 =	simm.s32 @!p0 $0x0;
	(pc) =	sbr.rel .LBB2_6-.Ltmp4, $4  }
0x5c: {  	s30 =	smul.u32 $0x18000, s9  }
0x5d: {  	p3 =	slt.s32 @!p2 s0, $0x30;
	s2 =	sshrl.u32 s2, $0x2  }
0x5e: {  	p2 =	por !p3, p2;
	s8 =	sshrl.u32 s30, $0x2;
	s31 =	sadd.s32 $0x10838, s2  }
0x5f: {  	s0 =	simm.s32 @p2 $0x30;
	s22 =	sor.u32 $0x10928, s8;
	s2 =	simm.s32 $0x0;
	v1 =	vmov s31  }
.LBB2_5:
0x60: {  	p2 =	sge.s32 s2, s0  }
.Ltmp5:
0x61: {  	_ = 	snop;
	(pc) =	sbr.rel @p2 .LBB2_9-.Ltmp5, $2  }
0x62: {  	_ =	sdelay $0x2  }
0x63: {  	s22 =	sadd.s32 $0x2000, s22  }
.LBB2_6:
0x64: {  	p2 =	sle.s32 s0, s2  }
.Ltmp6:
0x65: {  	_ = 	snop;
	(pc) =	sbr.rel @p2 .LBB2_5-.Ltmp6, $2  }
0x66: {  	_ =	sdelay $0x2  }
0x67: {  	s8 =	smov.u32 s2;
	s2 =	sadd.s32 $0x10, s2  }
0x68: {  	s9 =	ssub.s32 s0, s8  }
0x69: {  	p2 =	slt.s32 s9, $0x10  }
0x6a: {  	s9 =	simm.s32 @!p2 $0x10  }
0x6b: {  	v2 =	vmov s9  }
0x6c: {  	vm0 =	vgt.s32 v2, v0;
	_ =	sdelay $0x5  }
0x6d: {  	v2 =	vld.idx.msk [tilespmem:v1+s8+$0x0 ss:$0x1], vm0;
	_ =	sdelay $0x2  }
0x6e: {  	s23 =	smov.u32 s0;
	p2 =	slt.s32 s2, s0  }
0x6f: {  	s24 =	smov.u32 s22;
	s25 =	simm.s32 $0x0;
	s23 =	smov.u32 @p2 s2  }
.LBB2_8:
0x70: {  	(v2sf) =	vpush v2, s25;
	_ =	sdelay $0xe  }
0x71: {  	s25 =	sadd.s32 $0x1, s25;
	s9 =	spop (v2sf)  }
0x72: {  	s31 =	sadd.s32 s25, s8;
	s26 =	sshll.u32 s9, $0x9;
	s9 =	sshll.u32 s9, $0x7  }
0x73: {  	p2 =	slt.s32 s31, s23;
	s26 =	sand.u32 $0xFFFFF000, s26;
	s9 =	sand.u32 $0x380, s9  }
.Ltmp7:
0x74: {  	s9 =	sor.u32 s9, s26;
	(pc) =	sbr.rel @p2 .LBB2_8-.Ltmp7, $4  }
0x75: {  	s9 =	sshrl.u32 s9, $0x3  }
0x76: {  	s9 =	sadd.s32 s4, s9  }
0x77: {  	[tilespmem:s24], [sflag:$0x7] =	stream.strided.gather [hbm4b:s9+s15], $0x200, s16, s15, $0x38;
	[tilespmem:$0x1C928] =	vst v63  }
0x78: {  	s24 =	sadd.s32 $0x200, s24  }
.Ltmp8:
0x79: {  	_ = 	snop;
	(pc) =	sbr.rel .LBB2_5-.Ltmp8, $1  }
0x7a: {  	_ =	sdelay $0x3  }
.LBB2_9:
0x7b: {  	p2 =	slt.u32 s20, $0x2  }
.Ltmp9:
0x7c: {  	_ = 	snop;
	(pc) =	sbr.rel @p2 .LBB2_33-.Ltmp9, $1  }
0x7d: {  	_ =	sdelay $0x3  }
0x7e: {  	p2 =	sgt.s32 s21, $0x297E0;
	s0 =	smov.u32 s21  }
0x7f: {  	s2 =	sshra.s32 s21, $0x1F;
	s8 =	ssub.s32 $0x29810, s21;
	s0 =	simm.s32 @!p2 $0x297E0  }
0x80: {  	s2 =	sand.u32 s2, s21;
	p2 =	slt.s32 s8, $0x30;
	s9 =	smov.u32 s8  }
0x81: {  	s0 =	ssub.s32 s0, s2;
	s9 =	simm.s32 @!p2 $0x30  }
0x82: {  	s0 =	sadd.s32 $0xFFFD6820, s0;
	s25 =	sshll.u32 s9, $0x9  }
0x83: {  	s3 =	simm.s32 $0x7;
	s26 =	sshll.u32 s0, $0x2;
	s2 =	sand.u32 $0x3FFFFE00, s25  }
0x84: {  	p2 =	sgt.s32 s0, $0x2F;
	s28 =	ssub.s32 $0xC0, s26;
	_ =	swait.ge [sflag:s3], s2  }
0x85: {  	s2 =	ssub.s32 $0x0, s2;
	[sflag:s3] =	ssyncset.done $0x0;
	s0 =	sshrl.u32 s28, $0x2  }
0x86: {  	s30 =	simm.s32 $0x9;
	[sflag:s3] =	ssyncadd.s32 s2;
	s0 =	simm.s32 @p2 $0x0  }
0x87: {  	_ =	swait.ge [sflag:s30], s0  }
0x88: {  	s0 =	ssub.s32 $0x0, s0;
	[sflag:s30] =	ssyncset.done $0x0  }
0x89: {  	[sflag:s30] =	ssyncadd.s32 s0  }
0x8a: {  	v1 =	vld [tilespmem:$0xC808];
	_ =	sdelay $0x4  }
0x8b: {  	(v2sf) =	vpush v1, $0x0  }
0x8c: {  	(v2sf) =	vpush v1, $0x1  }
0x8d: {  	(v2sf) =	vpush v1, $0x2;
	_ =	sdelay $0x3  }
0x8e: {  	s0 =	sadd.s32 $0x30, s21  }
0x8f: {  	p2 =	slt.s32 s12, s0  }
0x90: {  	s0 =	smov.u32 @p2 s12;
	p2 =	sgt.s32 s8, $0x0  }
0x91: {  	s22 =	ssub.s32 s0, s21;
	s8 =	simm.s32 @!p2 $0x0  }
0x92: {  	p2 =	slt.s32 s8, s22  }
0x93: {  	s22 =	smov.u32 @p2 s8  }
0x94: {  	s24 =	simm.s32 $0x1;
	p2 =	slt.s32 s22, $0x1  }
.Ltmp10:
0x95: {  	s24 =	simm.s32 @!p1 $0x0;
	(pc) =	sbr.rel @p2 .LBB2_14-.Ltmp10, $4  }
0x96: {  	s31 =	smul.u32 $0xC0, s24  }
0x97: {  	s0 =	spop (v2sf)  }
0x98: {  	s2 =	sshrl.u32 s31, $0x2;
	s25 =	spop (v2sf)  }
0x99: {  	s29 =	sor.u32 $0x108C8, s2;
	s21 =	spop (v2sf)  }
0x9a: {  	s2 =	smin.u32 s22, $0x10  }
0x9b: {  	v1 =	vmov s2  }
0x9c: {  	vm1 =	vgt.u32 v1, v0  }
0x9d: {  	p3 =	sgt.s32 s22, $0x10  }
.Ltmp11:
0x9e: {  	_ = 	snop;
	(pc) =	sbr.rel @!p3 .LBB2_13-.Ltmp11, $2  }
0x9f: {  	_ =	sdelay $0x2  }
0xa0: {  	s8 =	simm.s32 $0x10;
	s23 =	sadd.s32 $0xFFFFFFF0, s22;
	s2 =	smov.u32 s29;
	vm0 =	vmmov vm1;
	v1 =	vld.msk [tilespmem:s29+$0x0 ss:$0x1], vm1  }
.LBB2_12:
0xa1: {  	s9 =	smin.u32 s23, $0x10;
	s8 =	sadd.s32 $0x10, s8  }
0xa2: {  	v2 =	vmov s9;
	p3 =	slt.s32 s8, s22  }
0xa3: {  	vm1 =	vgt.u32 v2, v0;
	_ =	sdelay $0x1  }
0xa4: {  	v2 =	vshll.u32 v1, $0x6;
	v1 =	vshll.u32 v1, $0x4  }
.Ltmp12:
0xa5: {  	v2 =	vand.u32 $0xFFFFFE00, v2;
	v1 =	vand.u32 $0x70, v1;
	(pc) =	sbr.rel @p3 .LBB2_12-.Ltmp12, $4  }
0xa6: {  	v1 =	vor.u32 v1, v2  }
0xa7: {  	[tilespmem:s2+$0x0] =	vst.msk vm0, v1;
	s2 =	sadd.s32 $0x10, s2;
	vm0 =	vmmov vm1  }
0xa8: {  	v1 =	vld.msk [tilespmem:s2+$0x0 ss:$0x1], vm1  }
0xa9: {  	s23 =	sadd.s32 $0xFFFFFFF0, s23  }
.LBB2_13:
0xaa: {  	_ =	sdelay $0x3  }
0xab: {  	v2 =	vshll.u32 v1, $0x6;
	v1 =	vshll.u32 v1, $0x4  }
0xac: {  	v2 =	vand.u32 $0xFFFFFE00, v2;
	v1 =	vand.u32 $0x70, v1  }
0xad: {  	v1 =	vor.u32 v1, v2  }
0xae: {  	[tilespmem:s2+$0x0] =	vst.msk vm0, v1  }
.LBB2_14:
0xaf: {  	s2 =	sand.u32 $0x1, s20  }
0xb0: {  	s2 =	smul.u32 $0x30, s2  }
0xb1: {  	p3 =	sne.s32 s25, $0xFFFFFFFF  }
0xb2: {  	v1 =	vld.msk @!p3 [tilespmem:s2+$0x108C8], $0x1;
	_ =	sdelay $0x4  }
0xb3: {  	(v2sf) =	vpush @!p3 v1, $0x0;
	_ =	sdelay $0xc  }
.Ltmp13:
0xb4: {  	_ = 	snop;
	(pc) =	sbr.rel @p2 .LBB2_31-.Ltmp13, $4  }
0xb5: {  	_ = 	snop  }
0xb6: {  	s26 =	spop @!p3 (v2sf)  }
0xb7: {  	s21 =	simm.s32 @!p3 $0x0;
	s23 =	smov.u32 s26  }
0xb8: {  	[sflag:s5] =	ssyncpa.u1 $0x0;
	s26 =	smov.u32 @p3 s0;
	s23 =	smov.u32 @p3 s25  }
0xb9: {  	v1 =	vld.msk [tilespmem:s29+$0x0], $0x1;
	_ =	sdelay $0x4  }
0xba: {  	(v2sf) =	vpush v1, $0x0;
	_ =	sdelay $0xe  }
0xbb: {  	s31 =	spop (v2sf)  }
0xbc: {  	s12 =	smov.u32 s7;
	s7 =	smov.u32 s10;
	p2 =	seq.s32 s26, s31  }
0xbd: {  	s0 =	smul.u32 $0x18000, s24;
	s28 =	sadd.s32 $0x108C8, s2;
	p3 =	sgt.s32 @!p2 s26, $0x0  }
0xbe: {  	s17 =	ssub.s32 $0x0, s22;
	s2 =	smov.u32 s26;
	p3 =	por !p3, p2  }
0xbf: {  	s25 =	simm.s32 $0x0;
	s29 =	sadd.s32 $0x1, s29;
	s2 =	simm.s32 @p3 $0x0  }
0xc0: {  	s30 =	sadd.s32 $0x1, s17;
	s8 =	simm.s32 @!p2 $0x6608;
	s9 =	smin.u32 @!p2 s2, $0x9C270  }
0xc1: {  	p3 =	seq.s32 s30, $0x0;
	s2 =	sand.u32 @!p2 $0xFFFF8, s9;
	s10 =	sadd.s32 @!p2 $0x80, s9  }
0xc2: {  	s5 =	sadd.s32 @!p2 s1, s2;
	s2 =	sand.u32 @!p2 $0x7, s9;
	s10 =	sand.u32 @!p2 $0x1FFFF8, s10  }
0xc3: {  	[tilespmem:s8], [sflag:$0x2] =	stream.linear.gather @!p2 [hbm4b:s5+s2], $0x80, $0x38;
	[tilespmem:$0x1C928] =	vst v63  }
0xc4: {  	s3 =	sadd.s32 @!p2 $0x100, s9;
	s5 =	simm.s32 @!p2 $0x6688;
	s8 =	sadd.s32 @!p2 s1, s10  }
0xc5: {  	[tilespmem:s5], [sflag:$0x2] =	stream.linear.gather @!p2 [hbm4b:s8+s2], $0x80, $0x38;
	[tilespmem:$0x1C928] =	vst v63  }
.Ltmp14:
0xc6: {  	s0 =	sshrl.u32 s0, $0x2;
	s3 =	sand.u32 @!p2 $0x1FFFF8, s3;
	(pc) =	sbr.rel @p3 .LBB2_17-.Ltmp14, $4  }
0xc7: {  	s3 =	sadd.s32 @!p2 s1, s3;
	s5 =	simm.s32 @!p2 $0x6708;
	s8 =	sadd.s32 @!p2 $0x180, s9  }
0xc8: {  	[tilespmem:s5], [sflag:$0x2] =	stream.linear.gather @!p2 [hbm4b:s3+s2], $0x80, $0x38;
	[tilespmem:$0x1C928] =	vst v63  }
0xc9: {  	s24 =	sor.u32 $0x10928, s0;
	s0 =	simm.s32 @!p2 $0x1;
	s3 =	sand.u32 @!p2 $0x1FFFF8, s8  }
0xca: {  	s0 =	smov.u32 @p2 s25;
	s8 =	simm.s32 @!p2 $0x6788;
	s9 =	sadd.s32 @!p2 s1, s3  }
.LBB2_16:
0xcb: {  	s3 =	smov.u32 s0  }
0xcc: {  	[tilespmem:s8], [sflag:$0x2] =	stream.linear.gather @!p2 [hbm4b:s9+s2], $0x80, $0x38;
	[tilespmem:$0x1C928] =	vst v63  }
0xcd: {  	s30 =	sadd.s32 $0x1, s30;
	s2 =	smov.u32 s31  }
0xce: {  	p3 =	seq.s32 s30, $0x0;
	v1 =	vld.msk [tilespmem:s29+$0x0], $0x1;
	_ =	sdelay $0x4  }
0xcf: {  	(v2sf) =	vpush v1, $0x0;
	_ =	sdelay $0xe  }
0xd0: {  	s31 =	spop (v2sf)  }
0xd1: {  	p2 =	seq.s32 s2, s31  }
0xd2: {  	p4 =	sgt.s32 @!p2 s2, $0x0;
	s5 =	sshll.u32 @!p2 s0, $0xB;
	s0 =	sadd.s32 @!p2 $0x1, s0  }
0xd3: {  	p4 =	por !p4, p2;
	s5 =	sshra.s32 @!p2 s5, $0x2;
	s0 =	smov.u32 @p2 s3  }
0xd4: {  	s2 =	simm.s32 @p4 $0x0;
	s3 =	sadd.s32 @!p2 $0x6608, s5;
	s9 =	sadd.s32 @!p2 $0x6688, s5  }
0xd5: {  	s14 =	sadd.s32 @!p2 $0x6708, s5;
	s8 =	sadd.s32 @!p2 $0x6788, s5;
	s10 =	smin.u32 @!p2 s2, $0x9C270  }
0xd6: {  	s2 =	sand.u32 @!p2 $0xFFFF8, s10;
	s5 =	sadd.s32 @!p2 $0x80, s10;
	s6 =	sadd.s32 @!p2 $0x100, s10  }
0xd7: {  	s17 =	sadd.s32 @!p2 s1, s2;
	s2 =	sand.u32 @!p2 $0x7, s10;
	s5 =	sand.u32 @!p2 $0x1FFFF8, s5  }
0xd8: {  	[tilespmem:s3], [sflag:$0x2] =	stream.linear.gather @!p2 [hbm4b:s17+s2], $0x80, $0x38;
	[tilespmem:$0x1C928] =	vst v63  }
0xd9: {  	s3 =	sadd.s32 @!p2 s1, s5  }
.Ltmp15:
0xda: {  	s5 =	sand.u32 @!p2 $0x1FFFF8, s6;
	s6 =	sadd.s32 @!p2 $0x180, s10;
	(pc) =	sbr.rel @!p3 .LBB2_16-.Ltmp15, $4  }
0xdb: {  	[tilespmem:s9], [sflag:$0x2] =	stream.linear.gather @!p2 [hbm4b:s3+s2], $0x80, $0x38;
	[tilespmem:$0x1C928] =	vst v63  }
0xdc: {  	s3 =	sadd.s32 @!p2 s1, s5;
	s5 =	sand.u32 @!p2 $0x1FFFF8, s6  }
0xdd: {  	[tilespmem:s14], [sflag:$0x2] =	stream.linear.gather @!p2 [hbm4b:s3+s2], $0x80, $0x38;
	[tilespmem:$0x1C928] =	vst v63  }
0xde: {  	s29 =	sadd.s32 $0x1, s29;
	s9 =	sadd.s32 @!p2 s1, s5  }
.LBB2_17:
0xdf: {  	[tilespmem:s8], [sflag:$0x2] =	stream.linear.gather @!p2 [hbm4b:s9+s2], $0x80, $0x38;
	[tilespmem:$0x1C928] =	vst v63  }
0xe0: {  	s0 =	sshll.u32 s0, $0x9  }
0xe1: {  	s31 =	simm.s32 $0x2;
	s0 =	sand.u32 $0x3FFFFE00, s0  }
.Ltmp16:
0xe2: {  	_ =	swait.ge [sflag:s31], s0;
	(pc) =	sbr.rel .LBB2_18-.Ltmp16, $4  }
0xe3: {  	s29 =	simm.s32 $0x0;
	s6 =	rddreg [dreg:$0x2]  }
0xe4: {  	s10 =	smov.u32 s7;
	s7 =	smov.u32 s12;
	s12 =	rddreg [dreg:$0x3]  }
0xe5: {  	s0 =	ssub.s32 $0x0, s0;
	[sflag:s31] =	ssyncset.done $0x0;
	s14 =	rddreg [dreg:$0x4]  }
0xe6: {  	v1 =	vmov s28;
	s30 =	simm.s32 $0x0;
	s17 =	rddreg [dreg:$0x5];
	[sflag:s31] =	ssyncadd.s32 s0  }
.LBB2_28:
0xe7: {  	[tilespmem:s0+$0x0] =	vst v2;
	s25 =	sadd.s32 $0x1, s25  }
.LBB2_29:
0xe8: {  	s30 =	sadd.s32 $0x1, s30  }
0xe9: {  	p2 =	sne.s32 s30, s22  }
.Ltmp17:
0xea: {  	_ = 	snop;
	(pc) =	sbr.rel @!p2 .LBB2_30-.Ltmp17, $2  }
0xeb: {  	_ =	sdelay $0x2  }
0xec: {  	s24 =	sadd.s32 $0x200, s24;
	s26 =	smov.u32 s28  }
.LBB2_18:
0xed: {  	_ =	sdelay $0x3  }
0xee: {  	v2 =	vld.idx.msk [tilespmem:v1+s30+$0x0 ss:$0x1], $0x1;
	_ =	sdelay $0x4  }
0xef: {  	(v2sf) =	vpush v2, $0x0;
	_ =	sdelay $0xe  }
0xf0: {  	s28 =	spop (v2sf)  }
0xf1: {  	p2 =	sne.s32 s26, s28  }
.Ltmp18:
0xf2: {  	_ = 	snop;
	(pc) =	sbr.rel @p2 .LBB2_22-.Ltmp18, $3  }
0xf3: {  	_ =	sdelay $0x1  }
0xf4: {  	s0 =	sshll.u32 s21, $0xB  }
0xf5: {  	s0 =	sshra.s32 s0, $0x2  }
0xf6: {  	s0 =	sadd.s32 $0x408, s0;
	s2 =	simm.s32 $0x0;
	v2 =	vld [tilespmem:s24+$0x0];
	s8 =	smov.u32 s24  }
.LBB2_20:
0xf7: {  	s2 =	sadd.s32 $0x10, s2  }
0xf8: {  	p2 =	slt.u32 s2, $0x1F0  }
.Ltmp19:
0xf9: {  	_ = 	snop;
	(pc) =	sbr.rel @p2 .LBB2_20-.Ltmp19, $3  }
0xfa: {  	_ =	sdelay $0x1  }
0xfb: {  	s8 =	sadd.s32 $0x10, s8;
	[tilespmem:s0+$0x0] =	vst.add.f32.msk $0xffff, v2;
	s0 =	sadd.s32 $0x10, s0  }
0xfc: {  	v2 =	vld [tilespmem:s8+$0x0]  }
.Ltmp20:
0xfd: {  	_ = 	snop;
	(pc) =	sbr.rel .LBB2_29-.Ltmp20, $2  }
0xfe: {  	_ =	sdelay $0x2  }
0xff: {  	[tilespmem:s0+$0x0] =	vst.add.f32.msk $0xffff, v2  }
.LBB2_22:
0x100: {  	p2 =	seq.s32 s26, s23  }
.Ltmp21:
0x101: {  	_ = 	snop;
	(pc) =	sbr.rel @!p2 .LBB2_23-.Ltmp21, $1  }
0x102: {  	_ =	sdelay $0x3  }
.Ltmp22:
0x103: {  	s0 =	sadd.s32 $0x408, s0;
	(pc) =	sbr.rel .LBB2_26-.Ltmp22, $4  }
0x104: {  	[spmem:s13] =	stream.linear.scatter [tilespmem:s0], [sflag:$0x1], $0x200, $0x38;
	[tilespmem:$0x1C928] =	vst v63  }
0x105: {  	_ =	swait.ge [sflag:s11], $0x200  }
0x106: {  	[sflag:s11] =	ssyncset.done $0x0  }
0x107: {  	[sflag:s11] =	ssyncadd.s32 $0xFFFFFE00  }
.LBB2_23:
0x108: {  	s2 =	sshll.u32 s25, $0xB  }
0x109: {  	s2 =	sshra.s32 s2, $0x2  }
0x10a: {  	s8 =	sadd.s32 $0x6608, s2;
	s2 =	sadd.s32 $0x408, s0  }
0x10b: {  	s9 =	simm.s32 $0x0;
	v2 =	vld [tilespmem:s8+$0x0];
	s31 =	smov.u32 s2  }
.LBB2_24:
0x10c: {  	s9 =	sadd.s32 $0x10, s9  }
0x10d: {  	p2 =	slt.u32 s9, $0x1F0  }
.Ltmp23:
0x10e: {  	_ = 	snop;
	(pc) =	sbr.rel @p2 .LBB2_24-.Ltmp23, $3  }
0x10f: {  	_ =	sdelay $0x1  }
0x110: {  	s8 =	sadd.s32 $0x10, s8;
	[tilespmem:s31+$0x0] =	vst.add.f32.msk $0xffff, v2;
	s31 =	sadd.s32 $0x10, s31  }
0x111: {  	v2 =	vld [tilespmem:s8+$0x0]  }
0x112: {  	_ =	sdelay $0x1  }
0x113: {  	p2 =	sgt.u32 s26, $0x9C270  }
0x114: {  	s3 =	sand.u32 @!p2 $0xFFFF8, s26  }
0x115: {  	s5 =	sand.u32 @!p2 $0x7, s26;
	s3 =	sadd.s32 @!p2 s1, s3;
	[tilespmem:s31+$0x0] =	vst.add.f32.msk $0xffff, v2  }
0x116: {  	[hbm4b:s3+s5] =	stream.linear.scatter @!p2 [tilespmem:s2], [sflag:$0xA], $0x80, $0x38;
	[tilespmem:$0x1C928] =	vst v63  }
0x117: {  	s2 =	sadd.s32 @!p2 $0x80, s26  }
0x118: {  	s2 =	sand.u32 @!p2 $0x1FFFF8, s2  }
0x119: {  	s3 =	sadd.s32 @!p2 $0x488, s0;
	s2 =	sadd.s32 @!p2 s1, s2  }
0x11a: {  	[hbm4b:s2+s5] =	stream.linear.scatter @!p2 [tilespmem:s3], [sflag:$0xA], $0x80, $0x38;
	[tilespmem:$0x1C928] =	vst v63  }
0x11b: {  	s2 =	sadd.s32 @!p2 $0x100, s26  }
0x11c: {  	s2 =	sand.u32 @!p2 $0x1FFFF8, s2  }
0x11d: {  	s3 =	sadd.s32 @!p2 $0x508, s0;
	s2 =	sadd.s32 @!p2 s1, s2  }
0x11e: {  	[hbm4b:s2+s5] =	stream.linear.scatter @!p2 [tilespmem:s3], [sflag:$0xA], $0x80, $0x38;
	[tilespmem:$0x1C928] =	vst v63  }
0x11f: {  	s2 =	sadd.s32 @!p2 $0x180, s26;
	s3 =	simm.s32 $0x0  }
0x120: {  	s2 =	sand.u32 @!p2 $0x1FFFF8, s2;
	s3 =	simm.s32 @!p2 $0x800  }
0x121: {  	s0 =	sadd.s32 @!p2 $0x588, s0;
	s2 =	sadd.s32 @!p2 s1, s2;
	s29 =	sadd.s32 s3, s29  }
0x122: {  	[hbm4b:s2+s5] =	stream.linear.scatter @!p2 [tilespmem:s0], [sflag:$0xA], $0x80, $0x38;
	[tilespmem:$0x1C928] =	vst v63  }
.LBB2_26:
0x123: {  	s0 =	sadd.s32 $0x1, s21  }
0x124: {  	s2 =	smulhi.u32 $0xAAAAAAAB, s0;
	_ =	sdelay $0x1  }
0x125: {  	s2 =	sshrl.u32 s2, $0x5  }
0x126: {  	s2 =	smul.u32 $0x30, s2;
	_ =	sdelay $0x1  }
0x127: {  	s21 =	ssub.s32 s0, s2  }
0x128: {  	s0 =	sshll.u32 s21, $0x9  }
0x129: {  	v2 =	vld [tilespmem:s24+$0x0];
	s8 =	smov.u32 s24;
	s2 =	simm.s32 $0x0;
	s0 =	sadd.s32 $0x408, s0  }
.LBB2_27:
0x12a: {  	s2 =	sadd.s32 $0x10, s2  }
0x12b: {  	p2 =	slt.u32 s2, $0x1F0  }
.Ltmp24:
0x12c: {  	_ = 	snop;
	(pc) =	sbr.rel @p2 .LBB2_27-.Ltmp24, $3  }
0x12d: {  	_ =	sdelay $0x1  }
0x12e: {  	[tilespmem:s0+$0x0] =	vst v2;
	s0 =	sadd.s32 $0x10, s0;
	s8 =	sadd.s32 $0x10, s8  }
0x12f: {  	v2 =	vld [tilespmem:s8+$0x0]  }
.Ltmp25:
0x130: {  	_ = 	snop;
	(pc) =	sbr.rel .LBB2_28-.Ltmp25, $1  }
0x131: {  	_ =	sdelay $0x3  }
.LBB2_31:
.Ltmp26:
0x132: {  	(pc) =	sbr.rel .LBB2_32-.Ltmp26, $4  }
0x133: {  	_ = 	snop  }
0x134: {  	s0 =	simm.s32 $0x2  }
0x135: {  	_ =	swait.ge [sflag:s0], $0x0  }
0x136: {  	s28 =	smov.u32 s26;
	[sflag:s0] =	ssyncset.done $0x0;
	s0 =	simm.s32 $0x0  }
.LBB2_34:
0x137: {  	_ =	sfence.sel $0x180000  }
0x138: {  	s0 =	simm.s32 $0x7;
	[bflag:$0x0] =	sbarrier.arrive $0xFFFF  }
0x139: {  	s25 =	simm.s32 $0x8;
	[sflag:s0] =	ssyncpa.u1 $0x1  }
0x13a: {  	s26 =	simm.s32 $0x9;
	[sflag:s25] =	ssyncpa.u1 $0x1  }
0x13b: {  	s28 =	simm.s32 $0x2;
	[sflag:s26] =	ssyncpa.u1 $0x1  }
0x13c: {  	[sflag:s28] =	ssyncpa.u1 $0x1  }
0x13d: {  	v0 =	vld [tilespmem:$0xC808];
	_ =	sdelay $0x4  }
0x13e: {  	(v2sf) =	vpush v0, $0x0  }
0x13f: {  	(v2sf) =	vpush v0, $0x1;
	_ =	sdelay $0x1  }
0x140: {  	(v2sf) =	vpush v0, $0x2;
	_ =	sdelay $0xb  }
0x141: {  	s0 =	spop (v2sf)  }
0x142: {  	s2 =	spop (v2sf)  }
0x143: {  	s3 =	smov.u32 s0;
	p0 =	sne.s32 s0, s2  }
0x144: {  	s4 =	spop (v2sf);
	s3 =	simm.s32 @!p0 $0xFFFFFFFF  }
0x145: {  	v2 =	vimm.s32 $0x1;
	v3 =	vlaneseq.u32;
	p0 =	seq.s32 s4, $0xFFFFFFFF;
	v1 =	vmov s3  }
0x146: {  	s7 =	stileid.u32;
	v0 =	vperm.xlane v0, v2;
	p1 =	sne.s32 @!p0 s0, s2;
	v1 =	vperm.xlane v1, v3  }
0x147: {  	vm0 =	vcmask $0x3F04;
	s6 =	simm.s32 $0xC808;
	s0 =	simm.s32 @!p0 $0x1;
	p1 =	por !p1, p0  }
0x148: {  	s3 =	sshll.u32 s7, $0x1;
	s2 =	sshll.u32 @!p0 s4, $0xB;
	s0 =	simm.s32 @p1 $0x0;
	v0 =	vsel vm0, v1, v0  }
0x149: {  	s5 =	sor.u32 $0x4000, s3;
	s2 =	sshra.s32 @!p0 s2, $0x2;
	s0 =	sor.u32 @!p0 s0, s3;
	[tilespmem:$0xC808] =	vst v0  }
0x14a: {  	[spmem:s5] =	stream.linear.scatter [tilespmem:s6], [sflag:$0x1], $0x2, $0x38;
	[tilespmem:$0x1C928] =	vst v63  }
0x14b: {  	s2 =	sadd.s32 @!p0 $0x408, s2;
	s0 =	sshll.u32 @!p0 s0, $0x9  }
0x14c: {  	[spmem:s0] =	stream.linear.scatter @!p0 [tilespmem:s2], [sflag:$0x1], $0x200, $0x38;
	[tilespmem:$0x1C928] =	vst v63  }
0x14d: {  	s2 =	simm.s32 @!p0 $0x202  }
0x14e: {  	s0 =	simm.s32 $0x1;
	s2 =	simm.s32 @p0 $0x2  }
0x14f: {  	_ =	swait.ge [sflag:s0], s2  }
0x150: {  	s2 =	ssub.s32 $0x0, s2;
	[sflag:s0] =	ssyncset.done $0x0  }
0x151: {  	[sflag:s0] =	ssyncadd.s32 s2  }
0x152: {  	_ =	sfence.stream.spmem  }
0x153: {  	s29 =	simm.s32 $0x3;
	[bflag:$0x0] =	sbarrier.arrive $0xFFFF  }
0x154: {  	s30 =	simm.s32 $0x4;
	[sflag:s29] =	ssyncpa.u1 $0x1  }
0x155: {  	s31 =	simm.s32 $0x3C;
	[sflag:s30] =	ssyncpa.u1 $0x1  }
0x156: {  	p0 =	sne.s32 s7, $0x0;
	[sflag:s31] =	ssyncpa.u1 $0x1  }
0x157: {  	_ =	sfence @p0  }
0x158: {  	[sflag:s0] =	ssyncpa.u1 @p0 $0x1  }
0x159: {  	_ =	strace @p0 $0x9000004D  }
0x15a: {  	[bflag:$0x2] =	sbarrier.arrive @p0 $0xFFFF  }
0x15b: {  	_ =	shalt @p0  }
.LBB2_35:
0x15c: {  	_ =	sfence.stream.spmem;
	s0 =	simm.s32 $0x5  }
0x15d: {  	s2 =	simm.s32 $0x4000;
	s3 =	simm.s32 $0xC818;
	[sflag:s0] =	ssyncpa.u1 $0x0  }
0x15e: {  	[tilespmem:s3], [sflag:$0x5] =	stream.linear.gather [spmem:s2], $0x20, $0x38;
	[tilespmem:$0x1C928] =	vst v63  }
0x15f: {  	s2 =	simm.s32 $0x0;
	s3 =	simm.s32 $0xC838  }
0x160: {  	[tilespmem:s3], [sflag:$0x5] =	stream.linear.gather [spmem:s2], $0x4000, $0x38;
	[tilespmem:$0x1C928] =	vst v63  }
.Ltmp27:
0x161: {  	_ = 	snop;
	(pc) =	sbr.rel .LBB2_36-.Ltmp27, $4  }
0x162: {  	_ =	swait.ge [sflag:s0], $0x4020  }
0x163: {  	s4 =	simm.s32 $0x6;
	[sflag:s0] =	ssyncset.done $0x0  }
0x164: {  	s5 =	simm.s32 $0xC688;
	s6 =	simm.s32 $0xC708;
	[sflag:s0] =	ssyncadd.s32 $0xFFFFBFE0  }
0x165: {  	s7 =	simm.s32 $0xC788;
	s8 =	simm.s32 $0x0;
	[sflag:s4] =	ssyncpa.u1 $0x0  }
.LBB2_51:
0x166: {  	s8 =	sadd.s32 $0x1, s8  }
0x167: {  	p0 =	sne.s32 s8, $0x20  }
.Ltmp28:
0x168: {  	_ = 	snop;
	(pc) =	sbr.rel @!p0 .LBB2_52-.Ltmp28, $2  }
0x169: {  	_ =	sdelay $0x2  }
0x16a: {  	s3 =	sadd.s32 $0x200, s3  }
.LBB2_36:
0x16b: {  	v0 =	vld.msk [tilespmem:s8+$0xC818], $0x1;
	_ =	sdelay $0x4  }
0x16c: {  	(v2sf) =	vpush v0, $0x0;
	_ =	sdelay $0xe  }
0x16d: {  	s9 =	spop (v2sf)  }
0x16e: {  	p0 =	seq.s32 s9, $0xFFFFFFFF  }
.Ltmp29:
0x16f: {  	_ = 	snop;
	(pc) =	sbr.rel @p0 .LBB2_51-.Ltmp29, $1  }
0x170: {  	_ =	sdelay $0x3  }
0x171: {  	p0 =	slt.s32 s2, $0x1  }
.Ltmp30:
0x172: {  	_ = 	snop;
	(pc) =	sbr.rel @p0 .LBB2_44-.Ltmp30, $1  }
0x173: {  	_ =	sdelay $0x3  }
0x174: {  	s0 =	simm.s32 $0xC818;
	p0 =	por $0x0, $0x0  }
0x175: {  	v1 =	vld.msk @!p0 [tilespmem:s0+$0x0], $0x1;
	_ =	sdelay $0x4  }
0x176: {  	(v2sf) =	vpush @!p0 v1, $0x0;
	_ =	sdelay $0xd  }
0x177: {  	p2 =	sne.s32 s2, $0x1  }
.Ltmp31:
0x178: {  	s10 =	spop @!p0 (v2sf);
	(pc) =	sbr.rel @!p2 .LBB2_40-.Ltmp31, $4  }
0x179: {  	p1 =	seq.s32 @!p0 s9, s10  }
0x17a: {  	s10 =	simm.s32 $0x0;
	p1 =	por !p1, p0  }
0x17b: {  	s12 =	simm.s32 $0xFFFFFFFF;
	s10 =	simm.s32 @p1 $0xFFFFFFFF  }
0x17c: {  	s11 =	simm.s32 $0x1;
	s10 =	smov.u32 @p0 s12  }
.LBB2_39:
0x17d: {  	s12 =	smov.u32 s10;
	p0 =	sne.s32 s10, $0xFFFFFFFF  }
0x17e: {  	s0 =	sadd.s32 $0x1, s0;
	s10 =	smov.u32 s11;
	s11 =	sadd.s32 $0x1, s11  }
0x17f: {  	p1 =	sne.s32 s2, s11;
	v1 =	vld.msk @!p0 [tilespmem:s0+$0x0], $0x1;
	_ =	sdelay $0x4  }
0x180: {  	(v2sf) =	vpush @!p0 v1, $0x0;
	_ =	sdelay $0xe  }
.Ltmp32:
0x181: {  	s13 =	spop @!p0 (v2sf);
	(pc) =	sbr.rel @p1 .LBB2_39-.Ltmp32, $4  }
0x182: {  	p2 =	seq.s32 @!p0 s9, s13  }
0x183: {  	p2 =	por !p2, p0  }
0x184: {  	s10 =	simm.s32 @p2 $0xFFFFFFFF  }
0x185: {  	s10 =	smov.u32 @p0 s12  }
.LBB2_40:
0x186: {  	p0 =	seq.s32 s10, $0xFFFFFFFF  }
.Ltmp33:
0x187: {  	_ = 	snop;
	(pc) =	sbr.rel @p0 .LBB2_44-.Ltmp33, $1  }
0x188: {  	_ =	sdelay $0x3  }
0x189: {  	s0 =	sshll.u32 s10, $0xB  }
0x18a: {  	s0 =	sshra.s32 s0, $0x2  }
0x18b: {  	s9 =	simm.s32 $0x0;
	v0 =	vld [tilespmem:s3+$0x0];
	s10 =	smov.u32 s3;
	s0 =	sadd.s32 $0xC838, s0  }
.LBB2_42:
0x18c: {  	s9 =	sadd.s32 $0x10, s9  }
0x18d: {  	p0 =	slt.u32 s9, $0x1F0  }
.Ltmp34:
0x18e: {  	_ = 	snop;
	(pc) =	sbr.rel @p0 .LBB2_42-.Ltmp34, $3  }
0x18f: {  	_ =	sdelay $0x1  }
0x190: {  	s10 =	sadd.s32 $0x10, s10;
	[tilespmem:s0+$0x0] =	vst.add.f32.msk $0xffff, v0;
	s0 =	sadd.s32 $0x10, s0  }
0x191: {  	v0 =	vld [tilespmem:s10+$0x0]  }
.Ltmp35:
0x192: {  	_ = 	snop;
	(pc) =	sbr.rel .LBB2_51-.Ltmp35, $2  }
0x193: {  	_ =	sdelay $0x2  }
0x194: {  	[tilespmem:s0+$0x0] =	vst.add.f32.msk $0xffff, v0  }
.LBB2_44:
0x195: {  	p0 =	sgt.u32 s9, $0x9C270  }
.Ltmp36:
0x196: {  	_ = 	snop;
	(pc) =	sbr.rel @p0 .LBB2_48-.Ltmp36, $1  }
0x197: {  	_ =	sdelay $0x3  }
0x198: {  	s0 =	sand.u32 $0xFFFF8, s9;
	s11 =	sand.u32 $0x7, s9  }
0x199: {  	s29 =	sadd.s32 $0x80, s9;
	s10 =	sadd.s32 s1, s0;
	s0 =	simm.s32 $0xC608  }
0x19a: {  	[tilespmem:s0], [sflag:$0x6] =	stream.linear.gather [hbm4b:s10+s11], $0x80, $0x38;
	[tilespmem:$0x1C928] =	vst v63  }
0x19b: {  	s10 =	sand.u32 $0x1FFFF8, s29  }
0x19c: {  	s30 =	sadd.s32 $0x100, s9;
	s10 =	sadd.s32 s1, s10  }
0x19d: {  	[tilespmem:s5], [sflag:$0x6] =	stream.linear.gather [hbm4b:s10+s11], $0x80, $0x38;
	[tilespmem:$0x1C928] =	vst v63  }
0x19e: {  	s31 =	sadd.s32 $0x180, s9;
	s10 =	sand.u32 $0x1FFFF8, s30  }
0x19f: {  	s9 =	sand.u32 $0x1FFFF8, s31;
	s10 =	sadd.s32 s1, s10  }
0x1a0: {  	[tilespmem:s6], [sflag:$0x6] =	stream.linear.gather [hbm4b:s10+s11], $0x80, $0x38;
	[tilespmem:$0x1C928] =	vst v63  }
0x1a1: {  	s9 =	sadd.s32 s1, s9  }
0x1a2: {  	[tilespmem:s7], [sflag:$0x6] =	stream.linear.gather [hbm4b:s9+s11], $0x80, $0x38;
	[tilespmem:$0x1C928] =	vst v63  }
0x1a3: {  	_ =	swait.ge [sflag:s4], $0x200  }
0x1a4: {  	[sflag:s4] =	ssyncset.done $0x0  }
0x1a5: {  	[sflag:s4] =	ssyncadd.s32 $0xFFFFFE00  }
0x1a6: {  	s10 =	smov.u32 s3;
	s9 =	simm.s32 $0x0;
	v1 =	vld [tilespmem:s0+$0x0]  }
.LBB2_46:
0x1a7: {  	s9 =	sadd.s32 $0x10, s9  }
0x1a8: {  	p0 =	slt.u32 s9, $0x1F0  }
.Ltmp37:
0x1a9: {  	_ = 	snop;
	(pc) =	sbr.rel @p0 .LBB2_46-.Ltmp37, $3  }
0x1aa: {  	_ =	sdelay $0x1  }
0x1ab: {  	s0 =	sadd.s32 $0x10, s0;
	[tilespmem:s10+$0x0] =	vst.add.f32.msk $0xffff, v1;
	s10 =	sadd.s32 $0x10, s10  }
0x1ac: {  	v1 =	vld [tilespmem:s0+$0x0]  }
0x1ad: {  	_ =	sdelay $0x3  }
0x1ae: {  	[tilespmem:s10+$0x0] =	vst.add.f32.msk $0xffff, v1  }
.LBB2_48:
0x1af: {  	s0 =	sshll.u32 s2, $0xB  }
0x1b0: {  	[tilespmem:s2+$0xC818] =	vst.msk $0x1, v0;
	s0 =	sshra.s32 s0, $0x2  }
0x1b1: {  	s9 =	simm.s32 $0x0;
	s10 =	smov.u32 s3;
	v0 =	vld [tilespmem:s3+$0x0];
	s0 =	sadd.s32 $0xC838, s0  }
.LBB2_49:
0x1b2: {  	s9 =	sadd.s32 $0x10, s9  }
0x1b3: {  	p0 =	slt.u32 s9, $0x1F0  }
.Ltmp38:
0x1b4: {  	_ = 	snop;
	(pc) =	sbr.rel @p0 .LBB2_49-.Ltmp38, $3  }
0x1b5: {  	_ =	sdelay $0x1  }
0x1b6: {  	s10 =	sadd.s32 $0x10, s10;
	[tilespmem:s0+$0x0] =	vst v0;
	s0 =	sadd.s32 $0x10, s0  }
0x1b7: {  	v0 =	vld [tilespmem:s10+$0x0]  }
.Ltmp39:
0x1b8: {  	_ = 	snop;
	(pc) =	sbr.rel .LBB2_51-.Ltmp39, $2  }
0x1b9: {  	_ =	sdelay $0x2  }
0x1ba: {  	s2 =	sadd.s32 $0x1, s2;
	[tilespmem:s0+$0x0] =	vst v0  }
.LBB2_52:
0x1bb: {  	p0 =	slt.s32 s2, $0x1  }
.Ltmp40:
0x1bc: {  	_ = 	snop;
	(pc) =	sbr.rel @p0 .LBB2_56-.Ltmp40, $3  }
0x1bd: {  	_ =	sdelay $0x1  }
0x1be: {  	s0 =	simm.s32 $0x6  }
0x1bf: {  	s3 =	simm.s32 $0x0;
	[sflag:s0] =	ssyncpa.u1 $0x1  }
0x1c0: {  	s0 =	simm.s32 $0xC818  }
0x1c1: {  	v0 =	vld.msk [tilespmem:s0+$0x0], $0x1;
	_ =	sdelay $0x4  }
0x1c2: {  	(v2sf) =	vpush v0, $0x0;
	_ =	sdelay $0xe  }
0x1c3: {  	s7 =	spop (v2sf)  }
0x1c4: {  	s4 =	simm.s32 $0xC838;
	p0 =	sgt.u32 s7, $0x9C270  }
0x1c5: {  	s2 =	sadd.s32 $0xFFFFFFFF, s2;
	s0 =	sand.u32 @!p0 $0xFFFF8, s7;
	s5 =	sadd.s32 @!p0 $0x80, s7  }
0x1c6: {  	s9 =	sadd.s32 @!p0 s1, s0;
	s0 =	sand.u32 @!p0 $0x7, s7;
	s5 =	sand.u32 @!p0 $0x1FFFF8, s5  }
0x1c7: {  	[hbm4b:s9+s0] =	stream.linear.scatter @!p0 [tilespmem:s4], [sflag:$0x5], $0x80, $0x38;
	[tilespmem:$0x1C928] =	vst v63  }
0x1c8: {  	p1 =	sne.s32 s2, $0x0;
	s4 =	simm.s32 @!p0 $0xC8B8;
	s5 =	sadd.s32 @!p0 s1, s5  }
0x1c9: {  	[hbm4b:s5+s0] =	stream.linear.scatter @!p0 [tilespmem:s4], [sflag:$0x5], $0x80, $0x38;
	[tilespmem:$0x1C928] =	vst v63  }
.Ltmp41:
0x1ca: {  	s6 =	simm.s32 $0x0;
	s8 =	sadd.s32 @!p0 $0x100, s7;
	(pc) =	sbr.rel @!p1 .LBB2_55-.Ltmp41, $4  }
0x1cb: {  	s6 =	simm.s32 @!p0 $0x800;
	s8 =	sand.u32 @!p0 $0x1FFFF8, s8;
	s4 =	simm.s32 @!p0 $0xC938  }
0x1cc: {  	s5 =	sadd.s32 @!p0 s1, s8;
	s8 =	sadd.s32 @!p0 $0x180, s7;
	s7 =	simm.s32 @!p0 $0xC9B8  }
0x1cd: {  	[hbm4b:s5+s0] =	stream.linear.scatter @!p0 [tilespmem:s4], [sflag:$0x5], $0x80, $0x38;
	[tilespmem:$0x1C928] =	vst v63  }
0x1ce: {  	s8 =	sand.u32 @!p0 $0x1FFFF8, s8;
	s4 =	simm.s32 $0xC819;
	s5 =	simm.s32 $0xCA38  }
.LBB2_54:
0x1cf: {  	s2 =	sadd.s32 $0xFFFFFFFF, s2;
	s8 =	sadd.s32 @!p0 s1, s8;
	s3 =	sadd.s32 s3, s6  }
0x1d0: {  	[hbm4b:s8+s0] =	stream.linear.scatter @!p0 [tilespmem:s7], [sflag:$0x5], $0x80, $0x38;
	[tilespmem:$0x1C928] =	vst v63  }
0x1d1: {  	p1 =	sne.s32 s2, $0x0;
	s7 =	smov.u32 s5;
	v0 =	vld.msk [tilespmem:s4+$0x0], $0x1;
	_ =	sdelay $0x4  }
0x1d2: {  	(v2sf) =	vpush v0, $0x0;
	_ =	sdelay $0xe  }
0x1d3: {  	s6 =	spop (v2sf)  }
0x1d4: {  	s5 =	sadd.s32 $0x200, s5;
	s4 =	sadd.s32 $0x1, s4;
	p0 =	sgt.u32 s6, $0x9C270  }
0x1d5: {  	s0 =	sand.u32 @!p0 $0xFFFF8, s6;
	s8 =	sadd.s32 @!p0 $0x80, s6;
	s9 =	sadd.s32 @!p0 $0x100, s6  }
0x1d6: {  	s10 =	sadd.s32 @!p0 s1, s0;
	s0 =	sand.u32 @!p0 $0x7, s6;
	s8 =	sand.u32 @!p0 $0x1FFFF8, s8  }
0x1d7: {  	[hbm4b:s10+s0] =	stream.linear.scatter @!p0 [tilespmem:s7], [sflag:$0x5], $0x80, $0x38;
	[tilespmem:$0x1C928] =	vst v63  }
0x1d8: {  	s9 =	sand.u32 @!p0 $0x1FFFF8, s9;
	s10 =	sadd.s32 @!p0 $0x80, s7  }
.Ltmp42:
0x1d9: {  	s8 =	sadd.s32 @!p0 s1, s8;
	s9 =	sadd.s32 @!p0 s1, s9;
	(pc) =	sbr.rel @p1 .LBB2_54-.Ltmp42, $4  }
0x1da: {  	[hbm4b:s8+s0] =	stream.linear.scatter @!p0 [tilespmem:s10], [sflag:$0x5], $0x80, $0x38;
	[tilespmem:$0x1C928] =	vst v63  }
0x1db: {  	s8 =	sadd.s32 @!p0 $0x100, s7;
	s10 =	sadd.s32 @!p0 $0x180, s6;
	s6 =	simm.s32 $0x0  }
0x1dc: {  	[hbm4b:s9+s0] =	stream.linear.scatter @!p0 [tilespmem:s8], [sflag:$0x5], $0x80, $0x38;
	[tilespmem:$0x1C928] =	vst v63  }
0x1dd: {  	s7 =	sadd.s32 @!p0 $0x180, s7;
	s6 =	simm.s32 @!p0 $0x800;
	s8 =	sand.u32 @!p0 $0x1FFFF8, s10  }
.LBB2_55:
0x1de: {  	s1 =	sadd.s32 @!p0 s1, s8;
	s31 =	sadd.s32 s3, s6  }
0x1df: {  	[hbm4b:s1+s0] =	stream.linear.scatter @!p0 [tilespmem:s7], [sflag:$0x5], $0x80, $0x38;
	[tilespmem:$0x1C928] =	vst v63  }
0x1e0: {  	s3 =	sshrl.u32 s31, $0x2  }
.LBB2_56:
0x1e1: {  	s0 =	simm.s32 $0x5  }
0x1e2: {  	_ =	swait.ge [sflag:s0], s3  }
0x1e3: {  	s1 =	ssub.s32 $0x0, s3;
	[sflag:s0] =	ssyncset.done $0x0  }
0x1e4: {  	[sflag:s0] =	ssyncadd.s32 s1  }
0x1e5: {  	[sflag:s0] =	ssyncpa.u1 $0x1  }
0x1e6: {  	s30 =	simm.s32 $0x1;
	_ =	sfence  }
0x1e7: {  	[sflag:s30] =	ssyncpa.u1 $0x1  }
0x1e8: {  	_ =	strace $0x9000004D  }
0x1e9: {  	[bflag:$0x2] =	sbarrier.arrive $0xFFFF  }
0x1ea: {  	s31 =	rddreg [dreg:$0x1]  }
0x1eb: {  	s0 =	sadd.s32 $0x100000, s31  }
0x1ec: {  	[sflag:s0] =	ssyncadd.tile.s32 $0x1;
	_ =	shalt  }
.Lfunc_end2:
_tile_overlayer_lowered:
.L_overlay_start_2:
0x1ed: {  	(tag) =	ssettag $0x2  }
0x1ee: {  	s0 =	rddreg [dreg:$0x0];
	s2 =	stileid.u32  }
0x1ef: {  	s1 =	rddreg [dreg:$0x1];
	p0 =	sne.s32 s2, $0x0  }
0x1f0: {  	s3 =	rddreg [dreg:$0x2];
	[bflag:$0x3] =	sbarrier.arrive $0xFFFF;
	s2 =	simm.s32 @!p0 $0x1C01  }
0x1f1: {  	[timem:s3], [sflag:s2] =	dma.local @!p0 [hbm:s0], s1  }
0x1f2: {  	s0 =	simm.s32 @!p0 $0x1  }
0x1f3: {  	_ =	swait.ge @!p0 [sflag:s0], s1  }
0x1f4: {  	s1 =	ssub.s32 @!p0 $0x0, s1;
	[sflag:s0] =	ssyncset.done @!p0 $0x0  }
0x1f5: {  	[sflag:s0] =	ssyncadd.s32 @!p0 s1  }
0x1f6: {  	[bflag:$0x3] =	sbarrier.arrive $0xFFFF  }
0x1f7: {  	_ =	shalt  }

// kernel: scatter_offload_async_start.3
scs
__scs_entry_jumppad:
0x0: {  	(pc) =	sbr.rel $0x88, $3  }
0x1: {  	(tag) =	ssettag $0x0;
	lr =	simm.s32 $0x1  }
0x2: {  	[smem:$0x3F92] =	sst lr;
	_ =	strace $0xD0000000  }
0x3: {  	_ = 	snop  }
0x4: {  	_ = 	snop  }
0x5: {  	_ = 	snop  }
0x6: {  	_ = 	snop  }
0x7: {  	_ = 	snop  }
__scs_overlays_trampoline_lowered:
0x8: {  	[smem:$0x3FA1] =	sst s0  }
0x9: {  	[smem:$0x3FA2] =	sst s1  }
0xa: {  	[smem:$0x3FA3] =	sst s2  }
0xb: {  	[smem:$0x3FA4] =	sst s3  }
0xc: {  	[smem:$0x3FA5] =	sst s4  }
0xd: {  	[smem:$0x3FA6] =	sst s5  }
0xe: {  	[smem:$0x3FA7] =	sst s6  }
0xf: {  	[smem:$0x3FA8] =	sst s7  }
0x10: {  	[smem:$0x3FA9] =	sst s8  }
0x11: {  	[smem:$0x3FAA] =	sst s9;
	s0 =	simm.s32 @!p0 $0x0  }
0x12: {  	s1 =	sld [smem:$0x3F90];
	s0 =	simm.s32 @p0 $0x1  }
0x13: {  	[smem:$0x3FAB] =	sst s0;
	s0 =	simm.s32 @!p1 $0x0  }
0x14: {  	s2 =	sld [smem:$0x3F8F];
	s0 =	simm.s32 @p1 $0x1  }
0x15: {  	[smem:$0x3FAC] =	sst s0;
	s0 =	simm.s32 @!p2 $0x0  }
0x16: {  	s3 =	sld [smem:$0x3FDB];
	s0 =	simm.s32 @p2 $0x1  }
0x17: {  	s4 =	simm.s32 $0x1BF5;
	[smem:$0x3FAE] =	sst s0  }
0x18: {  	s0 =	sld [smem:$0x3F91];
	_ =	swait.ge [sflag:s4], $0x0  }
0x19: {  	s7 =	sld [smem:$0x3F92]  }
0x1a: {  	s8 =	sadd.s32 $0xFFFFE003, lr  }
0x1b: {  	s9 =	sadd.s32 $0xFFFFFEF7, lr;
	s5 =	simm.s32 $0xFFFFFFFF;
	p2 =	slt.u32 s8, $0xFFFFF086  }
0x1c: {  	p1 =	slt.u32 s9, $0xF7A;
	s5 =	simm.s32 @!p2 $0x0  }
0x1d: {  	s5 =	simm.s32 @p1 $0x1;
	p0 =	seq.s32 s7, s2  }
0x1e: {  	s7 =	smul.u32 @!p0 $0xF7A, s2;
	p2 =	seq.s32 @!p0 s5, $0x0  }
0x1f: {  	s9 =	smul.u32 $0xF7A, s1;
	s8 =	simm.s32 @!p0 $0x1BF5;
	p2 =	por !p2, p0  }
0x20: {  	[sflag:s8] =	ssyncset.s32 @!p0 $0xFFFFF086;
	s6 =	sadd.s32 @!p0 s3, s7;
	s7 =	simm.s32 @!p0 $0x108  }
0x21: {  	s3 =	sadd.s32 s3, s9;
	s6 =	sadd.s32 @!p0 $0x88, s6;
	s7 =	simm.s32 @p2 $0x1082  }
0x22: {  	[simem:s7], [sflag:s8] =	dma.local @!p0 [hbm:s6], $0xF7A  }
0x23: {  	s9 =	sor.u32 $0xD0000000, s2;
	s6 =	simm.s32 $0x108;
	_ =	swait.ge @!p0 [sflag:s8], $0x0  }
0x24: {  	s3 =	sadd.s32 $0x88, s3;
	s6 =	simm.s32 @!p1 $0x1082;
	[sflag:s4] =	ssyncset.s32 $0xFFFFF086  }
0x25: {  	[simem:s6], [sflag:s4] =	dma.local [hbm:s3], $0xF7A  }
0x26: {  	[smem:$0x3F92] =	sst s1;
	(tag) =	ssettag s2;
	_ =	strace s9  }
0x27: {  	s1 =	sld [smem:$0x3FA2]  }
0x28: {  	s2 =	sld [smem:$0x3FA3]  }
0x29: {  	s4 =	sld [smem:$0x3FA5]  }
0x2a: {  	p0 =	seq.s32 s5, $0x0;
	s5 =	sld [smem:$0x3FA6]  }
0x2b: {  	s6 =	sld [smem:$0x3FA7]  }
0x2c: {  	s7 =	sld [smem:$0x3FA8]  }
0x2d: {  	s3 =	simm.s32 $0x108;
	s8 =	sld [smem:$0x3FA9]  }
0x2e: {  	s3 =	simm.s32 @!p0 $0x1082;
	s9 =	sld [smem:$0x3FAA]  }
0x2f: {  	lr =	sadd.s32 s0, s3;
	s0 =	sld [smem:$0x3FA1]  }
0x30: {  	s3 =	sld [smem:$0x3FA4]  }
0x31: {  	[smem:$0x3FAD] =	sst s10  }
0x32: {  	s10 =	sld [smem:$0x3FAB];
	_ =	sdelay $0x3  }
0x33: {  	p0 =	seq.s32 s10, $0x1;
	s10 =	sld [smem:$0x3FAD];
	_ =	sdelay $0x3  }
0x34: {  	[smem:$0x3FAD] =	sst s10  }
0x35: {  	s10 =	sld [smem:$0x3FAC];
	_ =	sdelay $0x3  }
0x36: {  	p1 =	seq.s32 s10, $0x1;
	s10 =	sld [smem:$0x3FAD];
	_ =	sdelay $0x3  }
0x37: {  	[smem:$0x3FAD] =	sst s10  }
0x38: {  	s10 =	sld [smem:$0x3FAE]  }
0x39: {  	_ = 	snop;
	(pc) =	sbr.ind lr, $3  }
0x3a: {  	_ = 	snop  }
0x3b: {  	_ = 	snop  }
0x3c: {  	p2 =	seq.s32 s10, $0x1;
	s10 =	sld [smem:$0x3FAD]  }
0x3d: {  	_ =	shalt  }
0x3e: {  	_ =	shalt  }
0x3f: {  	_ =	shalt  }
0x40: {  	_ =	shalt  }
0x41: {  	_ =	shalt  }
0x42: {  	_ =	shalt  }
0x43: {  	_ =	shalt  }
0x44: {  	_ =	shalt  }
0x45: {  	_ =	shalt  }
0x46: {  	_ =	shalt  }
0x47: {  	_ =	shalt  }
0x48: {  	_ =	shalt  }
0x49: {  	_ =	shalt  }
0x4a: {  	_ =	shalt  }
0x4b: {  	_ =	shalt  }
0x4c: {  	_ =	shalt  }
0x4d: {  	_ =	shalt  }
0x4e: {  	_ =	shalt  }
0x4f: {  	_ =	shalt  }
0x50: {  	_ =	shalt  }
0x51: {  	_ =	shalt  }
0x52: {  	_ =	shalt  }
0x53: {  	_ =	shalt  }
0x54: {  	_ =	shalt  }
0x55: {  	_ =	shalt  }
0x56: {  	_ =	shalt  }
0x57: {  	_ =	shalt  }
0x58: {  	_ =	shalt  }
0x59: {  	_ =	shalt  }
0x5a: {  	_ =	shalt  }
0x5b: {  	_ =	shalt  }
0x5c: {  	_ =	shalt  }
0x5d: {  	_ =	shalt  }
0x5e: {  	_ =	shalt  }
0x5f: {  	_ =	shalt  }
0x60: {  	_ =	shalt  }
0x61: {  	_ =	shalt  }
0x62: {  	_ =	shalt  }
0x63: {  	_ =	shalt  }
0x64: {  	_ =	shalt  }
0x65: {  	_ =	shalt  }
0x66: {  	_ =	shalt  }
0x67: {  	_ =	shalt  }
0x68: {  	_ =	shalt  }
0x69: {  	_ =	shalt  }
0x6a: {  	_ =	shalt  }
0x6b: {  	_ =	shalt  }
0x6c: {  	_ =	shalt  }
0x6d: {  	_ =	shalt  }
0x6e: {  	_ =	shalt  }
0x6f: {  	_ =	shalt  }
0x70: {  	_ =	shalt  }
0x71: {  	_ =	shalt  }
0x72: {  	_ =	shalt  }
0x73: {  	_ =	shalt  }
0x74: {  	_ =	shalt  }
0x75: {  	_ =	shalt  }
0x76: {  	_ =	shalt  }
0x77: {  	_ =	shalt  }
0x78: {  	_ =	shalt  }
0x79: {  	_ =	shalt  }
0x7a: {  	_ =	shalt  }
0x7b: {  	_ =	shalt  }
0x7c: {  	_ =	shalt  }
0x7d: {  	_ =	shalt  }
0x7e: {  	_ =	shalt  }
0x7f: {  	_ =	shalt  }
0x80: {  	_ =	shalt  }
0x81: {  	_ =	shalt  }
0x82: {  	_ =	shalt  }
0x83: {  	_ =	shalt  }
0x84: {  	_ =	shalt  }
0x85: {  	_ =	shalt  }
0x86: {  	_ =	shalt  }
0x87: {  	_ =	shalt  }
.Lfunc_end0:
.L_simem_size_0:
called_computation.3_lowered:
.L_overlay_start_0:
0x88: {  	s0 =	sld [smem:$0x3FD9]  }
0x89: {  	s1 =	sld [smem:$0x3FFE];
	_ =	sdelay $0x3  }
0x8a: {  	s0 =	sadd.s32 s1, s0  }
0x8b: {  	[smem:$0x3FB9] =	sst s0  }
0x8c: {  	_ = 	snop  }
0x8d: {  	(tm) =	ssettm $0x1  }
0x8e: {  	s15 =	sld [smem:$0x3FFB];
	_ =	sdelay $0x3  }
0x8f: {  	_ =	strace s15  }
0x90: {  	s0 =	sld [smem:$0x3FFC];
	_ =	sdelay $0x3  }
0x91: {  	_ =	strace s0  }
0x92: {  	s0 =	sld [smem:$0x3FFD];
	_ =	sdelay $0x3  }
0x93: {  	_ =	strace s0  }
0x94: {  	_ =	strace $0x8FFFFFFF  }
0x95: {  	s16 =	sld [smem:$0x3FDB];
	_ =	sdelay $0x1  }
0x96: {  	s17 =	simm.s32 $_scs_section_size  }
0x97: {  	s2 =	simm.s32 $_size__tile_overlayer_lowered;
	s3 =	simm.s32 $_tile_overlayer_lowered  }
0x98: {  	s20 =	simm.s32 $0x1BFF;
	s19 =	sshll.u32 s3, $0x1;
	s0 =	sadd.s32 s17, s16  }
0x99: {  	s4 =	simm.s32 $0x0;
	s18 =	sshll.u32 s2, $0x1;
	s2 =	sadd.s32 s19, s0  }
0x9a: {  	[timem:s4], [sflag:s20] =	dma.local [hbm:s2], s18  }
0x9b: {  	_ =	swait.ge [sflag:s20], s18  }
0x9c: {  	s1 =	ssub.s32 $0x0, s18;
	[sflag:s20] =	ssyncset.done $0x0  }
0x9d: {  	[sflag:s20] =	ssyncadd.s32 s1;
	_ =	sdelay $0x1  }
0x9e: {  	s21 =	simm.s32 $0x1B8B  }
0x9f: {  	_ =	swait.ge [sflag:s21], $0x1  }
0xa0: {  	[sflag:s21] =	ssyncset.done $0x0  }
0xa1: {  	s23 =	simm.s32 $0x1B8E;
	s22 =	sld [smem:$0x3FFE];
	[sflag:s21] =	ssyncadd.s32 $0xFFFFFFFF  }
0xa2: {  	s24 =	simm.s32 $execute0_lowered;
	[smem:$0x3FD2] =	sst s23  }
0xa3: {  	s2 =	sshll.u32 s24, $0x1;
	_ =	strace $0x8000004F;
	[dreg:$0x1] =	wrdreg $0xFFFFFFFF  }
0xa4: {  	s25 =	simm.s32 $_size_execute0_lowered;
	s0 =	sadd.s32 s0, s2;
	[dreg:$0x0] =	wrdreg $0x0  }
0xa5: {  	s2 =	sshll.u32 s25, $0x1;
	[dreg:$0x2] =	wrdreg s0  }
0xa6: {  	[dreg:$0x3] =	wrdreg s2  }
0xa7: {  	[dreg:$0x4] =	wrdreg $0xC0  }
0xa8: {  	_ =	task [dreg:s4], $0x5FFFF  }
0xa9: {  	[dreg:$0x1] =	wrdreg $0xFFFFFFFF  }
0xaa: {  	[dreg:$0x0] =	wrdreg $0x60  }
0xab: {  	[dreg:$0x2] =	wrdreg s22  }
0xac: {  	[dreg:$0x3] =	wrdreg $0x9  }
0xad: {  	_ =	task.clear_ibuf [dreg:s4], $0x4FFFF;
	_ =	strace $0x9000004F  }
0xae: {  	s26 =	simm.s32 $0x9;
	_ =	strace $0x80000051  }
0xaf: {  	_ =	swait.ge [sflag:s26], $0x1  }
0xb0: {  	[sflag:s26] =	ssyncadd.s32 $0xFFFFFFFF  }
0xb1: {  	_ =	strace $0x90000051  }
0xb2: {  	_ =	sfence  }
0xb3: {  	s28 =	sld [smem:$0x0];
	_ =	sdelay $0x1  }
0xb4: {  	s29 =	srdreg.scid  }
0xb5: {  	s30 =	sshll.u32 s29, $0xD;
	s31 =	sshrl.u32 s29, $0x2  }
0xb6: {  	s1 =	sand.u32 $0x1, s29;
	s2 =	sand.u32 $0x4000, s30;
	s0 =	sadd.s32 s31, s28  }
0xb7: {  	s1 =	sor.u32 s2, s1;
	s0 =	sshll.u32 s0, $0x11  }
0xb8: {  	s0 =	sor.u32 s0, s1  }
0xb9: {  	s0 =	sadd.s32 $0x8F2B, s0  }
0xba: {  	[sflag:s0] =	ssyncadd.remote.s32 $0x1  }
0xbb: {  	_ =	sfence.sel $0xFFFF  }
0xbc: {  	[dreg:$0x0] =	wrdreg $0xFFFFFFFF;
	(pc) =	sbr.abs _section_cstart, $3  }
0xbd: {  	[dreg:$0x1] =	wrdreg $0xFFFFFFFF  }
0xbe: {  	_ =	task.clear_ibuf [dreg:s4], $0x2FFFF;
	_ =	strace $0x9FFFFFFF  }
0xbf: {  	(tm) =	ssettm $0x7FFFFFFF  }
tec
execute0_lowered:
.L_overlay_start_1:
0x0: {  	(tag) =	ssettag $0x1  }
0x1: {  	s2 =	rddreg [dreg:$0x0];
	_ =	strace $0x80000050;
	s0 =	simm.s32 $0x1  }
0x2: {  	v0 =	vimm.s32 $0x0;
	[sflag:s0] =	ssyncpa.u1 $0x0;
	s0 =	simm.s32 $0x408  }
0x3: {  	[tilespmem:s0+$0x70] =	vst v0  }
0x4: {  	[tilespmem:s0+$0x60] =	vst v0  }
0x5: {  	[tilespmem:s0+$0x50] =	vst v0  }
0x6: {  	[tilespmem:s0+$0x40] =	vst v0  }
0x7: {  	[tilespmem:s0+$0x30] =	vst v0  }
0x8: {  	s1 =	sadd.s32 $0xA7BE00, s2;
	s10 =	sadd.s32 $0x11200, s2;
	[tilespmem:s0+$0x20] =	vst v0  }
0x9: {  	s4 =	sadd.s32 $0x1BA00, s2;
	s7 =	sadd.s32 $0x16600, s2;
	s2 =	simm.s32 $0x40;
	[tilespmem:s0+$0x10] =	vst v0  }
.LBB2_1:
0xa: {  	s2 =	sadd.s32 $0x40, s2;
	[tilespmem:s0+$0x0] =	vst v0;
	s0 =	sadd.s32 $0x80, s0  }
0xb: {  	p0 =	slt.u32 s2, $0x3100;
	[tilespmem:s0+$0x70] =	vst v0  }
0xc: {  	[tilespmem:s0+$0x60] =	vst v0  }
.Ltmp0:
0xd: {  	[tilespmem:s0+$0x50] =	vst v0;
	(pc) =	sbr.rel @p0 .LBB2_1-.Ltmp0, $4  }
0xe: {  	[tilespmem:s0+$0x40] =	vst v0  }
0xf: {  	[tilespmem:s0+$0x30] =	vst v0  }
0x10: {  	[tilespmem:s0+$0x20] =	vst v0  }
0x11: {  	[tilespmem:s0+$0x10] =	vst v0  }
0x12: {  	s3 =	stileid.u32  }
0x13: {  	s2 =	smul.u32 $0xDD, s3  }
0x14: {  	s6 =	smin.u32 s3, $0x6  }
0x15: {  	s2 =	sadd.s32 s6, s2  }
0x16: {  	p0 =	slt.u32 s3, $0x6;
	s6 =	smul.u32 $0x30, s2;
	s2 =	simm.s32 $0x29A0  }
0x17: {  	s2 =	simm.s32 @!p0 $0x2970  }
0x18: {  	s2 =	sadd.s32 s2, s6  }
0x19: {  	s12 =	smin.u32 s2, $0x29810  }
0x1a: {  	s2 =	ssub.s32 s12, s6  }
0x1b: {  	p0 =	sgt.s32 s2, $0x0  }
0x1c: {  	s5 =	simm.s32 $0x2;
	s30 =	simm.s32 $0x7;
	s2 =	simm.s32 @!p0 $0x0  }
0x1d: {  	s8 =	simm.s32 $0x8;
	s31 =	simm.s32 $0x9;
	s29 =	smulhi.u32 $0x2AAAAAAB, s2  }
0x1e: {  	s11 =	simm.s32 $0x1;
	s21 =	simm.s32 $0x0;
	p1 =	por $0x0, $0x0  }
0x1f: {  	[tilespmem:s0+$0x0] =	vst v0;
	s15 =	simm.s32 $0x80;
	s16 =	simm.s32 $0x400;
	s0 =	sshrl.u32 s29, $0x3  }
0x20: {  	s18 =	simm.s32 $0x0;
	s20 =	simm.s32 $0x0;
	s9 =	smul.u32 $0x30, s0  }
0x21: {  	[sflag:s5] =	ssyncpa.u1 $0x0;
	s13 =	sshll.u32 s3, $0xA;
	s5 =	simm.s32 $0xA  }
.Ltmp1:
0x22: {  	v0 =	vimm.s32 $0xFFFFFFFF;
	p0 =	sne.s32 s2, s9;
	s2 =	simm.s32 $0x1;
	(pc) =	sbr.rel .LBB2_3-.Ltmp1, $4  }
0x23: {  	[tilespmem:$0xC808] =	vst v0;
	[sflag:s30] =	ssyncpa.u1 $0x0;
	[dreg:$0x2] =	wrdreg s6;
	s2 =	simm.s32 @!p0 $0x0  }
0x24: {  	[sflag:s8] =	ssyncpa.u1 $0x0;
	[dreg:$0x3] =	wrdreg s12;
	s14 =	sadd.s32 s2, s0  }
0x25: {  	[sflag:s31] =	ssyncpa.u1 $0x0;
	s17 =	sadd.s32 $0x1, s14;
	[dreg:$0x4] =	wrdreg s14  }
0x26: {  	v0 =	vlaneseq.u32;
	s19 =	smov.u32 s6;
	p0 =	por $0x1, $0x1;
	[dreg:$0x5] =	wrdreg s17  }
.LBB2_30:
0x27: {  	s0 =	sshrl.u32 s29, $0x2;
	s5 =	simm.s32 $0xA  }
.LBB2_32:
0x28: {  	_ =	swait.ge [sflag:s5], s0  }
0x29: {  	s31 =	ssub.s32 $0x0, s0;
	v1 =	vmov s23;
	vm0 =	veq.s32 v0, $0x0;
	[sflag:s5] =	ssyncset.done $0x0  }
0x2a: {  	vm15 =	veq.s32 v0, $0x2;
	v1 =	vsel vm0, s28, v1;
	[sflag:s5] =	ssyncadd.s32 s31  }
0x2b: {  	v1 =	vsel vm15, s21, v1;
	[sflag:s5] =	ssyncpa.u1 $0x1  }
0x2c: {  	[tilespmem:$0xC808] =	vst v1  }
.LBB2_33:
0x2d: {  	s0 =	sadd.s32 $0x30, s19  }
0x2e: {  	s2 =	smov.u32 s6;
	p2 =	slt.s32 s0, s12  }
0x2f: {  	s2 =	smov.u32 @p2 s0;
	p2 =	sne.s32 s20, s17  }
.Ltmp2:
0x30: {  	_ = 	snop;
	(pc) =	sbr.rel @!p2 .LBB2_34-.Ltmp2, $4  }
0x31: {  	_ = 	snop  }
0x32: {  	s21 =	smov.u32 s18  }
0x33: {  	s31 =	sadd.s32 $0x1, s20;
	s18 =	smov.u32 s19;
	p0 =	por !p0, !p0  }
0x34: {  	p1 =	por !p1, !p1;
	s20 =	smov.u32 s31;
	s19 =	smov.u32 s2  }
.LBB2_3:
0x35: {  	p2 =	sge.u32 s20, s14  }
0x36: {  	s0 =	smulhi.u32 @!p2 $0xAAAAAAAB, s20  }
0x37: {  	s2 =	smov.u32 s19;
	p3 =	sgt.s32 @!p2 s19, $0x297E0  }
0x38: {  	s8 =	sshra.s32 @!p2 s19, $0x1F;
	p3 =	por !p3, p2;
	s0 =	sshrl.u32 @!p2 s0, $0x1  }
0x39: {  	s8 =	sand.u32 @!p2 s8, s19;
	s2 =	simm.s32 @p3 $0x297E0;
	s0 =	smul.u32 @!p2 $0x3, s0  }
0x3a: {  	s2 =	ssub.s32 @!p2 s2, s8  }
0x3b: {  	s2 =	sadd.s32 @!p2 $0xFFFD6820, s2;
	s0 =	ssub.s32 @!p2 s20, s0  }
0x3c: {  	s8 =	sshll.u32 @!p2 s2, $0x2;
	p3 =	sgt.s32 @!p2 s2, $0x2F;
	s0 =	smul.u32 @!p2 $0xC0, s0  }
0x3d: {  	s9 =	sand.u32 @!p2 $0x7, s19;
	s2 =	ssub.s32 @!p2 $0xC0, s8;
	p3 =	por !p3, p2  }
0x3e: {  	s8 =	sshrl.u32 @!p2 s19, $0x3;
	s2 =	sshrl.u32 @!p2 s2, $0x2;
	s0 =	sshrl.u32 @!p2 s0, $0x2  }
0x3f: {  	s8 =	sadd.s32 @!p2 s7, s8;
	s2 =	simm.s32 @!p3 $0x0;
	s0 =	sadd.s32 @!p2 $0x10838, s0  }
0x40: {  	[tilespmem:s0], [sflag:$0x8] =	stream.linear.gather @!p2 [hbm4b:s8+s9], s2, $0x38;
	[tilespmem:$0x1C928] =	vst v63  }
0x41: {  	s2 =	sadd.s32 $0xFFFFFFFF, s20  }
0x42: {  	p2 =	sge.u32 s2, s14  }
0x43: {  	p3 =	sgt.s32 @!p2 s18, $0x297E0  }
0x44: {  	s0 =	smov.u32 s18;
	s8 =	sshra.s32 @!p2 s18, $0x1F;
	p3 =	por !p3, p2  }
0x45: {  	s8 =	sand.u32 @!p2 s8, s18;
	s0 =	simm.s32 @p3 $0x297E0  }
0x46: {  	s0 =	ssub.s32 @!p2 s0, s8  }
0x47: {  	s0 =	sadd.s32 @!p2 $0xFFFD6820, s0  }
0x48: {  	s8 =	sshll.u32 @!p2 s0, $0x2  }
0x49: {  	p3 =	sgt.s32 @!p2 s0, $0x2F;
	s0 =	ssub.s32 @!p2 $0xC0, s8  }
0x4a: {  	p3 =	por !p3, p2;
	s0 =	sshrl.u32 @!p2 s0, $0x2  }
0x4b: {  	s9 =	simm.s32 @!p2 $0x8;
	s8 =	sand.u32 @!p2 $0x1, s2;
	s0 =	simm.s32 @!p3 $0x0  }
0x4c: {  	s8 =	smul.u32 @!p2 $0xC0, s8;
	_ =	swait.ge @!p2 [sflag:s9], s0  }
0x4d: {  	s22 =	ssub.s32 @!p2 $0x0, s0;
	[sflag:s9] =	ssyncset.done @!p2 $0x0  }
0x4e: {  	s8 =	sshrl.u32 @!p2 s8, $0x2;
	[sflag:s9] =	ssyncadd.s32 @!p2 s22;
	s9 =	sshrl.u32 @!p2 s18, $0x3  }
0x4f: {  	s8 =	sor.u32 @!p2 $0x108C8, s8;
	s22 =	sand.u32 @!p2 $0x7, s18;
	s9 =	sadd.s32 @!p2 s10, s9  }
0x50: {  	[tilespmem:s8], [sflag:$0x9] =	stream.linear.gather @!p2 [hbm4b:s9+s22], s0, $0x38;
	[tilespmem:$0x1C928] =	vst v63  }
0x51: {  	s0 =	ssub.s32 @!p2 $0x29810, s18  }
0x52: {  	p3 =	slt.s32 @!p2 s0, $0x1  }
0x53: {  	p3 =	por p2, p3  }
.Ltmp3:
0x54: {  	_ = 	snop;
	(pc) =	sbr.rel @p3 .LBB2_9-.Ltmp3, $1  }
0x55: {  	_ =	sdelay $0x3  }
0x56: {  	s8 =	smulhi.u32 $0xAAAAAAAB, s2;
	_ =	sdelay $0x1  }
0x57: {  	s8 =	sshrl.u32 s8, $0x1  }
0x58: {  	s8 =	smul.u32 $0x3, s8;
	_ =	sdelay $0x1  }
0x59: {  	s29 =	ssub.s32 s2, s8  }
0x5a: {  	s9 =	simm.s32 $0x1;
	s2 =	smul.u32 $0xC0, s29  }
.Ltmp4:
0x5b: {  	s9 =	simm.s32 @!p0 $0x0;
	(pc) =	sbr.rel .LBB2_6-.Ltmp4, $4  }
0x5c: {  	s30 =	smul.u32 $0x18000, s9  }
0x5d: {  	p3 =	slt.s32 @!p2 s0, $0x30;
	s2 =	sshrl.u32 s2, $0x2  }
0x5e: {  	p2 =	por !p3, p2;
	s8 =	sshrl.u32 s30, $0x2;
	s31 =	sadd.s32 $0x10838, s2  }
0x5f: {  	s0 =	simm.s32 @p2 $0x30;
	s22 =	sor.u32 $0x10928, s8;
	s2 =	simm.s32 $0x0;
	v1 =	vmov s31  }
.LBB2_5:
0x60: {  	p2 =	sge.s32 s2, s0  }
.Ltmp5:
0x61: {  	_ = 	snop;
	(pc) =	sbr.rel @p2 .LBB2_9-.Ltmp5, $2  }
0x62: {  	_ =	sdelay $0x2  }
0x63: {  	s22 =	sadd.s32 $0x2000, s22  }
.LBB2_6:
0x64: {  	p2 =	sle.s32 s0, s2  }
.Ltmp6:
0x65: {  	_ = 	snop;
	(pc) =	sbr.rel @p2 .LBB2_5-.Ltmp6, $2  }
0x66: {  	_ =	sdelay $0x2  }
0x67: {  	s8 =	smov.u32 s2;
	s2 =	sadd.s32 $0x10, s2  }
0x68: {  	s9 =	ssub.s32 s0, s8  }
0x69: {  	p2 =	slt.s32 s9, $0x10  }
0x6a: {  	s9 =	simm.s32 @!p2 $0x10  }
0x6b: {  	v2 =	vmov s9  }
0x6c: {  	vm0 =	vgt.s32 v2, v0;
	_ =	sdelay $0x5  }
0x6d: {  	v2 =	vld.idx.msk [tilespmem:v1+s8+$0x0 ss:$0x1], vm0;
	_ =	sdelay $0x2  }
0x6e: {  	s23 =	smov.u32 s0;
	p2 =	slt.s32 s2, s0  }
0x6f: {  	s24 =	smov.u32 s22;
	s25 =	simm.s32 $0x0;
	s23 =	smov.u32 @p2 s2  }
.LBB2_8:
0x70: {  	(v2sf) =	vpush v2, s25;
	_ =	sdelay $0xe  }
0x71: {  	s25 =	sadd.s32 $0x1, s25;
	s9 =	spop (v2sf)  }
0x72: {  	s31 =	sadd.s32 s25, s8;
	s26 =	sshll.u32 s9, $0x9;
	s9 =	sshll.u32 s9, $0x7  }
0x73: {  	p2 =	slt.s32 s31, s23;
	s26 =	sand.u32 $0xFFFFF000, s26;
	s9 =	sand.u32 $0x380, s9  }
.Ltmp7:
0x74: {  	s9 =	sor.u32 s9, s26;
	(pc) =	sbr.rel @p2 .LBB2_8-.Ltmp7, $4  }
0x75: {  	s9 =	sshrl.u32 s9, $0x3  }
0x76: {  	s9 =	sadd.s32 s4, s9  }
0x77: {  	[tilespmem:s24], [sflag:$0x7] =	stream.strided.gather [hbm4b:s9+s15], $0x200, s16, s15, $0x38;
	[tilespmem:$0x1C928] =	vst v63  }
0x78: {  	s24 =	sadd.s32 $0x200, s24  }
.Ltmp8:
0x79: {  	_ = 	snop;
	(pc) =	sbr.rel .LBB2_5-.Ltmp8, $1  }
0x7a: {  	_ =	sdelay $0x3  }
.LBB2_9:
0x7b: {  	p2 =	slt.u32 s20, $0x2  }
.Ltmp9:
0x7c: {  	_ = 	snop;
	(pc) =	sbr.rel @p2 .LBB2_33-.Ltmp9, $1  }
0x7d: {  	_ =	sdelay $0x3  }
0x7e: {  	p2 =	sgt.s32 s21, $0x297E0;
	s0 =	smov.u32 s21  }
0x7f: {  	s2 =	sshra.s32 s21, $0x1F;
	s8 =	ssub.s32 $0x29810, s21;
	s0 =	simm.s32 @!p2 $0x297E0  }
0x80: {  	s2 =	sand.u32 s2, s21;
	p2 =	slt.s32 s8, $0x30;
	s9 =	smov.u32 s8  }
0x81: {  	s0 =	ssub.s32 s0, s2;
	s9 =	simm.s32 @!p2 $0x30  }
0x82: {  	s0 =	sadd.s32 $0xFFFD6820, s0;
	s25 =	sshll.u32 s9, $0x9  }
0x83: {  	s3 =	simm.s32 $0x7;
	s26 =	sshll.u32 s0, $0x2;
	s2 =	sand.u32 $0x3FFFFE00, s25  }
0x84: {  	p2 =	sgt.s32 s0, $0x2F;
	s28 =	ssub.s32 $0xC0, s26;
	_ =	swait.ge [sflag:s3], s2  }
0x85: {  	s2 =	ssub.s32 $0x0, s2;
	[sflag:s3] =	ssyncset.done $0x0;
	s0 =	sshrl.u32 s28, $0x2  }
0x86: {  	s30 =	simm.s32 $0x9;
	[sflag:s3] =	ssyncadd.s32 s2;
	s0 =	simm.s32 @p2 $0x0  }
0x87: {  	_ =	swait.ge [sflag:s30], s0  }
0x88: {  	s0 =	ssub.s32 $0x0, s0;
	[sflag:s30] =	ssyncset.done $0x0  }
0x89: {  	[sflag:s30] =	ssyncadd.s32 s0  }
0x8a: {  	v1 =	vld [tilespmem:$0xC808];
	_ =	sdelay $0x4  }
0x8b: {  	(v2sf) =	vpush v1, $0x0  }
0x8c: {  	(v2sf) =	vpush v1, $0x1  }
0x8d: {  	(v2sf) =	vpush v1, $0x2;
	_ =	sdelay $0x3  }
0x8e: {  	s0 =	sadd.s32 $0x30, s21  }
0x8f: {  	p2 =	slt.s32 s12, s0  }
0x90: {  	s0 =	smov.u32 @p2 s12;
	p2 =	sgt.s32 s8, $0x0  }
0x91: {  	s22 =	ssub.s32 s0, s21;
	s8 =	simm.s32 @!p2 $0x0  }
0x92: {  	p2 =	slt.s32 s8, s22  }
0x93: {  	s22 =	smov.u32 @p2 s8  }
0x94: {  	s24 =	simm.s32 $0x1;
	p2 =	slt.s32 s22, $0x1  }
.Ltmp10:
0x95: {  	s24 =	simm.s32 @!p1 $0x0;
	(pc) =	sbr.rel @p2 .LBB2_14-.Ltmp10, $4  }
0x96: {  	s31 =	smul.u32 $0xC0, s24  }
0x97: {  	s0 =	spop (v2sf)  }
0x98: {  	s2 =	sshrl.u32 s31, $0x2;
	s25 =	spop (v2sf)  }
0x99: {  	s29 =	sor.u32 $0x108C8, s2;
	s21 =	spop (v2sf)  }
0x9a: {  	s2 =	smin.u32 s22, $0x10  }
0x9b: {  	v1 =	vmov s2  }
0x9c: {  	vm1 =	vgt.u32 v1, v0  }
0x9d: {  	p3 =	sgt.s32 s22, $0x10  }
.Ltmp11:
0x9e: {  	_ = 	snop;
	(pc) =	sbr.rel @!p3 .LBB2_13-.Ltmp11, $2  }
0x9f: {  	_ =	sdelay $0x2  }
0xa0: {  	s8 =	simm.s32 $0x10;
	s23 =	sadd.s32 $0xFFFFFFF0, s22;
	s2 =	smov.u32 s29;
	vm0 =	vmmov vm1;
	v1 =	vld.msk [tilespmem:s29+$0x0 ss:$0x1], vm1  }
.LBB2_12:
0xa1: {  	s9 =	smin.u32 s23, $0x10;
	s8 =	sadd.s32 $0x10, s8  }
0xa2: {  	v2 =	vmov s9;
	p3 =	slt.s32 s8, s22  }
0xa3: {  	vm1 =	vgt.u32 v2, v0;
	_ =	sdelay $0x1  }
0xa4: {  	v2 =	vshll.u32 v1, $0x6;
	v1 =	vshll.u32 v1, $0x4  }
.Ltmp12:
0xa5: {  	v2 =	vand.u32 $0xFFFFFE00, v2;
	v1 =	vand.u32 $0x70, v1;
	(pc) =	sbr.rel @p3 .LBB2_12-.Ltmp12, $4  }
0xa6: {  	v1 =	vor.u32 v1, v2  }
0xa7: {  	[tilespmem:s2+$0x0] =	vst.msk vm0, v1;
	s2 =	sadd.s32 $0x10, s2;
	vm0 =	vmmov vm1  }
0xa8: {  	v1 =	vld.msk [tilespmem:s2+$0x0 ss:$0x1], vm1  }
0xa9: {  	s23 =	sadd.s32 $0xFFFFFFF0, s23  }
.LBB2_13:
0xaa: {  	_ =	sdelay $0x3  }
0xab: {  	v2 =	vshll.u32 v1, $0x6;
	v1 =	vshll.u32 v1, $0x4  }
0xac: {  	v2 =	vand.u32 $0xFFFFFE00, v2;
	v1 =	vand.u32 $0x70, v1  }
0xad: {  	v1 =	vor.u32 v1, v2  }
0xae: {  	[tilespmem:s2+$0x0] =	vst.msk vm0, v1  }
.LBB2_14:
0xaf: {  	s2 =	sand.u32 $0x1, s20  }
0xb0: {  	s2 =	smul.u32 $0x30, s2  }
0xb1: {  	p3 =	sne.s32 s25, $0xFFFFFFFF  }
0xb2: {  	v1 =	vld.msk @!p3 [tilespmem:s2+$0x108C8], $0x1;
	_ =	sdelay $0x4  }
0xb3: {  	(v2sf) =	vpush @!p3 v1, $0x0;
	_ =	sdelay $0xc  }
.Ltmp13:
0xb4: {  	_ = 	snop;
	(pc) =	sbr.rel @p2 .LBB2_31-.Ltmp13, $4  }
0xb5: {  	_ = 	snop  }
0xb6: {  	s26 =	spop @!p3 (v2sf)  }
0xb7: {  	s21 =	simm.s32 @!p3 $0x0;
	s23 =	smov.u32 s26  }
0xb8: {  	[sflag:s5] =	ssyncpa.u1 $0x0;
	s26 =	smov.u32 @p3 s0;
	s23 =	smov.u32 @p3 s25  }
0xb9: {  	v1 =	vld.msk [tilespmem:s29+$0x0], $0x1;
	_ =	sdelay $0x4  }
0xba: {  	(v2sf) =	vpush v1, $0x0;
	_ =	sdelay $0xe  }
0xbb: {  	s31 =	spop (v2sf)  }
0xbc: {  	s12 =	smov.u32 s7;
	s7 =	smov.u32 s10;
	p2 =	seq.s32 s26, s31  }
0xbd: {  	s0 =	smul.u32 $0x18000, s24;
	s28 =	sadd.s32 $0x108C8, s2;
	p3 =	sgt.s32 @!p2 s26, $0x0  }
0xbe: {  	s17 =	ssub.s32 $0x0, s22;
	s2 =	smov.u32 s26;
	p3 =	por !p3, p2  }
0xbf: {  	s25 =	simm.s32 $0x0;
	s29 =	sadd.s32 $0x1, s29;
	s2 =	simm.s32 @p3 $0x0  }
0xc0: {  	s30 =	sadd.s32 $0x1, s17;
	s8 =	simm.s32 @!p2 $0x6608;
	s9 =	smin.u32 @!p2 s2, $0x9C270  }
0xc1: {  	p3 =	seq.s32 s30, $0x0;
	s2 =	sand.u32 @!p2 $0xFFFF8, s9;
	s10 =	sadd.s32 @!p2 $0x80, s9  }
0xc2: {  	s5 =	sadd.s32 @!p2 s1, s2;
	s2 =	sand.u32 @!p2 $0x7, s9;
	s10 =	sand.u32 @!p2 $0x1FFFF8, s10  }
0xc3: {  	[tilespmem:s8], [sflag:$0x2] =	stream.linear.gather @!p2 [hbm4b:s5+s2], $0x80, $0x38;
	[tilespmem:$0x1C928] =	vst v63  }
0xc4: {  	s3 =	sadd.s32 @!p2 $0x100, s9;
	s5 =	simm.s32 @!p2 $0x6688;
	s8 =	sadd.s32 @!p2 s1, s10  }
0xc5: {  	[tilespmem:s5], [sflag:$0x2] =	stream.linear.gather @!p2 [hbm4b:s8+s2], $0x80, $0x38;
	[tilespmem:$0x1C928] =	vst v63  }
.Ltmp14:
0xc6: {  	s0 =	sshrl.u32 s0, $0x2;
	s3 =	sand.u32 @!p2 $0x1FFFF8, s3;
	(pc) =	sbr.rel @p3 .LBB2_17-.Ltmp14, $4  }
0xc7: {  	s3 =	sadd.s32 @!p2 s1, s3;
	s5 =	simm.s32 @!p2 $0x6708;
	s8 =	sadd.s32 @!p2 $0x180, s9  }
0xc8: {  	[tilespmem:s5], [sflag:$0x2] =	stream.linear.gather @!p2 [hbm4b:s3+s2], $0x80, $0x38;
	[tilespmem:$0x1C928] =	vst v63  }
0xc9: {  	s24 =	sor.u32 $0x10928, s0;
	s0 =	simm.s32 @!p2 $0x1;
	s3 =	sand.u32 @!p2 $0x1FFFF8, s8  }
0xca: {  	s0 =	smov.u32 @p2 s25;
	s8 =	simm.s32 @!p2 $0x6788;
	s9 =	sadd.s32 @!p2 s1, s3  }
.LBB2_16:
0xcb: {  	s3 =	smov.u32 s0  }
0xcc: {  	[tilespmem:s8], [sflag:$0x2] =	stream.linear.gather @!p2 [hbm4b:s9+s2], $0x80, $0x38;
	[tilespmem:$0x1C928] =	vst v63  }
0xcd: {  	s30 =	sadd.s32 $0x1, s30;
	s2 =	smov.u32 s31  }
0xce: {  	p3 =	seq.s32 s30, $0x0;
	v1 =	vld.msk [tilespmem:s29+$0x0], $0x1;
	_ =	sdelay $0x4  }
0xcf: {  	(v2sf) =	vpush v1, $0x0;
	_ =	sdelay $0xe  }
0xd0: {  	s31 =	spop (v2sf)  }
0xd1: {  	p2 =	seq.s32 s2, s31  }
0xd2: {  	p4 =	sgt.s32 @!p2 s2, $0x0;
	s5 =	sshll.u32 @!p2 s0, $0xB;
	s0 =	sadd.s32 @!p2 $0x1, s0  }
0xd3: {  	p4 =	por !p4, p2;
	s5 =	sshra.s32 @!p2 s5, $0x2;
	s0 =	smov.u32 @p2 s3  }
0xd4: {  	s2 =	simm.s32 @p4 $0x0;
	s3 =	sadd.s32 @!p2 $0x6608, s5;
	s9 =	sadd.s32 @!p2 $0x6688, s5  }
0xd5: {  	s14 =	sadd.s32 @!p2 $0x6708, s5;
	s8 =	sadd.s32 @!p2 $0x6788, s5;
	s10 =	smin.u32 @!p2 s2, $0x9C270  }
0xd6: {  	s2 =	sand.u32 @!p2 $0xFFFF8, s10;
	s5 =	sadd.s32 @!p2 $0x80, s10;
	s6 =	sadd.s32 @!p2 $0x100, s10  }
0xd7: {  	s17 =	sadd.s32 @!p2 s1, s2;
	s2 =	sand.u32 @!p2 $0x7, s10;
	s5 =	sand.u32 @!p2 $0x1FFFF8, s5  }
0xd8: {  	[tilespmem:s3], [sflag:$0x2] =	stream.linear.gather @!p2 [hbm4b:s17+s2], $0x80, $0x38;
	[tilespmem:$0x1C928] =	vst v63  }
0xd9: {  	s3 =	sadd.s32 @!p2 s1, s5  }
.Ltmp15:
0xda: {  	s5 =	sand.u32 @!p2 $0x1FFFF8, s6;
	s6 =	sadd.s32 @!p2 $0x180, s10;
	(pc) =	sbr.rel @!p3 .LBB2_16-.Ltmp15, $4  }
0xdb: {  	[tilespmem:s9], [sflag:$0x2] =	stream.linear.gather @!p2 [hbm4b:s3+s2], $0x80, $0x38;
	[tilespmem:$0x1C928] =	vst v63  }
0xdc: {  	s3 =	sadd.s32 @!p2 s1, s5;
	s5 =	sand.u32 @!p2 $0x1FFFF8, s6  }
0xdd: {  	[tilespmem:s14], [sflag:$0x2] =	stream.linear.gather @!p2 [hbm4b:s3+s2], $0x80, $0x38;
	[tilespmem:$0x1C928] =	vst v63  }
0xde: {  	s29 =	sadd.s32 $0x1, s29;
	s9 =	sadd.s32 @!p2 s1, s5  }
.LBB2_17:
0xdf: {  	[tilespmem:s8], [sflag:$0x2] =	stream.linear.gather @!p2 [hbm4b:s9+s2], $0x80, $0x38;
	[tilespmem:$0x1C928] =	vst v63  }
0xe0: {  	s0 =	sshll.u32 s0, $0x9  }
0xe1: {  	s31 =	simm.s32 $0x2;
	s0 =	sand.u32 $0x3FFFFE00, s0  }
.Ltmp16:
0xe2: {  	_ =	swait.ge [sflag:s31], s0;
	(pc) =	sbr.rel .LBB2_18-.Ltmp16, $4  }
0xe3: {  	s29 =	simm.s32 $0x0;
	s6 =	rddreg [dreg:$0x2]  }
0xe4: {  	s10 =	smov.u32 s7;
	s7 =	smov.u32 s12;
	s12 =	rddreg [dreg:$0x3]  }
0xe5: {  	s0 =	ssub.s32 $0x0, s0;
	[sflag:s31] =	ssyncset.done $0x0;
	s14 =	rddreg [dreg:$0x4]  }
0xe6: {  	v1 =	vmov s28;
	s30 =	simm.s32 $0x0;
	s17 =	rddreg [dreg:$0x5];
	[sflag:s31] =	ssyncadd.s32 s0  }
.LBB2_28:
0xe7: {  	[tilespmem:s0+$0x0] =	vst v2;
	s25 =	sadd.s32 $0x1, s25  }
.LBB2_29:
0xe8: {  	s30 =	sadd.s32 $0x1, s30  }
0xe9: {  	p2 =	sne.s32 s30, s22  }
.Ltmp17:
0xea: {  	_ = 	snop;
	(pc) =	sbr.rel @!p2 .LBB2_30-.Ltmp17, $2  }
0xeb: {  	_ =	sdelay $0x2  }
0xec: {  	s24 =	sadd.s32 $0x200, s24;
	s26 =	smov.u32 s28  }
.LBB2_18:
0xed: {  	_ =	sdelay $0x3  }
0xee: {  	v2 =	vld.idx.msk [tilespmem:v1+s30+$0x0 ss:$0x1], $0x1;
	_ =	sdelay $0x4  }
0xef: {  	(v2sf) =	vpush v2, $0x0;
	_ =	sdelay $0xe  }
0xf0: {  	s28 =	spop (v2sf)  }
0xf1: {  	p2 =	sne.s32 s26, s28  }
.Ltmp18:
0xf2: {  	_ = 	snop;
	(pc) =	sbr.rel @p2 .LBB2_22-.Ltmp18, $3  }
0xf3: {  	_ =	sdelay $0x1  }
0xf4: {  	s0 =	sshll.u32 s21, $0xB  }
0xf5: {  	s0 =	sshra.s32 s0, $0x2  }
0xf6: {  	s0 =	sadd.s32 $0x408, s0;
	s2 =	simm.s32 $0x0;
	v2 =	vld [tilespmem:s24+$0x0];
	s8 =	smov.u32 s24  }
.LBB2_20:
0xf7: {  	s2 =	sadd.s32 $0x10, s2  }
0xf8: {  	p2 =	slt.u32 s2, $0x1F0  }
.Ltmp19:
0xf9: {  	_ = 	snop;
	(pc) =	sbr.rel @p2 .LBB2_20-.Ltmp19, $3  }
0xfa: {  	_ =	sdelay $0x1  }
0xfb: {  	s8 =	sadd.s32 $0x10, s8;
	[tilespmem:s0+$0x0] =	vst.add.f32.msk $0xffff, v2;
	s0 =	sadd.s32 $0x10, s0  }
0xfc: {  	v2 =	vld [tilespmem:s8+$0x0]  }
.Ltmp20:
0xfd: {  	_ = 	snop;
	(pc) =	sbr.rel .LBB2_29-.Ltmp20, $2  }
0xfe: {  	_ =	sdelay $0x2  }
0xff: {  	[tilespmem:s0+$0x0] =	vst.add.f32.msk $0xffff, v2  }
.LBB2_22:
0x100: {  	p2 =	seq.s32 s26, s23  }
.Ltmp21:
0x101: {  	_ = 	snop;
	(pc) =	sbr.rel @!p2 .LBB2_23-.Ltmp21, $1  }
0x102: {  	_ =	sdelay $0x3  }
.Ltmp22:
0x103: {  	s0 =	sadd.s32 $0x408, s0;
	(pc) =	sbr.rel .LBB2_26-.Ltmp22, $4  }
0x104: {  	[spmem:s13] =	stream.linear.scatter [tilespmem:s0], [sflag:$0x1], $0x200, $0x38;
	[tilespmem:$0x1C928] =	vst v63  }
0x105: {  	_ =	swait.ge [sflag:s11], $0x200  }
0x106: {  	[sflag:s11] =	ssyncset.done $0x0  }
0x107: {  	[sflag:s11] =	ssyncadd.s32 $0xFFFFFE00  }
.LBB2_23:
0x108: {  	s2 =	sshll.u32 s25, $0xB  }
0x109: {  	s2 =	sshra.s32 s2, $0x2  }
0x10a: {  	s8 =	sadd.s32 $0x6608, s2;
	s2 =	sadd.s32 $0x408, s0  }
0x10b: {  	s9 =	simm.s32 $0x0;
	v2 =	vld [tilespmem:s8+$0x0];
	s31 =	smov.u32 s2  }
.LBB2_24:
0x10c: {  	s9 =	sadd.s32 $0x10, s9  }
0x10d: {  	p2 =	slt.u32 s9, $0x1F0  }
.Ltmp23:
0x10e: {  	_ = 	snop;
	(pc) =	sbr.rel @p2 .LBB2_24-.Ltmp23, $3  }
0x10f: {  	_ =	sdelay $0x1  }
0x110: {  	s8 =	sadd.s32 $0x10, s8;
	[tilespmem:s31+$0x0] =	vst.add.f32.msk $0xffff, v2;
	s31 =	sadd.s32 $0x10, s31  }
0x111: {  	v2 =	vld [tilespmem:s8+$0x0]  }
0x112: {  	_ =	sdelay $0x1  }
0x113: {  	p2 =	sgt.u32 s26, $0x9C270  }
0x114: {  	s3 =	sand.u32 @!p2 $0xFFFF8, s26  }
0x115: {  	s5 =	sand.u32 @!p2 $0x7, s26;
	s3 =	sadd.s32 @!p2 s1, s3;
	[tilespmem:s31+$0x0] =	vst.add.f32.msk $0xffff, v2  }
0x116: {  	[hbm4b:s3+s5] =	stream.linear.scatter @!p2 [tilespmem:s2], [sflag:$0xA], $0x80, $0x38;
	[tilespmem:$0x1C928] =	vst v63  }
0x117: {  	s2 =	sadd.s32 @!p2 $0x80, s26  }
0x118: {  	s2 =	sand.u32 @!p2 $0x1FFFF8, s2  }
0x119: {  	s3 =	sadd.s32 @!p2 $0x488, s0;
	s2 =	sadd.s32 @!p2 s1, s2  }
0x11a: {  	[hbm4b:s2+s5] =	stream.linear.scatter @!p2 [tilespmem:s3], [sflag:$0xA], $0x80, $0x38;
	[tilespmem:$0x1C928] =	vst v63  }
0x11b: {  	s2 =	sadd.s32 @!p2 $0x100, s26  }
0x11c: {  	s2 =	sand.u32 @!p2 $0x1FFFF8, s2  }
0x11d: {  	s3 =	sadd.s32 @!p2 $0x508, s0;
	s2 =	sadd.s32 @!p2 s1, s2  }
0x11e: {  	[hbm4b:s2+s5] =	stream.linear.scatter @!p2 [tilespmem:s3], [sflag:$0xA], $0x80, $0x38;
	[tilespmem:$0x1C928] =	vst v63  }
0x11f: {  	s2 =	sadd.s32 @!p2 $0x180, s26;
	s3 =	simm.s32 $0x0  }
0x120: {  	s2 =	sand.u32 @!p2 $0x1FFFF8, s2;
	s3 =	simm.s32 @!p2 $0x800  }
0x121: {  	s0 =	sadd.s32 @!p2 $0x588, s0;
	s2 =	sadd.s32 @!p2 s1, s2;
	s29 =	sadd.s32 s3, s29  }
0x122: {  	[hbm4b:s2+s5] =	stream.linear.scatter @!p2 [tilespmem:s0], [sflag:$0xA], $0x80, $0x38;
	[tilespmem:$0x1C928] =	vst v63  }
.LBB2_26:
0x123: {  	s0 =	sadd.s32 $0x1, s21  }
0x124: {  	s2 =	smulhi.u32 $0xAAAAAAAB, s0;
	_ =	sdelay $0x1  }
0x125: {  	s2 =	sshrl.u32 s2, $0x5  }
0x126: {  	s2 =	smul.u32 $0x30, s2;
	_ =	sdelay $0x1  }
0x127: {  	s21 =	ssub.s32 s0, s2  }
0x128: {  	s0 =	sshll.u32 s21, $0x9  }
0x129: {  	v2 =	vld [tilespmem:s24+$0x0];
	s8 =	smov.u32 s24;
	s2 =	simm.s32 $0x0;
	s0 =	sadd.s32 $0x408, s0  }
.LBB2_27:
0x12a: {  	s2 =	sadd.s32 $0x10, s2  }
0x12b: {  	p2 =	slt.u32 s2, $0x1F0  }
.Ltmp24:
0x12c: {  	_ = 	snop;
	(pc) =	sbr.rel @p2 .LBB2_27-.Ltmp24, $3  }
0x12d: {  	_ =	sdelay $0x1  }
0x12e: {  	[tilespmem:s0+$0x0] =	vst v2;
	s0 =	sadd.s32 $0x10, s0;
	s8 =	sadd.s32 $0x10, s8  }
0x12f: {  	v2 =	vld [tilespmem:s8+$0x0]  }
.Ltmp25:
0x130: {  	_ = 	snop;
	(pc) =	sbr.rel .LBB2_28-.Ltmp25, $1  }
0x131: {  	_ =	sdelay $0x3  }
.LBB2_31:
.Ltmp26:
0x132: {  	(pc) =	sbr.rel .LBB2_32-.Ltmp26, $4  }
0x133: {  	_ = 	snop  }
0x134: {  	s0 =	simm.s32 $0x2  }
0x135: {  	_ =	swait.ge [sflag:s0], $0x0  }
0x136: {  	s28 =	smov.u32 s26;
	[sflag:s0] =	ssyncset.done $0x0;
	s0 =	simm.s32 $0x0  }
.LBB2_34:
0x137: {  	_ =	sfence.sel $0x180000  }
0x138: {  	s0 =	simm.s32 $0x7;
	[bflag:$0x0] =	sbarrier.arrive $0xFFFF  }
0x139: {  	s25 =	simm.s32 $0x8;
	[sflag:s0] =	ssyncpa.u1 $0x1  }
0x13a: {  	s26 =	simm.s32 $0x9;
	[sflag:s25] =	ssyncpa.u1 $0x1  }
0x13b: {  	s28 =	simm.s32 $0x2;
	[sflag:s26] =	ssyncpa.u1 $0x1  }
0x13c: {  	[sflag:s28] =	ssyncpa.u1 $0x1  }
0x13d: {  	v0 =	vld [tilespmem:$0xC808];
	_ =	sdelay $0x4  }
0x13e: {  	(v2sf) =	vpush v0, $0x0  }
0x13f: {  	(v2sf) =	vpush v0, $0x1;
	_ =	sdelay $0x1  }
0x140: {  	(v2sf) =	vpush v0, $0x2;
	_ =	sdelay $0xb  }
0x141: {  	s0 =	spop (v2sf)  }
0x142: {  	s2 =	spop (v2sf)  }
0x143: {  	s3 =	smov.u32 s0;
	p0 =	sne.s32 s0, s2  }
0x144: {  	s4 =	spop (v2sf);
	s3 =	simm.s32 @!p0 $0xFFFFFFFF  }
0x145: {  	v2 =	vimm.s32 $0x1;
	v3 =	vlaneseq.u32;
	p0 =	seq.s32 s4, $0xFFFFFFFF;
	v1 =	vmov s3  }
0x146: {  	s7 =	stileid.u32;
	v0 =	vperm.xlane v0, v2;
	p1 =	sne.s32 @!p0 s0, s2;
	v1 =	vperm.xlane v1, v3  }
0x147: {  	vm0 =	vcmask $0x3F04;
	s6 =	simm.s32 $0xC808;
	s0 =	simm.s32 @!p0 $0x1;
	p1 =	por !p1, p0  }
0x148: {  	s3 =	sshll.u32 s7, $0x1;
	s2 =	sshll.u32 @!p0 s4, $0xB;
	s0 =	simm.s32 @p1 $0x0;
	v0 =	vsel vm0, v1, v0  }
0x149: {  	s5 =	sor.u32 $0x4000, s3;
	s2 =	sshra.s32 @!p0 s2, $0x2;
	s0 =	sor.u32 @!p0 s0, s3;
	[tilespmem:$0xC808] =	vst v0  }
0x14a: {  	[spmem:s5] =	stream.linear.scatter [tilespmem:s6], [sflag:$0x1], $0x2, $0x38;
	[tilespmem:$0x1C928] =	vst v63  }
0x14b: {  	s2 =	sadd.s32 @!p0 $0x408, s2;
	s0 =	sshll.u32 @!p0 s0, $0x9  }
0x14c: {  	[spmem:s0] =	stream.linear.scatter @!p0 [tilespmem:s2], [sflag:$0x1], $0x200, $0x38;
	[tilespmem:$0x1C928] =	vst v63  }
0x14d: {  	s2 =	simm.s32 @!p0 $0x202  }
0x14e: {  	s0 =	simm.s32 $0x1;
	s2 =	simm.s32 @p0 $0x2  }
0x14f: {  	_ =	swait.ge [sflag:s0], s2  }
0x150: {  	s2 =	ssub.s32 $0x0, s2;
	[sflag:s0] =	ssyncset.done $0x0  }
0x151: {  	[sflag:s0] =	ssyncadd.s32 s2  }
0x152: {  	_ =	sfence.stream.spmem  }
0x153: {  	s29 =	simm.s32 $0x3;
	[bflag:$0x0] =	sbarrier.arrive $0xFFFF  }
0x154: {  	s30 =	simm.s32 $0x4;
	[sflag:s29] =	ssyncpa.u1 $0x1  }
0x155: {  	s31 =	simm.s32 $0x3C;
	[sflag:s30] =	ssyncpa.u1 $0x1  }
0x156: {  	p0 =	sne.s32 s7, $0x0;
	[sflag:s31] =	ssyncpa.u1 $0x1  }
0x157: {  	_ =	sfence @p0  }
0x158: {  	[sflag:s0] =	ssyncpa.u1 @p0 $0x1  }
0x159: {  	_ =	strace @p0 $0x90000050  }
0x15a: {  	[bflag:$0x2] =	sbarrier.arrive @p0 $0xFFFF  }
0x15b: {  	_ =	shalt @p0  }
.LBB2_35:
0x15c: {  	_ =	sfence.stream.spmem;
	s0 =	simm.s32 $0x5  }
0x15d: {  	s2 =	simm.s32 $0x4000;
	s3 =	simm.s32 $0xC818;
	[sflag:s0] =	ssyncpa.u1 $0x0  }
0x15e: {  	[tilespmem:s3], [sflag:$0x5] =	stream.linear.gather [spmem:s2], $0x20, $0x38;
	[tilespmem:$0x1C928] =	vst v63  }
0x15f: {  	s2 =	simm.s32 $0x0;
	s3 =	simm.s32 $0xC838  }
0x160: {  	[tilespmem:s3], [sflag:$0x5] =	stream.linear.gather [spmem:s2], $0x4000, $0x38;
	[tilespmem:$0x1C928] =	vst v63  }
.Ltmp27:
0x161: {  	_ = 	snop;
	(pc) =	sbr.rel .LBB2_36-.Ltmp27, $4  }
0x162: {  	_ =	swait.ge [sflag:s0], $0x4020  }
0x163: {  	s4 =	simm.s32 $0x6;
	[sflag:s0] =	ssyncset.done $0x0  }
0x164: {  	s5 =	simm.s32 $0xC688;
	s6 =	simm.s32 $0xC708;
	[sflag:s0] =	ssyncadd.s32 $0xFFFFBFE0  }
0x165: {  	s7 =	simm.s32 $0xC788;
	s8 =	simm.s32 $0x0;
	[sflag:s4] =	ssyncpa.u1 $0x0  }
.LBB2_51:
0x166: {  	s8 =	sadd.s32 $0x1, s8  }
0x167: {  	p0 =	sne.s32 s8, $0x20  }
.Ltmp28:
0x168: {  	_ = 	snop;
	(pc) =	sbr.rel @!p0 .LBB2_52-.Ltmp28, $2  }
0x169: {  	_ =	sdelay $0x2  }
0x16a: {  	s3 =	sadd.s32 $0x200, s3  }
.LBB2_36:
0x16b: {  	v0 =	vld.msk [tilespmem:s8+$0xC818], $0x1;
	_ =	sdelay $0x4  }
0x16c: {  	(v2sf) =	vpush v0, $0x0;
	_ =	sdelay $0xe  }
0x16d: {  	s9 =	spop (v2sf)  }
0x16e: {  	p0 =	seq.s32 s9, $0xFFFFFFFF  }
.Ltmp29:
0x16f: {  	_ = 	snop;
	(pc) =	sbr.rel @p0 .LBB2_51-.Ltmp29, $1  }
0x170: {  	_ =	sdelay $0x3  }
0x171: {  	p0 =	slt.s32 s2, $0x1  }
.Ltmp30:
0x172: {  	_ = 	snop;
	(pc) =	sbr.rel @p0 .LBB2_44-.Ltmp30, $1  }
0x173: {  	_ =	sdelay $0x3  }
0x174: {  	s0 =	simm.s32 $0xC818;
	p0 =	por $0x0, $0x0  }
0x175: {  	v1 =	vld.msk @!p0 [tilespmem:s0+$0x0], $0x1;
	_ =	sdelay $0x4  }
0x176: {  	(v2sf) =	vpush @!p0 v1, $0x0;
	_ =	sdelay $0xd  }
0x177: {  	p2 =	sne.s32 s2, $0x1  }
.Ltmp31:
0x178: {  	s10 =	spop @!p0 (v2sf);
	(pc) =	sbr.rel @!p2 .LBB2_40-.Ltmp31, $4  }
0x179: {  	p1 =	seq.s32 @!p0 s9, s10  }
0x17a: {  	s10 =	simm.s32 $0x0;
	p1 =	por !p1, p0  }
0x17b: {  	s12 =	simm.s32 $0xFFFFFFFF;
	s10 =	simm.s32 @p1 $0xFFFFFFFF  }
0x17c: {  	s11 =	simm.s32 $0x1;
	s10 =	smov.u32 @p0 s12  }
.LBB2_39:
0x17d: {  	s12 =	smov.u32 s10;
	p0 =	sne.s32 s10, $0xFFFFFFFF  }
0x17e: {  	s0 =	sadd.s32 $0x1, s0;
	s10 =	smov.u32 s11;
	s11 =	sadd.s32 $0x1, s11  }
0x17f: {  	p1 =	sne.s32 s2, s11;
	v1 =	vld.msk @!p0 [tilespmem:s0+$0x0], $0x1;
	_ =	sdelay $0x4  }
0x180: {  	(v2sf) =	vpush @!p0 v1, $0x0;
	_ =	sdelay $0xe  }
.Ltmp32:
0x181: {  	s13 =	spop @!p0 (v2sf);
	(pc) =	sbr.rel @p1 .LBB2_39-.Ltmp32, $4  }
0x182: {  	p2 =	seq.s32 @!p0 s9, s13  }
0x183: {  	p2 =	por !p2, p0  }
0x184: {  	s10 =	simm.s32 @p2 $0xFFFFFFFF  }
0x185: {  	s10 =	smov.u32 @p0 s12  }
.LBB2_40:
0x186: {  	p0 =	seq.s32 s10, $0xFFFFFFFF  }
.Ltmp33:
0x187: {  	_ = 	snop;
	(pc) =	sbr.rel @p0 .LBB2_44-.Ltmp33, $1  }
0x188: {  	_ =	sdelay $0x3  }
0x189: {  	s0 =	sshll.u32 s10, $0xB  }
0x18a: {  	s0 =	sshra.s32 s0, $0x2  }
0x18b: {  	s9 =	simm.s32 $0x0;
	v0 =	vld [tilespmem:s3+$0x0];
	s10 =	smov.u32 s3;
	s0 =	sadd.s32 $0xC838, s0  }
.LBB2_42:
0x18c: {  	s9 =	sadd.s32 $0x10, s9  }
0x18d: {  	p0 =	slt.u32 s9, $0x1F0  }
.Ltmp34:
0x18e: {  	_ = 	snop;
	(pc) =	sbr.rel @p0 .LBB2_42-.Ltmp34, $3  }
0x18f: {  	_ =	sdelay $0x1  }
0x190: {  	s10 =	sadd.s32 $0x10, s10;
	[tilespmem:s0+$0x0] =	vst.add.f32.msk $0xffff, v0;
	s0 =	sadd.s32 $0x10, s0  }
0x191: {  	v0 =	vld [tilespmem:s10+$0x0]  }
.Ltmp35:
0x192: {  	_ = 	snop;
	(pc) =	sbr.rel .LBB2_51-.Ltmp35, $2  }
0x193: {  	_ =	sdelay $0x2  }
0x194: {  	[tilespmem:s0+$0x0] =	vst.add.f32.msk $0xffff, v0  }
.LBB2_44:
0x195: {  	p0 =	sgt.u32 s9, $0x9C270  }
.Ltmp36:
0x196: {  	_ = 	snop;
	(pc) =	sbr.rel @p0 .LBB2_48-.Ltmp36, $1  }
0x197: {  	_ =	sdelay $0x3  }
0x198: {  	s0 =	sand.u32 $0xFFFF8, s9;
	s11 =	sand.u32 $0x7, s9  }
0x199: {  	s29 =	sadd.s32 $0x80, s9;
	s10 =	sadd.s32 s1, s0;
	s0 =	simm.s32 $0xC608  }
0x19a: {  	[tilespmem:s0], [sflag:$0x6] =	stream.linear.gather [hbm4b:s10+s11], $0x80, $0x38;
	[tilespmem:$0x1C928] =	vst v63  }
0x19b: {  	s10 =	sand.u32 $0x1FFFF8, s29  }
0x19c: {  	s30 =	sadd.s32 $0x100, s9;
	s10 =	sadd.s32 s1, s10  }
0x19d: {  	[tilespmem:s5], [sflag:$0x6] =	stream.linear.gather [hbm4b:s10+s11], $0x80, $0x38;
	[tilespmem:$0x1C928] =	vst v63  }
0x19e: {  	s31 =	sadd.s32 $0x180, s9;
	s10 =	sand.u32 $0x1FFFF8, s30  }
0x19f: {  	s9 =	sand.u32 $0x1FFFF8, s31;
	s10 =	sadd.s32 s1, s10  }
0x1a0: {  	[tilespmem:s6], [sflag:$0x6] =	stream.linear.gather [hbm4b:s10+s11], $0x80, $0x38;
	[tilespmem:$0x1C928] =	vst v63  }
0x1a1: {  	s9 =	sadd.s32 s1, s9  }
0x1a2: {  	[tilespmem:s7], [sflag:$0x6] =	stream.linear.gather [hbm4b:s9+s11], $0x80, $0x38;
	[tilespmem:$0x1C928] =	vst v63  }
0x1a3: {  	_ =	swait.ge [sflag:s4], $0x200  }
0x1a4: {  	[sflag:s4] =	ssyncset.done $0x0  }
0x1a5: {  	[sflag:s4] =	ssyncadd.s32 $0xFFFFFE00  }
0x1a6: {  	s10 =	smov.u32 s3;
	s9 =	simm.s32 $0x0;
	v1 =	vld [tilespmem:s0+$0x0]  }
.LBB2_46:
0x1a7: {  	s9 =	sadd.s32 $0x10, s9  }
0x1a8: {  	p0 =	slt.u32 s9, $0x1F0  }
.Ltmp37:
0x1a9: {  	_ = 	snop;
	(pc) =	sbr.rel @p0 .LBB2_46-.Ltmp37, $3  }
0x1aa: {  	_ =	sdelay $0x1  }
0x1ab: {  	s0 =	sadd.s32 $0x10, s0;
	[tilespmem:s10+$0x0] =	vst.add.f32.msk $0xffff, v1;
	s10 =	sadd.s32 $0x10, s10  }
0x1ac: {  	v1 =	vld [tilespmem:s0+$0x0]  }
0x1ad: {  	_ =	sdelay $0x3  }
0x1ae: {  	[tilespmem:s10+$0x0] =	vst.add.f32.msk $0xffff, v1  }
.LBB2_48:
0x1af: {  	s0 =	sshll.u32 s2, $0xB  }
0x1b0: {  	[tilespmem:s2+$0xC818] =	vst.msk $0x1, v0;
	s0 =	sshra.s32 s0, $0x2  }
0x1b1: {  	s9 =	simm.s32 $0x0;
	s10 =	smov.u32 s3;
	v0 =	vld [tilespmem:s3+$0x0];
	s0 =	sadd.s32 $0xC838, s0  }
.LBB2_49:
0x1b2: {  	s9 =	sadd.s32 $0x10, s9  }
0x1b3: {  	p0 =	slt.u32 s9, $0x1F0  }
.Ltmp38:
0x1b4: {  	_ = 	snop;
	(pc) =	sbr.rel @p0 .LBB2_49-.Ltmp38, $3  }
0x1b5: {  	_ =	sdelay $0x1  }
0x1b6: {  	s10 =	sadd.s32 $0x10, s10;
	[tilespmem:s0+$0x0] =	vst v0;
	s0 =	sadd.s32 $0x10, s0  }
0x1b7: {  	v0 =	vld [tilespmem:s10+$0x0]  }
.Ltmp39:
0x1b8: {  	_ = 	snop;
	(pc) =	sbr.rel .LBB2_51-.Ltmp39, $2  }
0x1b9: {  	_ =	sdelay $0x2  }
0x1ba: {  	s2 =	sadd.s32 $0x1, s2;
	[tilespmem:s0+$0x0] =	vst v0  }
.LBB2_52:
0x1bb: {  	p0 =	slt.s32 s2, $0x1  }
.Ltmp40:
0x1bc: {  	_ = 	snop;
	(pc) =	sbr.rel @p0 .LBB2_56-.Ltmp40, $3  }
0x1bd: {  	_ =	sdelay $0x1  }
0x1be: {  	s0 =	simm.s32 $0x6  }
0x1bf: {  	s3 =	simm.s32 $0x0;
	[sflag:s0] =	ssyncpa.u1 $0x1  }
0x1c0: {  	s0 =	simm.s32 $0xC818  }
0x1c1: {  	v0 =	vld.msk [tilespmem:s0+$0x0], $0x1;
	_ =	sdelay $0x4  }
0x1c2: {  	(v2sf) =	vpush v0, $0x0;
	_ =	sdelay $0xe  }
0x1c3: {  	s7 =	spop (v2sf)  }
0x1c4: {  	s4 =	simm.s32 $0xC838;
	p0 =	sgt.u32 s7, $0x9C270  }
0x1c5: {  	s2 =	sadd.s32 $0xFFFFFFFF, s2;
	s0 =	sand.u32 @!p0 $0xFFFF8, s7;
	s5 =	sadd.s32 @!p0 $0x80, s7  }
0x1c6: {  	s9 =	sadd.s32 @!p0 s1, s0;
	s0 =	sand.u32 @!p0 $0x7, s7;
	s5 =	sand.u32 @!p0 $0x1FFFF8, s5  }
0x1c7: {  	[hbm4b:s9+s0] =	stream.linear.scatter @!p0 [tilespmem:s4], [sflag:$0x5], $0x80, $0x38;
	[tilespmem:$0x1C928] =	vst v63  }
0x1c8: {  	p1 =	sne.s32 s2, $0x0;
	s4 =	simm.s32 @!p0 $0xC8B8;
	s5 =	sadd.s32 @!p0 s1, s5  }
0x1c9: {  	[hbm4b:s5+s0] =	stream.linear.scatter @!p0 [tilespmem:s4], [sflag:$0x5], $0x80, $0x38;
	[tilespmem:$0x1C928] =	vst v63  }
.Ltmp41:
0x1ca: {  	s6 =	simm.s32 $0x0;
	s8 =	sadd.s32 @!p0 $0x100, s7;
	(pc) =	sbr.rel @!p1 .LBB2_55-.Ltmp41, $4  }
0x1cb: {  	s6 =	simm.s32 @!p0 $0x800;
	s8 =	sand.u32 @!p0 $0x1FFFF8, s8;
	s4 =	simm.s32 @!p0 $0xC938  }
0x1cc: {  	s5 =	sadd.s32 @!p0 s1, s8;
	s8 =	sadd.s32 @!p0 $0x180, s7;
	s7 =	simm.s32 @!p0 $0xC9B8  }
0x1cd: {  	[hbm4b:s5+s0] =	stream.linear.scatter @!p0 [tilespmem:s4], [sflag:$0x5], $0x80, $0x38;
	[tilespmem:$0x1C928] =	vst v63  }
0x1ce: {  	s8 =	sand.u32 @!p0 $0x1FFFF8, s8;
	s4 =	simm.s32 $0xC819;
	s5 =	simm.s32 $0xCA38  }
.LBB2_54:
0x1cf: {  	s2 =	sadd.s32 $0xFFFFFFFF, s2;
	s8 =	sadd.s32 @!p0 s1, s8;
	s3 =	sadd.s32 s3, s6  }
0x1d0: {  	[hbm4b:s8+s0] =	stream.linear.scatter @!p0 [tilespmem:s7], [sflag:$0x5], $0x80, $0x38;
	[tilespmem:$0x1C928] =	vst v63  }
0x1d1: {  	p1 =	sne.s32 s2, $0x0;
	s7 =	smov.u32 s5;
	v0 =	vld.msk [tilespmem:s4+$0x0], $0x1;
	_ =	sdelay $0x4  }
0x1d2: {  	(v2sf) =	vpush v0, $0x0;
	_ =	sdelay $0xe  }
0x1d3: {  	s6 =	spop (v2sf)  }
0x1d4: {  	s5 =	sadd.s32 $0x200, s5;
	s4 =	sadd.s32 $0x1, s4;
	p0 =	sgt.u32 s6, $0x9C270  }
0x1d5: {  	s0 =	sand.u32 @!p0 $0xFFFF8, s6;
	s8 =	sadd.s32 @!p0 $0x80, s6;
	s9 =	sadd.s32 @!p0 $0x100, s6  }
0x1d6: {  	s10 =	sadd.s32 @!p0 s1, s0;
	s0 =	sand.u32 @!p0 $0x7, s6;
	s8 =	sand.u32 @!p0 $0x1FFFF8, s8  }
0x1d7: {  	[hbm4b:s10+s0] =	stream.linear.scatter @!p0 [tilespmem:s7], [sflag:$0x5], $0x80, $0x38;
	[tilespmem:$0x1C928] =	vst v63  }
0x1d8: {  	s9 =	sand.u32 @!p0 $0x1FFFF8, s9;
	s10 =	sadd.s32 @!p0 $0x80, s7  }
.Ltmp42:
0x1d9: {  	s8 =	sadd.s32 @!p0 s1, s8;
	s9 =	sadd.s32 @!p0 s1, s9;
	(pc) =	sbr.rel @p1 .LBB2_54-.Ltmp42, $4  }
0x1da: {  	[hbm4b:s8+s0] =	stream.linear.scatter @!p0 [tilespmem:s10], [sflag:$0x5], $0x80, $0x38;
	[tilespmem:$0x1C928] =	vst v63  }
0x1db: {  	s8 =	sadd.s32 @!p0 $0x100, s7;
	s10 =	sadd.s32 @!p0 $0x180, s6;
	s6 =	simm.s32 $0x0  }
0x1dc: {  	[hbm4b:s9+s0] =	stream.linear.scatter @!p0 [tilespmem:s8], [sflag:$0x5], $0x80, $0x38;
	[tilespmem:$0x1C928] =	vst v63  }
0x1dd: {  	s7 =	sadd.s32 @!p0 $0x180, s7;
	s6 =	simm.s32 @!p0 $0x800;
	s8 =	sand.u32 @!p0 $0x1FFFF8, s10  }
.LBB2_55:
0x1de: {  	s1 =	sadd.s32 @!p0 s1, s8;
	s31 =	sadd.s32 s3, s6  }
0x1df: {  	[hbm4b:s1+s0] =	stream.linear.scatter @!p0 [tilespmem:s7], [sflag:$0x5], $0x80, $0x38;
	[tilespmem:$0x1C928] =	vst v63  }
0x1e0: {  	s3 =	sshrl.u32 s31, $0x2  }
.LBB2_56:
0x1e1: {  	s0 =	simm.s32 $0x5  }
0x1e2: {  	_ =	swait.ge [sflag:s0], s3  }
0x1e3: {  	s1 =	ssub.s32 $0x0, s3;
	[sflag:s0] =	ssyncset.done $0x0  }
0x1e4: {  	[sflag:s0] =	ssyncadd.s32 s1  }
0x1e5: {  	[sflag:s0] =	ssyncpa.u1 $0x1  }
0x1e6: {  	s30 =	simm.s32 $0x1;
	_ =	sfence  }
0x1e7: {  	[sflag:s30] =	ssyncpa.u1 $0x1  }
0x1e8: {  	_ =	strace $0x90000050  }
0x1e9: {  	[bflag:$0x2] =	sbarrier.arrive $0xFFFF  }
0x1ea: {  	s31 =	rddreg [dreg:$0x1]  }
0x1eb: {  	s0 =	sadd.s32 $0x100000, s31  }
0x1ec: {  	[sflag:s0] =	ssyncadd.tile.s32 $0x1;
	_ =	shalt  }
.Lfunc_end2:
_tile_overlayer_lowered:
.L_overlay_start_2:
0x1ed: {  	(tag) =	ssettag $0x2  }
0x1ee: {  	s0 =	rddreg [dreg:$0x0];
	s2 =	stileid.u32  }
0x1ef: {  	s1 =	rddreg [dreg:$0x1];
	p0 =	sne.s32 s2, $0x0  }
0x1f0: {  	s3 =	rddreg [dreg:$0x2];
	[bflag:$0x3] =	sbarrier.arrive $0xFFFF;
	s2 =	simm.s32 @!p0 $0x1C01  }
0x1f1: {  	[timem:s3], [sflag:s2] =	dma.local @!p0 [hbm:s0], s1  }
0x1f2: {  	s0 =	simm.s32 @!p0 $0x1  }
0x1f3: {  	_ =	swait.ge @!p0 [sflag:s0], s1  }
0x1f4: {  	s1 =	ssub.s32 @!p0 $0x0, s1;
	[sflag:s0] =	ssyncset.done @!p0 $0x0  }
0x1f5: {  	[sflag:s0] =	ssyncadd.s32 @!p0 s1  }
0x1f6: {  	[bflag:$0x3] =	sbarrier.arrive $0xFFFF  }
0x1f7: {  	_ =	shalt  }

// kernel: scatter_offload_async_start.4
scs
__scs_entry_jumppad:
0x0: {  	(pc) =	sbr.rel $0x88, $3  }
0x1: {  	(tag) =	ssettag $0x0;
	lr =	simm.s32 $0x1  }
0x2: {  	[smem:$0x3F92] =	sst lr;
	_ =	strace $0xD0000000  }
0x3: {  	_ = 	snop  }
0x4: {  	_ = 	snop  }
0x5: {  	_ = 	snop  }
0x6: {  	_ = 	snop  }
0x7: {  	_ = 	snop  }
__scs_overlays_trampoline_lowered:
0x8: {  	[smem:$0x3FA1] =	sst s0  }
0x9: {  	[smem:$0x3FA2] =	sst s1  }
0xa: {  	[smem:$0x3FA3] =	sst s2  }
0xb: {  	[smem:$0x3FA4] =	sst s3  }
0xc: {  	[smem:$0x3FA5] =	sst s4  }
0xd: {  	[smem:$0x3FA6] =	sst s5  }
0xe: {  	[smem:$0x3FA7] =	sst s6  }
0xf: {  	[smem:$0x3FA8] =	sst s7  }
0x10: {  	[smem:$0x3FA9] =	sst s8  }
0x11: {  	[smem:$0x3FAA] =	sst s9;
	s0 =	simm.s32 @!p0 $0x0  }
0x12: {  	s1 =	sld [smem:$0x3F90];
	s0 =	simm.s32 @p0 $0x1  }
0x13: {  	[smem:$0x3FAB] =	sst s0;
	s0 =	simm.s32 @!p1 $0x0  }
0x14: {  	s2 =	sld [smem:$0x3F8F];
	s0 =	simm.s32 @p1 $0x1  }
0x15: {  	[smem:$0x3FAC] =	sst s0;
	s0 =	simm.s32 @!p2 $0x0  }
0x16: {  	s3 =	sld [smem:$0x3FDB];
	s0 =	simm.s32 @p2 $0x1  }
0x17: {  	s4 =	simm.s32 $0x1BF5;
	[smem:$0x3FAE] =	sst s0  }
0x18: {  	s0 =	sld [smem:$0x3F91];
	_ =	swait.ge [sflag:s4], $0x0  }
0x19: {  	s7 =	sld [smem:$0x3F92]  }
0x1a: {  	s8 =	sadd.s32 $0xFFFFE003, lr  }
0x1b: {  	s9 =	sadd.s32 $0xFFFFFEF7, lr;
	s5 =	simm.s32 $0xFFFFFFFF;
	p2 =	slt.u32 s8, $0xFFFFF086  }
0x1c: {  	p1 =	slt.u32 s9, $0xF7A;
	s5 =	simm.s32 @!p2 $0x0  }
0x1d: {  	s5 =	simm.s32 @p1 $0x1;
	p0 =	seq.s32 s7, s2  }
0x1e: {  	s7 =	smul.u32 @!p0 $0xF7A, s2;
	p2 =	seq.s32 @!p0 s5, $0x0  }
0x1f: {  	s9 =	smul.u32 $0xF7A, s1;
	s8 =	simm.s32 @!p0 $0x1BF5;
	p2 =	por !p2, p0  }
0x20: {  	[sflag:s8] =	ssyncset.s32 @!p0 $0xFFFFF086;
	s6 =	sadd.s32 @!p0 s3, s7;
	s7 =	simm.s32 @!p0 $0x108  }
0x21: {  	s3 =	sadd.s32 s3, s9;
	s6 =	sadd.s32 @!p0 $0x88, s6;
	s7 =	simm.s32 @p2 $0x1082  }
0x22: {  	[simem:s7], [sflag:s8] =	dma.local @!p0 [hbm:s6], $0xF7A  }
0x23: {  	s9 =	sor.u32 $0xD0000000, s2;
	s6 =	simm.s32 $0x108;
	_ =	swait.ge @!p0 [sflag:s8], $0x0  }
0x24: {  	s3 =	sadd.s32 $0x88, s3;
	s6 =	simm.s32 @!p1 $0x1082;
	[sflag:s4] =	ssyncset.s32 $0xFFFFF086  }
0x25: {  	[simem:s6], [sflag:s4] =	dma.local [hbm:s3], $0xF7A  }
0x26: {  	[smem:$0x3F92] =	sst s1;
	(tag) =	ssettag s2;
	_ =	strace s9  }
0x27: {  	s1 =	sld [smem:$0x3FA2]  }
0x28: {  	s2 =	sld [smem:$0x3FA3]  }
0x29: {  	s4 =	sld [smem:$0x3FA5]  }
0x2a: {  	p0 =	seq.s32 s5, $0x0;
	s5 =	sld [smem:$0x3FA6]  }
0x2b: {  	s6 =	sld [smem:$0x3FA7]  }
0x2c: {  	s7 =	sld [smem:$0x3FA8]  }
0x2d: {  	s3 =	simm.s32 $0x108;
	s8 =	sld [smem:$0x3FA9]  }
0x2e: {  	s3 =	simm.s32 @!p0 $0x1082;
	s9 =	sld [smem:$0x3FAA]  }
0x2f: {  	lr =	sadd.s32 s0, s3;
	s0 =	sld [smem:$0x3FA1]  }
0x30: {  	s3 =	sld [smem:$0x3FA4]  }
0x31: {  	[smem:$0x3FAD] =	sst s10  }
0x32: {  	s10 =	sld [smem:$0x3FAB];
	_ =	sdelay $0x3  }
0x33: {  	p0 =	seq.s32 s10, $0x1;
	s10 =	sld [smem:$0x3FAD];
	_ =	sdelay $0x3  }
0x34: {  	[smem:$0x3FAD] =	sst s10  }
0x35: {  	s10 =	sld [smem:$0x3FAC];
	_ =	sdelay $0x3  }
0x36: {  	p1 =	seq.s32 s10, $0x1;
	s10 =	sld [smem:$0x3FAD];
	_ =	sdelay $0x3  }
0x37: {  	[smem:$0x3FAD] =	sst s10  }
0x38: {  	s10 =	sld [smem:$0x3FAE]  }
0x39: {  	_ = 	snop;
	(pc) =	sbr.ind lr, $3  }
0x3a: {  	_ = 	snop  }
0x3b: {  	_ = 	snop  }
0x3c: {  	p2 =	seq.s32 s10, $0x1;
	s10 =	sld [smem:$0x3FAD]  }
0x3d: {  	_ =	shalt  }
0x3e: {  	_ =	shalt  }
0x3f: {  	_ =	shalt  }
0x40: {  	_ =	shalt  }
0x41: {  	_ =	shalt  }
0x42: {  	_ =	shalt  }
0x43: {  	_ =	shalt  }
0x44: {  	_ =	shalt  }
0x45: {  	_ =	shalt  }
0x46: {  	_ =	shalt  }
0x47: {  	_ =	shalt  }
0x48: {  	_ =	shalt  }
0x49: {  	_ =	shalt  }
0x4a: {  	_ =	shalt  }
0x4b: {  	_ =	shalt  }
0x4c: {  	_ =	shalt  }
0x4d: {  	_ =	shalt  }
0x4e: {  	_ =	shalt  }
0x4f: {  	_ =	shalt  }
0x50: {  	_ =	shalt  }
0x51: {  	_ =	shalt  }
0x52: {  	_ =	shalt  }
0x53: {  	_ =	shalt  }
0x54: {  	_ =	shalt  }
0x55: {  	_ =	shalt  }
0x56: {  	_ =	shalt  }
0x57: {  	_ =	shalt  }
0x58: {  	_ =	shalt  }
0x59: {  	_ =	shalt  }
0x5a: {  	_ =	shalt  }
0x5b: {  	_ =	shalt  }
0x5c: {  	_ =	shalt  }
0x5d: {  	_ =	shalt  }
0x5e: {  	_ =	shalt  }
0x5f: {  	_ =	shalt  }
0x60: {  	_ =	shalt  }
0x61: {  	_ =	shalt  }
0x62: {  	_ =	shalt  }
0x63: {  	_ =	shalt  }
0x64: {  	_ =	shalt  }
0x65: {  	_ =	shalt  }
0x66: {  	_ =	shalt  }
0x67: {  	_ =	shalt  }
0x68: {  	_ =	shalt  }
0x69: {  	_ =	shalt  }
0x6a: {  	_ =	shalt  }
0x6b: {  	_ =	shalt  }
0x6c: {  	_ =	shalt  }
0x6d: {  	_ =	shalt  }
0x6e: {  	_ =	shalt  }
0x6f: {  	_ =	shalt  }
0x70: {  	_ =	shalt  }
0x71: {  	_ =	shalt  }
0x72: {  	_ =	shalt  }
0x73: {  	_ =	shalt  }
0x74: {  	_ =	shalt  }
0x75: {  	_ =	shalt  }
0x76: {  	_ =	shalt  }
0x77: {  	_ =	shalt  }
0x78: {  	_ =	shalt  }
0x79: {  	_ =	shalt  }
0x7a: {  	_ =	shalt  }
0x7b: {  	_ =	shalt  }
0x7c: {  	_ =	shalt  }
0x7d: {  	_ =	shalt  }
0x7e: {  	_ =	shalt  }
0x7f: {  	_ =	shalt  }
0x80: {  	_ =	shalt  }
0x81: {  	_ =	shalt  }
0x82: {  	_ =	shalt  }
0x83: {  	_ =	shalt  }
0x84: {  	_ =	shalt  }
0x85: {  	_ =	shalt  }
0x86: {  	_ =	shalt  }
0x87: {  	_ =	shalt  }
.Lfunc_end0:
.L_simem_size_0:
called_computation.4_lowered:
.L_overlay_start_0:
0x88: {  	s0 =	sld [smem:$0x3FD9]  }
0x89: {  	s1 =	sld [smem:$0x3FFE];
	_ =	sdelay $0x3  }
0x8a: {  	s0 =	sadd.s32 s1, s0  }
0x8b: {  	[smem:$0x3FB9] =	sst s0  }
0x8c: {  	_ = 	snop  }
0x8d: {  	(tm) =	ssettm $0x1  }
0x8e: {  	s15 =	sld [smem:$0x3FFB];
	_ =	sdelay $0x3  }
0x8f: {  	_ =	strace s15  }
0x90: {  	s0 =	sld [smem:$0x3FFC];
	_ =	sdelay $0x3  }
0x91: {  	_ =	strace s0  }
0x92: {  	s0 =	sld [smem:$0x3FFD];
	_ =	sdelay $0x3  }
0x93: {  	_ =	strace s0  }
0x94: {  	_ =	strace $0x8FFFFFFF  }
0x95: {  	s16 =	sld [smem:$0x3FDB];
	_ =	sdelay $0x1  }
0x96: {  	s17 =	simm.s32 $_scs_section_size  }
0x97: {  	s2 =	simm.s32 $_size__tile_overlayer_lowered;
	s3 =	simm.s32 $_tile_overlayer_lowered  }
0x98: {  	s20 =	simm.s32 $0x1BFF;
	s19 =	sshll.u32 s3, $0x1;
	s0 =	sadd.s32 s17, s16  }
0x99: {  	s4 =	simm.s32 $0x0;
	s18 =	sshll.u32 s2, $0x1;
	s2 =	sadd.s32 s19, s0  }
0x9a: {  	[timem:s4], [sflag:s20] =	dma.local [hbm:s2], s18  }
0x9b: {  	_ =	swait.ge [sflag:s20], s18  }
0x9c: {  	s1 =	ssub.s32 $0x0, s18;
	[sflag:s20] =	ssyncset.done $0x0  }
0x9d: {  	[sflag:s20] =	ssyncadd.s32 s1;
	_ =	sdelay $0x1  }
0x9e: {  	s21 =	simm.s32 $0x1B8B  }
0x9f: {  	_ =	swait.ge [sflag:s21], $0x1  }
0xa0: {  	[sflag:s21] =	ssyncset.done $0x0  }
0xa1: {  	s23 =	simm.s32 $0x1B8E;
	s22 =	sld [smem:$0x3FFE];
	[sflag:s21] =	ssyncadd.s32 $0xFFFFFFFF  }
0xa2: {  	s24 =	simm.s32 $execute0_lowered;
	[smem:$0x3FD2] =	sst s23  }
0xa3: {  	s2 =	sshll.u32 s24, $0x1;
	_ =	strace $0x80000052;
	[dreg:$0x1] =	wrdreg $0xFFFFFFFF  }
0xa4: {  	s25 =	simm.s32 $_size_execute0_lowered;
	s0 =	sadd.s32 s0, s2;
	[dreg:$0x0] =	wrdreg $0x0  }
0xa5: {  	s2 =	sshll.u32 s25, $0x1;
	[dreg:$0x2] =	wrdreg s0  }
0xa6: {  	[dreg:$0x3] =	wrdreg s2  }
0xa7: {  	[dreg:$0x4] =	wrdreg $0xC0  }
0xa8: {  	_ =	task [dreg:s4], $0x5FFFF  }
0xa9: {  	[dreg:$0x1] =	wrdreg $0xFFFFFFFF  }
0xaa: {  	[dreg:$0x0] =	wrdreg $0x60  }
0xab: {  	[dreg:$0x2] =	wrdreg s22  }
0xac: {  	[dreg:$0x3] =	wrdreg $0x9  }
0xad: {  	_ =	task.clear_ibuf [dreg:s4], $0x4FFFF;
	_ =	strace $0x90000052  }
0xae: {  	s26 =	simm.s32 $0x9;
	_ =	strace $0x80000054  }
0xaf: {  	_ =	swait.ge [sflag:s26], $0x1  }
0xb0: {  	[sflag:s26] =	ssyncadd.s32 $0xFFFFFFFF  }
0xb1: {  	_ =	strace $0x90000054  }
0xb2: {  	_ =	sfence  }
0xb3: {  	s28 =	sld [smem:$0x0];
	_ =	sdelay $0x1  }
0xb4: {  	s29 =	srdreg.scid  }
0xb5: {  	s30 =	sshll.u32 s29, $0xD;
	s31 =	sshrl.u32 s29, $0x2  }
0xb6: {  	s1 =	sand.u32 $0x1, s29;
	s2 =	sand.u32 $0x4000, s30;
	s0 =	sadd.s32 s31, s28  }
0xb7: {  	s1 =	sor.u32 s2, s1;
	s0 =	sshll.u32 s0, $0x11  }
0xb8: {  	s0 =	sor.u32 s0, s1  }
0xb9: {  	s0 =	sadd.s32 $0x8F2B, s0  }
0xba: {  	[sflag:s0] =	ssyncadd.remote.s32 $0x1  }
0xbb: {  	_ =	sfence.sel $0xFFFF  }
0xbc: {  	[dreg:$0x0] =	wrdreg $0xFFFFFFFF;
	(pc) =	sbr.abs _section_cstart, $3  }
0xbd: {  	[dreg:$0x1] =	wrdreg $0xFFFFFFFF  }
0xbe: {  	_ =	task.clear_ibuf [dreg:s4], $0x2FFFF;
	_ =	strace $0x9FFFFFFF  }
0xbf: {  	(tm) =	ssettm $0x7FFFFFFF  }
tec
execute0_lowered:
.L_overlay_start_1:
0x0: {  	(tag) =	ssettag $0x1  }
0x1: {  	s2 =	rddreg [dreg:$0x0];
	_ =	strace $0x80000053;
	s0 =	simm.s32 $0x1  }
0x2: {  	v0 =	vimm.s32 $0x0;
	[sflag:s0] =	ssyncpa.u1 $0x0;
	s0 =	simm.s32 $0x408  }
0x3: {  	[tilespmem:s0+$0x70] =	vst v0  }
0x4: {  	[tilespmem:s0+$0x60] =	vst v0  }
0x5: {  	[tilespmem:s0+$0x50] =	vst v0  }
0x6: {  	[tilespmem:s0+$0x40] =	vst v0  }
0x7: {  	[tilespmem:s0+$0x30] =	vst v0  }
0x8: {  	s1 =	sadd.s32 $0xA7BE00, s2;
	s10 =	sadd.s32 $0x11200, s2;
	[tilespmem:s0+$0x20] =	vst v0  }
0x9: {  	s4 =	sadd.s32 $0x1BA00, s2;
	s7 =	sadd.s32 $0x16600, s2;
	s2 =	simm.s32 $0x40;
	[tilespmem:s0+$0x10] =	vst v0  }
.LBB2_1:
0xa: {  	s2 =	sadd.s32 $0x40, s2;
	[tilespmem:s0+$0x0] =	vst v0;
	s0 =	sadd.s32 $0x80, s0  }
0xb: {  	p0 =	slt.u32 s2, $0x3100;
	[tilespmem:s0+$0x70] =	vst v0  }
0xc: {  	[tilespmem:s0+$0x60] =	vst v0  }
.Ltmp0:
0xd: {  	[tilespmem:s0+$0x50] =	vst v0;
	(pc) =	sbr.rel @p0 .LBB2_1-.Ltmp0, $4  }
0xe: {  	[tilespmem:s0+$0x40] =	vst v0  }
0xf: {  	[tilespmem:s0+$0x30] =	vst v0  }
0x10: {  	[tilespmem:s0+$0x20] =	vst v0  }
0x11: {  	[tilespmem:s0+$0x10] =	vst v0  }
0x12: {  	s3 =	stileid.u32  }
0x13: {  	s2 =	smul.u32 $0xDD, s3  }
0x14: {  	s6 =	smin.u32 s3, $0x6  }
0x15: {  	s2 =	sadd.s32 s6, s2  }
0x16: {  	p0 =	slt.u32 s3, $0x6;
	s6 =	smul.u32 $0x30, s2;
	s2 =	simm.s32 $0x29A0  }
0x17: {  	s2 =	simm.s32 @!p0 $0x2970  }
0x18: {  	s2 =	sadd.s32 s2, s6  }
0x19: {  	s12 =	smin.u32 s2, $0x29810  }
0x1a: {  	s2 =	ssub.s32 s12, s6  }
0x1b: {  	p0 =	sgt.s32 s2, $0x0  }
0x1c: {  	s5 =	simm.s32 $0x2;
	s30 =	simm.s32 $0x7;
	s2 =	simm.s32 @!p0 $0x0  }
0x1d: {  	s8 =	simm.s32 $0x8;
	s31 =	simm.s32 $0x9;
	s29 =	smulhi.u32 $0x2AAAAAAB, s2  }
0x1e: {  	s11 =	simm.s32 $0x1;
	s21 =	simm.s32 $0x0;
	p1 =	por $0x0, $0x0  }
0x1f: {  	[tilespmem:s0+$0x0] =	vst v0;
	s15 =	simm.s32 $0x80;
	s16 =	simm.s32 $0x400;
	s0 =	sshrl.u32 s29, $0x3  }
0x20: {  	s18 =	simm.s32 $0x0;
	s20 =	simm.s32 $0x0;
	s9 =	smul.u32 $0x30, s0  }
0x21: {  	[sflag:s5] =	ssyncpa.u1 $0x0;
	s13 =	sshll.u32 s3, $0xA;
	s5 =	simm.s32 $0xA  }
.Ltmp1:
0x22: {  	v0 =	vimm.s32 $0xFFFFFFFF;
	p0 =	sne.s32 s2, s9;
	s2 =	simm.s32 $0x1;
	(pc) =	sbr.rel .LBB2_3-.Ltmp1, $4  }
0x23: {  	[tilespmem:$0xC808] =	vst v0;
	[sflag:s30] =	ssyncpa.u1 $0x0;
	[dreg:$0x2] =	wrdreg s6;
	s2 =	simm.s32 @!p0 $0x0  }
0x24: {  	[sflag:s8] =	ssyncpa.u1 $0x0;
	[dreg:$0x3] =	wrdreg s12;
	s14 =	sadd.s32 s2, s0  }
0x25: {  	[sflag:s31] =	ssyncpa.u1 $0x0;
	s17 =	sadd.s32 $0x1, s14;
	[dreg:$0x4] =	wrdreg s14  }
0x26: {  	v0 =	vlaneseq.u32;
	s19 =	smov.u32 s6;
	p0 =	por $0x1, $0x1;
	[dreg:$0x5] =	wrdreg s17  }
.LBB2_30:
0x27: {  	s0 =	sshrl.u32 s29, $0x2;
	s5 =	simm.s32 $0xA  }
.LBB2_32:
0x28: {  	_ =	swait.ge [sflag:s5], s0  }
0x29: {  	s31 =	ssub.s32 $0x0, s0;
	v1 =	vmov s23;
	vm0 =	veq.s32 v0, $0x0;
	[sflag:s5] =	ssyncset.done $0x0  }
0x2a: {  	vm15 =	veq.s32 v0, $0x2;
	v1 =	vsel vm0, s28, v1;
	[sflag:s5] =	ssyncadd.s32 s31  }
0x2b: {  	v1 =	vsel vm15, s21, v1;
	[sflag:s5] =	ssyncpa.u1 $0x1  }
0x2c: {  	[tilespmem:$0xC808] =	vst v1  }
.LBB2_33:
0x2d: {  	s0 =	sadd.s32 $0x30, s19  }
0x2e: {  	s2 =	smov.u32 s6;
	p2 =	slt.s32 s0, s12  }
0x2f: {  	s2 =	smov.u32 @p2 s0;
	p2 =	sne.s32 s20, s17  }
.Ltmp2:
0x30: {  	_ = 	snop;
	(pc) =	sbr.rel @!p2 .LBB2_34-.Ltmp2, $4  }
0x31: {  	_ = 	snop  }
0x32: {  	s21 =	smov.u32 s18  }
0x33: {  	s31 =	sadd.s32 $0x1, s20;
	s18 =	smov.u32 s19;
	p0 =	por !p0, !p0  }
0x34: {  	p1 =	por !p1, !p1;
	s20 =	smov.u32 s31;
	s19 =	smov.u32 s2  }
.LBB2_3:
0x35: {  	p2 =	sge.u32 s20, s14  }
0x36: {  	s0 =	smulhi.u32 @!p2 $0xAAAAAAAB, s20  }
0x37: {  	s2 =	smov.u32 s19;
	p3 =	sgt.s32 @!p2 s19, $0x297E0  }
0x38: {  	s8 =	sshra.s32 @!p2 s19, $0x1F;
	p3 =	por !p3, p2;
	s0 =	sshrl.u32 @!p2 s0, $0x1  }
0x39: {  	s8 =	sand.u32 @!p2 s8, s19;
	s2 =	simm.s32 @p3 $0x297E0;
	s0 =	smul.u32 @!p2 $0x3, s0  }
0x3a: {  	s2 =	ssub.s32 @!p2 s2, s8  }
0x3b: {  	s2 =	sadd.s32 @!p2 $0xFFFD6820, s2;
	s0 =	ssub.s32 @!p2 s20, s0  }
0x3c: {  	s8 =	sshll.u32 @!p2 s2, $0x2;
	p3 =	sgt.s32 @!p2 s2, $0x2F;
	s0 =	smul.u32 @!p2 $0xC0, s0  }
0x3d: {  	s9 =	sand.u32 @!p2 $0x7, s19;
	s2 =	ssub.s32 @!p2 $0xC0, s8;
	p3 =	por !p3, p2  }
0x3e: {  	s8 =	sshrl.u32 @!p2 s19, $0x3;
	s2 =	sshrl.u32 @!p2 s2, $0x2;
	s0 =	sshrl.u32 @!p2 s0, $0x2  }
0x3f: {  	s8 =	sadd.s32 @!p2 s7, s8;
	s2 =	simm.s32 @!p3 $0x0;
	s0 =	sadd.s32 @!p2 $0x10838, s0  }
0x40: {  	[tilespmem:s0], [sflag:$0x8] =	stream.linear.gather @!p2 [hbm4b:s8+s9], s2, $0x38;
	[tilespmem:$0x1C928] =	vst v63  }
0x41: {  	s2 =	sadd.s32 $0xFFFFFFFF, s20  }
0x42: {  	p2 =	sge.u32 s2, s14  }
0x43: {  	p3 =	sgt.s32 @!p2 s18, $0x297E0  }
0x44: {  	s0 =	smov.u32 s18;
	s8 =	sshra.s32 @!p2 s18, $0x1F;
	p3 =	por !p3, p2  }
0x45: {  	s8 =	sand.u32 @!p2 s8, s18;
	s0 =	simm.s32 @p3 $0x297E0  }
0x46: {  	s0 =	ssub.s32 @!p2 s0, s8  }
0x47: {  	s0 =	sadd.s32 @!p2 $0xFFFD6820, s0  }
0x48: {  	s8 =	sshll.u32 @!p2 s0, $0x2  }
0x49: {  	p3 =	sgt.s32 @!p2 s0, $0x2F;
	s0 =	ssub.s32 @!p2 $0xC0, s8  }
0x4a: {  	p3 =	por !p3, p2;
	s0 =	sshrl.u32 @!p2 s0, $0x2  }
0x4b: {  	s9 =	simm.s32 @!p2 $0x8;
	s8 =	sand.u32 @!p2 $0x1, s2;
	s0 =	simm.s32 @!p3 $0x0  }
0x4c: {  	s8 =	smul.u32 @!p2 $0xC0, s8;
	_ =	swait.ge @!p2 [sflag:s9], s0  }
0x4d: {  	s22 =	ssub.s32 @!p2 $0x0, s0;
	[sflag:s9] =	ssyncset.done @!p2 $0x0  }
0x4e: {  	s8 =	sshrl.u32 @!p2 s8, $0x2;
	[sflag:s9] =	ssyncadd.s32 @!p2 s22;
	s9 =	sshrl.u32 @!p2 s18, $0x3  }
0x4f: {  	s8 =	sor.u32 @!p2 $0x108C8, s8;
	s22 =	sand.u32 @!p2 $0x7, s18;
	s9 =	sadd.s32 @!p2 s10, s9  }
0x50: {  	[tilespmem:s8], [sflag:$0x9] =	stream.linear.gather @!p2 [hbm4b:s9+s22], s0, $0x38;
	[tilespmem:$0x1C928] =	vst v63  }
0x51: {  	s0 =	ssub.s32 @!p2 $0x29810, s18  }
0x52: {  	p3 =	slt.s32 @!p2 s0, $0x1  }
0x53: {  	p3 =	por p2, p3  }
.Ltmp3:
0x54: {  	_ = 	snop;
	(pc) =	sbr.rel @p3 .LBB2_9-.Ltmp3, $1  }
0x55: {  	_ =	sdelay $0x3  }
0x56: {  	s8 =	smulhi.u32 $0xAAAAAAAB, s2;
	_ =	sdelay $0x1  }
0x57: {  	s8 =	sshrl.u32 s8, $0x1  }
0x58: {  	s8 =	smul.u32 $0x3, s8;
	_ =	sdelay $0x1  }
0x59: {  	s29 =	ssub.s32 s2, s8  }
0x5a: {  	s9 =	simm.s32 $0x1;
	s2 =	smul.u32 $0xC0, s29  }
.Ltmp4:
0x5b: {  	s9 =	simm.s32 @!p0 $0x0;
	(pc) =	sbr.rel .LBB2_6-.Ltmp4, $4  }
0x5c: {  	s30 =	smul.u32 $0x18000, s9  }
0x5d: {  	p3 =	slt.s32 @!p2 s0, $0x30;
	s2 =	sshrl.u32 s2, $0x2  }
0x5e: {  	p2 =	por !p3, p2;
	s8 =	sshrl.u32 s30, $0x2;
	s31 =	sadd.s32 $0x10838, s2  }
0x5f: {  	s0 =	simm.s32 @p2 $0x30;
	s22 =	sor.u32 $0x10928, s8;
	s2 =	simm.s32 $0x0;
	v1 =	vmov s31  }
.LBB2_5:
0x60: {  	p2 =	sge.s32 s2, s0  }
.Ltmp5:
0x61: {  	_ = 	snop;
	(pc) =	sbr.rel @p2 .LBB2_9-.Ltmp5, $2  }
0x62: {  	_ =	sdelay $0x2  }
0x63: {  	s22 =	sadd.s32 $0x2000, s22  }
.LBB2_6:
0x64: {  	p2 =	sle.s32 s0, s2  }
.Ltmp6:
0x65: {  	_ = 	snop;
	(pc) =	sbr.rel @p2 .LBB2_5-.Ltmp6, $2  }
0x66: {  	_ =	sdelay $0x2  }
0x67: {  	s8 =	smov.u32 s2;
	s2 =	sadd.s32 $0x10, s2  }
0x68: {  	s9 =	ssub.s32 s0, s8  }
0x69: {  	p2 =	slt.s32 s9, $0x10  }
0x6a: {  	s9 =	simm.s32 @!p2 $0x10  }
0x6b: {  	v2 =	vmov s9  }
0x6c: {  	vm0 =	vgt.s32 v2, v0;
	_ =	sdelay $0x5  }
0x6d: {  	v2 =	vld.idx.msk [tilespmem:v1+s8+$0x0 ss:$0x1], vm0;
	_ =	sdelay $0x2  }
0x6e: {  	s23 =	smov.u32 s0;
	p2 =	slt.s32 s2, s0  }
0x6f: {  	s24 =	smov.u32 s22;
	s25 =	simm.s32 $0x0;
	s23 =	smov.u32 @p2 s2  }
.LBB2_8:
0x70: {  	(v2sf) =	vpush v2, s25;
	_ =	sdelay $0xe  }
0x71: {  	s25 =	sadd.s32 $0x1, s25;
	s9 =	spop (v2sf)  }
0x72: {  	s31 =	sadd.s32 s25, s8;
	s26 =	sshll.u32 s9, $0x9;
	s9 =	sshll.u32 s9, $0x7  }
0x73: {  	p2 =	slt.s32 s31, s23;
	s26 =	sand.u32 $0xFFFFF000, s26;
	s9 =	sand.u32 $0x380, s9  }
.Ltmp7:
0x74: {  	s9 =	sor.u32 s9, s26;
	(pc) =	sbr.rel @p2 .LBB2_8-.Ltmp7, $4  }
0x75: {  	s9 =	sshrl.u32 s9, $0x3  }
0x76: {  	s9 =	sadd.s32 s4, s9  }
0x77: {  	[tilespmem:s24], [sflag:$0x7] =	stream.strided.gather [hbm4b:s9+s15], $0x200, s16, s15, $0x38;
	[tilespmem:$0x1C928] =	vst v63  }
0x78: {  	s24 =	sadd.s32 $0x200, s24  }
.Ltmp8:
0x79: {  	_ = 	snop;
	(pc) =	sbr.rel .LBB2_5-.Ltmp8, $1  }
0x7a: {  	_ =	sdelay $0x3  }
.LBB2_9:
0x7b: {  	p2 =	slt.u32 s20, $0x2  }
.Ltmp9:
0x7c: {  	_ = 	snop;
	(pc) =	sbr.rel @p2 .LBB2_33-.Ltmp9, $1  }
0x7d: {  	_ =	sdelay $0x3  }
0x7e: {  	p2 =	sgt.s32 s21, $0x297E0;
	s0 =	smov.u32 s21  }
0x7f: {  	s2 =	sshra.s32 s21, $0x1F;
	s8 =	ssub.s32 $0x29810, s21;
	s0 =	simm.s32 @!p2 $0x297E0  }
0x80: {  	s2 =	sand.u32 s2, s21;
	p2 =	slt.s32 s8, $0x30;
	s9 =	smov.u32 s8  }
0x81: {  	s0 =	ssub.s32 s0, s2;
	s9 =	simm.s32 @!p2 $0x30  }
0x82: {  	s0 =	sadd.s32 $0xFFFD6820, s0;
	s25 =	sshll.u32 s9, $0x9  }
0x83: {  	s3 =	simm.s32 $0x7;
	s26 =	sshll.u32 s0, $0x2;
	s2 =	sand.u32 $0x3FFFFE00, s25  }
0x84: {  	p2 =	sgt.s32 s0, $0x2F;
	s28 =	ssub.s32 $0xC0, s26;
	_ =	swait.ge [sflag:s3], s2  }
0x85: {  	s2 =	ssub.s32 $0x0, s2;
	[sflag:s3] =	ssyncset.done $0x0;
	s0 =	sshrl.u32 s28, $0x2  }
0x86: {  	s30 =	simm.s32 $0x9;
	[sflag:s3] =	ssyncadd.s32 s2;
	s0 =	simm.s32 @p2 $0x0  }
0x87: {  	_ =	swait.ge [sflag:s30], s0  }
0x88: {  	s0 =	ssub.s32 $0x0, s0;
	[sflag:s30] =	ssyncset.done $0x0  }
0x89: {  	[sflag:s30] =	ssyncadd.s32 s0  }
0x8a: {  	v1 =	vld [tilespmem:$0xC808];
	_ =	sdelay $0x4  }
0x8b: {  	(v2sf) =	vpush v1, $0x0  }
0x8c: {  	(v2sf) =	vpush v1, $0x1  }
0x8d: {  	(v2sf) =	vpush v1, $0x2;
	_ =	sdelay $0x3  }
0x8e: {  	s0 =	sadd.s32 $0x30, s21  }
0x8f: {  	p2 =	slt.s32 s12, s0  }
0x90: {  	s0 =	smov.u32 @p2 s12;
	p2 =	sgt.s32 s8, $0x0  }
0x91: {  	s22 =	ssub.s32 s0, s21;
	s8 =	simm.s32 @!p2 $0x0  }
0x92: {  	p2 =	slt.s32 s8, s22  }
0x93: {  	s22 =	smov.u32 @p2 s8  }
0x94: {  	s24 =	simm.s32 $0x1;
	p2 =	slt.s32 s22, $0x1  }
.Ltmp10:
0x95: {  	s24 =	simm.s32 @!p1 $0x0;
	(pc) =	sbr.rel @p2 .LBB2_14-.Ltmp10, $4  }
0x96: {  	s31 =	smul.u32 $0xC0, s24  }
0x97: {  	s0 =	spop (v2sf)  }
0x98: {  	s2 =	sshrl.u32 s31, $0x2;
	s25 =	spop (v2sf)  }
0x99: {  	s29 =	sor.u32 $0x108C8, s2;
	s21 =	spop (v2sf)  }
0x9a: {  	s2 =	smin.u32 s22, $0x10  }
0x9b: {  	v1 =	vmov s2  }
0x9c: {  	vm1 =	vgt.u32 v1, v0  }
0x9d: {  	p3 =	sgt.s32 s22, $0x10  }
.Ltmp11:
0x9e: {  	_ = 	snop;
	(pc) =	sbr.rel @!p3 .LBB2_13-.Ltmp11, $2  }
0x9f: {  	_ =	sdelay $0x2  }
0xa0: {  	s8 =	simm.s32 $0x10;
	s23 =	sadd.s32 $0xFFFFFFF0, s22;
	s2 =	smov.u32 s29;
	vm0 =	vmmov vm1;
	v1 =	vld.msk [tilespmem:s29+$0x0 ss:$0x1], vm1  }
.LBB2_12:
0xa1: {  	s9 =	smin.u32 s23, $0x10;
	s8 =	sadd.s32 $0x10, s8  }
0xa2: {  	v2 =	vmov s9;
	p3 =	slt.s32 s8, s22  }
0xa3: {  	vm1 =	vgt.u32 v2, v0;
	_ =	sdelay $0x1  }
0xa4: {  	v2 =	vshll.u32 v1, $0x6;
	v1 =	vshll.u32 v1, $0x4  }
.Ltmp12:
0xa5: {  	v2 =	vand.u32 $0xFFFFFE00, v2;
	v1 =	vand.u32 $0x70, v1;
	(pc) =	sbr.rel @p3 .LBB2_12-.Ltmp12, $4  }
0xa6: {  	v1 =	vor.u32 v1, v2  }
0xa7: {  	[tilespmem:s2+$0x0] =	vst.msk vm0, v1;
	s2 =	sadd.s32 $0x10, s2;
	vm0 =	vmmov vm1  }
0xa8: {  	v1 =	vld.msk [tilespmem:s2+$0x0 ss:$0x1], vm1  }
0xa9: {  	s23 =	sadd.s32 $0xFFFFFFF0, s23  }
.LBB2_13:
0xaa: {  	_ =	sdelay $0x3  }
0xab: {  	v2 =	vshll.u32 v1, $0x6;
	v1 =	vshll.u32 v1, $0x4  }
0xac: {  	v2 =	vand.u32 $0xFFFFFE00, v2;
	v1 =	vand.u32 $0x70, v1  }
0xad: {  	v1 =	vor.u32 v1, v2  }
0xae: {  	[tilespmem:s2+$0x0] =	vst.msk vm0, v1  }
.LBB2_14:
0xaf: {  	s2 =	sand.u32 $0x1, s20  }
0xb0: {  	s2 =	smul.u32 $0x30, s2  }
0xb1: {  	p3 =	sne.s32 s25, $0xFFFFFFFF  }
0xb2: {  	v1 =	vld.msk @!p3 [tilespmem:s2+$0x108C8], $0x1;
	_ =	sdelay $0x4  }
0xb3: {  	(v2sf) =	vpush @!p3 v1, $0x0;
	_ =	sdelay $0xc  }
.Ltmp13:
0xb4: {  	_ = 	snop;
	(pc) =	sbr.rel @p2 .LBB2_31-.Ltmp13, $4  }
0xb5: {  	_ = 	snop  }
0xb6: {  	s26 =	spop @!p3 (v2sf)  }
0xb7: {  	s21 =	simm.s32 @!p3 $0x0;
	s23 =	smov.u32 s26  }
0xb8: {  	[sflag:s5] =	ssyncpa.u1 $0x0;
	s26 =	smov.u32 @p3 s0;
	s23 =	smov.u32 @p3 s25  }
0xb9: {  	v1 =	vld.msk [tilespmem:s29+$0x0], $0x1;
	_ =	sdelay $0x4  }
0xba: {  	(v2sf) =	vpush v1, $0x0;
	_ =	sdelay $0xe  }
0xbb: {  	s31 =	spop (v2sf)  }
0xbc: {  	s12 =	smov.u32 s7;
	s7 =	smov.u32 s10;
	p2 =	seq.s32 s26, s31  }
0xbd: {  	s0 =	smul.u32 $0x18000, s24;
	s28 =	sadd.s32 $0x108C8, s2;
	p3 =	sgt.s32 @!p2 s26, $0x0  }
0xbe: {  	s17 =	ssub.s32 $0x0, s22;
	s2 =	smov.u32 s26;
	p3 =	por !p3, p2  }
0xbf: {  	s25 =	simm.s32 $0x0;
	s29 =	sadd.s32 $0x1, s29;
	s2 =	simm.s32 @p3 $0x0  }
0xc0: {  	s30 =	sadd.s32 $0x1, s17;
	s8 =	simm.s32 @!p2 $0x6608;
	s9 =	smin.u32 @!p2 s2, $0x9C270  }
0xc1: {  	p3 =	seq.s32 s30, $0x0;
	s2 =	sand.u32 @!p2 $0xFFFF8, s9;
	s10 =	sadd.s32 @!p2 $0x80, s9  }
0xc2: {  	s5 =	sadd.s32 @!p2 s1, s2;
	s2 =	sand.u32 @!p2 $0x7, s9;
	s10 =	sand.u32 @!p2 $0x1FFFF8, s10  }
0xc3: {  	[tilespmem:s8], [sflag:$0x2] =	stream.linear.gather @!p2 [hbm4b:s5+s2], $0x80, $0x38;
	[tilespmem:$0x1C928] =	vst v63  }
0xc4: {  	s3 =	sadd.s32 @!p2 $0x100, s9;
	s5 =	simm.s32 @!p2 $0x6688;
	s8 =	sadd.s32 @!p2 s1, s10  }
0xc5: {  	[tilespmem:s5], [sflag:$0x2] =	stream.linear.gather @!p2 [hbm4b:s8+s2], $0x80, $0x38;
	[tilespmem:$0x1C928] =	vst v63  }
.Ltmp14:
0xc6: {  	s0 =	sshrl.u32 s0, $0x2;
	s3 =	sand.u32 @!p2 $0x1FFFF8, s3;
	(pc) =	sbr.rel @p3 .LBB2_17-.Ltmp14, $4  }
0xc7: {  	s3 =	sadd.s32 @!p2 s1, s3;
	s5 =	simm.s32 @!p2 $0x6708;
	s8 =	sadd.s32 @!p2 $0x180, s9  }
0xc8: {  	[tilespmem:s5], [sflag:$0x2] =	stream.linear.gather @!p2 [hbm4b:s3+s2], $0x80, $0x38;
	[tilespmem:$0x1C928] =	vst v63  }
0xc9: {  	s24 =	sor.u32 $0x10928, s0;
	s0 =	simm.s32 @!p2 $0x1;
	s3 =	sand.u32 @!p2 $0x1FFFF8, s8  }
0xca: {  	s0 =	smov.u32 @p2 s25;
	s8 =	simm.s32 @!p2 $0x6788;
	s9 =	sadd.s32 @!p2 s1, s3  }
.LBB2_16:
0xcb: {  	s3 =	smov.u32 s0  }
0xcc: {  	[tilespmem:s8], [sflag:$0x2] =	stream.linear.gather @!p2 [hbm4b:s9+s2], $0x80, $0x38;
	[tilespmem:$0x1C928] =	vst v63  }
0xcd: {  	s30 =	sadd.s32 $0x1, s30;
	s2 =	smov.u32 s31  }
0xce: {  	p3 =	seq.s32 s30, $0x0;
	v1 =	vld.msk [tilespmem:s29+$0x0], $0x1;
	_ =	sdelay $0x4  }
0xcf: {  	(v2sf) =	vpush v1, $0x0;
	_ =	sdelay $0xe  }
0xd0: {  	s31 =	spop (v2sf)  }
0xd1: {  	p2 =	seq.s32 s2, s31  }
0xd2: {  	p4 =	sgt.s32 @!p2 s2, $0x0;
	s5 =	sshll.u32 @!p2 s0, $0xB;
	s0 =	sadd.s32 @!p2 $0x1, s0  }
0xd3: {  	p4 =	por !p4, p2;
	s5 =	sshra.s32 @!p2 s5, $0x2;
	s0 =	smov.u32 @p2 s3  }
0xd4: {  	s2 =	simm.s32 @p4 $0x0;
	s3 =	sadd.s32 @!p2 $0x6608, s5;
	s9 =	sadd.s32 @!p2 $0x6688, s5  }
0xd5: {  	s14 =	sadd.s32 @!p2 $0x6708, s5;
	s8 =	sadd.s32 @!p2 $0x6788, s5;
	s10 =	smin.u32 @!p2 s2, $0x9C270  }
0xd6: {  	s2 =	sand.u32 @!p2 $0xFFFF8, s10;
	s5 =	sadd.s32 @!p2 $0x80, s10;
	s6 =	sadd.s32 @!p2 $0x100, s10  }
0xd7: {  	s17 =	sadd.s32 @!p2 s1, s2;
	s2 =	sand.u32 @!p2 $0x7, s10;
	s5 =	sand.u32 @!p2 $0x1FFFF8, s5  }
0xd8: {  	[tilespmem:s3], [sflag:$0x2] =	stream.linear.gather @!p2 [hbm4b:s17+s2], $0x80, $0x38;
	[tilespmem:$0x1C928] =	vst v63  }
0xd9: {  	s3 =	sadd.s32 @!p2 s1, s5  }
.Ltmp15:
0xda: {  	s5 =	sand.u32 @!p2 $0x1FFFF8, s6;
	s6 =	sadd.s32 @!p2 $0x180, s10;
	(pc) =	sbr.rel @!p3 .LBB2_16-.Ltmp15, $4  }
0xdb: {  	[tilespmem:s9], [sflag:$0x2] =	stream.linear.gather @!p2 [hbm4b:s3+s2], $0x80, $0x38;
	[tilespmem:$0x1C928] =	vst v63  }
0xdc: {  	s3 =	sadd.s32 @!p2 s1, s5;
	s5 =	sand.u32 @!p2 $0x1FFFF8, s6  }
0xdd: {  	[tilespmem:s14], [sflag:$0x2] =	stream.linear.gather @!p2 [hbm4b:s3+s2], $0x80, $0x38;
	[tilespmem:$0x1C928] =	vst v63  }
0xde: {  	s29 =	sadd.s32 $0x1, s29;
	s9 =	sadd.s32 @!p2 s1, s5  }
.LBB2_17:
0xdf: {  	[tilespmem:s8], [sflag:$0x2] =	stream.linear.gather @!p2 [hbm4b:s9+s2], $0x80, $0x38;
	[tilespmem:$0x1C928] =	vst v63  }
0xe0: {  	s0 =	sshll.u32 s0, $0x9  }
0xe1: {  	s31 =	simm.s32 $0x2;
	s0 =	sand.u32 $0x3FFFFE00, s0  }
.Ltmp16:
0xe2: {  	_ =	swait.ge [sflag:s31], s0;
	(pc) =	sbr.rel .LBB2_18-.Ltmp16, $4  }
0xe3: {  	s29 =	simm.s32 $0x0;
	s6 =	rddreg [dreg:$0x2]  }
0xe4: {  	s10 =	smov.u32 s7;
	s7 =	smov.u32 s12;
	s12 =	rddreg [dreg:$0x3]  }
0xe5: {  	s0 =	ssub.s32 $0x0, s0;
	[sflag:s31] =	ssyncset.done $0x0;
	s14 =	rddreg [dreg:$0x4]  }
0xe6: {  	v1 =	vmov s28;
	s30 =	simm.s32 $0x0;
	s17 =	rddreg [dreg:$0x5];
	[sflag:s31] =	ssyncadd.s32 s0  }
.LBB2_28:
0xe7: {  	[tilespmem:s0+$0x0] =	vst v2;
	s25 =	sadd.s32 $0x1, s25  }
.LBB2_29:
0xe8: {  	s30 =	sadd.s32 $0x1, s30  }
0xe9: {  	p2 =	sne.s32 s30, s22  }
.Ltmp17:
0xea: {  	_ = 	snop;
	(pc) =	sbr.rel @!p2 .LBB2_30-.Ltmp17, $2  }
0xeb: {  	_ =	sdelay $0x2  }
0xec: {  	s24 =	sadd.s32 $0x200, s24;
	s26 =	smov.u32 s28  }
.LBB2_18:
0xed: {  	_ =	sdelay $0x3  }
0xee: {  	v2 =	vld.idx.msk [tilespmem:v1+s30+$0x0 ss:$0x1], $0x1;
	_ =	sdelay $0x4  }
0xef: {  	(v2sf) =	vpush v2, $0x0;
	_ =	sdelay $0xe  }
0xf0: {  	s28 =	spop (v2sf)  }
0xf1: {  	p2 =	sne.s32 s26, s28  }
.Ltmp18:
0xf2: {  	_ = 	snop;
	(pc) =	sbr.rel @p2 .LBB2_22-.Ltmp18, $3  }
0xf3: {  	_ =	sdelay $0x1  }
0xf4: {  	s0 =	sshll.u32 s21, $0xB  }
0xf5: {  	s0 =	sshra.s32 s0, $0x2  }
0xf6: {  	s0 =	sadd.s32 $0x408, s0;
	s2 =	simm.s32 $0x0;
	v2 =	vld [tilespmem:s24+$0x0];
	s8 =	smov.u32 s24  }
.LBB2_20:
0xf7: {  	s2 =	sadd.s32 $0x10, s2  }
0xf8: {  	p2 =	slt.u32 s2, $0x1F0  }
.Ltmp19:
0xf9: {  	_ = 	snop;
	(pc) =	sbr.rel @p2 .LBB2_20-.Ltmp19, $3  }
0xfa: {  	_ =	sdelay $0x1  }
0xfb: {  	s8 =	sadd.s32 $0x10, s8;
	[tilespmem:s0+$0x0] =	vst.add.f32.msk $0xffff, v2;
	s0 =	sadd.s32 $0x10, s0  }
0xfc: {  	v2 =	vld [tilespmem:s8+$0x0]  }
.Ltmp20:
0xfd: {  	_ = 	snop;
	(pc) =	sbr.rel .LBB2_29-.Ltmp20, $2  }
0xfe: {  	_ =	sdelay $0x2  }
0xff: {  	[tilespmem:s0+$0x0] =	vst.add.f32.msk $0xffff, v2  }
.LBB2_22:
0x100: {  	p2 =	seq.s32 s26, s23  }
.Ltmp21:
0x101: {  	_ = 	snop;
	(pc) =	sbr.rel @!p2 .LBB2_23-.Ltmp21, $1  }
0x102: {  	_ =	sdelay $0x3  }
.Ltmp22:
0x103: {  	s0 =	sadd.s32 $0x408, s0;
	(pc) =	sbr.rel .LBB2_26-.Ltmp22, $4  }
0x104: {  	[spmem:s13] =	stream.linear.scatter [tilespmem:s0], [sflag:$0x1], $0x200, $0x38;
	[tilespmem:$0x1C928] =	vst v63  }
0x105: {  	_ =	swait.ge [sflag:s11], $0x200  }
0x106: {  	[sflag:s11] =	ssyncset.done $0x0  }
0x107: {  	[sflag:s11] =	ssyncadd.s32 $0xFFFFFE00  }
.LBB2_23:
0x108: {  	s2 =	sshll.u32 s25, $0xB  }
0x109: {  	s2 =	sshra.s32 s2, $0x2  }
0x10a: {  	s8 =	sadd.s32 $0x6608, s2;
	s2 =	sadd.s32 $0x408, s0  }
0x10b: {  	s9 =	simm.s32 $0x0;
	v2 =	vld [tilespmem:s8+$0x0];
	s31 =	smov.u32 s2  }
.LBB2_24:
0x10c: {  	s9 =	sadd.s32 $0x10, s9  }
0x10d: {  	p2 =	slt.u32 s9, $0x1F0  }
.Ltmp23:
0x10e: {  	_ = 	snop;
	(pc) =	sbr.rel @p2 .LBB2_24-.Ltmp23, $3  }
0x10f: {  	_ =	sdelay $0x1  }
0x110: {  	s8 =	sadd.s32 $0x10, s8;
	[tilespmem:s31+$0x0] =	vst.add.f32.msk $0xffff, v2;
	s31 =	sadd.s32 $0x10, s31  }
0x111: {  	v2 =	vld [tilespmem:s8+$0x0]  }
0x112: {  	_ =	sdelay $0x1  }
0x113: {  	p2 =	sgt.u32 s26, $0x9C270  }
0x114: {  	s3 =	sand.u32 @!p2 $0xFFFF8, s26  }
0x115: {  	s5 =	sand.u32 @!p2 $0x7, s26;
	s3 =	sadd.s32 @!p2 s1, s3;
	[tilespmem:s31+$0x0] =	vst.add.f32.msk $0xffff, v2  }
0x116: {  	[hbm4b:s3+s5] =	stream.linear.scatter @!p2 [tilespmem:s2], [sflag:$0xA], $0x80, $0x38;
	[tilespmem:$0x1C928] =	vst v63  }
0x117: {  	s2 =	sadd.s32 @!p2 $0x80, s26  }
0x118: {  	s2 =	sand.u32 @!p2 $0x1FFFF8, s2  }
0x119: {  	s3 =	sadd.s32 @!p2 $0x488, s0;
	s2 =	sadd.s32 @!p2 s1, s2  }
0x11a: {  	[hbm4b:s2+s5] =	stream.linear.scatter @!p2 [tilespmem:s3], [sflag:$0xA], $0x80, $0x38;
	[tilespmem:$0x1C928] =	vst v63  }
0x11b: {  	s2 =	sadd.s32 @!p2 $0x100, s26  }
0x11c: {  	s2 =	sand.u32 @!p2 $0x1FFFF8, s2  }
0x11d: {  	s3 =	sadd.s32 @!p2 $0x508, s0;
	s2 =	sadd.s32 @!p2 s1, s2  }
0x11e: {  	[hbm4b:s2+s5] =	stream.linear.scatter @!p2 [tilespmem:s3], [sflag:$0xA], $0x80, $0x38;
	[tilespmem:$0x1C928] =	vst v63  }
0x11f: {  	s2 =	sadd.s32 @!p2 $0x180, s26;
	s3 =	simm.s32 $0x0  }
0x120: {  	s2 =	sand.u32 @!p2 $0x1FFFF8, s2;
	s3 =	simm.s32 @!p2 $0x800  }
0x121: {  	s0 =	sadd.s32 @!p2 $0x588, s0;
	s2 =	sadd.s32 @!p2 s1, s2;
	s29 =	sadd.s32 s3, s29  }
0x122: {  	[hbm4b:s2+s5] =	stream.linear.scatter @!p2 [tilespmem:s0], [sflag:$0xA], $0x80, $0x38;
	[tilespmem:$0x1C928] =	vst v63  }
.LBB2_26:
0x123: {  	s0 =	sadd.s32 $0x1, s21  }
0x124: {  	s2 =	smulhi.u32 $0xAAAAAAAB, s0;
	_ =	sdelay $0x1  }
0x125: {  	s2 =	sshrl.u32 s2, $0x5  }
0x126: {  	s2 =	smul.u32 $0x30, s2;
	_ =	sdelay $0x1  }
0x127: {  	s21 =	ssub.s32 s0, s2  }
0x128: {  	s0 =	sshll.u32 s21, $0x9  }
0x129: {  	v2 =	vld [tilespmem:s24+$0x0];
	s8 =	smov.u32 s24;
	s2 =	simm.s32 $0x0;
	s0 =	sadd.s32 $0x408, s0  }
.LBB2_27:
0x12a: {  	s2 =	sadd.s32 $0x10, s2  }
0x12b: {  	p2 =	slt.u32 s2, $0x1F0  }
.Ltmp24:
0x12c: {  	_ = 	snop;
	(pc) =	sbr.rel @p2 .LBB2_27-.Ltmp24, $3  }
0x12d: {  	_ =	sdelay $0x1  }
0x12e: {  	[tilespmem:s0+$0x0] =	vst v2;
	s0 =	sadd.s32 $0x10, s0;
	s8 =	sadd.s32 $0x10, s8  }
0x12f: {  	v2 =	vld [tilespmem:s8+$0x0]  }
.Ltmp25:
0x130: {  	_ = 	snop;
	(pc) =	sbr.rel .LBB2_28-.Ltmp25, $1  }
0x131: {  	_ =	sdelay $0x3  }
.LBB2_31:
.Ltmp26:
0x132: {  	(pc) =	sbr.rel .LBB2_32-.Ltmp26, $4  }
0x133: {  	_ = 	snop  }
0x134: {  	s0 =	simm.s32 $0x2  }
0x135: {  	_ =	swait.ge [sflag:s0], $0x0  }
0x136: {  	s28 =	smov.u32 s26;
	[sflag:s0] =	ssyncset.done $0x0;
	s0 =	simm.s32 $0x0  }
.LBB2_34:
0x137: {  	_ =	sfence.sel $0x180000  }
0x138: {  	s0 =	simm.s32 $0x7;
	[bflag:$0x0] =	sbarrier.arrive $0xFFFF  }
0x139: {  	s25 =	simm.s32 $0x8;
	[sflag:s0] =	ssyncpa.u1 $0x1  }
0x13a: {  	s26 =	simm.s32 $0x9;
	[sflag:s25] =	ssyncpa.u1 $0x1  }
0x13b: {  	s28 =	simm.s32 $0x2;
	[sflag:s26] =	ssyncpa.u1 $0x1  }
0x13c: {  	[sflag:s28] =	ssyncpa.u1 $0x1  }
0x13d: {  	v0 =	vld [tilespmem:$0xC808];
	_ =	sdelay $0x4  }
0x13e: {  	(v2sf) =	vpush v0, $0x0  }
0x13f: {  	(v2sf) =	vpush v0, $0x1;
	_ =	sdelay $0x1  }
0x140: {  	(v2sf) =	vpush v0, $0x2;
	_ =	sdelay $0xb  }
0x141: {  	s0 =	spop (v2sf)  }
0x142: {  	s2 =	spop (v2sf)  }
0x143: {  	s3 =	smov.u32 s0;
	p0 =	sne.s32 s0, s2  }
0x144: {  	s4 =	spop (v2sf);
	s3 =	simm.s32 @!p0 $0xFFFFFFFF  }
0x145: {  	v2 =	vimm.s32 $0x1;
	v3 =	vlaneseq.u32;
	p0 =	seq.s32 s4, $0xFFFFFFFF;
	v1 =	vmov s3  }
0x146: {  	s7 =	stileid.u32;
	v0 =	vperm.xlane v0, v2;
	p1 =	sne.s32 @!p0 s0, s2;
	v1 =	vperm.xlane v1, v3  }
0x147: {  	vm0 =	vcmask $0x3F04;
	s6 =	simm.s32 $0xC808;
	s0 =	simm.s32 @!p0 $0x1;
	p1 =	por !p1, p0  }
0x148: {  	s3 =	sshll.u32 s7, $0x1;
	s2 =	sshll.u32 @!p0 s4, $0xB;
	s0 =	simm.s32 @p1 $0x0;
	v0 =	vsel vm0, v1, v0  }
0x149: {  	s5 =	sor.u32 $0x4000, s3;
	s2 =	sshra.s32 @!p0 s2, $0x2;
	s0 =	sor.u32 @!p0 s0, s3;
	[tilespmem:$0xC808] =	vst v0  }
0x14a: {  	[spmem:s5] =	stream.linear.scatter [tilespmem:s6], [sflag:$0x1], $0x2, $0x38;
	[tilespmem:$0x1C928] =	vst v63  }
0x14b: {  	s2 =	sadd.s32 @!p0 $0x408, s2;
	s0 =	sshll.u32 @!p0 s0, $0x9  }
0x14c: {  	[spmem:s0] =	stream.linear.scatter @!p0 [tilespmem:s2], [sflag:$0x1], $0x200, $0x38;
	[tilespmem:$0x1C928] =	vst v63  }
0x14d: {  	s2 =	simm.s32 @!p0 $0x202  }
0x14e: {  	s0 =	simm.s32 $0x1;
	s2 =	simm.s32 @p0 $0x2  }
0x14f: {  	_ =	swait.ge [sflag:s0], s2  }
0x150: {  	s2 =	ssub.s32 $0x0, s2;
	[sflag:s0] =	ssyncset.done $0x0  }
0x151: {  	[sflag:s0] =	ssyncadd.s32 s2  }
0x152: {  	_ =	sfence.stream.spmem  }
0x153: {  	s29 =	simm.s32 $0x3;
	[bflag:$0x0] =	sbarrier.arrive $0xFFFF  }
0x154: {  	s30 =	simm.s32 $0x4;
	[sflag:s29] =	ssyncpa.u1 $0x1  }
0x155: {  	s31 =	simm.s32 $0x3C;
	[sflag:s30] =	ssyncpa.u1 $0x1  }
0x156: {  	p0 =	sne.s32 s7, $0x0;
	[sflag:s31] =	ssyncpa.u1 $0x1  }
0x157: {  	_ =	sfence @p0  }
0x158: {  	[sflag:s0] =	ssyncpa.u1 @p0 $0x1  }
0x159: {  	_ =	strace @p0 $0x90000053  }
0x15a: {  	[bflag:$0x2] =	sbarrier.arrive @p0 $0xFFFF  }
0x15b: {  	_ =	shalt @p0  }
.LBB2_35:
0x15c: {  	_ =	sfence.stream.spmem;
	s0 =	simm.s32 $0x5  }
0x15d: {  	s2 =	simm.s32 $0x4000;
	s3 =	simm.s32 $0xC818;
	[sflag:s0] =	ssyncpa.u1 $0x0  }
0x15e: {  	[tilespmem:s3], [sflag:$0x5] =	stream.linear.gather [spmem:s2], $0x20, $0x38;
	[tilespmem:$0x1C928] =	vst v63  }
0x15f: {  	s2 =	simm.s32 $0x0;
	s3 =	simm.s32 $0xC838  }
0x160: {  	[tilespmem:s3], [sflag:$0x5] =	stream.linear.gather [spmem:s2], $0x4000, $0x38;
	[tilespmem:$0x1C928] =	vst v63  }
.Ltmp27:
0x161: {  	_ = 	snop;
	(pc) =	sbr.rel .LBB2_36-.Ltmp27, $4  }
0x162: {  	_ =	swait.ge [sflag:s0], $0x4020  }
0x163: {  	s4 =	simm.s32 $0x6;
	[sflag:s0] =	ssyncset.done $0x0  }
0x164: {  	s5 =	simm.s32 $0xC688;
	s6 =	simm.s32 $0xC708;
	[sflag:s0] =	ssyncadd.s32 $0xFFFFBFE0  }
0x165: {  	s7 =	simm.s32 $0xC788;
	s8 =	simm.s32 $0x0;
	[sflag:s4] =	ssyncpa.u1 $0x0  }
.LBB2_51:
0x166: {  	s8 =	sadd.s32 $0x1, s8  }
0x167: {  	p0 =	sne.s32 s8, $0x20  }
.Ltmp28:
0x168: {  	_ = 	snop;
	(pc) =	sbr.rel @!p0 .LBB2_52-.Ltmp28, $2  }
0x169: {  	_ =	sdelay $0x2  }
0x16a: {  	s3 =	sadd.s32 $0x200, s3  }
.LBB2_36:
0x16b: {  	v0 =	vld.msk [tilespmem:s8+$0xC818], $0x1;
	_ =	sdelay $0x4  }
0x16c: {  	(v2sf) =	vpush v0, $0x0;
	_ =	sdelay $0xe  }
0x16d: {  	s9 =	spop (v2sf)  }
0x16e: {  	p0 =	seq.s32 s9, $0xFFFFFFFF  }
.Ltmp29:
0x16f: {  	_ = 	snop;
	(pc) =	sbr.rel @p0 .LBB2_51-.Ltmp29, $1  }
0x170: {  	_ =	sdelay $0x3  }
0x171: {  	p0 =	slt.s32 s2, $0x1  }
.Ltmp30:
0x172: {  	_ = 	snop;
	(pc) =	sbr.rel @p0 .LBB2_44-.Ltmp30, $1  }
0x173: {  	_ =	sdelay $0x3  }
0x174: {  	s0 =	simm.s32 $0xC818;
	p0 =	por $0x0, $0x0  }
0x175: {  	v1 =	vld.msk @!p0 [tilespmem:s0+$0x0], $0x1;
	_ =	sdelay $0x4  }
0x176: {  	(v2sf) =	vpush @!p0 v1, $0x0;
	_ =	sdelay $0xd  }
0x177: {  	p2 =	sne.s32 s2, $0x1  }
.Ltmp31:
0x178: {  	s10 =	spop @!p0 (v2sf);
	(pc) =	sbr.rel @!p2 .LBB2_40-.Ltmp31, $4  }
0x179: {  	p1 =	seq.s32 @!p0 s9, s10  }
0x17a: {  	s10 =	simm.s32 $0x0;
	p1 =	por !p1, p0  }
0x17b: {  	s12 =	simm.s32 $0xFFFFFFFF;
	s10 =	simm.s32 @p1 $0xFFFFFFFF  }
0x17c: {  	s11 =	simm.s32 $0x1;
	s10 =	smov.u32 @p0 s12  }
.LBB2_39:
0x17d: {  	s12 =	smov.u32 s10;
	p0 =	sne.s32 s10, $0xFFFFFFFF  }
0x17e: {  	s0 =	sadd.s32 $0x1, s0;
	s10 =	smov.u32 s11;
	s11 =	sadd.s32 $0x1, s11  }
0x17f: {  	p1 =	sne.s32 s2, s11;
	v1 =	vld.msk @!p0 [tilespmem:s0+$0x0], $0x1;
	_ =	sdelay $0x4  }
0x180: {  	(v2sf) =	vpush @!p0 v1, $0x0;
	_ =	sdelay $0xe  }
.Ltmp32:
0x181: {  	s13 =	spop @!p0 (v2sf);
	(pc) =	sbr.rel @p1 .LBB2_39-.Ltmp32, $4  }
0x182: {  	p2 =	seq.s32 @!p0 s9, s13  }
0x183: {  	p2 =	por !p2, p0  }
0x184: {  	s10 =	simm.s32 @p2 $0xFFFFFFFF  }
0x185: {  	s10 =	smov.u32 @p0 s12  }
.LBB2_40:
0x186: {  	p0 =	seq.s32 s10, $0xFFFFFFFF  }
.Ltmp33:
0x187: {  	_ = 	snop;
	(pc) =	sbr.rel @p0 .LBB2_44-.Ltmp33, $1  }
0x188: {  	_ =	sdelay $0x3  }
0x189: {  	s0 =	sshll.u32 s10, $0xB  }
0x18a: {  	s0 =	sshra.s32 s0, $0x2  }
0x18b: {  	s9 =	simm.s32 $0x0;
	v0 =	vld [tilespmem:s3+$0x0];
	s10 =	smov.u32 s3;
	s0 =	sadd.s32 $0xC838, s0  }
.LBB2_42:
0x18c: {  	s9 =	sadd.s32 $0x10, s9  }
0x18d: {  	p0 =	slt.u32 s9, $0x1F0  }
.Ltmp34:
0x18e: {  	_ = 	snop;
	(pc) =	sbr.rel @p0 .LBB2_42-.Ltmp34, $3  }
0x18f: {  	_ =	sdelay $0x1  }
0x190: {  	s10 =	sadd.s32 $0x10, s10;
	[tilespmem:s0+$0x0] =	vst.add.f32.msk $0xffff, v0;
	s0 =	sadd.s32 $0x10, s0  }
0x191: {  	v0 =	vld [tilespmem:s10+$0x0]  }
.Ltmp35:
0x192: {  	_ = 	snop;
	(pc) =	sbr.rel .LBB2_51-.Ltmp35, $2  }
0x193: {  	_ =	sdelay $0x2  }
0x194: {  	[tilespmem:s0+$0x0] =	vst.add.f32.msk $0xffff, v0  }
.LBB2_44:
0x195: {  	p0 =	sgt.u32 s9, $0x9C270  }
.Ltmp36:
0x196: {  	_ = 	snop;
	(pc) =	sbr.rel @p0 .LBB2_48-.Ltmp36, $1  }
0x197: {  	_ =	sdelay $0x3  }
0x198: {  	s0 =	sand.u32 $0xFFFF8, s9;
	s11 =	sand.u32 $0x7, s9  }
0x199: {  	s29 =	sadd.s32 $0x80, s9;
	s10 =	sadd.s32 s1, s0;
	s0 =	simm.s32 $0xC608  }
0x19a: {  	[tilespmem:s0], [sflag:$0x6] =	stream.linear.gather [hbm4b:s10+s11], $0x80, $0x38;
	[tilespmem:$0x1C928] =	vst v63  }
0x19b: {  	s10 =	sand.u32 $0x1FFFF8, s29  }
0x19c: {  	s30 =	sadd.s32 $0x100, s9;
	s10 =	sadd.s32 s1, s10  }
0x19d: {  	[tilespmem:s5], [sflag:$0x6] =	stream.linear.gather [hbm4b:s10+s11], $0x80, $0x38;
	[tilespmem:$0x1C928] =	vst v63  }
0x19e: {  	s31 =	sadd.s32 $0x180, s9;
	s10 =	sand.u32 $0x1FFFF8, s30  }
0x19f: {  	s9 =	sand.u32 $0x1FFFF8, s31;
	s10 =	sadd.s32 s1, s10  }
0x1a0: {  	[tilespmem:s6], [sflag:$0x6] =	stream.linear.gather [hbm4b:s10+s11], $0x80, $0x38;
	[tilespmem:$0x1C928] =	vst v63  }
0x1a1: {  	s9 =	sadd.s32 s1, s9  }
0x1a2: {  	[tilespmem:s7], [sflag:$0x6] =	stream.linear.gather [hbm4b:s9+s11], $0x80, $0x38;
	[tilespmem:$0x1C928] =	vst v63  }
0x1a3: {  	_ =	swait.ge [sflag:s4], $0x200  }
0x1a4: {  	[sflag:s4] =	ssyncset.done $0x0  }
0x1a5: {  	[sflag:s4] =	ssyncadd.s32 $0xFFFFFE00  }
0x1a6: {  	s10 =	smov.u32 s3;
	s9 =	simm.s32 $0x0;
	v1 =	vld [tilespmem:s0+$0x0]  }
.LBB2_46:
0x1a7: {  	s9 =	sadd.s32 $0x10, s9  }
0x1a8: {  	p0 =	slt.u32 s9, $0x1F0  }
.Ltmp37:
0x1a9: {  	_ = 	snop;
	(pc) =	sbr.rel @p0 .LBB2_46-.Ltmp37, $3  }
0x1aa: {  	_ =	sdelay $0x1  }
0x1ab: {  	s0 =	sadd.s32 $0x10, s0;
	[tilespmem:s10+$0x0] =	vst.add.f32.msk $0xffff, v1;
	s10 =	sadd.s32 $0x10, s10  }
0x1ac: {  	v1 =	vld [tilespmem:s0+$0x0]  }
0x1ad: {  	_ =	sdelay $0x3  }
0x1ae: {  	[tilespmem:s10+$0x0] =	vst.add.f32.msk $0xffff, v1  }
.LBB2_48:
0x1af: {  	s0 =	sshll.u32 s2, $0xB  }
0x1b0: {  	[tilespmem:s2+$0xC818] =	vst.msk $0x1, v0;
	s0 =	sshra.s32 s0, $0x2  }
0x1b1: {  	s9 =	simm.s32 $0x0;
	s10 =	smov.u32 s3;
	v0 =	vld [tilespmem:s3+$0x0];
	s0 =	sadd.s32 $0xC838, s0  }
.LBB2_49:
0x1b2: {  	s9 =	sadd.s32 $0x10, s9  }
0x1b3: {  	p0 =	slt.u32 s9, $0x1F0  }
.Ltmp38:
0x1b4: {  	_ = 	snop;
	(pc) =	sbr.rel @p0 .LBB2_49-.Ltmp38, $3  }
0x1b5: {  	_ =	sdelay $0x1  }
0x1b6: {  	s10 =	sadd.s32 $0x10, s10;
	[tilespmem:s0+$0x0] =	vst v0;
	s0 =	sadd.s32 $0x10, s0  }
0x1b7: {  	v0 =	vld [tilespmem:s10+$0x0]  }
.Ltmp39:
0x1b8: {  	_ = 	snop;
	(pc) =	sbr.rel .LBB2_51-.Ltmp39, $2  }
0x1b9: {  	_ =	sdelay $0x2  }
0x1ba: {  	s2 =	sadd.s32 $0x1, s2;
	[tilespmem:s0+$0x0] =	vst v0  }
.LBB2_52:
0x1bb: {  	p0 =	slt.s32 s2, $0x1  }
.Ltmp40:
0x1bc: {  	_ = 	snop;
	(pc) =	sbr.rel @p0 .LBB2_56-.Ltmp40, $3  }
0x1bd: {  	_ =	sdelay $0x1  }
0x1be: {  	s0 =	simm.s32 $0x6  }
0x1bf: {  	s3 =	simm.s32 $0x0;
	[sflag:s0] =	ssyncpa.u1 $0x1  }
0x1c0: {  	s0 =	simm.s32 $0xC818  }
0x1c1: {  	v0 =	vld.msk [tilespmem:s0+$0x0], $0x1;
	_ =	sdelay $0x4  }
0x1c2: {  	(v2sf) =	vpush v0, $0x0;
	_ =	sdelay $0xe  }
0x1c3: {  	s7 =	spop (v2sf)  }
0x1c4: {  	s4 =	simm.s32 $0xC838;
	p0 =	sgt.u32 s7, $0x9C270  }
0x1c5: {  	s2 =	sadd.s32 $0xFFFFFFFF, s2;
	s0 =	sand.u32 @!p0 $0xFFFF8, s7;
	s5 =	sadd.s32 @!p0 $0x80, s7  }
0x1c6: {  	s9 =	sadd.s32 @!p0 s1, s0;
	s0 =	sand.u32 @!p0 $0x7, s7;
	s5 =	sand.u32 @!p0 $0x1FFFF8, s5  }
0x1c7: {  	[hbm4b:s9+s0] =	stream.linear.scatter @!p0 [tilespmem:s4], [sflag:$0x5], $0x80, $0x38;
	[tilespmem:$0x1C928] =	vst v63  }
0x1c8: {  	p1 =	sne.s32 s2, $0x0;
	s4 =	simm.s32 @!p0 $0xC8B8;
	s5 =	sadd.s32 @!p0 s1, s5  }
0x1c9: {  	[hbm4b:s5+s0] =	stream.linear.scatter @!p0 [tilespmem:s4], [sflag:$0x5], $0x80, $0x38;
	[tilespmem:$0x1C928] =	vst v63  }
.Ltmp41:
0x1ca: {  	s6 =	simm.s32 $0x0;
	s8 =	sadd.s32 @!p0 $0x100, s7;
	(pc) =	sbr.rel @!p1 .LBB2_55-.Ltmp41, $4  }
0x1cb: {  	s6 =	simm.s32 @!p0 $0x800;
	s8 =	sand.u32 @!p0 $0x1FFFF8, s8;
	s4 =	simm.s32 @!p0 $0xC938  }
0x1cc: {  	s5 =	sadd.s32 @!p0 s1, s8;
	s8 =	sadd.s32 @!p0 $0x180, s7;
	s7 =	simm.s32 @!p0 $0xC9B8  }
0x1cd: {  	[hbm4b:s5+s0] =	stream.linear.scatter @!p0 [tilespmem:s4], [sflag:$0x5], $0x80, $0x38;
	[tilespmem:$0x1C928] =	vst v63  }
0x1ce: {  	s8 =	sand.u32 @!p0 $0x1FFFF8, s8;
	s4 =	simm.s32 $0xC819;
	s5 =	simm.s32 $0xCA38  }
.LBB2_54:
0x1cf: {  	s2 =	sadd.s32 $0xFFFFFFFF, s2;
	s8 =	sadd.s32 @!p0 s1, s8;
	s3 =	sadd.s32 s3, s6  }
0x1d0: {  	[hbm4b:s8+s0] =	stream.linear.scatter @!p0 [tilespmem:s7], [sflag:$0x5], $0x80, $0x38;
	[tilespmem:$0x1C928] =	vst v63  }
0x1d1: {  	p1 =	sne.s32 s2, $0x0;
	s7 =	smov.u32 s5;
	v0 =	vld.msk [tilespmem:s4+$0x0], $0x1;
	_ =	sdelay $0x4  }
0x1d2: {  	(v2sf) =	vpush v0, $0x0;
	_ =	sdelay $0xe  }
0x1d3: {  	s6 =	spop (v2sf)  }
0x1d4: {  	s5 =	sadd.s32 $0x200, s5;
	s4 =	sadd.s32 $0x1, s4;
	p0 =	sgt.u32 s6, $0x9C270  }
0x1d5: {  	s0 =	sand.u32 @!p0 $0xFFFF8, s6;
	s8 =	sadd.s32 @!p0 $0x80, s6;
	s9 =	sadd.s32 @!p0 $0x100, s6  }
0x1d6: {  	s10 =	sadd.s32 @!p0 s1, s0;
	s0 =	sand.u32 @!p0 $0x7, s6;
	s8 =	sand.u32 @!p0 $0x1FFFF8, s8  }
0x1d7: {  	[hbm4b:s10+s0] =	stream.linear.scatter @!p0 [tilespmem:s7], [sflag:$0x5], $0x80, $0x38;
	[tilespmem:$0x1C928] =	vst v63  }
0x1d8: {  	s9 =	sand.u32 @!p0 $0x1FFFF8, s9;
	s10 =	sadd.s32 @!p0 $0x80, s7  }
.Ltmp42:
0x1d9: {  	s8 =	sadd.s32 @!p0 s1, s8;
	s9 =	sadd.s32 @!p0 s1, s9;
	(pc) =	sbr.rel @p1 .LBB2_54-.Ltmp42, $4  }
0x1da: {  	[hbm4b:s8+s0] =	stream.linear.scatter @!p0 [tilespmem:s10], [sflag:$0x5], $0x80, $0x38;
	[tilespmem:$0x1C928] =	vst v63  }
0x1db: {  	s8 =	sadd.s32 @!p0 $0x100, s7;
	s10 =	sadd.s32 @!p0 $0x180, s6;
	s6 =	simm.s32 $0x0  }
0x1dc: {  	[hbm4b:s9+s0] =	stream.linear.scatter @!p0 [tilespmem:s8], [sflag:$0x5], $0x80, $0x38;
	[tilespmem:$0x1C928] =	vst v63  }
0x1dd: {  	s7 =	sadd.s32 @!p0 $0x180, s7;
	s6 =	simm.s32 @!p0 $0x800;
	s8 =	sand.u32 @!p0 $0x1FFFF8, s10  }
.LBB2_55:
0x1de: {  	s1 =	sadd.s32 @!p0 s1, s8;
	s31 =	sadd.s32 s3, s6  }
0x1df: {  	[hbm4b:s1+s0] =	stream.linear.scatter @!p0 [tilespmem:s7], [sflag:$0x5], $0x80, $0x38;
	[tilespmem:$0x1C928] =	vst v63  }
0x1e0: {  	s3 =	sshrl.u32 s31, $0x2  }
.LBB2_56:
0x1e1: {  	s0 =	simm.s32 $0x5  }
0x1e2: {  	_ =	swait.ge [sflag:s0], s3  }
0x1e3: {  	s1 =	ssub.s32 $0x0, s3;
	[sflag:s0] =	ssyncset.done $0x0  }
0x1e4: {  	[sflag:s0] =	ssyncadd.s32 s1  }
0x1e5: {  	[sflag:s0] =	ssyncpa.u1 $0x1  }
0x1e6: {  	s30 =	simm.s32 $0x1;
	_ =	sfence  }
0x1e7: {  	[sflag:s30] =	ssyncpa.u1 $0x1  }
0x1e8: {  	_ =	strace $0x90000053  }
0x1e9: {  	[bflag:$0x2] =	sbarrier.arrive $0xFFFF  }
0x1ea: {  	s31 =	rddreg [dreg:$0x1]  }
0x1eb: {  	s0 =	sadd.s32 $0x100000, s31  }
0x1ec: {  	[sflag:s0] =	ssyncadd.tile.s32 $0x1;
	_ =	shalt  }
.Lfunc_end2:
_tile_overlayer_lowered:
.L_overlay_start_2:
0x1ed: {  	(tag) =	ssettag $0x2  }
0x1ee: {  	s0 =	rddreg [dreg:$0x0];
	s2 =	stileid.u32  }
0x1ef: {  	s1 =	rddreg [dreg:$0x1];
	p0 =	sne.s32 s2, $0x0  }
0x1f0: {  	s3 =	rddreg [dreg:$0x2];
	[bflag:$0x3] =	sbarrier.arrive $0xFFFF;
	s2 =	simm.s32 @!p0 $0x1C01  }
0x1f1: {  	[timem:s3], [sflag:s2] =	dma.local @!p0 [hbm:s0], s1  }
0x1f2: {  	s0 =	simm.s32 @!p0 $0x1  }
0x1f3: {  	_ =	swait.ge @!p0 [sflag:s0], s1  }
0x1f4: {  	s1 =	ssub.s32 @!p0 $0x0, s1;
	[sflag:s0] =	ssyncset.done @!p0 $0x0  }
0x1f5: {  	[sflag:s0] =	ssyncadd.s32 @!p0 s1  }
0x1f6: {  	[bflag:$0x3] =	sbarrier.arrive $0xFFFF  }
0x1f7: {  	_ =	shalt  }

// kernel: scatter_offload_async_start.5
scs
__scs_entry_jumppad:
0x0: {  	(pc) =	sbr.rel $0x88, $3  }
0x1: {  	(tag) =	ssettag $0x0;
	lr =	simm.s32 $0x1  }
0x2: {  	[smem:$0x3F92] =	sst lr;
	_ =	strace $0xD0000000  }
0x3: {  	_ = 	snop  }
0x4: {  	_ = 	snop  }
0x5: {  	_ = 	snop  }
0x6: {  	_ = 	snop  }
0x7: {  	_ = 	snop  }
__scs_overlays_trampoline_lowered:
0x8: {  	[smem:$0x3FA1] =	sst s0  }
0x9: {  	[smem:$0x3FA2] =	sst s1  }
0xa: {  	[smem:$0x3FA3] =	sst s2  }
0xb: {  	[smem:$0x3FA4] =	sst s3  }
0xc: {  	[smem:$0x3FA5] =	sst s4  }
0xd: {  	[smem:$0x3FA6] =	sst s5  }
0xe: {  	[smem:$0x3FA7] =	sst s6  }
0xf: {  	[smem:$0x3FA8] =	sst s7  }
0x10: {  	[smem:$0x3FA9] =	sst s8  }
0x11: {  	[smem:$0x3FAA] =	sst s9;
	s0 =	simm.s32 @!p0 $0x0  }
0x12: {  	s1 =	sld [smem:$0x3F90];
	s0 =	simm.s32 @p0 $0x1  }
0x13: {  	[smem:$0x3FAB] =	sst s0;
	s0 =	simm.s32 @!p1 $0x0  }
0x14: {  	s2 =	sld [smem:$0x3F8F];
	s0 =	simm.s32 @p1 $0x1  }
0x15: {  	[smem:$0x3FAC] =	sst s0;
	s0 =	simm.s32 @!p2 $0x0  }
0x16: {  	s3 =	sld [smem:$0x3FDB];
	s0 =	simm.s32 @p2 $0x1  }
0x17: {  	s4 =	simm.s32 $0x1BF5;
	[smem:$0x3FAE] =	sst s0  }
0x18: {  	s0 =	sld [smem:$0x3F91];
	_ =	swait.ge [sflag:s4], $0x0  }
0x19: {  	s7 =	sld [smem:$0x3F92]  }
0x1a: {  	s8 =	sadd.s32 $0xFFFFE003, lr  }
0x1b: {  	s9 =	sadd.s32 $0xFFFFFEF7, lr;
	s5 =	simm.s32 $0xFFFFFFFF;
	p2 =	slt.u32 s8, $0xFFFFF086  }
0x1c: {  	p1 =	slt.u32 s9, $0xF7A;
	s5 =	simm.s32 @!p2 $0x0  }
0x1d: {  	s5 =	simm.s32 @p1 $0x1;
	p0 =	seq.s32 s7, s2  }
0x1e: {  	s7 =	smul.u32 @!p0 $0xF7A, s2;
	p2 =	seq.s32 @!p0 s5, $0x0  }
0x1f: {  	s9 =	smul.u32 $0xF7A, s1;
	s8 =	simm.s32 @!p0 $0x1BF5;
	p2 =	por !p2, p0  }
0x20: {  	[sflag:s8] =	ssyncset.s32 @!p0 $0xFFFFF086;
	s6 =	sadd.s32 @!p0 s3, s7;
	s7 =	simm.s32 @!p0 $0x108  }
0x21: {  	s3 =	sadd.s32 s3, s9;
	s6 =	sadd.s32 @!p0 $0x88, s6;
	s7 =	simm.s32 @p2 $0x1082  }
0x22: {  	[simem:s7], [sflag:s8] =	dma.local @!p0 [hbm:s6], $0xF7A  }
0x23: {  	s9 =	sor.u32 $0xD0000000, s2;
	s6 =	simm.s32 $0x108;
	_ =	swait.ge @!p0 [sflag:s8], $0x0  }
0x24: {  	s3 =	sadd.s32 $0x88, s3;
	s6 =	simm.s32 @!p1 $0x1082;
	[sflag:s4] =	ssyncset.s32 $0xFFFFF086  }
0x25: {  	[simem:s6], [sflag:s4] =	dma.local [hbm:s3], $0xF7A  }
0x26: {  	[smem:$0x3F92] =	sst s1;
	(tag) =	ssettag s2;
	_ =	strace s9  }
0x27: {  	s1 =	sld [smem:$0x3FA2]  }
0x28: {  	s2 =	sld [smem:$0x3FA3]  }
0x29: {  	s4 =	sld [smem:$0x3FA5]  }
0x2a: {  	p0 =	seq.s32 s5, $0x0;
	s5 =	sld [smem:$0x3FA6]  }
0x2b: {  	s6 =	sld [smem:$0x3FA7]  }
0x2c: {  	s7 =	sld [smem:$0x3FA8]  }
0x2d: {  	s3 =	simm.s32 $0x108;
	s8 =	sld [smem:$0x3FA9]  }
0x2e: {  	s3 =	simm.s32 @!p0 $0x1082;
	s9 =	sld [smem:$0x3FAA]  }
0x2f: {  	lr =	sadd.s32 s0, s3;
	s0 =	sld [smem:$0x3FA1]  }
0x30: {  	s3 =	sld [smem:$0x3FA4]  }
0x31: {  	[smem:$0x3FAD] =	sst s10  }
0x32: {  	s10 =	sld [smem:$0x3FAB];
	_ =	sdelay $0x3  }
0x33: {  	p0 =	seq.s32 s10, $0x1;
	s10 =	sld [smem:$0x3FAD];
	_ =	sdelay $0x3  }
0x34: {  	[smem:$0x3FAD] =	sst s10  }
0x35: {  	s10 =	sld [smem:$0x3FAC];
	_ =	sdelay $0x3  }
0x36: {  	p1 =	seq.s32 s10, $0x1;
	s10 =	sld [smem:$0x3FAD];
	_ =	sdelay $0x3  }
0x37: {  	[smem:$0x3FAD] =	sst s10  }
0x38: {  	s10 =	sld [smem:$0x3FAE]  }
0x39: {  	_ = 	snop;
	(pc) =	sbr.ind lr, $3  }
0x3a: {  	_ = 	snop  }
0x3b: {  	_ = 	snop  }
0x3c: {  	p2 =	seq.s32 s10, $0x1;
	s10 =	sld [smem:$0x3FAD]  }
0x3d: {  	_ =	shalt  }
0x3e: {  	_ =	shalt  }
0x3f: {  	_ =	shalt  }
0x40: {  	_ =	shalt  }
0x41: {  	_ =	shalt  }
0x42: {  	_ =	shalt  }
0x43: {  	_ =	shalt  }
0x44: {  	_ =	shalt  }
0x45: {  	_ =	shalt  }
0x46: {  	_ =	shalt  }
0x47: {  	_ =	shalt  }
0x48: {  	_ =	shalt  }
0x49: {  	_ =	shalt  }
0x4a: {  	_ =	shalt  }
0x4b: {  	_ =	shalt  }
0x4c: {  	_ =	shalt  }
0x4d: {  	_ =	shalt  }
0x4e: {  	_ =	shalt  }
0x4f: {  	_ =	shalt  }
0x50: {  	_ =	shalt  }
0x51: {  	_ =	shalt  }
0x52: {  	_ =	shalt  }
0x53: {  	_ =	shalt  }
0x54: {  	_ =	shalt  }
0x55: {  	_ =	shalt  }
0x56: {  	_ =	shalt  }
0x57: {  	_ =	shalt  }
0x58: {  	_ =	shalt  }
0x59: {  	_ =	shalt  }
0x5a: {  	_ =	shalt  }
0x5b: {  	_ =	shalt  }
0x5c: {  	_ =	shalt  }
0x5d: {  	_ =	shalt  }
0x5e: {  	_ =	shalt  }
0x5f: {  	_ =	shalt  }
0x60: {  	_ =	shalt  }
0x61: {  	_ =	shalt  }
0x62: {  	_ =	shalt  }
0x63: {  	_ =	shalt  }
0x64: {  	_ =	shalt  }
0x65: {  	_ =	shalt  }
0x66: {  	_ =	shalt  }
0x67: {  	_ =	shalt  }
0x68: {  	_ =	shalt  }
0x69: {  	_ =	shalt  }
0x6a: {  	_ =	shalt  }
0x6b: {  	_ =	shalt  }
0x6c: {  	_ =	shalt  }
0x6d: {  	_ =	shalt  }
0x6e: {  	_ =	shalt  }
0x6f: {  	_ =	shalt  }
0x70: {  	_ =	shalt  }
0x71: {  	_ =	shalt  }
0x72: {  	_ =	shalt  }
0x73: {  	_ =	shalt  }
0x74: {  	_ =	shalt  }
0x75: {  	_ =	shalt  }
0x76: {  	_ =	shalt  }
0x77: {  	_ =	shalt  }
0x78: {  	_ =	shalt  }
0x79: {  	_ =	shalt  }
0x7a: {  	_ =	shalt  }
0x7b: {  	_ =	shalt  }
0x7c: {  	_ =	shalt  }
0x7d: {  	_ =	shalt  }
0x7e: {  	_ =	shalt  }
0x7f: {  	_ =	shalt  }
0x80: {  	_ =	shalt  }
0x81: {  	_ =	shalt  }
0x82: {  	_ =	shalt  }
0x83: {  	_ =	shalt  }
0x84: {  	_ =	shalt  }
0x85: {  	_ =	shalt  }
0x86: {  	_ =	shalt  }
0x87: {  	_ =	shalt  }
.Lfunc_end0:
.L_simem_size_0:
called_computation.5_lowered:
.L_overlay_start_0:
0x88: {  	s0 =	sld [smem:$0x3FD9]  }
0x89: {  	s1 =	sld [smem:$0x3FFE];
	_ =	sdelay $0x3  }
0x8a: {  	s0 =	sadd.s32 s1, s0  }
0x8b: {  	[smem:$0x3FB9] =	sst s0  }
0x8c: {  	_ = 	snop  }
0x8d: {  	(tm) =	ssettm $0x1  }
0x8e: {  	s15 =	sld [smem:$0x3FFB];
	_ =	sdelay $0x3  }
0x8f: {  	_ =	strace s15  }
0x90: {  	s0 =	sld [smem:$0x3FFC];
	_ =	sdelay $0x3  }
0x91: {  	_ =	strace s0  }
0x92: {  	s0 =	sld [smem:$0x3FFD];
	_ =	sdelay $0x3  }
0x93: {  	_ =	strace s0  }
0x94: {  	_ =	strace $0x8FFFFFFF  }
0x95: {  	s16 =	sld [smem:$0x3FDB];
	_ =	sdelay $0x1  }
0x96: {  	s17 =	simm.s32 $_scs_section_size  }
0x97: {  	s2 =	simm.s32 $_size__tile_overlayer_lowered;
	s3 =	simm.s32 $_tile_overlayer_lowered  }
0x98: {  	s20 =	simm.s32 $0x1BFF;
	s19 =	sshll.u32 s3, $0x1;
	s0 =	sadd.s32 s17, s16  }
0x99: {  	s4 =	simm.s32 $0x0;
	s18 =	sshll.u32 s2, $0x1;
	s2 =	sadd.s32 s19, s0  }
0x9a: {  	[timem:s4], [sflag:s20] =	dma.local [hbm:s2], s18  }
0x9b: {  	_ =	swait.ge [sflag:s20], s18  }
0x9c: {  	s1 =	ssub.s32 $0x0, s18;
	[sflag:s20] =	ssyncset.done $0x0  }
0x9d: {  	[sflag:s20] =	ssyncadd.s32 s1;
	_ =	sdelay $0x1  }
0x9e: {  	s21 =	simm.s32 $0x1B8B  }
0x9f: {  	_ =	swait.ge [sflag:s21], $0x1  }
0xa0: {  	[sflag:s21] =	ssyncset.done $0x0  }
0xa1: {  	s23 =	simm.s32 $0x1B8E;
	s22 =	sld [smem:$0x3FFE];
	[sflag:s21] =	ssyncadd.s32 $0xFFFFFFFF  }
0xa2: {  	s24 =	simm.s32 $execute0_lowered;
	[smem:$0x3FD2] =	sst s23  }
0xa3: {  	s2 =	sshll.u32 s24, $0x1;
	_ =	strace $0x80000055;
	[dreg:$0x1] =	wrdreg $0xFFFFFFFF  }
0xa4: {  	s25 =	simm.s32 $_size_execute0_lowered;
	s0 =	sadd.s32 s0, s2;
	[dreg:$0x0] =	wrdreg $0x0  }
0xa5: {  	s2 =	sshll.u32 s25, $0x1;
	[dreg:$0x2] =	wrdreg s0  }
0xa6: {  	[dreg:$0x3] =	wrdreg s2  }
0xa7: {  	[dreg:$0x4] =	wrdreg $0xC0  }
0xa8: {  	_ =	task [dreg:s4], $0x5FFFF  }
0xa9: {  	[dreg:$0x1] =	wrdreg $0xFFFFFFFF  }
0xaa: {  	[dreg:$0x0] =	wrdreg $0x60  }
0xab: {  	[dreg:$0x2] =	wrdreg s22  }
0xac: {  	[dreg:$0x3] =	wrdreg $0x9  }
0xad: {  	_ =	task.clear_ibuf [dreg:s4], $0x4FFFF;
	_ =	strace $0x90000055  }
0xae: {  	s26 =	simm.s32 $0x9;
	_ =	strace $0x80000057  }
0xaf: {  	_ =	swait.ge [sflag:s26], $0x1  }
0xb0: {  	[sflag:s26] =	ssyncadd.s32 $0xFFFFFFFF  }
0xb1: {  	_ =	strace $0x90000057  }
0xb2: {  	_ =	sfence  }
0xb3: {  	s28 =	sld [smem:$0x0];
	_ =	sdelay $0x1  }
0xb4: {  	s29 =	srdreg.scid  }
0xb5: {  	s30 =	sshll.u32 s29, $0xD;
	s31 =	sshrl.u32 s29, $0x2  }
0xb6: {  	s1 =	sand.u32 $0x1, s29;
	s2 =	sand.u32 $0x4000, s30;
	s0 =	sadd.s32 s31, s28  }
0xb7: {  	s1 =	sor.u32 s2, s1;
	s0 =	sshll.u32 s0, $0x11  }
0xb8: {  	s0 =	sor.u32 s0, s1  }
0xb9: {  	s0 =	sadd.s32 $0x8F2B, s0  }
0xba: {  	[sflag:s0] =	ssyncadd.remote.s32 $0x1  }
0xbb: {  	_ =	sfence.sel $0xFFFF  }
0xbc: {  	[dreg:$0x0] =	wrdreg $0xFFFFFFFF;
	(pc) =	sbr.abs _section_cstart, $3  }
0xbd: {  	[dreg:$0x1] =	wrdreg $0xFFFFFFFF  }
0xbe: {  	_ =	task.clear_ibuf [dreg:s4], $0x2FFFF;
	_ =	strace $0x9FFFFFFF  }
0xbf: {  	(tm) =	ssettm $0x7FFFFFFF  }
tec
execute0_lowered:
.L_overlay_start_1:
0x0: {  	(tag) =	ssettag $0x1  }
0x1: {  	s6 =	rddreg [dreg:$0x0];
	_ =	strace $0x80000056;
	s0 =	simm.s32 $0x1  }
0x2: {  	v0 =	vimm.s32 $0x0;
	[sflag:s0] =	ssyncpa.u1 $0x0;
	s0 =	simm.s32 $0x408  }
0x3: {  	[tilespmem:s0+$0x70] =	vst v0  }
0x4: {  	[tilespmem:s0+$0x60] =	vst v0  }
0x5: {  	[tilespmem:s0+$0x50] =	vst v0  }
0x6: {  	[tilespmem:s0+$0x40] =	vst v0  }
0x7: {  	[tilespmem:s0+$0x30] =	vst v0  }
0x8: {  	s2 =	simm.s32 $0x40;
	[tilespmem:s0+$0x20] =	vst v0  }
0x9: {  	s1 =	sadd.s32 $0x9D000, s6;
	s3 =	sadd.s32 $0xC00, s6;
	s7 =	sadd.s32 $0x600, s6;
	[tilespmem:s0+$0x10] =	vst v0  }
.LBB2_1:
0xa: {  	s2 =	sadd.s32 $0x40, s2;
	[tilespmem:s0+$0x0] =	vst v0;
	s0 =	sadd.s32 $0x80, s0  }
0xb: {  	p0 =	slt.u32 s2, $0x3100;
	[tilespmem:s0+$0x70] =	vst v0  }
0xc: {  	[tilespmem:s0+$0x60] =	vst v0  }
.Ltmp0:
0xd: {  	[tilespmem:s0+$0x50] =	vst v0;
	(pc) =	sbr.rel @p0 .LBB2_1-.Ltmp0, $4  }
0xe: {  	[tilespmem:s0+$0x40] =	vst v0  }
0xf: {  	[tilespmem:s0+$0x30] =	vst v0  }
0x10: {  	[tilespmem:s0+$0x20] =	vst v0  }
0x11: {  	[tilespmem:s0+$0x10] =	vst v0  }
0x12: {  	s5 =	stileid.u32  }
0x13: {  	s2 =	simm.s32 $0x1;
	p0 =	sne.s32 s5, $0x0;
	s4 =	smul.u32 $0xD, s5  }
0x14: {  	s2 =	simm.s32 @!p0 $0x0  }
0x15: {  	s2 =	sadd.s32 s2, s4  }
0x16: {  	p1 =	seq.s32 s5, $0x0;
	s9 =	smul.u32 $0x30, s2;
	s2 =	simm.s32 $0x2A0  }
0x17: {  	s2 =	simm.s32 @!p1 $0x270  }
0x18: {  	s2 =	sadd.s32 s2, s9  }
0x19: {  	s11 =	smin.u32 s2, $0x2710  }
0x1a: {  	s2 =	ssub.s32 s11, s9  }
0x1b: {  	p1 =	sgt.s32 s2, $0x0  }
0x1c: {  	s28 =	simm.s32 $0x2;
	s8 =	simm.s32 $0x7;
	s2 =	simm.s32 @!p1 $0x0  }
0x1d: {  	s10 =	simm.s32 $0x1;
	s30 =	simm.s32 $0x8;
	s26 =	smul.u32 $0xAAAB, s2  }
0x1e: {  	s31 =	simm.s32 $0x9;
	s21 =	simm.s32 $0x0;
	p2 =	por $0x0, $0x0  }
0x1f: {  	s15 =	simm.s32 $0x80;
	s16 =	simm.s32 $0x400;
	s29 =	sshrl.u32 s26, $0x15  }
0x20: {  	s17 =	simm.s32 $0xA;
	s18 =	simm.s32 $0x0;
	s4 =	smul.u32 $0x30, s29  }
0x21: {  	[tilespmem:s0+$0x0] =	vst v0;
	s20 =	simm.s32 $0x0;
	[sflag:s28] =	ssyncpa.u1 $0x0;
	s13 =	sshll.u32 s5, $0xA  }
.Ltmp1:
0x22: {  	v0 =	vimm.s32 $0xFFFFFFFF;
	p1 =	sne.s32 s2, s4;
	s2 =	simm.s32 $0x1;
	(pc) =	sbr.rel .LBB2_3-.Ltmp1, $4  }
0x23: {  	[tilespmem:$0xC808] =	vst v0;
	[sflag:s8] =	ssyncpa.u1 $0x0;
	[dreg:$0x2] =	wrdreg s9;
	s2 =	simm.s32 @!p1 $0x0  }
0x24: {  	[sflag:s30] =	ssyncpa.u1 $0x0;
	[dreg:$0x3] =	wrdreg s11;
	s12 =	sadd.s32 s29, s2  }
0x25: {  	[sflag:s31] =	ssyncpa.u1 $0x0;
	s14 =	sadd.s32 $0x1, s12;
	[dreg:$0x4] =	wrdreg s12  }
0x26: {  	v0 =	vlaneseq.u32;
	s19 =	smov.u32 s9;
	p1 =	por $0x1, $0x1;
	[dreg:$0x5] =	wrdreg s14  }
.LBB2_33:
0x27: {  	s0 =	sshrl.u32 s29, $0x2  }
.LBB2_35:
0x28: {  	_ =	swait.ge [sflag:s17], s0  }
0x29: {  	s31 =	ssub.s32 $0x0, s0;
	v1 =	vmov s22;
	vm0 =	veq.s32 v0, $0x0;
	[sflag:s17] =	ssyncset.done $0x0  }
0x2a: {  	vm15 =	veq.s32 v0, $0x2;
	v1 =	vsel vm0, s28, v1;
	[sflag:s17] =	ssyncadd.s32 s31  }
0x2b: {  	v1 =	vsel vm15, s23, v1;
	[sflag:s17] =	ssyncpa.u1 $0x1  }
0x2c: {  	[tilespmem:$0xC808] =	vst v1  }
.LBB2_36:
0x2d: {  	s0 =	sadd.s32 $0x30, s19  }
0x2e: {  	s2 =	smov.u32 s9;
	p3 =	slt.s32 s0, s11  }
0x2f: {  	s2 =	smov.u32 @p3 s0;
	p3 =	sne.s32 s20, s14  }
.Ltmp2:
0x30: {  	_ = 	snop;
	(pc) =	sbr.rel @!p3 .LBB2_37-.Ltmp2, $4  }
0x31: {  	_ = 	snop  }
0x32: {  	s21 =	smov.u32 s18  }
0x33: {  	s31 =	sadd.s32 $0x1, s20;
	s18 =	smov.u32 s19;
	p1 =	por !p1, !p1  }
0x34: {  	p2 =	por !p2, !p2;
	s20 =	smov.u32 s31;
	s19 =	smov.u32 s2  }
.LBB2_3:
0x35: {  	p3 =	sge.u32 s20, s12  }
0x36: {  	s0 =	smulhi.u32 @!p3 $0xAAAAAAAB, s20  }
0x37: {  	s2 =	smov.u32 s19;
	p4 =	sgt.s32 @!p3 s19, $0x26E0  }
0x38: {  	s4 =	sshra.s32 @!p3 s19, $0x1F;
	p4 =	por !p4, p3;
	s0 =	sshrl.u32 @!p3 s0, $0x1  }
0x39: {  	s4 =	sand.u32 @!p3 s4, s19;
	s2 =	simm.s32 @p4 $0x26E0;
	s0 =	smul.u32 @!p3 $0x3, s0  }
0x3a: {  	s2 =	ssub.s32 @!p3 s2, s4  }
0x3b: {  	s2 =	sadd.s32 @!p3 $0xFFFFD920, s2;
	s0 =	ssub.s32 @!p3 s20, s0  }
0x3c: {  	s4 =	sshll.u32 @!p3 s2, $0x2;
	p4 =	sgt.s32 @!p3 s2, $0x2F;
	s0 =	smul.u32 @!p3 $0xC0, s0  }
0x3d: {  	s8 =	sand.u32 @!p3 $0x7, s19;
	s2 =	ssub.s32 @!p3 $0xC0, s4;
	p4 =	por !p4, p3  }
0x3e: {  	s4 =	sshrl.u32 @!p3 s19, $0x3;
	s2 =	sshrl.u32 @!p3 s2, $0x2;
	s0 =	sshrl.u32 @!p3 s0, $0x2  }
0x3f: {  	s4 =	sadd.s32 @!p3 s7, s4;
	s2 =	simm.s32 @!p4 $0x0;
	s0 =	sadd.s32 @!p3 $0x10838, s0  }
0x40: {  	[tilespmem:s0], [sflag:$0x8] =	stream.linear.gather @!p3 [hbm4b:s4+s8], s2, $0x38;
	[tilespmem:$0x1C928] =	vst v63  }
0x41: {  	s4 =	sadd.s32 $0xFFFFFFFF, s20  }
0x42: {  	p3 =	sge.u32 s4, s12  }
0x43: {  	p4 =	sgt.s32 @!p3 s18, $0x26E0  }
0x44: {  	s0 =	smov.u32 s18;
	s2 =	sshra.s32 @!p3 s18, $0x1F;
	p4 =	por !p4, p3  }
0x45: {  	s2 =	sand.u32 @!p3 s2, s18;
	s0 =	simm.s32 @p4 $0x26E0  }
0x46: {  	s0 =	ssub.s32 @!p3 s0, s2  }
0x47: {  	s0 =	sadd.s32 @!p3 $0xFFFFD920, s0  }
0x48: {  	s2 =	sshll.u32 @!p3 s0, $0x2  }
0x49: {  	p4 =	sgt.s32 @!p3 s0, $0x2F;
	s0 =	ssub.s32 @!p3 $0xC0, s2  }
0x4a: {  	p4 =	por !p4, p3;
	s0 =	sshrl.u32 @!p3 s0, $0x2  }
0x4b: {  	s8 =	simm.s32 @!p3 $0x8;
	s2 =	sand.u32 @!p3 $0x1, s4;
	s0 =	simm.s32 @!p4 $0x0  }
0x4c: {  	s2 =	smul.u32 @!p3 $0xC0, s2;
	_ =	swait.ge @!p3 [sflag:s8], s0  }
0x4d: {  	s22 =	ssub.s32 @!p3 $0x0, s0;
	[sflag:s8] =	ssyncset.done @!p3 $0x0  }
0x4e: {  	s2 =	sshrl.u32 @!p3 s2, $0x2;
	[sflag:s8] =	ssyncadd.s32 @!p3 s22;
	s8 =	sshrl.u32 @!p3 s18, $0x3  }
0x4f: {  	s2 =	sor.u32 @!p3 $0x108C8, s2;
	s22 =	sand.u32 @!p3 $0x7, s18;
	s8 =	sadd.s32 @!p3 s6, s8  }
0x50: {  	[tilespmem:s2], [sflag:$0x9] =	stream.linear.gather @!p3 [hbm4b:s8+s22], s0, $0x38;
	[tilespmem:$0x1C928] =	vst v63  }
0x51: {  	s0 =	ssub.s32 @!p3 $0x2710, s18  }
0x52: {  	p4 =	slt.s32 @!p3 s0, $0x1  }
0x53: {  	p4 =	por p3, p4  }
.Ltmp3:
0x54: {  	_ = 	snop;
	(pc) =	sbr.rel @p4 .LBB2_9-.Ltmp3, $1  }
0x55: {  	_ =	sdelay $0x3  }
0x56: {  	s2 =	smulhi.u32 $0xAAAAAAAB, s4;
	_ =	sdelay $0x1  }
0x57: {  	s2 =	sshrl.u32 s2, $0x1  }
0x58: {  	s2 =	smul.u32 $0x3, s2;
	_ =	sdelay $0x1  }
0x59: {  	s2 =	ssub.s32 s4, s2  }
0x5a: {  	s8 =	simm.s32 $0x1;
	s2 =	smul.u32 $0xC0, s2  }
.Ltmp4:
0x5b: {  	s8 =	simm.s32 @!p1 $0x0;
	(pc) =	sbr.rel .LBB2_6-.Ltmp4, $4  }
0x5c: {  	s31 =	smul.u32 $0x18000, s8  }
0x5d: {  	p4 =	slt.s32 @!p3 s0, $0x30;
	s2 =	sshrl.u32 s2, $0x2  }
0x5e: {  	p3 =	por !p4, p3;
	s4 =	sshrl.u32 s31, $0x2;
	s2 =	sadd.s32 $0x10838, s2  }
0x5f: {  	s0 =	simm.s32 @p3 $0x30;
	s22 =	sor.u32 $0x10928, s4;
	s4 =	simm.s32 $0x0;
	v1 =	vmov s2  }
.LBB2_5:
0x60: {  	p3 =	sge.s32 s4, s0  }
.Ltmp5:
0x61: {  	_ = 	snop;
	(pc) =	sbr.rel @p3 .LBB2_9-.Ltmp5, $2  }
0x62: {  	_ =	sdelay $0x2  }
0x63: {  	s22 =	sadd.s32 $0x2000, s22  }
.LBB2_6:
0x64: {  	p3 =	sle.s32 s0, s4  }
.Ltmp6:
0x65: {  	_ = 	snop;
	(pc) =	sbr.rel @p3 .LBB2_5-.Ltmp6, $2  }
0x66: {  	_ =	sdelay $0x2  }
0x67: {  	s2 =	smov.u32 s4;
	s4 =	sadd.s32 $0x10, s4  }
0x68: {  	s8 =	ssub.s32 s0, s2  }
0x69: {  	p3 =	slt.s32 s8, $0x10  }
0x6a: {  	s8 =	simm.s32 @!p3 $0x10  }
0x6b: {  	v2 =	vmov s8  }
0x6c: {  	vm0 =	vgt.s32 v2, v0;
	_ =	sdelay $0x5  }
0x6d: {  	v2 =	vld.idx.msk [tilespmem:v1+s2+$0x0 ss:$0x1], vm0;
	_ =	sdelay $0x2  }
0x6e: {  	s23 =	smov.u32 s0;
	p3 =	slt.s32 s4, s0  }
0x6f: {  	s24 =	simm.s32 $0x0;
	s23 =	smov.u32 @p3 s4;
	s8 =	smov.u32 s22  }
.LBB2_8:
0x70: {  	(v2sf) =	vpush v2, s24;
	_ =	sdelay $0xe  }
0x71: {  	s24 =	sadd.s32 $0x1, s24;
	s25 =	spop (v2sf)  }
0x72: {  	s31 =	sadd.s32 s24, s2;
	s26 =	sshll.u32 s25, $0x9;
	s25 =	sshll.u32 s25, $0x7  }
0x73: {  	p3 =	slt.s32 s31, s23;
	s26 =	sand.u32 $0xFFFFF000, s26;
	s25 =	sand.u32 $0x380, s25  }
.Ltmp7:
0x74: {  	s25 =	sor.u32 s25, s26;
	(pc) =	sbr.rel @p3 .LBB2_8-.Ltmp7, $4  }
0x75: {  	s25 =	sshrl.u32 s25, $0x3  }
0x76: {  	s25 =	sadd.s32 s3, s25  }
0x77: {  	[tilespmem:s8], [sflag:$0x7] =	stream.strided.gather [hbm4b:s25+s15], $0x200, s16, s15, $0x38;
	[tilespmem:$0x1C928] =	vst v63  }
0x78: {  	s8 =	sadd.s32 $0x200, s8  }
.Ltmp8:
0x79: {  	_ = 	snop;
	(pc) =	sbr.rel .LBB2_5-.Ltmp8, $1  }
0x7a: {  	_ =	sdelay $0x3  }
.LBB2_9:
0x7b: {  	p3 =	slt.u32 s20, $0x2  }
.Ltmp9:
0x7c: {  	_ = 	snop;
	(pc) =	sbr.rel @p3 .LBB2_36-.Ltmp9, $1  }
0x7d: {  	_ =	sdelay $0x3  }
0x7e: {  	p3 =	sgt.s32 s21, $0x26E0;
	s0 =	smov.u32 s21  }
0x7f: {  	s2 =	sshra.s32 s21, $0x1F;
	s4 =	ssub.s32 $0x2710, s21;
	s0 =	simm.s32 @!p3 $0x26E0  }
0x80: {  	s2 =	sand.u32 s2, s21;
	p3 =	slt.s32 s4, $0x30;
	s8 =	smov.u32 s4  }
0x81: {  	s0 =	ssub.s32 s0, s2;
	s8 =	simm.s32 @!p3 $0x30  }
0x82: {  	s0 =	sadd.s32 $0xFFFFD920, s0;
	s25 =	sshll.u32 s8, $0x9  }
0x83: {  	s5 =	simm.s32 $0x7;
	s26 =	sshll.u32 s0, $0x2;
	s2 =	sand.u32 $0x3FFFFE00, s25  }
0x84: {  	p3 =	sgt.s32 s0, $0x2F;
	s29 =	ssub.s32 $0xC0, s26;
	_ =	swait.ge [sflag:s5], s2  }
0x85: {  	s2 =	ssub.s32 $0x0, s2;
	[sflag:s5] =	ssyncset.done $0x0;
	s0 =	sshrl.u32 s29, $0x2  }
0x86: {  	s30 =	simm.s32 $0x9;
	[sflag:s5] =	ssyncadd.s32 s2;
	s0 =	simm.s32 @p3 $0x0  }
0x87: {  	_ =	swait.ge [sflag:s30], s0  }
0x88: {  	s0 =	ssub.s32 $0x0, s0;
	[sflag:s30] =	ssyncset.done $0x0  }
0x89: {  	[sflag:s30] =	ssyncadd.s32 s0  }
0x8a: {  	v1 =	vld [tilespmem:$0xC808];
	_ =	sdelay $0x4  }
0x8b: {  	(v2sf) =	vpush v1, $0x0  }
0x8c: {  	(v2sf) =	vpush v1, $0x1  }
0x8d: {  	(v2sf) =	vpush v1, $0x2;
	_ =	sdelay $0x3  }
0x8e: {  	s2 =	sadd.s32 $0x30, s21  }
0x8f: {  	p3 =	slt.s32 s11, s2  }
0x90: {  	s2 =	smov.u32 @p3 s11;
	p3 =	sgt.s32 s4, $0x0  }
0x91: {  	s21 =	ssub.s32 s2, s21;
	s4 =	simm.s32 @!p3 $0x0  }
0x92: {  	p3 =	slt.s32 s4, s21  }
0x93: {  	s21 =	smov.u32 @p3 s4  }
0x94: {  	s0 =	simm.s32 $0x1;
	p3 =	slt.s32 s21, $0x1  }
.Ltmp10:
0x95: {  	s0 =	simm.s32 @!p2 $0x0;
	(pc) =	sbr.rel @p3 .LBB2_14-.Ltmp10, $4  }
0x96: {  	s31 =	smul.u32 $0xC0, s0  }
0x97: {  	s25 =	spop (v2sf)  }
0x98: {  	s2 =	sshrl.u32 s31, $0x2;
	s22 =	spop (v2sf)  }
0x99: {  	s28 =	sor.u32 $0x108C8, s2;
	s23 =	spop (v2sf)  }
0x9a: {  	s2 =	smin.u32 s21, $0x10  }
0x9b: {  	v1 =	vmov s2  }
0x9c: {  	vm1 =	vgt.u32 v1, v0  }
0x9d: {  	p4 =	sgt.s32 s21, $0x10  }
.Ltmp11:
0x9e: {  	_ = 	snop;
	(pc) =	sbr.rel @!p4 .LBB2_13-.Ltmp11, $2  }
0x9f: {  	_ =	sdelay $0x2  }
0xa0: {  	s24 =	sadd.s32 $0xFFFFFFF0, s21;
	s4 =	smov.u32 s28;
	s2 =	simm.s32 $0x10;
	vm0 =	vmmov vm1;
	v1 =	vld.msk [tilespmem:s28+$0x0 ss:$0x1], vm1  }
.LBB2_12:
0xa1: {  	s8 =	smin.u32 s24, $0x10;
	s2 =	sadd.s32 $0x10, s2  }
0xa2: {  	v2 =	vmov s8;
	p4 =	slt.s32 s2, s21  }
0xa3: {  	vm1 =	vgt.u32 v2, v0;
	_ =	sdelay $0x1  }
0xa4: {  	v2 =	vshll.u32 v1, $0x6;
	v1 =	vshll.u32 v1, $0x4  }
.Ltmp12:
0xa5: {  	v2 =	vand.u32 $0xFFFFFE00, v2;
	v1 =	vand.u32 $0x70, v1;
	(pc) =	sbr.rel @p4 .LBB2_12-.Ltmp12, $4  }
0xa6: {  	v1 =	vor.u32 v1, v2  }
0xa7: {  	[tilespmem:s4+$0x0] =	vst.msk vm0, v1;
	s4 =	sadd.s32 $0x10, s4;
	vm0 =	vmmov vm1  }
0xa8: {  	v1 =	vld.msk [tilespmem:s4+$0x0 ss:$0x1], vm1  }
0xa9: {  	s24 =	sadd.s32 $0xFFFFFFF0, s24  }
.LBB2_13:
0xaa: {  	_ =	sdelay $0x3  }
0xab: {  	v2 =	vshll.u32 v1, $0x6;
	v1 =	vshll.u32 v1, $0x4  }
0xac: {  	v2 =	vand.u32 $0xFFFFFE00, v2;
	v1 =	vand.u32 $0x70, v1  }
0xad: {  	v1 =	vor.u32 v1, v2  }
0xae: {  	[tilespmem:s4+$0x0] =	vst.msk vm0, v1  }
.LBB2_14:
0xaf: {  	p4 =	sne.s32 s22, $0xFFFFFFFF  }
.Ltmp13:
0xb0: {  	_ = 	snop;
	(pc) =	sbr.rel @p4 .LBB2_18-.Ltmp13, $3  }
0xb1: {  	s0 =	smul.u32 $0x18000, s0;
	_ =	sdelay $0x1  }
0xb2: {  	s2 =	sand.u32 $0x1, s20;
	s0 =	sshrl.u32 s0, $0x2  }
0xb3: {  	s24 =	sor.u32 $0x10928, s0;
	s0 =	smul.u32 $0x30, s2  }
0xb4: {  	v2 =	vld [tilespmem:s24+$0x0]  }
0xb5: {  	s2 =	simm.s32 $0x408;
	s4 =	simm.s32 $0x0;
	s8 =	smov.u32 s24;
	v1 =	vld.msk [tilespmem:s0+$0x108C8], $0x1  }
.LBB2_16:
0xb6: {  	s4 =	sadd.s32 $0x10, s4  }
0xb7: {  	p4 =	slt.u32 s4, $0x1F0  }
.Ltmp14:
0xb8: {  	_ = 	snop;
	(pc) =	sbr.rel @p4 .LBB2_16-.Ltmp14, $3  }
0xb9: {  	_ =	sdelay $0x1  }
0xba: {  	s8 =	sadd.s32 $0x10, s8;
	[tilespmem:s2+$0x0] =	vst v2;
	s2 =	sadd.s32 $0x10, s2  }
0xbb: {  	v2 =	vld [tilespmem:s8+$0x0]  }
0xbc: {  	(v2sf) =	vpush v1, $0x0;
	_ =	sdelay $0xe  }
0xbd: {  	s25 =	spop (v2sf)  }
0xbe: {  	s23 =	simm.s32 $0x0;
	[tilespmem:s2+$0x0] =	vst v2;
	s22 =	smov.u32 s25  }
.LBB2_18:
.Ltmp15:
0xbf: {  	(pc) =	sbr.rel @p3 .LBB2_34-.Ltmp15, $2  }
0xc0: {  	_ =	sdelay $0x2  }
0xc1: {  	[sflag:s17] =	ssyncpa.u1 $0x0  }
0xc2: {  	v1 =	vld.msk [tilespmem:s28+$0x0], $0x1;
	_ =	sdelay $0x4  }
0xc3: {  	(v2sf) =	vpush v1, $0x0;
	_ =	sdelay $0xe  }
0xc4: {  	s31 =	spop (v2sf)  }
0xc5: {  	p3 =	seq.s32 s25, s31  }
0xc6: {  	s12 =	smov.u32 s7;
	p4 =	sgt.s32 @!p3 s25, $0x0  }
0xc7: {  	s7 =	smov.u32 s6;
	s2 =	smov.u32 s25;
	p4 =	por !p4, p3  }
0xc8: {  	s29 =	sadd.s32 $0x108C8, s0;
	s17 =	ssub.s32 $0x0, s21;
	s2 =	simm.s32 @p4 $0x0  }
0xc9: {  	s30 =	sadd.s32 $0x1, s17;
	s8 =	simm.s32 @!p3 $0x6608;
	s2 =	smin.u32 @!p3 s2, $0xE70  }
0xca: {  	p4 =	seq.s32 s30, $0x0;
	s4 =	sand.u32 @!p3 $0xFF8, s2;
	s9 =	sadd.s32 @!p3 $0x80, s2  }
0xcb: {  	s5 =	sadd.s32 @!p3 s1, s4;
	s4 =	sand.u32 @!p3 $0x7, s2;
	s9 =	sand.u32 @!p3 $0x1FF8, s9  }
0xcc: {  	[tilespmem:s8], [sflag:$0x2] =	stream.linear.gather @!p3 [hbm4b:s5+s4], $0x80, $0x38;
	[tilespmem:$0x1C928] =	vst v63  }
0xcd: {  	s11 =	sadd.s32 @!p3 $0x100, s2;
	s5 =	simm.s32 @!p3 $0x6688;
	s8 =	sadd.s32 @!p3 s1, s9  }
0xce: {  	[tilespmem:s5], [sflag:$0x2] =	stream.linear.gather @!p3 [hbm4b:s8+s4], $0x80, $0x38;
	[tilespmem:$0x1C928] =	vst v63  }
.Ltmp16:
0xcf: {  	s26 =	simm.s32 $0x0;
	s9 =	sand.u32 @!p3 $0x1FF8, s11;
	(pc) =	sbr.rel @p4 .LBB2_21-.Ltmp16, $4  }
0xd0: {  	s2 =	sadd.s32 @!p3 $0x180, s2;
	s5 =	simm.s32 @!p3 $0x6708;
	s8 =	sadd.s32 @!p3 s1, s9  }
0xd1: {  	[tilespmem:s5], [sflag:$0x2] =	stream.linear.gather @!p3 [hbm4b:s8+s4], $0x80, $0x38;
	[tilespmem:$0x1C928] =	vst v63  }
0xd2: {  	s28 =	sadd.s32 $0x1, s28;
	s0 =	simm.s32 @!p3 $0x1;
	s5 =	sand.u32 @!p3 $0x1FF8, s2  }
0xd3: {  	s0 =	smov.u32 @p3 s26;
	s2 =	simm.s32 @!p3 $0x6788;
	s8 =	sadd.s32 @!p3 s1, s5  }
.LBB2_20:
0xd4: {  	s5 =	smov.u32 s0  }
0xd5: {  	[tilespmem:s2], [sflag:$0x2] =	stream.linear.gather @!p3 [hbm4b:s8+s4], $0x80, $0x38;
	[tilespmem:$0x1C928] =	vst v63  }
0xd6: {  	s30 =	sadd.s32 $0x1, s30;
	s2 =	smov.u32 s31  }
0xd7: {  	p4 =	seq.s32 s30, $0x0;
	v1 =	vld.msk [tilespmem:s28+$0x0], $0x1;
	_ =	sdelay $0x4  }
0xd8: {  	(v2sf) =	vpush v1, $0x0;
	_ =	sdelay $0xe  }
0xd9: {  	s31 =	spop (v2sf)  }
0xda: {  	p3 =	seq.s32 s2, s31  }
0xdb: {  	p5 =	sgt.s32 @!p3 s2, $0x0  }
0xdc: {  	s4 =	sshll.u32 @!p3 s0, $0xB;
	s0 =	sadd.s32 @!p3 $0x1, s0;
	p5 =	por !p5, p3  }
0xdd: {  	s4 =	sshra.s32 @!p3 s4, $0x2;
	s0 =	smov.u32 @p3 s5;
	s2 =	simm.s32 @p5 $0x0  }
0xde: {  	s5 =	sadd.s32 @!p3 $0x6608, s4;
	s8 =	sadd.s32 @!p3 $0x6688, s4;
	s9 =	smin.u32 @!p3 s2, $0xE70  }
0xdf: {  	s11 =	sadd.s32 @!p3 $0x6708, s4;
	s2 =	sadd.s32 @!p3 $0x6788, s4;
	s4 =	sand.u32 @!p3 $0xFF8, s9  }
0xe0: {  	s14 =	sadd.s32 @!p3 $0x80, s9;
	s6 =	sadd.s32 @!p3 $0x100, s9;
	s17 =	sadd.s32 @!p3 s1, s4  }
0xe1: {  	s4 =	sand.u32 @!p3 $0x7, s9;
	s14 =	sand.u32 @!p3 $0x1FF8, s14;
	s6 =	sand.u32 @!p3 $0x1FF8, s6  }
0xe2: {  	[tilespmem:s5], [sflag:$0x2] =	stream.linear.gather @!p3 [hbm4b:s17+s4], $0x80, $0x38;
	[tilespmem:$0x1C928] =	vst v63  }
.Ltmp17:
0xe3: {  	s9 =	sadd.s32 @!p3 $0x180, s9;
	s5 =	sadd.s32 @!p3 s1, s14;
	(pc) =	sbr.rel @!p4 .LBB2_20-.Ltmp17, $4  }
0xe4: {  	[tilespmem:s8], [sflag:$0x2] =	stream.linear.gather @!p3 [hbm4b:s5+s4], $0x80, $0x38;
	[tilespmem:$0x1C928] =	vst v63  }
0xe5: {  	s5 =	sadd.s32 @!p3 s1, s6;
	s6 =	sand.u32 @!p3 $0x1FF8, s9  }
0xe6: {  	[tilespmem:s11], [sflag:$0x2] =	stream.linear.gather @!p3 [hbm4b:s5+s4], $0x80, $0x38;
	[tilespmem:$0x1C928] =	vst v63  }
0xe7: {  	s28 =	sadd.s32 $0x1, s28;
	s8 =	sadd.s32 @!p3 s1, s6  }
.LBB2_21:
0xe8: {  	[tilespmem:s2], [sflag:$0x2] =	stream.linear.gather @!p3 [hbm4b:s8+s4], $0x80, $0x38;
	[tilespmem:$0x1C928] =	vst v63  }
0xe9: {  	s0 =	sshll.u32 s0, $0x9  }
0xea: {  	s31 =	simm.s32 $0x2;
	s0 =	sand.u32 $0x3FFFFE00, s0  }
.Ltmp18:
0xeb: {  	_ =	swait.ge [sflag:s31], s0;
	(pc) =	sbr.rel .LBB2_22-.Ltmp18, $4  }
0xec: {  	v1 =	vmov s29;
	s29 =	simm.s32 $0x0;
	s30 =	simm.s32 $0x0;
	s9 =	rddreg [dreg:$0x2]  }
0xed: {  	s6 =	smov.u32 s7;
	s7 =	smov.u32 s12;
	s11 =	rddreg [dreg:$0x3]  }
0xee: {  	s0 =	ssub.s32 $0x0, s0;
	[sflag:s31] =	ssyncset.done $0x0;
	s12 =	rddreg [dreg:$0x4]  }
0xef: {  	s17 =	simm.s32 $0xA;
	s14 =	rddreg [dreg:$0x5];
	[sflag:s31] =	ssyncadd.s32 s0  }
.LBB2_31:
0xf0: {  	[tilespmem:s0+$0x0] =	vst v2;
	s26 =	sadd.s32 $0x1, s26  }
.LBB2_32:
0xf1: {  	s30 =	sadd.s32 $0x1, s30  }
0xf2: {  	p3 =	sne.s32 s30, s21  }
.Ltmp19:
0xf3: {  	_ = 	snop;
	(pc) =	sbr.rel @!p3 .LBB2_33-.Ltmp19, $2  }
0xf4: {  	_ =	sdelay $0x2  }
0xf5: {  	s24 =	sadd.s32 $0x200, s24;
	s25 =	smov.u32 s28  }
.LBB2_22:
0xf6: {  	_ =	sdelay $0x3  }
0xf7: {  	v2 =	vld.idx.msk [tilespmem:v1+s30+$0x0 ss:$0x1], $0x1;
	_ =	sdelay $0x4  }
0xf8: {  	(v2sf) =	vpush v2, $0x0;
	_ =	sdelay $0xe  }
0xf9: {  	s28 =	spop (v2sf)  }
0xfa: {  	p3 =	sne.s32 s25, s28  }
.Ltmp20:
0xfb: {  	_ = 	snop;
	(pc) =	sbr.rel @p3 .LBB2_25-.Ltmp20, $3  }
0xfc: {  	_ =	sdelay $0x1  }
0xfd: {  	s0 =	sshll.u32 s23, $0xB  }
0xfe: {  	s0 =	sshra.s32 s0, $0x2  }
0xff: {  	s2 =	sadd.s32 $0x408, s0;
	v3 =	vld [tilespmem:s24+$0x0]  }
0x100: {  	v2 =	vld [tilespmem:s2+$0x0];
	_ =	sdelay $0x4  }
0x101: {  	v2 =	vmax.f32 v3, v2  }
0x102: {  	s0 =	simm.s32 $0x0;
	s4 =	smov.u32 s24;
	[tilespmem:s2+$0x0] =	vst v2;
	s2 =	sadd.s32 $0x10, s2  }
.LBB2_24:
0x103: {  	v2 =	vld [tilespmem:s2+$0x0];
	s4 =	sadd.s32 $0x10, s4  }
0x104: {  	s0 =	sadd.s32 $0x10, s0;
	v3 =	vld [tilespmem:s4+$0x0]  }
0x105: {  	p3 =	slt.u32 s0, $0x1F0  }
.Ltmp21:
0x106: {  	(pc) =	sbr.rel @p3 .LBB2_24-.Ltmp21, $3  }
0x107: {  	_ =	sdelay $0x1  }
0x108: {  	v2 =	vmax.f32 v3, v2  }
0x109: {  	[tilespmem:s2+$0x0] =	vst v2;
	s2 =	sadd.s32 $0x10, s2  }
.Ltmp22:
0x10a: {  	_ = 	snop;
	(pc) =	sbr.rel .LBB2_32-.Ltmp22, $1  }
0x10b: {  	_ =	sdelay $0x3  }
.LBB2_25:
0x10c: {  	p3 =	seq.s32 s25, s22  }
.Ltmp23:
0x10d: {  	_ = 	snop;
	(pc) =	sbr.rel @!p3 .LBB2_26-.Ltmp23, $1  }
0x10e: {  	_ =	sdelay $0x3  }
.Ltmp24:
0x10f: {  	s0 =	sadd.s32 $0x408, s0;
	(pc) =	sbr.rel .LBB2_29-.Ltmp24, $4  }
0x110: {  	[spmem:s13] =	stream.linear.scatter [tilespmem:s0], [sflag:$0x1], $0x200, $0x38;
	[tilespmem:$0x1C928] =	vst v63  }
0x111: {  	_ =	swait.ge [sflag:s10], $0x200  }
0x112: {  	[sflag:s10] =	ssyncset.done $0x0  }
0x113: {  	[sflag:s10] =	ssyncadd.s32 $0xFFFFFE00  }
.LBB2_26:
0x114: {  	s2 =	sshll.u32 s26, $0xB  }
0x115: {  	s2 =	sshra.s32 s2, $0x2  }
0x116: {  	s4 =	sadd.s32 $0x6608, s2;
	s2 =	sadd.s32 $0x408, s0  }
0x117: {  	v2 =	vld [tilespmem:s2+$0x0]  }
0x118: {  	v3 =	vld [tilespmem:s4+$0x0];
	_ =	sdelay $0x4  }
0x119: {  	v2 =	vmax.f32 v3, v2  }
0x11a: {  	s31 =	simm.s32 $0x0;
	s8 =	sadd.s32 $0x10, s2;
	[tilespmem:s2+$0x0] =	vst v2  }
.LBB2_27:
0x11b: {  	v2 =	vld [tilespmem:s8+$0x0];
	s4 =	sadd.s32 $0x10, s4  }
0x11c: {  	s31 =	sadd.s32 $0x10, s31;
	v3 =	vld [tilespmem:s4+$0x0]  }
0x11d: {  	p3 =	slt.u32 s31, $0x1F0  }
.Ltmp25:
0x11e: {  	(pc) =	sbr.rel @p3 .LBB2_27-.Ltmp25, $3  }
0x11f: {  	_ =	sdelay $0x1  }
0x120: {  	v2 =	vmax.f32 v3, v2  }
0x121: {  	[tilespmem:s8+$0x0] =	vst v2;
	s8 =	sadd.s32 $0x10, s8  }
0x122: {  	p3 =	sgt.u32 s25, $0xE70  }
0x123: {  	s4 =	sand.u32 @!p3 $0xFF8, s25  }
0x124: {  	s5 =	sand.u32 @!p3 $0x7, s25;
	s4 =	sadd.s32 @!p3 s1, s4  }
0x125: {  	[hbm4b:s4+s5] =	stream.linear.scatter @!p3 [tilespmem:s2], [sflag:$0xA], $0x80, $0x38;
	[tilespmem:$0x1C928] =	vst v63  }
0x126: {  	s2 =	sadd.s32 @!p3 $0x80, s25  }
0x127: {  	s2 =	sand.u32 @!p3 $0x1FF8, s2  }
0x128: {  	s4 =	sadd.s32 @!p3 $0x488, s0;
	s2 =	sadd.s32 @!p3 s1, s2  }
0x129: {  	[hbm4b:s2+s5] =	stream.linear.scatter @!p3 [tilespmem:s4], [sflag:$0xA], $0x80, $0x38;
	[tilespmem:$0x1C928] =	vst v63  }
0x12a: {  	s2 =	sadd.s32 @!p3 $0x100, s25  }
0x12b: {  	s2 =	sand.u32 @!p3 $0x1FF8, s2  }
0x12c: {  	s4 =	sadd.s32 @!p3 $0x508, s0;
	s2 =	sadd.s32 @!p3 s1, s2  }
0x12d: {  	[hbm4b:s2+s5] =	stream.linear.scatter @!p3 [tilespmem:s4], [sflag:$0xA], $0x80, $0x38;
	[tilespmem:$0x1C928] =	vst v63  }
0x12e: {  	s2 =	sadd.s32 @!p3 $0x180, s25;
	s4 =	simm.s32 $0x0  }
0x12f: {  	s2 =	sand.u32 @!p3 $0x1FF8, s2;
	s4 =	simm.s32 @!p3 $0x800  }
0x130: {  	s0 =	sadd.s32 @!p3 $0x588, s0;
	s2 =	sadd.s32 @!p3 s1, s2;
	s29 =	sadd.s32 s4, s29  }
0x131: {  	[hbm4b:s2+s5] =	stream.linear.scatter @!p3 [tilespmem:s0], [sflag:$0xA], $0x80, $0x38;
	[tilespmem:$0x1C928] =	vst v63  }
.LBB2_29:
0x132: {  	s0 =	sadd.s32 $0x1, s23  }
0x133: {  	s2 =	smulhi.u32 $0xAAAAAAAB, s0;
	_ =	sdelay $0x1  }
0x134: {  	s2 =	sshrl.u32 s2, $0x5  }
0x135: {  	s2 =	smul.u32 $0x30, s2;
	_ =	sdelay $0x1  }
0x136: {  	s23 =	ssub.s32 s0, s2  }
0x137: {  	s0 =	sshll.u32 s23, $0x9  }
0x138: {  	v2 =	vld [tilespmem:s24+$0x0];
	s4 =	smov.u32 s24;
	s2 =	simm.s32 $0x0;
	s0 =	sadd.s32 $0x408, s0  }
.LBB2_30:
0x139: {  	s2 =	sadd.s32 $0x10, s2  }
0x13a: {  	p3 =	slt.u32 s2, $0x1F0  }
.Ltmp26:
0x13b: {  	_ = 	snop;
	(pc) =	sbr.rel @p3 .LBB2_30-.Ltmp26, $3  }
0x13c: {  	_ =	sdelay $0x1  }
0x13d: {  	[tilespmem:s0+$0x0] =	vst v2;
	s0 =	sadd.s32 $0x10, s0;
	s4 =	sadd.s32 $0x10, s4  }
0x13e: {  	v2 =	vld [tilespmem:s4+$0x0]  }
.Ltmp27:
0x13f: {  	_ = 	snop;
	(pc) =	sbr.rel .LBB2_31-.Ltmp27, $1  }
0x140: {  	_ =	sdelay $0x3  }
.LBB2_34:
.Ltmp28:
0x141: {  	(pc) =	sbr.rel .LBB2_35-.Ltmp28, $4  }
0x142: {  	_ = 	snop  }
0x143: {  	s0 =	simm.s32 $0x2  }
0x144: {  	_ =	swait.ge [sflag:s0], $0x0  }
0x145: {  	s28 =	smov.u32 s25;
	[sflag:s0] =	ssyncset.done $0x0;
	s0 =	simm.s32 $0x0  }
.LBB2_37:
0x146: {  	_ =	sfence.sel $0x180000  }
0x147: {  	s0 =	simm.s32 $0x7;
	[bflag:$0x0] =	sbarrier.arrive $0xFFFF  }
0x148: {  	s24 =	simm.s32 $0x8;
	[sflag:s0] =	ssyncpa.u1 $0x1  }
0x149: {  	s25 =	simm.s32 $0x9;
	[sflag:s24] =	ssyncpa.u1 $0x1  }
0x14a: {  	s26 =	simm.s32 $0x2;
	[sflag:s25] =	ssyncpa.u1 $0x1  }
0x14b: {  	[sflag:s26] =	ssyncpa.u1 $0x1  }
0x14c: {  	v0 =	vld [tilespmem:$0xC808];
	_ =	sdelay $0x4  }
0x14d: {  	(v2sf) =	vpush v0, $0x0  }
0x14e: {  	(v2sf) =	vpush v0, $0x1;
	_ =	sdelay $0x1  }
0x14f: {  	(v2sf) =	vpush v0, $0x2;
	_ =	sdelay $0xb  }
0x150: {  	s0 =	spop (v2sf)  }
0x151: {  	s2 =	spop (v2sf)  }
0x152: {  	s3 =	smov.u32 s0;
	p1 =	sne.s32 s0, s2  }
0x153: {  	s4 =	spop (v2sf);
	s3 =	simm.s32 @!p1 $0xFFFFFFFF  }
0x154: {  	v2 =	vimm.s32 $0x1;
	v3 =	vlaneseq.u32;
	p1 =	seq.s32 s4, $0xFFFFFFFF;
	v1 =	vmov s3  }
0x155: {  	s28 =	stileid.u32;
	v0 =	vperm.xlane v0, v2;
	p2 =	sne.s32 @!p1 s0, s2;
	v1 =	vperm.xlane v1, v3  }
0x156: {  	vm0 =	vcmask $0x3F04;
	s6 =	simm.s32 $0xC808;
	s0 =	simm.s32 @!p1 $0x1;
	p2 =	por !p2, p1  }
0x157: {  	s3 =	sshll.u32 s28, $0x1;
	s2 =	sshll.u32 @!p1 s4, $0xB;
	s0 =	simm.s32 @p2 $0x0;
	v0 =	vsel vm0, v1, v0  }
0x158: {  	s5 =	sor.u32 $0x4000, s3;
	s2 =	sshra.s32 @!p1 s2, $0x2;
	s0 =	sor.u32 @!p1 s0, s3;
	[tilespmem:$0xC808] =	vst v0  }
0x159: {  	[spmem:s5] =	stream.linear.scatter [tilespmem:s6], [sflag:$0x1], $0x2, $0x38;
	[tilespmem:$0x1C928] =	vst v63  }
0x15a: {  	s2 =	sadd.s32 @!p1 $0x408, s2;
	s0 =	sshll.u32 @!p1 s0, $0x9  }
0x15b: {  	[spmem:s0] =	stream.linear.scatter @!p1 [tilespmem:s2], [sflag:$0x1], $0x200, $0x38;
	[tilespmem:$0x1C928] =	vst v63  }
0x15c: {  	s2 =	simm.s32 @!p1 $0x202  }
0x15d: {  	s0 =	simm.s32 $0x1;
	s2 =	simm.s32 @p1 $0x2  }
0x15e: {  	_ =	swait.ge [sflag:s0], s2  }
0x15f: {  	s2 =	ssub.s32 $0x0, s2;
	[sflag:s0] =	ssyncset.done $0x0  }
0x160: {  	[sflag:s0] =	ssyncadd.s32 s2  }
0x161: {  	_ =	sfence.stream.spmem  }
0x162: {  	s29 =	simm.s32 $0x3;
	[bflag:$0x0] =	sbarrier.arrive $0xFFFF  }
0x163: {  	s30 =	simm.s32 $0x4;
	[sflag:s29] =	ssyncpa.u1 $0x1  }
0x164: {  	s31 =	simm.s32 $0x3C;
	[sflag:s30] =	ssyncpa.u1 $0x1  }
0x165: {  	[sflag:s31] =	ssyncpa.u1 $0x1  }
0x166: {  	_ =	sfence @p0  }
0x167: {  	[sflag:s0] =	ssyncpa.u1 @p0 $0x1  }
0x168: {  	_ =	strace @p0 $0x90000056  }
0x169: {  	[bflag:$0x2] =	sbarrier.arrive @p0 $0xFFFF  }
0x16a: {  	_ =	shalt @p0  }
.LBB2_38:
0x16b: {  	_ =	sfence.stream.spmem;
	s0 =	simm.s32 $0x5  }
0x16c: {  	s2 =	simm.s32 $0x4000;
	s3 =	simm.s32 $0xC818;
	[sflag:s0] =	ssyncpa.u1 $0x0  }
0x16d: {  	[tilespmem:s3], [sflag:$0x5] =	stream.linear.gather [spmem:s2], $0x20, $0x38;
	[tilespmem:$0x1C928] =	vst v63  }
0x16e: {  	s2 =	simm.s32 $0x0;
	s3 =	simm.s32 $0xC838  }
0x16f: {  	[tilespmem:s3], [sflag:$0x5] =	stream.linear.gather [spmem:s2], $0x4000, $0x38;
	[tilespmem:$0x1C928] =	vst v63  }
.Ltmp29:
0x170: {  	_ = 	snop;
	(pc) =	sbr.rel .LBB2_39-.Ltmp29, $4  }
0x171: {  	_ =	swait.ge [sflag:s0], $0x4020  }
0x172: {  	s4 =	simm.s32 $0x6;
	[sflag:s0] =	ssyncset.done $0x0  }
0x173: {  	s5 =	simm.s32 $0xC688;
	s6 =	simm.s32 $0xC708;
	[sflag:s0] =	ssyncadd.s32 $0xFFFFBFE0  }
0x174: {  	s7 =	simm.s32 $0xC788;
	s8 =	simm.s32 $0x0;
	[sflag:s4] =	ssyncpa.u1 $0x0  }
.LBB2_52:
0x175: {  	s8 =	sadd.s32 $0x1, s8  }
0x176: {  	p0 =	sne.s32 s8, $0x20  }
.Ltmp30:
0x177: {  	_ = 	snop;
	(pc) =	sbr.rel @!p0 .LBB2_53-.Ltmp30, $2  }
0x178: {  	_ =	sdelay $0x2  }
0x179: {  	s3 =	sadd.s32 $0x200, s3  }
.LBB2_39:
0x17a: {  	v0 =	vld.msk [tilespmem:s8+$0xC818], $0x1;
	_ =	sdelay $0x4  }
0x17b: {  	(v2sf) =	vpush v0, $0x0;
	_ =	sdelay $0xe  }
0x17c: {  	s9 =	spop (v2sf)  }
0x17d: {  	p0 =	seq.s32 s9, $0xFFFFFFFF  }
.Ltmp31:
0x17e: {  	_ = 	snop;
	(pc) =	sbr.rel @p0 .LBB2_52-.Ltmp31, $1  }
0x17f: {  	_ =	sdelay $0x3  }
0x180: {  	p0 =	slt.s32 s2, $0x1  }
.Ltmp32:
0x181: {  	_ = 	snop;
	(pc) =	sbr.rel @p0 .LBB2_46-.Ltmp32, $1  }
0x182: {  	_ =	sdelay $0x3  }
0x183: {  	s0 =	simm.s32 $0xC818;
	p0 =	por $0x0, $0x0  }
0x184: {  	v1 =	vld.msk @!p0 [tilespmem:s0+$0x0], $0x1;
	_ =	sdelay $0x4  }
0x185: {  	(v2sf) =	vpush @!p0 v1, $0x0;
	_ =	sdelay $0xd  }
0x186: {  	p2 =	sne.s32 s2, $0x1  }
.Ltmp33:
0x187: {  	s10 =	spop @!p0 (v2sf);
	(pc) =	sbr.rel @!p2 .LBB2_43-.Ltmp33, $4  }
0x188: {  	p1 =	seq.s32 @!p0 s9, s10  }
0x189: {  	s10 =	simm.s32 $0x0;
	p1 =	por !p1, p0  }
0x18a: {  	s12 =	simm.s32 $0xFFFFFFFF;
	s10 =	simm.s32 @p1 $0xFFFFFFFF  }
0x18b: {  	s11 =	simm.s32 $0x1;
	s10 =	smov.u32 @p0 s12  }
.LBB2_42:
0x18c: {  	s12 =	smov.u32 s10;
	p0 =	sne.s32 s10, $0xFFFFFFFF  }
0x18d: {  	s0 =	sadd.s32 $0x1, s0;
	s10 =	smov.u32 s11;
	s11 =	sadd.s32 $0x1, s11  }
0x18e: {  	p1 =	sne.s32 s2, s11;
	v1 =	vld.msk @!p0 [tilespmem:s0+$0x0], $0x1;
	_ =	sdelay $0x4  }
0x18f: {  	(v2sf) =	vpush @!p0 v1, $0x0;
	_ =	sdelay $0xe  }
.Ltmp34:
0x190: {  	s13 =	spop @!p0 (v2sf);
	(pc) =	sbr.rel @p1 .LBB2_42-.Ltmp34, $4  }
0x191: {  	p2 =	seq.s32 @!p0 s9, s13  }
0x192: {  	p2 =	por !p2, p0  }
0x193: {  	s10 =	simm.s32 @p2 $0xFFFFFFFF  }
0x194: {  	s10 =	smov.u32 @p0 s12  }
.LBB2_43:
0x195: {  	p0 =	seq.s32 s10, $0xFFFFFFFF  }
.Ltmp35:
0x196: {  	_ = 	snop;
	(pc) =	sbr.rel @p0 .LBB2_46-.Ltmp35, $1  }
0x197: {  	_ =	sdelay $0x3  }
0x198: {  	s0 =	sshll.u32 s10, $0xB  }
0x199: {  	s0 =	sshra.s32 s0, $0x2  }
0x19a: {  	v1 =	vld [tilespmem:s3+$0x0];
	s9 =	sadd.s32 $0xC838, s0  }
0x19b: {  	v0 =	vld [tilespmem:s9+$0x0];
	_ =	sdelay $0x4  }
0x19c: {  	v0 =	vmax.f32 v1, v0  }
0x19d: {  	s10 =	smov.u32 s3;
	s0 =	simm.s32 $0x0;
	[tilespmem:s9+$0x0] =	vst v0;
	s9 =	sadd.s32 $0x10, s9  }
.LBB2_45:
0x19e: {  	v0 =	vld [tilespmem:s9+$0x0];
	s10 =	sadd.s32 $0x10, s10  }
0x19f: {  	s0 =	sadd.s32 $0x10, s0;
	v1 =	vld [tilespmem:s10+$0x0]  }
0x1a0: {  	p0 =	slt.u32 s0, $0x1F0  }
.Ltmp36:
0x1a1: {  	(pc) =	sbr.rel @p0 .LBB2_45-.Ltmp36, $3  }
0x1a2: {  	_ =	sdelay $0x1  }
0x1a3: {  	v0 =	vmax.f32 v1, v0  }
0x1a4: {  	[tilespmem:s9+$0x0] =	vst v0;
	s9 =	sadd.s32 $0x10, s9  }
.Ltmp37:
0x1a5: {  	_ = 	snop;
	(pc) =	sbr.rel .LBB2_52-.Ltmp37, $1  }
0x1a6: {  	_ =	sdelay $0x3  }
.LBB2_46:
0x1a7: {  	p0 =	sgt.u32 s9, $0xE70  }
.Ltmp38:
0x1a8: {  	_ = 	snop;
	(pc) =	sbr.rel @p0 .LBB2_49-.Ltmp38, $1  }
0x1a9: {  	_ =	sdelay $0x3  }
0x1aa: {  	s0 =	sand.u32 $0xFF8, s9;
	s11 =	sand.u32 $0x7, s9  }
0x1ab: {  	s29 =	sadd.s32 $0x80, s9;
	s10 =	sadd.s32 s1, s0;
	s0 =	simm.s32 $0xC608  }
0x1ac: {  	[tilespmem:s0], [sflag:$0x6] =	stream.linear.gather [hbm4b:s10+s11], $0x80, $0x38;
	[tilespmem:$0x1C928] =	vst v63  }
0x1ad: {  	s10 =	sand.u32 $0x1FF8, s29  }
0x1ae: {  	s30 =	sadd.s32 $0x100, s9;
	s10 =	sadd.s32 s1, s10  }
0x1af: {  	[tilespmem:s5], [sflag:$0x6] =	stream.linear.gather [hbm4b:s10+s11], $0x80, $0x38;
	[tilespmem:$0x1C928] =	vst v63  }
0x1b0: {  	s31 =	sadd.s32 $0x180, s9;
	s10 =	sand.u32 $0x1FF8, s30  }
0x1b1: {  	s9 =	sand.u32 $0x1FF8, s31;
	s10 =	sadd.s32 s1, s10  }
0x1b2: {  	[tilespmem:s6], [sflag:$0x6] =	stream.linear.gather [hbm4b:s10+s11], $0x80, $0x38;
	[tilespmem:$0x1C928] =	vst v63  }
0x1b3: {  	s9 =	sadd.s32 s1, s9  }
0x1b4: {  	[tilespmem:s7], [sflag:$0x6] =	stream.linear.gather [hbm4b:s9+s11], $0x80, $0x38;
	[tilespmem:$0x1C928] =	vst v63  }
0x1b5: {  	_ =	swait.ge [sflag:s4], $0x200  }
0x1b6: {  	[sflag:s4] =	ssyncset.done $0x0  }
0x1b7: {  	[sflag:s4] =	ssyncadd.s32 $0xFFFFFE00  }
0x1b8: {  	v1 =	vld [tilespmem:s3+$0x0]  }
0x1b9: {  	v2 =	vld [tilespmem:s0+$0x0];
	_ =	sdelay $0x4  }
0x1ba: {  	v1 =	vmax.f32 v2, v1  }
0x1bb: {  	s10 =	sadd.s32 $0x10, s3;
	s9 =	simm.s32 $0x0;
	[tilespmem:s3+$0x0] =	vst v1  }
.LBB2_48:
0x1bc: {  	v1 =	vld [tilespmem:s10+$0x0];
	s0 =	sadd.s32 $0x10, s0  }
0x1bd: {  	s9 =	sadd.s32 $0x10, s9;
	v2 =	vld [tilespmem:s0+$0x0]  }
0x1be: {  	p0 =	slt.u32 s9, $0x1F0  }
.Ltmp39:
0x1bf: {  	(pc) =	sbr.rel @p0 .LBB2_48-.Ltmp39, $3  }
0x1c0: {  	_ =	sdelay $0x1  }
0x1c1: {  	v1 =	vmax.f32 v2, v1  }
0x1c2: {  	[tilespmem:s10+$0x0] =	vst v1;
	s10 =	sadd.s32 $0x10, s10  }
.LBB2_49:
0x1c3: {  	s0 =	sshll.u32 s2, $0xB  }
0x1c4: {  	[tilespmem:s2+$0xC818] =	vst.msk $0x1, v0;
	s0 =	sshra.s32 s0, $0x2  }
0x1c5: {  	s9 =	simm.s32 $0x0;
	s10 =	smov.u32 s3;
	v0 =	vld [tilespmem:s3+$0x0];
	s0 =	sadd.s32 $0xC838, s0  }
.LBB2_50:
0x1c6: {  	s9 =	sadd.s32 $0x10, s9  }
0x1c7: {  	p0 =	slt.u32 s9, $0x1F0  }
.Ltmp40:
0x1c8: {  	_ = 	snop;
	(pc) =	sbr.rel @p0 .LBB2_50-.Ltmp40, $3  }
0x1c9: {  	_ =	sdelay $0x1  }
0x1ca: {  	s10 =	sadd.s32 $0x10, s10;
	[tilespmem:s0+$0x0] =	vst v0;
	s0 =	sadd.s32 $0x10, s0  }
0x1cb: {  	v0 =	vld [tilespmem:s10+$0x0]  }
.Ltmp41:
0x1cc: {  	_ = 	snop;
	(pc) =	sbr.rel .LBB2_52-.Ltmp41, $2  }
0x1cd: {  	_ =	sdelay $0x2  }
0x1ce: {  	s2 =	sadd.s32 $0x1, s2;
	[tilespmem:s0+$0x0] =	vst v0  }
.LBB2_53:
0x1cf: {  	p0 =	slt.s32 s2, $0x1  }
.Ltmp42:
0x1d0: {  	_ = 	snop;
	(pc) =	sbr.rel @p0 .LBB2_57-.Ltmp42, $3  }
0x1d1: {  	_ =	sdelay $0x1  }
0x1d2: {  	s0 =	simm.s32 $0x6  }
0x1d3: {  	s3 =	simm.s32 $0x0;
	[sflag:s0] =	ssyncpa.u1 $0x1  }
0x1d4: {  	s0 =	simm.s32 $0xC818  }
0x1d5: {  	v0 =	vld.msk [tilespmem:s0+$0x0], $0x1;
	_ =	sdelay $0x4  }
0x1d6: {  	(v2sf) =	vpush v0, $0x0;
	_ =	sdelay $0xe  }
0x1d7: {  	s7 =	spop (v2sf)  }
0x1d8: {  	s4 =	simm.s32 $0xC838;
	p0 =	sgt.u32 s7, $0xE70  }
0x1d9: {  	s2 =	sadd.s32 $0xFFFFFFFF, s2;
	s0 =	sand.u32 @!p0 $0xFF8, s7;
	s5 =	sadd.s32 @!p0 $0x80, s7  }
0x1da: {  	s9 =	sadd.s32 @!p0 s1, s0;
	s0 =	sand.u32 @!p0 $0x7, s7;
	s5 =	sand.u32 @!p0 $0x1FF8, s5  }
0x1db: {  	[hbm4b:s9+s0] =	stream.linear.scatter @!p0 [tilespmem:s4], [sflag:$0x5], $0x80, $0x38;
	[tilespmem:$0x1C928] =	vst v63  }
0x1dc: {  	p1 =	sne.s32 s2, $0x0;
	s4 =	simm.s32 @!p0 $0xC8B8;
	s5 =	sadd.s32 @!p0 s1, s5  }
0x1dd: {  	[hbm4b:s5+s0] =	stream.linear.scatter @!p0 [tilespmem:s4], [sflag:$0x5], $0x80, $0x38;
	[tilespmem:$0x1C928] =	vst v63  }
.Ltmp43:
0x1de: {  	s6 =	simm.s32 $0x0;
	s8 =	sadd.s32 @!p0 $0x100, s7;
	(pc) =	sbr.rel @!p1 .LBB2_56-.Ltmp43, $4  }
0x1df: {  	s6 =	simm.s32 @!p0 $0x800;
	s8 =	sand.u32 @!p0 $0x1FF8, s8;
	s4 =	simm.s32 @!p0 $0xC938  }
0x1e0: {  	s5 =	sadd.s32 @!p0 s1, s8;
	s8 =	sadd.s32 @!p0 $0x180, s7;
	s7 =	simm.s32 @!p0 $0xC9B8  }
0x1e1: {  	[hbm4b:s5+s0] =	stream.linear.scatter @!p0 [tilespmem:s4], [sflag:$0x5], $0x80, $0x38;
	[tilespmem:$0x1C928] =	vst v63  }
0x1e2: {  	s8 =	sand.u32 @!p0 $0x1FF8, s8;
	s4 =	simm.s32 $0xC819;
	s5 =	simm.s32 $0xCA38  }
.LBB2_55:
0x1e3: {  	s2 =	sadd.s32 $0xFFFFFFFF, s2;
	s8 =	sadd.s32 @!p0 s1, s8;
	s3 =	sadd.s32 s3, s6  }
0x1e4: {  	[hbm4b:s8+s0] =	stream.linear.scatter @!p0 [tilespmem:s7], [sflag:$0x5], $0x80, $0x38;
	[tilespmem:$0x1C928] =	vst v63  }
0x1e5: {  	p1 =	sne.s32 s2, $0x0;
	s7 =	smov.u32 s5;
	v0 =	vld.msk [tilespmem:s4+$0x0], $0x1;
	_ =	sdelay $0x4  }
0x1e6: {  	(v2sf) =	vpush v0, $0x0;
	_ =	sdelay $0xe  }
0x1e7: {  	s6 =	spop (v2sf)  }
0x1e8: {  	s5 =	sadd.s32 $0x200, s5;
	s4 =	sadd.s32 $0x1, s4;
	p0 =	sgt.u32 s6, $0xE70  }
0x1e9: {  	s0 =	sand.u32 @!p0 $0xFF8, s6;
	s8 =	sadd.s32 @!p0 $0x80, s6;
	s9 =	sadd.s32 @!p0 $0x100, s6  }
0x1ea: {  	s10 =	sadd.s32 @!p0 s1, s0;
	s0 =	sand.u32 @!p0 $0x7, s6;
	s8 =	sand.u32 @!p0 $0x1FF8, s8  }
0x1eb: {  	[hbm4b:s10+s0] =	stream.linear.scatter @!p0 [tilespmem:s7], [sflag:$0x5], $0x80, $0x38;
	[tilespmem:$0x1C928] =	vst v63  }
0x1ec: {  	s9 =	sand.u32 @!p0 $0x1FF8, s9;
	s10 =	sadd.s32 @!p0 $0x80, s7  }
.Ltmp44:
0x1ed: {  	s8 =	sadd.s32 @!p0 s1, s8;
	s9 =	sadd.s32 @!p0 s1, s9;
	(pc) =	sbr.rel @p1 .LBB2_55-.Ltmp44, $4  }
0x1ee: {  	[hbm4b:s8+s0] =	stream.linear.scatter @!p0 [tilespmem:s10], [sflag:$0x5], $0x80, $0x38;
	[tilespmem:$0x1C928] =	vst v63  }
0x1ef: {  	s8 =	sadd.s32 @!p0 $0x100, s7;
	s10 =	sadd.s32 @!p0 $0x180, s6;
	s6 =	simm.s32 $0x0  }
0x1f0: {  	[hbm4b:s9+s0] =	stream.linear.scatter @!p0 [tilespmem:s8], [sflag:$0x5], $0x80, $0x38;
	[tilespmem:$0x1C928] =	vst v63  }
0x1f1: {  	s7 =	sadd.s32 @!p0 $0x180, s7;
	s6 =	simm.s32 @!p0 $0x800;
	s8 =	sand.u32 @!p0 $0x1FF8, s10  }
.LBB2_56:
0x1f2: {  	s1 =	sadd.s32 @!p0 s1, s8;
	s31 =	sadd.s32 s3, s6  }
0x1f3: {  	[hbm4b:s1+s0] =	stream.linear.scatter @!p0 [tilespmem:s7], [sflag:$0x5], $0x80, $0x38;
	[tilespmem:$0x1C928] =	vst v63  }
0x1f4: {  	s3 =	sshrl.u32 s31, $0x2  }
.LBB2_57:
0x1f5: {  	s0 =	simm.s32 $0x5  }
0x1f6: {  	_ =	swait.ge [sflag:s0], s3  }
0x1f7: {  	s1 =	ssub.s32 $0x0, s3;
	[sflag:s0] =	ssyncset.done $0x0  }
0x1f8: {  	[sflag:s0] =	ssyncadd.s32 s1  }
0x1f9: {  	[sflag:s0] =	ssyncpa.u1 $0x1  }
0x1fa: {  	s30 =	simm.s32 $0x1;
	_ =	sfence  }
0x1fb: {  	[sflag:s30] =	ssyncpa.u1 $0x1  }
0x1fc: {  	_ =	strace $0x90000056  }
0x1fd: {  	[bflag:$0x2] =	sbarrier.arrive $0xFFFF  }
0x1fe: {  	s31 =	rddreg [dreg:$0x1]  }
0x1ff: {  	s0 =	sadd.s32 $0x100000, s31  }
0x200: {  	[sflag:s0] =	ssyncadd.tile.s32 $0x1;
	_ =	shalt  }
.Lfunc_end2:
_tile_overlayer_lowered:
.L_overlay_start_2:
0x201: {  	(tag) =	ssettag $0x2  }
0x202: {  	s0 =	rddreg [dreg:$0x0];
	s2 =	stileid.u32  }
0x203: {  	s1 =	rddreg [dreg:$0x1];
	p0 =	sne.s32 s2, $0x0  }
0x204: {  	s3 =	rddreg [dreg:$0x2];
	[bflag:$0x3] =	sbarrier.arrive $0xFFFF;
	s2 =	simm.s32 @!p0 $0x1C01  }
0x205: {  	[timem:s3], [sflag:s2] =	dma.local @!p0 [hbm:s0], s1  }
0x206: {  	s0 =	simm.s32 @!p0 $0x1  }
0x207: {  	_ =	swait.ge @!p0 [sflag:s0], s1  }
0x208: {  	s1 =	ssub.s32 @!p0 $0x0, s1;
	[sflag:s0] =	ssyncset.done @!p0 $0x0  }
0x209: {  	[sflag:s0] =	ssyncadd.s32 @!p0 s1  }
0x20a: {  	[bflag:$0x3] =	sbarrier.arrive $0xFFFF  }
0x20b: {  	_ =	shalt  }

// kernel: scatter_offload_async_start
scs
__scs_entry_jumppad:
0x0: {  	(pc) =	sbr.rel $0x88, $3  }
0x1: {  	(tag) =	ssettag $0x0;
	lr =	simm.s32 $0x1  }
0x2: {  	[smem:$0x3F92] =	sst lr;
	_ =	strace $0xD0000000  }
0x3: {  	_ = 	snop  }
0x4: {  	_ = 	snop  }
0x5: {  	_ = 	snop  }
0x6: {  	_ = 	snop  }
0x7: {  	_ = 	snop  }
__scs_overlays_trampoline_lowered:
0x8: {  	[smem:$0x3FA1] =	sst s0  }
0x9: {  	[smem:$0x3FA2] =	sst s1  }
0xa: {  	[smem:$0x3FA3] =	sst s2  }
0xb: {  	[smem:$0x3FA4] =	sst s3  }
0xc: {  	[smem:$0x3FA5] =	sst s4  }
0xd: {  	[smem:$0x3FA6] =	sst s5  }
0xe: {  	[smem:$0x3FA7] =	sst s6  }
0xf: {  	[smem:$0x3FA8] =	sst s7  }
0x10: {  	[smem:$0x3FA9] =	sst s8  }
0x11: {  	[smem:$0x3FAA] =	sst s9;
	s0 =	simm.s32 @!p0 $0x0  }
0x12: {  	s1 =	sld [smem:$0x3F90];
	s0 =	simm.s32 @p0 $0x1  }
0x13: {  	[smem:$0x3FAB] =	sst s0;
	s0 =	simm.s32 @!p1 $0x0  }
0x14: {  	s2 =	sld [smem:$0x3F8F];
	s0 =	simm.s32 @p1 $0x1  }
0x15: {  	[smem:$0x3FAC] =	sst s0;
	s0 =	simm.s32 @!p2 $0x0  }
0x16: {  	s3 =	sld [smem:$0x3FDB];
	s0 =	simm.s32 @p2 $0x1  }
0x17: {  	s4 =	simm.s32 $0x1BF5;
	[smem:$0x3FAE] =	sst s0  }
0x18: {  	s0 =	sld [smem:$0x3F91];
	_ =	swait.ge [sflag:s4], $0x0  }
0x19: {  	s7 =	sld [smem:$0x3F92]  }
0x1a: {  	s8 =	sadd.s32 $0xFFFFE003, lr  }
0x1b: {  	s9 =	sadd.s32 $0xFFFFFEF7, lr;
	s5 =	simm.s32 $0xFFFFFFFF;
	p2 =	slt.u32 s8, $0xFFFFF086  }
0x1c: {  	p1 =	slt.u32 s9, $0xF7A;
	s5 =	simm.s32 @!p2 $0x0  }
0x1d: {  	s5 =	simm.s32 @p1 $0x1;
	p0 =	seq.s32 s7, s2  }
0x1e: {  	s7 =	smul.u32 @!p0 $0xF7A, s2;
	p2 =	seq.s32 @!p0 s5, $0x0  }
0x1f: {  	s9 =	smul.u32 $0xF7A, s1;
	s8 =	simm.s32 @!p0 $0x1BF5;
	p2 =	por !p2, p0  }
0x20: {  	[sflag:s8] =	ssyncset.s32 @!p0 $0xFFFFF086;
	s6 =	sadd.s32 @!p0 s3, s7;
	s7 =	simm.s32 @!p0 $0x108  }
0x21: {  	s3 =	sadd.s32 s3, s9;
	s6 =	sadd.s32 @!p0 $0x88, s6;
	s7 =	simm.s32 @p2 $0x1082  }
0x22: {  	[simem:s7], [sflag:s8] =	dma.local @!p0 [hbm:s6], $0xF7A  }
0x23: {  	s9 =	sor.u32 $0xD0000000, s2;
	s6 =	simm.s32 $0x108;
	_ =	swait.ge @!p0 [sflag:s8], $0x0  }
0x24: {  	s3 =	sadd.s32 $0x88, s3;
	s6 =	simm.s32 @!p1 $0x1082;
	[sflag:s4] =	ssyncset.s32 $0xFFFFF086  }
0x25: {  	[simem:s6], [sflag:s4] =	dma.local [hbm:s3], $0xF7A  }
0x26: {  	[smem:$0x3F92] =	sst s1;
	(tag) =	ssettag s2;
	_ =	strace s9  }
0x27: {  	s1 =	sld [smem:$0x3FA2]  }
0x28: {  	s2 =	sld [smem:$0x3FA3]  }
0x29: {  	s4 =	sld [smem:$0x3FA5]  }
0x2a: {  	p0 =	seq.s32 s5, $0x0;
	s5 =	sld [smem:$0x3FA6]  }
0x2b: {  	s6 =	sld [smem:$0x3FA7]  }
0x2c: {  	s7 =	sld [smem:$0x3FA8]  }
0x2d: {  	s3 =	simm.s32 $0x108;
	s8 =	sld [smem:$0x3FA9]  }
0x2e: {  	s3 =	simm.s32 @!p0 $0x1082;
	s9 =	sld [smem:$0x3FAA]  }
0x2f: {  	lr =	sadd.s32 s0, s3;
	s0 =	sld [smem:$0x3FA1]  }
0x30: {  	s3 =	sld [smem:$0x3FA4]  }
0x31: {  	[smem:$0x3FAD] =	sst s10  }
0x32: {  	s10 =	sld [smem:$0x3FAB];
	_ =	sdelay $0x3  }
0x33: {  	p0 =	seq.s32 s10, $0x1;
	s10 =	sld [smem:$0x3FAD];
	_ =	sdelay $0x3  }
0x34: {  	[smem:$0x3FAD] =	sst s10  }
0x35: {  	s10 =	sld [smem:$0x3FAC];
	_ =	sdelay $0x3  }
0x36: {  	p1 =	seq.s32 s10, $0x1;
	s10 =	sld [smem:$0x3FAD];
	_ =	sdelay $0x3  }
0x37: {  	[smem:$0x3FAD] =	sst s10  }
0x38: {  	s10 =	sld [smem:$0x3FAE]  }
0x39: {  	_ = 	snop;
	(pc) =	sbr.ind lr, $3  }
0x3a: {  	_ = 	snop  }
0x3b: {  	_ = 	snop  }
0x3c: {  	p2 =	seq.s32 s10, $0x1;
	s10 =	sld [smem:$0x3FAD]  }
0x3d: {  	_ =	shalt  }
0x3e: {  	_ =	shalt  }
0x3f: {  	_ =	shalt  }
0x40: {  	_ =	shalt  }
0x41: {  	_ =	shalt  }
0x42: {  	_ =	shalt  }
0x43: {  	_ =	shalt  }
0x44: {  	_ =	shalt  }
0x45: {  	_ =	shalt  }
0x46: {  	_ =	shalt  }
0x47: {  	_ =	shalt  }
0x48: {  	_ =	shalt  }
0x49: {  	_ =	shalt  }
0x4a: {  	_ =	shalt  }
0x4b: {  	_ =	shalt  }
0x4c: {  	_ =	shalt  }
0x4d: {  	_ =	shalt  }
0x4e: {  	_ =	shalt  }
0x4f: {  	_ =	shalt  }
0x50: {  	_ =	shalt  }
0x51: {  	_ =	shalt  }
0x52: {  	_ =	shalt  }
0x53: {  	_ =	shalt  }
0x54: {  	_ =	shalt  }
0x55: {  	_ =	shalt  }
0x56: {  	_ =	shalt  }
0x57: {  	_ =	shalt  }
0x58: {  	_ =	shalt  }
0x59: {  	_ =	shalt  }
0x5a: {  	_ =	shalt  }
0x5b: {  	_ =	shalt  }
0x5c: {  	_ =	shalt  }
0x5d: {  	_ =	shalt  }
0x5e: {  	_ =	shalt  }
0x5f: {  	_ =	shalt  }
0x60: {  	_ =	shalt  }
0x61: {  	_ =	shalt  }
0x62: {  	_ =	shalt  }
0x63: {  	_ =	shalt  }
0x64: {  	_ =	shalt  }
0x65: {  	_ =	shalt  }
0x66: {  	_ =	shalt  }
0x67: {  	_ =	shalt  }
0x68: {  	_ =	shalt  }
0x69: {  	_ =	shalt  }
0x6a: {  	_ =	shalt  }
0x6b: {  	_ =	shalt  }
0x6c: {  	_ =	shalt  }
0x6d: {  	_ =	shalt  }
0x6e: {  	_ =	shalt  }
0x6f: {  	_ =	shalt  }
0x70: {  	_ =	shalt  }
0x71: {  	_ =	shalt  }
0x72: {  	_ =	shalt  }
0x73: {  	_ =	shalt  }
0x74: {  	_ =	shalt  }
0x75: {  	_ =	shalt  }
0x76: {  	_ =	shalt  }
0x77: {  	_ =	shalt  }
0x78: {  	_ =	shalt  }
0x79: {  	_ =	shalt  }
0x7a: {  	_ =	shalt  }
0x7b: {  	_ =	shalt  }
0x7c: {  	_ =	shalt  }
0x7d: {  	_ =	shalt  }
0x7e: {  	_ =	shalt  }
0x7f: {  	_ =	shalt  }
0x80: {  	_ =	shalt  }
0x81: {  	_ =	shalt  }
0x82: {  	_ =	shalt  }
0x83: {  	_ =	shalt  }
0x84: {  	_ =	shalt  }
0x85: {  	_ =	shalt  }
0x86: {  	_ =	shalt  }
0x87: {  	_ =	shalt  }
.Lfunc_end0:
.L_simem_size_0:
called_computation_lowered:
.L_overlay_start_0:
0x88: {  	s0 =	sld [smem:$0x3FD9]  }
0x89: {  	s1 =	sld [smem:$0x3FFE];
	_ =	sdelay $0x3  }
0x8a: {  	s0 =	sadd.s32 s1, s0  }
0x8b: {  	[smem:$0x3FB9] =	sst s0  }
0x8c: {  	_ = 	snop  }
0x8d: {  	(tm) =	ssettm $0x1  }
0x8e: {  	s15 =	sld [smem:$0x3FFB];
	_ =	sdelay $0x3  }
0x8f: {  	_ =	strace s15  }
0x90: {  	s0 =	sld [smem:$0x3FFC];
	_ =	sdelay $0x3  }
0x91: {  	_ =	strace s0  }
0x92: {  	s0 =	sld [smem:$0x3FFD];
	_ =	sdelay $0x3  }
0x93: {  	_ =	strace s0  }
0x94: {  	_ =	strace $0x8FFFFFFF  }
0x95: {  	s16 =	sld [smem:$0x3FDB];
	_ =	sdelay $0x1  }
0x96: {  	s17 =	simm.s32 $_scs_section_size  }
0x97: {  	s2 =	simm.s32 $_size__tile_overlayer_lowered;
	s3 =	simm.s32 $_tile_overlayer_lowered  }
0x98: {  	s20 =	simm.s32 $0x1BFF;
	s19 =	sshll.u32 s3, $0x1;
	s0 =	sadd.s32 s17, s16  }
0x99: {  	s4 =	simm.s32 $0x0;
	s18 =	sshll.u32 s2, $0x1;
	s2 =	sadd.s32 s19, s0  }
0x9a: {  	[timem:s4], [sflag:s20] =	dma.local [hbm:s2], s18  }
0x9b: {  	_ =	swait.ge [sflag:s20], s18  }
0x9c: {  	s1 =	ssub.s32 $0x0, s18;
	[sflag:s20] =	ssyncset.done $0x0  }
0x9d: {  	[sflag:s20] =	ssyncadd.s32 s1;
	_ =	sdelay $0x1  }
0x9e: {  	s21 =	simm.s32 $0x1B8B  }
0x9f: {  	_ =	swait.ge [sflag:s21], $0x1  }
0xa0: {  	[sflag:s21] =	ssyncset.done $0x0  }
0xa1: {  	s23 =	simm.s32 $0x1B8E;
	s22 =	sld [smem:$0x3FFE];
	[sflag:s21] =	ssyncadd.s32 $0xFFFFFFFF  }
0xa2: {  	s24 =	simm.s32 $execute0_lowered;
	[smem:$0x3FD2] =	sst s23  }
0xa3: {  	s2 =	sshll.u32 s24, $0x1;
	_ =	strace $0x80000046;
	[dreg:$0x1] =	wrdreg $0xFFFFFFFF  }
0xa4: {  	s25 =	simm.s32 $_size_execute0_lowered;
	s0 =	sadd.s32 s0, s2;
	[dreg:$0x0] =	wrdreg $0x0  }
0xa5: {  	s2 =	sshll.u32 s25, $0x1;
	[dreg:$0x2] =	wrdreg s0  }
0xa6: {  	[dreg:$0x3] =	wrdreg s2  }
0xa7: {  	[dreg:$0x4] =	wrdreg $0xC0  }
0xa8: {  	_ =	task [dreg:s4], $0x5FFFF  }
0xa9: {  	[dreg:$0x1] =	wrdreg $0xFFFFFFFF  }
0xaa: {  	[dreg:$0x0] =	wrdreg $0x60  }
0xab: {  	[dreg:$0x2] =	wrdreg s22  }
0xac: {  	[dreg:$0x3] =	wrdreg $0x9  }
0xad: {  	_ =	task.clear_ibuf [dreg:s4], $0x4FFFF;
	_ =	strace $0x90000046  }
0xae: {  	s26 =	simm.s32 $0x9;
	_ =	strace $0x80000048  }
0xaf: {  	_ =	swait.ge [sflag:s26], $0x1  }
0xb0: {  	[sflag:s26] =	ssyncadd.s32 $0xFFFFFFFF  }
0xb1: {  	_ =	strace $0x90000048  }
0xb2: {  	_ =	sfence  }
0xb3: {  	s28 =	sld [smem:$0x0];
	_ =	sdelay $0x1  }
0xb4: {  	s29 =	srdreg.scid  }
0xb5: {  	s30 =	sshll.u32 s29, $0xD;
	s31 =	sshrl.u32 s29, $0x2  }
0xb6: {  	s1 =	sand.u32 $0x1, s29;
	s2 =	sand.u32 $0x4000, s30;
	s0 =	sadd.s32 s31, s28  }
0xb7: {  	s1 =	sor.u32 s2, s1;
	s0 =	sshll.u32 s0, $0x11  }
0xb8: {  	s0 =	sor.u32 s0, s1  }
0xb9: {  	s0 =	sadd.s32 $0x8F2B, s0  }
0xba: {  	[sflag:s0] =	ssyncadd.remote.s32 $0x1  }
0xbb: {  	_ =	sfence.sel $0xFFFF  }
0xbc: {  	[dreg:$0x0] =	wrdreg $0xFFFFFFFF;
	(pc) =	sbr.abs _section_cstart, $3  }
0xbd: {  	[dreg:$0x1] =	wrdreg $0xFFFFFFFF  }
0xbe: {  	_ =	task.clear_ibuf [dreg:s4], $0x2FFFF;
	_ =	strace $0x9FFFFFFF  }
0xbf: {  	(tm) =	ssettm $0x7FFFFFFF  }
tec
execute0_lowered:
.L_overlay_start_1:
0x0: {  	(tag) =	ssettag $0x1  }
0x1: {  	s0 =	rddreg [dreg:$0x0]  }
0x2: {  	s6 =	stileid.u32;
	_ =	strace $0x80000047;
	s2 =	simm.s32 $0x1  }
0x3: {  	v1 =	vimm.s32 $0xFFFFFFFF;
	s1 =	smin.u32 s6, $0x9;
	[sflag:s2] =	ssyncpa.u1 $0x0  }
0x4: {  	s1 =	sadd.s32 s6, s1;
	[tilespmem:$0x10] =	vst v1  }
0x5: {  	v0 =	vimm.f32 $0.0e+00;
	p0 =	slt.u32 s6, $0x9;
	[tilespmem:$0x20] =	vst v1;
	s3 =	smul.u32 $0x1A90, s1;
	s1 =	simm.s32 $0x3520  }
0x6: {  	[tilespmem:$0x30] =	vst v0;
	s1 =	simm.s32 @!p0 $0x1A90  }
0x7: {  	[tilespmem:$0x40] =	vst v0;
	s1 =	sadd.s32 s1, s3  }
0x8: {  	[tilespmem:$0x50] =	vst v0;
	s4 =	smin.u32 s1, $0x29810  }
0x9: {  	s7 =	simm.s32 $0x2;
	[tilespmem:$0x60] =	vst v1;
	s9 =	ssub.s32 s4, s3  }
0xa: {  	s8 =	simm.s32 $0x8;
	s31 =	simm.s32 $0x9;
	[tilespmem:$0x70] =	vst v1;
	p0 =	sgt.s32 s9, $0x0  }
0xb: {  	s16 =	simm.s32 $0x0;
	s17 =	simm.s32 $0xF0;
	[tilespmem:$0x80] =	vst v1;
	s9 =	simm.s32 @!p0 $0x0  }
0xc: {  	s18 =	simm.s32 $0xFFFFFFFF;
	s19 =	simm.s32 $0xFFFFCBE0;
	v1 =	vimm.s32 $0x0;
	[tilespmem:$0xB0] =	vst v0;
	s5 =	smulhi.u32 $0x134679AD, s9  }
0xd: {  	s20 =	simm.s32 $0xFFFFFFFE;
	s21 =	simm.s32 $0xF;
	s25 =	simm.s32 $0x0;
	[tilespmem:$0x90] =	vst v1  }
0xe: {  	[tilespmem:$0xA0] =	vst v1;
	[sflag:s7] =	ssyncpa.u1 $0x0;
	s7 =	simm.s32 $0x7;
	s10 =	sshrl.u32 s5, $0x9  }
0xf: {  	s24 =	simm.s32 $0x0;
	[sflag:s7] =	ssyncpa.u1 $0x0;
	s11 =	smul.u32 $0x1A90, s10  }
0x10: {  	s14 =	sshllo.u32 s6, $0x1;
	[sflag:s8] =	ssyncpa.u1 $0x0;
	s23 =	smov.u32 s3  }
.Ltmp0:
0x11: {  	s1 =	sadd.s32 $0xC2600, s0;
	p0 =	sne.s32 s9, s11;
	(pc) =	sbr.rel .LBB2_1-.Ltmp0, $4  }
0x12: {  	s5 =	sadd.s32 $0x6A00, s0;
	s0 =	sadd.s32 $0xBE00, s0;
	s2 =	simm.s32 @!p0 $0x0  }
0x13: {  	[sflag:s31] =	ssyncpa.u1 $0x0;
	[dreg:$0x2] =	wrdreg s0;
	s9 =	sadd.s32 s2, s10  }
0x14: {  	vm0 =	vmmov $0xffff;
	v2 =	vlaneseq.u32;
	p0 =	por $0x0, $0x0;
	s10 =	sshll.u32 s6, $0x1;
	s11 =	sadd.s32 $0x1, s9  }
0x15: {  	vm1 =	vmxor vm1, vm1;
	vm2 =	vmmov $0x1;
	vm3 =	vcmask $0x3F3C;
	s12 =	sadd.s32 $0x2, s9;
	s13 =	sor.u32 $0x81, s10;
	s15 =	sor.u32 $0x80, s10  }
.LBB2_9:
0x16: {  	p1 =	slt.u32 s24, $0x3  }
0x17: {  	s0 =	simm.s32 @!p1 $0x2  }
0x18: {  	_ =	swait.ge @!p1 [sflag:s0], $0x1A90  }
0x19: {  	[sflag:s0] =	ssyncset.done @!p1 $0x0  }
0x1a: {  	[sflag:s0] =	ssyncadd.s32 @!p1 $0xFFFFE570;
	s0 =	simm.s32 @!p1 $0x9  }
0x1b: {  	_ =	swait.ge @!p1 [sflag:s0], $0x10  }
0x1c: {  	[sflag:s0] =	ssyncset.done @!p1 $0x0  }
0x1d: {  	[sflag:s0] =	ssyncadd.s32 @!p1 $0xFFFFFFF0;
	p1 =	sne.s32 s24, s12  }
.Ltmp1:
0x1e: {  	s2 =	sadd.s32 $0x1A90, s23;
	(pc) =	sbr.rel @!p1 .LBB2_10-.Ltmp1, $4  }
0x1f: {  	s6 =	smov.u32 s3;
	s31 =	sadd.s32 $0x1, s24;
	s17 =	sadd.s32 $0x1A90, s17  }
0x20: {  	s18 =	sadd.s32 $0x1, s18;
	s25 =	smov.u32 s23;
	p2 =	slt.s32 s2, s4  }
0x21: {  	p0 =	por !p0, !p0;
	s19 =	sadd.s32 $0x1A90, s19;
	s6 =	smov.u32 @p2 s2  }
0x22: {  	s20 =	sadd.s32 $0x1, s20;
	s23 =	smov.u32 s6;
	s24 =	smov.u32 s31  }
.LBB2_1:
0x23: {  	p1 =	sge.u32 s24, s9  }
0x24: {  	s0 =	smulhi.u32 @!p1 $0xAAAAAAAB, s24;
	_ =	sdelay $0x1  }
0x25: {  	s0 =	sshrl.u32 @!p1 s0, $0x1  }
0x26: {  	s0 =	smul.u32 @!p1 $0x3, s0;
	_ =	sdelay $0x1  }
0x27: {  	s0 =	ssub.s32 @!p1 s24, s0  }
0x28: {  	s0 =	smul.u32 @!p1 $0x6A40, s0;
	_ =	sdelay $0x1  }
0x29: {  	s2 =	sshrl.u32 @!p1 s23, $0x3;
	s0 =	sshrl.u32 @!p1 s0, $0x2  }
0x2a: {  	s22 =	sand.u32 @!p1 $0x7, s23;
	s2 =	sadd.s32 @!p1 s5, s2;
	s0 =	sadd.s32 @!p1 $0x100, s0  }
0x2b: {  	[tilespmem:s0], [sflag:$0x7] =	stream.linear.gather @!p1 [hbm4b:s2+s22], $0x1A90, $0x38;
	[tilespmem:$0xF030] =	vst v63  }
0x2c: {  	s0 =	sadd.s32 $0xFFFFFFFF, s24  }
0x2d: {  	p1 =	sge.u32 s0, s9  }
.Ltmp2:
0x2e: {  	_ = 	snop;
	(pc) =	sbr.rel @p1 .LBB2_5-.Ltmp2, $1  }
0x2f: {  	_ =	sdelay $0x3  }
0x30: {  	s2 =	smulhi.u32 $0xAAAAAAAB, s0;
	_ =	sdelay $0x1  }
0x31: {  	s2 =	sshrl.u32 s2, $0x1  }
0x32: {  	s2 =	smul.u32 $0x3, s2;
	_ =	sdelay $0x1  }
0x33: {  	s2 =	ssub.s32 s0, s2  }
0x34: {  	s2 =	smul.u32 $0x6A40, s2  }
0x35: {  	_ =	swait.ge [sflag:s7], $0x1A90  }
0x36: {  	[sflag:s7] =	ssyncset.done $0x0;
	s2 =	sshrl.u32 s2, $0x2  }
0x37: {  	[sflag:s7] =	ssyncadd.s32 $0xFFFFE570;
	(ifvalue) =	ssetifvalue $0xFFFFFFFF;
	v3 =	vld.msk [tilespmem:s2+$0x100 ss:$0x1], $0xffff;
	_ =	sdelay $0x2  }
0x38: {  	s30 =	smulhi.u32 $0xAAAAAAAB, s18;
	p1 =	sne.s32 s24, $0x1  }
0x39: {  	v4 =	vimm.s32 @!p1 $0x0  }
0x3a: {  	s2 =	sshrl.u32 s30, $0x1;
	v4 =	vperm.xlane @!p1 v3, v4  }
0x3b: {  	s22 =	sshll.u32 s24, $0x4;
	s2 =	smul.u32 $0xFFFEC140, s2;
	vm4 =	vlt.u32 v3, $0x2800  }
0x3c: {  	s22 =	sand.u32 $0x10, s22;
	v3 =	vnsel vm4, $0xFFFFFFFE, v3;
	vm4 =	vlt.u32 @!p1 v4, $0x2800  }
0x3d: {  	s2 =	sshra.s32 s2, $0x2;
	[tilespmem:s22+$0x60] =	vst v3;
	v3 =	vnsel @!p1 vm4, $0xFFFFFFFE, v4  }
0x3e: {  	s28 =	sadd.s32 s2, s17;
	[tilespmem:$0x80] =	vst @!p1 v3  }
0x3f: {  	v3 =	vld.msk [tilespmem:s28+$0x0 ss:$0x1], $0xffff;
	_ =	sdelay $0x4  }
0x40: {  	(xrf1) =	vunique.msk.u32 $0xffff, v3;
	_ =	sdelay $0xd  }
0x41: {  	v4 =	vimm.s32 $0xFFFFFFFF;
	v5, _, _ =	vpop (xrf1)  }
0x42: {  	vm5 =	vne.s32 v3, v4;
	vm4 =	veq.s32 v5, v2  }
0x43: {  	vm6 =	vlt.u32 v3, $0x2800;
	vm4 =	vmand vm5, vm4  }
0x44: {  	vm4 =	vmand vm6, vm4  }
0x45: {  	v4 =	vnsel vm4, $0xFFFFFFFF, v3  }
0x46: {  	s31 =	sand.u32 $0x1, s0  }
0x47: {  	s0 =	simm.s32 $0x1A90;
	p1 =	seq.s32 s31, $0x1  }
0x48: {  	s0 =	simm.s32 @!p1 $0x0  }
0x49: {  	s26 =	sadd.s32 $0x6B30, s0;
	(ifvalue) =	ssetifvalue $0xFFFFFFFF  }
0x4a: {  	v3 =	vperm.xlane v3, v1;
	[tilespmem:s26], [sflag:$0x8] =	stream.indirect_vreg.gather [hbm4b:s1+s16], $0x1, v4, vm0, $0x4038;
	v4 =	vnsel vm6, $0xFFFFFFFE, v4;
	[tilespmem:$0xF030] =	vst v63  }
0x4b: {  	s2 =	simm.s32 $0x0;
	s22 =	sadd.s32 $0xFFFFFFF0, s28;
	[tilespmem:s28+$0x0] =	vst v4  }
.LBB2_3:
0x4c: {  	v4 =	vld.msk [tilespmem:s22+$0x0 ss:$0x1], $0xffff;
	s2 =	sadd.s32 $0x10, s2;
	v5 =	vmov v3;
	s28 =	smov.u32 s22  }
0x4d: {  	p1 =	slt.u32 s2, $0x1A80;
	_ =	sdelay $0x4  }
0x4e: {  	v3 =	vperm.xlane v4, v1;
	(xrf1) =	vunique.msk.u32 $0xffff, v4;
	_ =	sdelay $0xd  }
0x4f: {  	v6, _, _ =	vpop (xrf1)  }
0x50: {  	vm5 =	vne.s32 v4, v5;
	vm4 =	veq.s32 v6, v2  }
0x51: {  	vm6 =	vlt.u32 v4, $0x2800;
	vm4 =	vmand vm5, vm4  }
0x52: {  	vm4 =	vmand vm6, vm4  }
0x53: {  	v4 =	vnsel vm4, $0xFFFFFFFF, v4  }
.Ltmp3:
0x54: {  	v5 =	vnsel vm6, $0xFFFFFFFE, v4;
	(pc) =	sbr.rel @p1 .LBB2_3-.Ltmp3, $3  }
0x55: {  	_ =	sdelay $0x1  }
0x56: {  	s22 =	sadd.s32 $0xFFFFFFF0, s22;
	s26 =	sadd.s32 $0xFFFFFFF0, s26;
	(ifvalue) =	ssetifvalue $0xFFFFFFFF  }
0x57: {  	[tilespmem:s26], [sflag:$0x8] =	stream.indirect_vreg.gather [hbm4b:s1+s16], $0x1, v4, vm0, $0x4038;
	[tilespmem:s28+$0x0] =	vst v5  }
0x58: {  	s2 =	sshrl.u32 s25, $0x3;
	s6 =	rddreg [dreg:$0x2]  }
0x59: {  	s0 =	sadd.s32 $0x85D0, s0;
	s2 =	sadd.s32 s6, s2  }
0x5a: {  	[tilespmem:s0], [sflag:$0x8] =	stream.linear.gather [hbm:s2], $0x1A90, $0x38;
	[tilespmem:$0xF030] =	vst v63  }
.LBB2_5:
0x5b: {  	p1 =	slt.u32 s24, $0x2  }
0x5c: {  	p2 =	sge.u32 @!p1 s24, s12  }
0x5d: {  	p1 =	por p1, p2  }
.Ltmp4:
0x5e: {  	_ = 	snop;
	(pc) =	sbr.rel @p1 .LBB2_9-.Ltmp4, $1  }
0x5f: {  	_ =	sdelay $0x3  }
0x60: {  	s0 =	sadd.s32 $0xFFFFFFFE, s24  }
0x61: {  	s2 =	smulhi.u32 $0xAAAAAAAB, s0;
	_ =	sdelay $0x1  }
0x62: {  	s2 =	sshrl.u32 s2, $0x1  }
0x63: {  	s2 =	smul.u32 $0x3, s2;
	_ =	sdelay $0x1  }
0x64: {  	s0 =	ssub.s32 s0, s2  }
0x65: {  	_ =	swait.ge [sflag:s8], $0x3520;
	s0 =	smul.u32 $0x1A90, s0  }
0x66: {  	p1 =	sne.s32 s24, s11;
	[sflag:s8] =	ssyncset.done $0x0  }
0x67: {  	[sflag:s8] =	ssyncadd.s32 $0xFFFFCAE0;
	s2 =	sadd.s32 @!p1 $0x1B8F, s0  }
0x68: {  	[spmem:s13] =	stream.linear.scatter @!p1 [tilespmem:s2], [sflag:$0x1], $0x1, $0x38;
	[tilespmem:$0xF030] =	vst v63  }
0x69: {  	s2 =	simm.s32 @!p1 $0x1  }
0x6a: {  	_ =	swait.ge @!p1 [sflag:s2], $0x1  }
0x6b: {  	s22 =	sshll.u32 s24, $0x4;
	[sflag:s2] =	ssyncset.done @!p1 $0x0  }
0x6c: {  	s25 =	sand.u32 $0x10, s22;
	[sflag:s2] =	ssyncadd.s32 @!p1 $0xFFFFFFFF  }
0x6d: {  	s2 =	sxor.u32 $0x10, s25;
	v4 =	vld [tilespmem:s25+$0x10]  }
0x6e: {  	v5 =	vld [tilespmem:s2+$0x60]  }
0x6f: {  	v3 =	vld [tilespmem:$0x80];
	_ =	sdelay $0x2  }
0x70: {  	(v2sf) =	vpush v4, $0x0  }
0x71: {  	(v2sf) =	vpush v5, $0x0  }
0x72: {  	(v2sf) =	vpush v3, $0x0;
	_ =	sdelay $0xc  }
0x73: {  	s6 =	spop (v2sf)  }
0x74: {  	s28 =	spop (v2sf)  }
0x75: {  	s26 =	spop (v2sf)  }
0x76: {  	p2 =	seq.s32 s6, s28;
	p3 =	seq.s32 s26, s6  }
0x77: {  	p3 =	por p2, p3  }
0x78: {  	s6 =	sand.u32 $0x1, s24;
	v4 =	vpsel p3, $0xFFFFFFFF, v4  }
0x79: {  	s28 =	smul.u32 $0x1A90, s6;
	[tilespmem:s25+$0x10] =	vst.msk $0x1, v4  }
0x7a: {  	v4 =	vld [tilespmem:$0x30]  }
0x7b: {  	v5 =	vld [tilespmem:s28+$0x85D0]  }
0x7c: {  	v6 =	vld [tilespmem:s25+$0x40];
	_ =	sdelay $0x3  }
0x7d: {  	vm4 =	vmmov vm1;
	v5 =	vadd.f32 v5, v4  }
0x7e: {  	vm5 =	vmmov vm2;
	vm4 =	vmmov @p2 vm2;
	v4 =	vadd.f32 v6, v4  }
0x7f: {  	s22 =	sshll.u32 s6, $0x4;
	vm5 =	vmmov @p3 vm1;
	[tilespmem:s28+$0x85D0] =	vst.msk vm4, v5  }
0x80: {  	[tilespmem:s22+$0xF010] =	vst.msk vm5, v4  }
0x81: {  	v4 =	vld [tilespmem:s28+$0x6B30];
	_ =	sdelay $0x3  }
0x82: {  	v5 =	vimm.f32 $0.0e+00  }
0x83: {  	v4 =	vshift.insert v4, v5, s21  }
0x84: {  	s29 =	sor.u32 $0x40, s2  }
0x85: {  	[tilespmem:s29+$0x0] =	vst.msk $0x1, v4  }
0x86: {  	[tilespmem:s28+$0x6B3F] =	vst.msk $0x1, v5  }
0x87: {  	v4 =	vld [tilespmem:s0+$0x1B80];
	_ =	sdelay $0x1  }
0x88: {  	s29 =	smulhi.u32 $0xAAAAAAAB, s20;
	s0 =	simm.s32 $0x1  }
0x89: {  	s0 =	simm.s32 @!p0 $0x0  }
0x8a: {  	s29 =	sshrl.u32 s29, $0x1;
	s0 =	smul.u32 $0x6A40, s0  }
0x8b: {  	s29 =	smul.u32 $0xFFFEC140, s29;
	v4 =	vshift.insert v4, v1, s21  }
0x8c: {  	s0 =	sshrl.u32 s0, $0x2  }
0x8d: {  	s29 =	sshra.s32 s29, $0x2;
	s30 =	sadd.s32 $0x85D0, s0;
	[tilespmem:s2+$0x10] =	vst.msk $0x1, v4  }
0x8e: {  	s6 =	sadd.s32 s29, s19;
	v6 =	vld [tilespmem:s30+$0x0]  }
0x8f: {  	v7 =	vld [tilespmem:s6+$0x0];
	_ =	sdelay $0x3  }
0x90: {  	v5 =	vadd.f32 v6, v5  }
0x91: {  	vm4 =	vne.s32 v7, $0xFFFFFFFF  }
0x92: {  	(xrf2) =	vadd.seg.scan.f32 vm4, v5;
	_ =	sdelay $0x3  }
0x93: {  	s31 =	sadd.s32 $0x50B0, s0;
	v5 =	vperm.xlane v4, v1  }
0x94: {  	v6 =	vld [tilespmem:s31+$0x0]  }
0x95: {  	vm5 =	veq.s32 v7, v3;
	vm6 =	veq.s32 v7, v5  }
0x96: {  	vm7 =	vgt.u32 v7, $0xFFFFFFFD;
	vm6 =	vmor vm6, vm5  }
0x97: {  	vm6 =	vmor vm6, vm7  }
0x98: {  	v9 =	vld [tilespmem:$0xA0];
	v7 =	vsel vm6, $0xFFFFFFFF, v7  }
0x99: {  	v10 =	vld [tilespmem:$0x90];
	v6 =	vsel vm5, $0x0, v6;
	v8, _, _ =	vpop (xrf2)  }
0x9a: {  	v6 =	vadd.f32 v8, v6  }
0x9b: {  	s0 =	sadd.s32 $0xBAF0, s0  }
0x9c: {  	vm4 =	vmand vm4, vm3;
	[tilespmem:s0+$0x0] =	vst v6;
	(ifvalue) =	ssetifvalue $0xFFFFFFFF  }
0x9d: {  	vm6 =	veq.s32 v9, $0x1;
	[hbm4b:s1+s16] =	stream.indirect_vreg.scatter [tilespmem:s0], [sflag:$0x2], $0x1, v7, vm0, $0x4038;
	v7 =	vsel vm4, $0x0, v8;
	[tilespmem:$0xF030] =	vst v63  }
0x9e: {  	s29 =	sadd.s32 $0xF010, s22;
	s22 =	sadd.s32 $0x10, s6;
	s2 =	simm.s32 $0x0;
	vm4 =	vmor vm6, vm5;
	v6 =	vsel vm5, v8, v10;
	v7 =	vshift.insert v7, v0, s21  }
.LBB2_7:
0x9f: {  	v8 =	vld [tilespmem:s22+$0x0];
	s30 =	sadd.s32 $0x10, s30  }
0xa0: {  	s31 =	sadd.s32 $0x10, s31;
	v9 =	vld [tilespmem:s30+$0x0]  }
0xa1: {  	s2 =	sadd.s32 $0x10, s2;
	v10 =	vld [tilespmem:s31+$0x0]  }
0xa2: {  	p2 =	slt.u32 s2, $0x1A80;
	_ =	sdelay $0x2  }
0xa3: {  	v7 =	vadd.f32 v9, v7  }
0xa4: {  	vm5 =	vne.s32 v8, $0xFFFFFFFF  }
0xa5: {  	vm6 =	vmand vm5, vm3;
	(xrf2) =	vadd.seg.scan.f32 vm5, v7;
	_ =	sdelay $0x5  }
0xa6: {  	vm7 =	veq.s32 v8, v5;
	vm5 =	veq.s32 v8, v3  }
0xa7: {  	vm8 =	vgt.u32 v8, $0xFFFFFFFD;
	vm4 =	vmor vm4, vm5;
	vm7 =	vmor vm7, vm5  }
0xa8: {  	vm7 =	vmor vm7, vm8  }
0xa9: {  	v8 =	vsel vm7, $0xFFFFFFFF, v8  }
.Ltmp5:
0xaa: {  	v7 =	vsel vm5, $0x0, v10;
	v9, _, _ =	vpop (xrf2);
	(pc) =	sbr.rel @p2 .LBB2_7-.Ltmp5, $4  }
0xab: {  	v6 =	vsel vm5, v9, v6;
	v10 =	vadd.f32 v9, v7;
	v7 =	vsel vm6, $0x0, v9  }
0xac: {  	s0 =	sadd.s32 $0x10, s0;
	v7 =	vshift.insert v7, v0, s21  }
0xad: {  	s22 =	sadd.s32 $0x10, s22;
	[tilespmem:s0+$0x0] =	vst v10;
	(ifvalue) =	ssetifvalue $0xFFFFFFFF  }
0xae: {  	[hbm4b:s1+s16] =	stream.indirect_vreg.scatter [tilespmem:s0], [sflag:$0x2], $0x1, v8, vm0, $0x4038;
	[tilespmem:$0xF030] =	vst v63  }
0xaf: {  	v3 =	vld [tilespmem:s28+$0xD570];
	_ =	sdelay $0x4  }
0xb0: {  	v3 =	vshift.insert v3, v0, s21  }
0xb1: {  	s0 =	simm.s32 $0x30  }
0xb2: {  	[tilespmem:s0+$0x0] =	vst.msk $0x1, v3  }
0xb3: {  	v3 =	vsel vm4, $0x1, v1;
	[tilespmem:$0x90] =	vst v6  }
0xb4: {  	s0 =	sadd.s32 @!p1 $0xD57F, s28;
	[tilespmem:$0xA0] =	vst v3  }
0xb5: {  	[spmem:s14] =	stream.linear.scatter @!p1 [tilespmem:s0], [sflag:$0x1], $0x1, $0x38;
	[tilespmem:$0xF030] =	vst v63  }
0xb6: {  	s0 =	simm.s32 @!p1 $0x1  }
0xb7: {  	v3 =	vmctz.xlane @!p1 vm4;
	_ =	swait.ge @!p1 [sflag:s0], $0x1  }
0xb8: {  	(v2sf) =	vpush @!p1 v4, $0x0  }
0xb9: {  	(v2sf) =	vpush @!p1 v3, $0x0;
	_ =	sdelay $0xd  }
0xba: {  	s2 =	spop @!p1 (v2sf)  }
0xbb: {  	s6 =	spop @!p1 (v2sf)  }
0xbc: {  	p2 =	sne.s32 @!p1 s26, s2;
	p3 =	slt.s32 @!p1 s6, $0xF  }
0xbd: {  	[sflag:s0] =	ssyncset.done @!p1 $0x0;
	p2 =	por p2, p1;
	p3 =	por !p3, p1  }
0xbe: {  	[sflag:s0] =	ssyncadd.s32 @!p1 $0xFFFFFFFF;
	v3 =	vimm.s32 @!p2 $0xFFFFFFFF;
	s6 =	simm.s32 @p3 $0xF  }
0xbf: {  	[tilespmem:$0x80] =	vst @!p2 v3;
	s2 =	sadd.s32 @!p1 $0x90, s6  }
0xc0: {  	[spmem:s10] =	stream.linear.scatter @!p1 [tilespmem:s2], [sflag:$0x1], $0x1, $0x38;
	[tilespmem:$0xF030] =	vst v63  }
0xc1: {  	_ =	swait.ge @!p1 [sflag:s0], $0x1  }
0xc2: {  	[sflag:s0] =	ssyncset.done @!p1 $0x0  }
0xc3: {  	s2 =	simm.s32 @!p1 $0x80;
	[sflag:s0] =	ssyncadd.s32 @!p1 $0xFFFFFFFF  }
0xc4: {  	[spmem:s15] =	stream.linear.scatter @!p1 [tilespmem:s2], [sflag:$0x1], $0x1, $0x38;
	[tilespmem:$0xF030] =	vst v63  }
0xc5: {  	_ =	swait.ge @!p1 [sflag:s0], $0x1  }
0xc6: {  	[sflag:s0] =	ssyncset.done @!p1 $0x0  }
0xc7: {  	[sflag:s0] =	ssyncadd.s32 @!p1 $0xFFFFFFFF;
	(ifvalue) =	ssetifvalue $0xFFFFFFFF;
	v3 =	vld [tilespmem:s25+$0x10];
	_ =	sdelay $0x3  }
.Ltmp6:
0xc8: {  	_ = 	snop;
	(pc) =	sbr.rel .LBB2_9-.Ltmp6, $3  }
0xc9: {  	_ =	sdelay $0x1  }
0xca: {  	(ifvalue) =	ssetifvalue $0xFFFFFFFF  }
0xcb: {  	[hbm4b:s1+s16] =	stream.indirect_vreg.scatter [tilespmem:s29], [sflag:$0x9], $0x1, v3, vm0, $0x4038;
	[tilespmem:$0xF030] =	vst v63  }
.LBB2_10:
0xcc: {  	_ =	sfence.sel $0x180000  }
0xcd: {  	s0 =	simm.s32 $0x7;
	[bflag:$0x0] =	sbarrier.arrive $0xFFFF  }
0xce: {  	s26 =	simm.s32 $0x8;
	[sflag:s0] =	ssyncpa.u1 $0x1  }
0xcf: {  	s28 =	simm.s32 $0x9;
	[sflag:s26] =	ssyncpa.u1 $0x1  }
0xd0: {  	[sflag:s28] =	ssyncpa.u1 $0x1  }
0xd1: {  	_ =	sfence.stream.spmem  }
0xd2: {  	s29 =	simm.s32 $0x3;
	[bflag:$0x0] =	sbarrier.arrive $0xFFFF  }
0xd3: {  	s30 =	simm.s32 $0x4;
	[sflag:s29] =	ssyncpa.u1 $0x1  }
0xd4: {  	s31 =	simm.s32 $0x3C;
	s2 =	stileid.u32;
	[sflag:s30] =	ssyncpa.u1 $0x1  }
0xd5: {  	p0 =	sne.s32 s2, $0x0;
	[sflag:s31] =	ssyncpa.u1 $0x1  }
0xd6: {  	s0 =	simm.s32 @p0 $0x1;
	_ =	sfence @p0  }
0xd7: {  	[sflag:s0] =	ssyncpa.u1 @p0 $0x1;
	s0 =	simm.s32 @p0 $0x2  }
0xd8: {  	[sflag:s0] =	ssyncpa.u1 @p0 $0x1  }
0xd9: {  	_ =	strace @p0 $0x90000047  }
0xda: {  	[bflag:$0x2] =	sbarrier.arrive @p0 $0xFFFF  }
0xdb: {  	_ =	shalt @p0  }
.LBB2_11:
0xdc: {  	_ =	sfence.stream.spmem;
	s0 =	simm.s32 $0x5  }
0xdd: {  	s2 =	simm.s32 $0x80;
	s3 =	simm.s32 $0xC0;
	[sflag:s0] =	ssyncpa.u1 $0x0  }
0xde: {  	[tilespmem:s3], [sflag:$0x5] =	stream.linear.gather [spmem:s2], $0x20, $0x38;
	[tilespmem:$0xF030] =	vst v63  }
0xdf: {  	s2 =	simm.s32 $0x0;
	s3 =	simm.s32 $0xE0  }
0xe0: {  	[tilespmem:s3], [sflag:$0x5] =	stream.linear.gather [spmem:s2], $0x20, $0x38;
	[tilespmem:$0xF030] =	vst v63  }
.Ltmp7:
0xe1: {  	_ = 	snop;
	(pc) =	sbr.rel .LBB2_12-.Ltmp7, $4  }
0xe2: {  	_ =	swait.ge [sflag:s0], $0x40  }
0xe3: {  	[sflag:s0] =	ssyncset.done $0x0  }
0xe4: {  	s31 =	simm.s32 $0x6;
	[sflag:s0] =	ssyncadd.s32 $0xFFFFFFC0  }
0xe5: {  	s4 =	simm.s32 $0x0;
	[sflag:s31] =	ssyncpa.u1 $0x0  }
.LBB2_17:
0xe6: {  	p0 =	sgt.u32 s5, $0x27FF  }
0xe7: {  	s0 =	sshrl.u32 @!p0 s5, $0x3  }
0xe8: {  	s5 =	sand.u32 @!p0 $0x7, s5;
	s6 =	simm.s32 @!p0 $0xB0;
	s0 =	sadd.s32 @!p0 s1, s0  }
0xe9: {  	[tilespmem:s6], [sflag:$0x6] =	stream.linear.gather @!p0 [hbm4b:s0+s5], $0x1, $0x38;
	[tilespmem:$0xF030] =	vst v63  }
0xea: {  	s0 =	simm.s32 @!p0 $0x6  }
0xeb: {  	_ =	swait.ge @!p0 [sflag:s0], $0x1  }
0xec: {  	[sflag:s0] =	ssyncset.done @!p0 $0x0  }
0xed: {  	[sflag:s0] =	ssyncadd.s32 @!p0 $0xFFFFFFFF  }
0xee: {  	v2 =	vmov @!p0 s4;
	v1 =	vld.msk @!p0 [tilespmem:$0xB0], $0x1;
	_ =	sdelay $0x3  }
0xef: {  	s0 =	simm.s32 @!p0 $0xE0  }
0xf0: {  	[tilespmem:v2+s0+$0x0], v1 =	vst.idx.ret.add.f32.msk @!p0 $0x1, v1  }
0xf1: {  	[tilespmem:s2+$0xC0] =	vst.msk $0x1, v0  }
0xf2: {  	v0 =	vld.msk [tilespmem:s4+$0xE0], $0x1;
	_ =	sdelay $0x4  }
0xf3: {  	[tilespmem:s2+$0xE0] =	vst.msk $0x1, v0;
	s2 =	sadd.s32 $0x1, s2  }
.LBB2_19:
0xf4: {  	s4 =	sadd.s32 $0x1, s4  }
0xf5: {  	p0 =	sne.s32 s4, $0x20  }
.Ltmp8:
0xf6: {  	_ = 	snop;
	(pc) =	sbr.rel @!p0 .LBB2_20-.Ltmp8, $1  }
0xf7: {  	_ =	sdelay $0x3  }
.LBB2_12:
0xf8: {  	v0 =	vld.msk [tilespmem:s4+$0xC0], $0x1;
	_ =	sdelay $0x4  }
0xf9: {  	(v2sf) =	vpush v0, $0x0;
	_ =	sdelay $0xe  }
0xfa: {  	s5 =	spop (v2sf)  }
0xfb: {  	p0 =	seq.s32 s5, $0xFFFFFFFF  }
.Ltmp9:
0xfc: {  	_ = 	snop;
	(pc) =	sbr.rel @p0 .LBB2_19-.Ltmp9, $1  }
0xfd: {  	_ =	sdelay $0x3  }
0xfe: {  	p0 =	slt.s32 s2, $0x1  }
.Ltmp10:
0xff: {  	_ = 	snop;
	(pc) =	sbr.rel @p0 .LBB2_17-.Ltmp10, $1  }
0x100: {  	_ =	sdelay $0x3  }
0x101: {  	s0 =	simm.s32 $0xC0;
	p0 =	por $0x0, $0x0  }
0x102: {  	v1 =	vld.msk @!p0 [tilespmem:s0+$0x0], $0x1;
	_ =	sdelay $0x4  }
0x103: {  	(v2sf) =	vpush @!p0 v1, $0x0;
	_ =	sdelay $0xd  }
0x104: {  	p2 =	sne.s32 s2, $0x1  }
.Ltmp11:
0x105: {  	s6 =	spop @!p0 (v2sf);
	(pc) =	sbr.rel @!p2 .LBB2_16-.Ltmp11, $4  }
0x106: {  	p1 =	seq.s32 @!p0 s5, s6  }
0x107: {  	s6 =	simm.s32 $0x0;
	p1 =	por !p1, p0  }
0x108: {  	s8 =	simm.s32 $0xFFFFFFFF;
	s6 =	simm.s32 @p1 $0xFFFFFFFF  }
0x109: {  	s7 =	simm.s32 $0x1;
	s6 =	smov.u32 @p0 s8  }
.LBB2_15:
0x10a: {  	s8 =	smov.u32 s6;
	p0 =	sne.s32 s6, $0xFFFFFFFF  }
0x10b: {  	s0 =	sadd.s32 $0x1, s0;
	s6 =	smov.u32 s7;
	s7 =	sadd.s32 $0x1, s7  }
0x10c: {  	p1 =	sne.s32 s2, s7;
	v1 =	vld.msk @!p0 [tilespmem:s0+$0x0], $0x1;
	_ =	sdelay $0x4  }
0x10d: {  	(v2sf) =	vpush @!p0 v1, $0x0;
	_ =	sdelay $0xe  }
.Ltmp12:
0x10e: {  	s9 =	spop @!p0 (v2sf);
	(pc) =	sbr.rel @p1 .LBB2_15-.Ltmp12, $4  }
0x10f: {  	p2 =	seq.s32 @!p0 s5, s9  }
0x110: {  	p2 =	por !p2, p0  }
0x111: {  	s6 =	simm.s32 @p2 $0xFFFFFFFF  }
0x112: {  	s6 =	smov.u32 @p0 s8  }
.LBB2_16:
0x113: {  	p0 =	sne.s32 s6, $0xFFFFFFFF  }
.Ltmp13:
0x114: {  	_ = 	snop;
	(pc) =	sbr.rel @!p0 .LBB2_17-.Ltmp13, $1  }
0x115: {  	_ =	sdelay $0x3  }
0x116: {  	v0 =	vld.msk [tilespmem:s4+$0xE0], $0x1;
	v1 =	vmov s6  }
.Ltmp14:
0x117: {  	_ = 	snop;
	(pc) =	sbr.rel .LBB2_19-.Ltmp14, $2  }
0x118: {  	_ =	sdelay $0x2  }
0x119: {  	[tilespmem:v1+s3+$0x0], v0 =	vst.idx.ret.add.f32.msk $0x1, v0  }
.LBB2_20:
0x11a: {  	p0 =	slt.s32 s2, $0x1  }
.Ltmp15:
0x11b: {  	_ = 	snop;
	(pc) =	sbr.rel @p0 .LBB2_24-.Ltmp15, $3  }
0x11c: {  	_ =	sdelay $0x1  }
0x11d: {  	s0 =	simm.s32 $0x6  }
0x11e: {  	s3 =	simm.s32 $0x0;
	[sflag:s0] =	ssyncpa.u1 $0x1  }
0x11f: {  	s0 =	simm.s32 $0xC0  }
0x120: {  	v0 =	vld.msk [tilespmem:s0+$0x0], $0x1;
	_ =	sdelay $0x4  }
0x121: {  	(v2sf) =	vpush v0, $0x0;
	_ =	sdelay $0xe  }
0x122: {  	s2 =	sadd.s32 $0xFFFFFFFF, s2;
	s4 =	spop (v2sf)  }
0x123: {  	p1 =	sne.s32 s2, $0x0;
	p0 =	sgt.u32 s4, $0x27FF  }
.Ltmp16:
0x124: {  	s5 =	sshrl.u32 @!p0 s4, $0x3;
	(pc) =	sbr.rel @!p1 .LBB2_23-.Ltmp16, $4  }
0x125: {  	s0 =	simm.s32 $0xE0;
	s4 =	sand.u32 @!p0 $0x7, s4;
	s5 =	sadd.s32 @!p0 s1, s5  }
0x126: {  	[hbm4b:s5+s4] =	stream.linear.scatter @!p0 [tilespmem:s0], [sflag:$0x5], $0x1, $0x38;
	[tilespmem:$0xF030] =	vst v63  }
0x127: {  	s5 =	simm.s32 $0x0  }
0x128: {  	s4 =	simm.s32 $0xC1;
	s5 =	simm.s32 @!p0 $0x4  }
.LBB2_22:
0x129: {  	v0 =	vld.msk [tilespmem:s4+$0x0], $0x1;
	s2 =	sadd.s32 $0xFFFFFFFF, s2;
	s3 =	sadd.s32 s3, s5  }
0x12a: {  	p0 =	sne.s32 s2, $0x0;
	_ =	sdelay $0x3  }
0x12b: {  	(v2sf) =	vpush v0, $0x0;
	_ =	sdelay $0xe  }
.Ltmp17:
0x12c: {  	s6 =	spop (v2sf);
	(pc) =	sbr.rel @p0 .LBB2_22-.Ltmp17, $4  }
0x12d: {  	s5 =	simm.s32 $0x0;
	p1 =	sgt.u32 s6, $0x27FF  }
0x12e: {  	s0 =	sadd.s32 $0x1, s0;
	s5 =	simm.s32 @!p1 $0x4;
	s7 =	sshrl.u32 @!p1 s6, $0x3  }
0x12f: {  	s4 =	sadd.s32 $0x1, s4;
	s6 =	sand.u32 @!p1 $0x7, s6;
	s7 =	sadd.s32 @!p1 s1, s7  }
0x130: {  	[hbm4b:s7+s6] =	stream.linear.scatter @!p1 [tilespmem:s0], [sflag:$0x5], $0x1, $0x38;
	[tilespmem:$0xF030] =	vst v63  }
.LBB2_23:
0x131: {  	s0 =	sadd.s32 s3, s5  }
0x132: {  	s3 =	sshrl.u32 s0, $0x2  }
.LBB2_24:
0x133: {  	s0 =	simm.s32 $0x5  }
0x134: {  	_ =	swait.ge [sflag:s0], s3  }
0x135: {  	s1 =	ssub.s32 $0x0, s3;
	[sflag:s0] =	ssyncset.done $0x0  }
0x136: {  	[sflag:s0] =	ssyncadd.s32 s1  }
0x137: {  	[sflag:s0] =	ssyncpa.u1 $0x1  }
0x138: {  	s29 =	simm.s32 $0x1;
	_ =	sfence  }
0x139: {  	s30 =	simm.s32 $0x2;
	[sflag:s29] =	ssyncpa.u1 $0x1  }
0x13a: {  	[sflag:s30] =	ssyncpa.u1 $0x1  }
0x13b: {  	_ =	strace $0x90000047  }
0x13c: {  	[bflag:$0x2] =	sbarrier.arrive $0xFFFF  }
0x13d: {  	s31 =	rddreg [dreg:$0x1]  }
0x13e: {  	s0 =	sadd.s32 $0x100000, s31  }
0x13f: {  	[sflag:s0] =	ssyncadd.tile.s32 $0x1;
	_ =	shalt  }
.Lfunc_end2:
_tile_overlayer_lowered:
.L_overlay_start_2:
0x140: {  	(tag) =	ssettag $0x2  }
0x141: {  	s0 =	rddreg [dreg:$0x0];
	s2 =	stileid.u32  }
0x142: {  	s1 =	rddreg [dreg:$0x1];
	p0 =	sne.s32 s2, $0x0  }
0x143: {  	s3 =	rddreg [dreg:$0x2];
	[bflag:$0x3] =	sbarrier.arrive $0xFFFF;
	s2 =	simm.s32 @!p0 $0x1C01  }
0x144: {  	[timem:s3], [sflag:s2] =	dma.local @!p0 [hbm:s0], s1  }
0x145: {  	s0 =	simm.s32 @!p0 $0x1  }
0x146: {  	_ =	swait.ge @!p0 [sflag:s0], s1  }
0x147: {  	s1 =	ssub.s32 @!p0 $0x0, s1;
	[sflag:s0] =	ssyncset.done @!p0 $0x0  }
0x148: {  	[sflag:s0] =	ssyncadd.s32 @!p0 s1  }
0x149: {  	[bflag:$0x3] =	sbarrier.arrive $0xFFFF  }
0x14a: {  	_ =	shalt  }

</sc_bundles>
